<compile_context>
chip_gen: v7x
topology: tpu7x:2x2x1
jax: 0.10.2.dev20260603
libtpu: 0.0.44.dev20260713+nightly
codegen_flags: <defaults>
</compile_context>

<pallas_src>
import functools

import jax
import jax.numpy as jnp
from jax import lax
from jax.experimental import pallas as pl
from jax.experimental.pallas import tpu as pltpu
from jax.experimental.pallas import tpu_sc as plsc

N = 10000
E = 320000
D = 128
H = D // 2
NS = 16
EPS = E // NS
CH = 80
NCHUNK = EPS // CH
RPT = 624
REM = N - NS * RPT
ZR = 104


def _prep_body(x_ref, w_ref, b_ref, a_ref, a2_ref, bb_ref, bb2_ref):
    w1 = w_ref[0:D, :]
    w2 = w_ref[D : 2 * D, :]
    xb = x_ref[...]
    a = jnp.dot(xb, w1 - w2, preferred_element_type=jnp.float32) + b_ref[...]
    bb = jnp.dot(xb, w2, preferred_element_type=jnp.float32)
    a_ref[...] = a[:, 0:H]
    a2_ref[...] = a[:, H:D]
    bb_ref[...] = bb[:, 0:H]
    bb2_ref[...] = bb[:, H:D]


def _prep(x, w, b2d):
    bm = 1000
    half = jax.ShapeDtypeStruct((N, H), jnp.float32)
    return pl.pallas_call(
        _prep_body,
        grid=(N // bm,),
        in_specs=[
            pl.BlockSpec((bm, D), lambda i: (i, 0)),
            pl.BlockSpec((2 * D, D), lambda i: (0, 0)),
            pl.BlockSpec((1, D), lambda i: (0, 0)),
        ],
        out_specs=[pl.BlockSpec((bm, H), lambda i: (i, 0))] * 4,
        out_shape=[half] * 4,
    )(x, w, b2d)


_MESH = plsc.VectorSubcoreMesh(core_axis_name="c", subcore_axis_name="s")


@functools.partial(
    pl.kernel,
    mesh=_MESH,
    compiler_params=pltpu.CompilerParams(use_tc_tiling_on_sc=False),
    out_type=jax.ShapeDtypeStruct((N, D), jnp.float32),
    scratch_types=[
        pltpu.VMEM((NCHUNK, CH), jnp.int32),
        pltpu.VMEM((NCHUNK, CH), jnp.int32),
        pltpu.VMEM((CH, H), jnp.float32),
        pltpu.VMEM((CH, H), jnp.float32),
        pltpu.VMEM((CH, H), jnp.float32),
        pltpu.VMEM((CH, H), jnp.float32),
        pltpu.VMEM((CH, H), jnp.float32),
        pltpu.VMEM((CH, H), jnp.float32),
        pltpu.VMEM((CH, 16), jnp.float32),
        pltpu.VMEM((ZR, H), jnp.float32),
        pltpu.VMEM((ZR, 16), jnp.float32),
        pltpu.VMEM_SHARED((N, H), jnp.float32),
        pltpu.VMEM_SHARED((N, 16), jnp.float32),
        pltpu.SemaphoreType.DMA,
        pltpu.SemaphoreType.DMA,
        pltpu.SemaphoreType.DMA,
        pltpu.SemaphoreType.DMA,
        pltpu.SemaphoreType.DMA,
        pltpu.SemaphoreType.DMA,
    ],
)
def _sc_main(
    tgt_hbm, src_hbm, a0_hbm, a1_hbm, b0_hbm, b1_hbm,
    out_hbm,
    tgt_v, src_v, a_v0, a_v1, b_v0, b_v1, m_v0, m_v1, ones_v, zrow_v, zdeg_v,
    acc_sh, deg_sh, sem_g0, sem_g1, sem_s0, sem_s1, sem_o0, sem_o1,
):
    cid = lax.axis_index("c")
    sid = lax.axis_index("s")

    pltpu.sync_copy(tgt_hbm.at[sid], tgt_v)
    pltpu.sync_copy(src_hbm.at[sid], src_v)

    zero16 = jnp.zeros((16,), jnp.float32)
    one16 = jnp.ones((16,), jnp.float32)

    def _fill_zrow(i, carry):
        for g in range(H // 16):
            zrow_v[i, pl.ds(g * 16, 16)] = zero16
        zdeg_v[i, :] = zero16
        return carry

    lax.fori_loop(0, ZR, _fill_zrow, 0)

    def _fill_ones(i, carry):
        ones_v[i, :] = one16
        return carry

    lax.fori_loop(0, CH, _fill_ones, 0)

    for r in range(RPT // ZR):
        pltpu.sync_copy(zrow_v, acc_sh.at[pl.ds(sid * RPT + r * ZR, ZR)])
        pltpu.sync_copy(zdeg_v, deg_sh.at[pl.ds(sid * RPT + r * ZR, ZR)])

    @pl.when(sid == 15)
    def _zero_tail():
        pltpu.sync_copy(zrow_v.at[pl.ds(0, REM)], acc_sh.at[pl.ds(NS * RPT, REM)])
        pltpu.sync_copy(zdeg_v.at[pl.ds(0, REM)], deg_sh.at[pl.ds(NS * RPT, REM)])

    plsc.subcore_barrier()

    def _issue(ci, a_v, b_v, sem):
        @pl.when(cid == 0)
        def _issue0():
            pltpu.async_copy(a0_hbm.at[tgt_v.at[ci]], a_v, sem)
            pltpu.async_copy(b0_hbm.at[src_v.at[ci]], b_v, sem)

        @pl.when(cid == 1)
        def _issue1():
            pltpu.async_copy(a1_hbm.at[tgt_v.at[ci]], a_v, sem)
            pltpu.async_copy(b1_hbm.at[src_v.at[ci]], b_v, sem)

    _issue(0, a_v0, b_v0, sem_g0)
    _issue(1, a_v1, b_v1, sem_g1)

    slots = ((a_v0, b_v0, m_v0, sem_g0, sem_s0, sem_o0),
             (a_v1, b_v1, m_v1, sem_g1, sem_s1, sem_o1))
    EU = 5

    def _pair(p, carry):
        for b, (a_v, b_v, m_v, sem_g, sem_s, sem_o) in enumerate(slots):
            ci = 2 * p + b
            ti = tgt_v.at[ci]
            pltpu.make_async_copy(a0_hbm.at[ti], a_v, sem_g).wait()
            pltpu.make_async_copy(b0_hbm.at[ti], b_v, sem_g).wait()

            @pl.when(ci >= 2)
            def _drain_scatter():
                pltpu.make_async_copy(m_v, acc_sh.at[ti], sem_s).wait()
                pltpu.make_async_copy(ones_v, deg_sh.at[ti], sem_o).wait()

            def _edges(u, c2):
                for de in range(EU):
                    e = u * EU + de
                    for g in range(H // 16):
                        av = a_v[e, pl.ds(g * 16, 16)]
                        bv = b_v[e, pl.ds(g * 16, 16)]
                        m_v[e, pl.ds(g * 16, 16)] = jnp.maximum(av + bv, 0.0)
                return c2

            lax.fori_loop(0, CH // EU, _edges, 0)

            pltpu.async_copy(m_v, acc_sh.at[ti], sem_s, add=True)
            pltpu.async_copy(ones_v, deg_sh.at[ti], sem_o, add=True)

            @pl.when(ci + 2 < NCHUNK)
            def _refill():
                _issue(ci + 2, a_v, b_v, sem_g)
        return carry

    lax.fori_loop(0, NCHUNK // 2, _pair, 0)

    pltpu.make_async_copy(m_v0, acc_sh.at[tgt_v.at[0]], sem_s0).wait()
    pltpu.make_async_copy(m_v1, acc_sh.at[tgt_v.at[0]], sem_s1).wait()
    pltpu.make_async_copy(ones_v, deg_sh.at[tgt_v.at[0]], sem_o0).wait()
    pltpu.make_async_copy(ones_v, deg_sh.at[tgt_v.at[0]], sem_o1).wait()
    plsc.subcore_barrier()

    def _fin_rows(base, nrows):
        pltpu.sync_copy(acc_sh.at[pl.ds(base, nrows)],
                        zrow_v.at[pl.ds(0, nrows)])
        pltpu.sync_copy(deg_sh.at[pl.ds(base, nrows)],
                        zdeg_v.at[pl.ds(0, nrows)])

        def _div_row(r, carry):
            dvi = 1.0 / (zdeg_v[r, :] + 1e-8)
            for g in range(H // 16):
                zrow_v[r, pl.ds(g * 16, 16)] = zrow_v[r, pl.ds(g * 16, 16)] * dvi
            return carry

        lax.fori_loop(0, nrows, _div_row, 0)
        pltpu.sync_copy(zrow_v.at[pl.ds(0, nrows)],
                        out_hbm.at[pl.ds(base, nrows), pl.ds(cid * H, H)])

    for s in range(RPT // ZR):
        _fin_rows(sid * RPT + s * ZR, ZR)

    @pl.when(sid == 15)
    def _fin_tail():
        _fin_rows(NS * RPT, REM)


def kernel(x, W, b, k, nn_index):
    tabs = _prep(x, W, b.reshape(1, D))
    src = nn_index[0].astype(jnp.int32).reshape(NS, NCHUNK, CH)
    tgt = nn_index[1].astype(jnp.int32).reshape(NS, NCHUNK, CH)
    return _sc_main(tgt, src, *tabs)

# --- scband reference (transcript-rebuilt; emitter-appended) ---
"""Pipeline reference for scband-custom-dynamic-edge-conv-49495203119849 (READ-ONLY COPY).

The authoritative reference and input builder live on the scoring server;
editing this copy changes nothing except your own understanding.
"""

import jax, jax.numpy as jnp
import numpy as np

N_NODES = 10000
N_EDGES = 320000
D_FEAT = 128

def setup_inputs(seed: int = 0) -> dict:
    key = jax.random.key(seed)
    k1, k2, k3 = jax.random.split(key, 3)
    x = jax.random.normal(k1, (N_NODES, D_FEAT), dtype=jnp.float32)
    nn_index = jax.random.randint(k2, (2, N_EDGES), 0, N_NODES, dtype=jnp.int64 if jax.config.read('jax_enable_x64') else jnp.int32)
    # nn_model parameters: Linear(2*D_FEAT -> D_FEAT) + ReLU
    W = jax.random.normal(k3, (2 * D_FEAT, D_FEAT), dtype=jnp.float32) * 0.05
    b = jnp.zeros((D_FEAT,), dtype=jnp.float32)
    k = 32  # python int scalar (unused when nn_index is provided)
    return {"x": x, "W": W, "b": b, "k": k, "nn_index": nn_index}

def reference(x, W, b, k, nn_index):
    # edge_index supplied externally (nn_index branch of forward)
    source_nodes = nn_index[0]
    target_nodes = nn_index[1]
    # gather endpoint features
    x_i = jnp.take(x, target_nodes, axis=0)
    x_j = jnp.take(x, source_nodes, axis=0)
    # nn_model: Linear + ReLU on [x_i, x_j - x_i]
    message = jnp.concatenate([x_i, x_j - x_i], axis=-1)
    message = jnp.maximum(message @ W + b, 0.0)
    num_nodes = x.shape[0]
    # aggr == 'mean': scatter-add then divide by degree
    out = jax.ops.segment_sum(message, target_nodes, num_segments=num_nodes)
    ones = jnp.ones((message.shape[0], 1), dtype=message.dtype)
    degree = jax.ops.segment_sum(ones, target_nodes, num_segments=num_nodes)
    out = out / (degree + 1e-08)
    return out

if __name__ == "__main__":
    import jax
    _d = setup_inputs()
    print(jax.jit(kernel)(*tuple(_d.values())))

</pallas_src>

<mosaic_0001>
#map = affine_map<(d0, d1) -> (0, 0, 0)>
#map1 = affine_map<(d0, d1) -> (0, 0)>
module attributes {stable_mosaic.version = 14 : i64} {
  func.func @_sc_main(%arg0: i32, %arg1: i32, %arg2: memref<16x250x80xi32, #tpu.memory_space<hbm>>, %arg3: memref<16x250x80xi32, #tpu.memory_space<hbm>>, %arg4: memref<10000x64xf32, #tpu.memory_space<hbm>>, %arg5: memref<10000x64xf32, #tpu.memory_space<hbm>>, %arg6: memref<10000x64xf32, #tpu.memory_space<hbm>>, %arg7: memref<10000x64xf32, #tpu.memory_space<hbm>>, %arg8: memref<10000x128xf32, #tpu.memory_space<hbm>>, %arg9: memref<250x80xi32, #tpu.memory_space<vmem>>, %arg10: memref<250x80xi32, #tpu.memory_space<vmem>>, %arg11: memref<80x64xf32, #tpu.memory_space<vmem>>, %arg12: memref<80x64xf32, #tpu.memory_space<vmem>>, %arg13: memref<80x64xf32, #tpu.memory_space<vmem>>, %arg14: memref<80x64xf32, #tpu.memory_space<vmem>>, %arg15: memref<80x64xf32, #tpu.memory_space<vmem>>, %arg16: memref<80x64xf32, #tpu.memory_space<vmem>>, %arg17: memref<80x16xf32, #tpu.memory_space<vmem>>, %arg18: memref<104x64xf32, #tpu.memory_space<vmem>>, %arg19: memref<104x16xf32, #tpu.memory_space<vmem>>, %arg20: memref<10000x64xf32, #tpu.memory_space<vmem_shared>>, %arg21: memref<10000x16xf32, #tpu.memory_space<vmem_shared>>, %arg22: memref<!tpu.dma_semaphore, #tpu.memory_space<semaphore_mem>>, %arg23: memref<!tpu.dma_semaphore, #tpu.memory_space<semaphore_mem>>, %arg24: memref<!tpu.dma_semaphore, #tpu.memory_space<semaphore_mem>>, %arg25: memref<!tpu.dma_semaphore, #tpu.memory_space<semaphore_mem>>, %arg26: memref<!tpu.dma_semaphore, #tpu.memory_space<semaphore_mem>>, %arg27: memref<!tpu.dma_semaphore, #tpu.memory_space<semaphore_mem>>) attributes {dimension_semantics = [#tpu.dimension_semantics<core_parallel>, #tpu.dimension_semantics<subcore_parallel>], iteration_bounds = array<i64: 2, 16>, scalar_prefetch = 0 : i64, scratch_operands = 19 : i64, tpu.core_type = #tpu.core_type<sc_vector_subcore>, window_params = [{transform_indices = #map}, {transform_indices = #map}, {transform_indices = #map1}, {transform_indices = #map1}, {transform_indices = #map1}, {transform_indices = #map1}, {transform_indices = #map1}]} {
    "tpu.region"() ({
      %run_scoped3A = tpu.sem_alloc : memref<!tpu.dma_semaphore, #tpu.memory_space<semaphore_mem>>
      %dma_start3A = arith.constant 0 : i32
      %dma_start3A_193 = arith.constant 0 : i32
      %dma_start3A_194 = tpu.memref_slice %arg2[%arg1, %dma_start3A, %dma_start3A_193] : memref<16x250x80xi32, #tpu.memory_space<hbm>> -> memref<1x250x80xi32, #tpu.memory_space<hbm>>
      %dma_start3A_195 = tpu.memref_squeeze %dma_start3A_194 : memref<1x250x80xi32, #tpu.memory_space<hbm>> -> memref<250x80xi32, #tpu.memory_space<hbm>>
      %dma_start3A_196 = arith.constant 0 : i32
      %dma_start3A_197 = arith.constant 0 : i32
      %dma_start3A_198 = tpu.memref_slice %arg2[%arg1, %dma_start3A_196, %dma_start3A_197] : memref<16x250x80xi32, #tpu.memory_space<hbm>> -> memref<1x250x80xi32, #tpu.memory_space<hbm>>
      %dma_start3A_199 = tpu.memref_squeeze %dma_start3A_198 : memref<1x250x80xi32, #tpu.memory_space<hbm>> -> memref<250x80xi32, #tpu.memory_space<hbm>>
      tpu.enqueue_dma source(%dma_start3A_199 : memref<250x80xi32, #tpu.memory_space<hbm>>) target(%arg9 : memref<250x80xi32, #tpu.memory_space<vmem>>) target_semaphore(%run_scoped3A : memref<!tpu.dma_semaphore, #tpu.memory_space<semaphore_mem>>)
      %dma_wait3A_200 = arith.constant 0 : i32
      %dma_wait3A_201 = arith.constant 0 : i32
      %dma_wait3A_202 = tpu.memref_slice %arg2[%arg1, %dma_wait3A_200, %dma_wait3A_201] : memref<16x250x80xi32, #tpu.memory_space<hbm>> -> memref<1x250x80xi32, #tpu.memory_space<hbm>>
      %dma_wait3A_203 = tpu.memref_squeeze %dma_wait3A_202 : memref<1x250x80xi32, #tpu.memory_space<hbm>> -> memref<250x80xi32, #tpu.memory_space<hbm>>
      %dma_wait3A_204 = arith.constant 0 : i32
      %dma_wait3A_205 = arith.constant 0 : i32
      %dma_wait3A_206 = tpu.memref_slice %arg2[%arg1, %dma_wait3A_204, %dma_wait3A_205] : memref<16x250x80xi32, #tpu.memory_space<hbm>> -> memref<1x250x80xi32, #tpu.memory_space<hbm>>
      %dma_wait3A_207 = tpu.memref_squeeze %dma_wait3A_206 : memref<1x250x80xi32, #tpu.memory_space<hbm>> -> memref<250x80xi32, #tpu.memory_space<hbm>>
      tpu.wait_dma2 semaphore(%run_scoped3A : memref<!tpu.dma_semaphore, #tpu.memory_space<semaphore_mem>>) src(%dma_wait3A_207 : memref<250x80xi32, #tpu.memory_space<hbm>>) dst(%arg9 : memref<250x80xi32, #tpu.memory_space<vmem>>)
      tpu.yield
    }) : () -> ()
    "tpu.region"() ({
      %run_scoped3A = tpu.sem_alloc : memref<!tpu.dma_semaphore, #tpu.memory_space<semaphore_mem>>
      %dma_start3A = arith.constant 0 : i32
      %dma_start3A_193 = arith.constant 0 : i32
      %dma_start3A_194 = tpu.memref_slice %arg3[%arg1, %dma_start3A, %dma_start3A_193] : memref<16x250x80xi32, #tpu.memory_space<hbm>> -> memref<1x250x80xi32, #tpu.memory_space<hbm>>
      %dma_start3A_195 = tpu.memref_squeeze %dma_start3A_194 : memref<1x250x80xi32, #tpu.memory_space<hbm>> -> memref<250x80xi32, #tpu.memory_space<hbm>>
      %dma_start3A_196 = arith.constant 0 : i32
      %dma_start3A_197 = arith.constant 0 : i32
      %dma_start3A_198 = tpu.memref_slice %arg3[%arg1, %dma_start3A_196, %dma_start3A_197] : memref<16x250x80xi32, #tpu.memory_space<hbm>> -> memref<1x250x80xi32, #tpu.memory_space<hbm>>
      %dma_start3A_199 = tpu.memref_squeeze %dma_start3A_198 : memref<1x250x80xi32, #tpu.memory_space<hbm>> -> memref<250x80xi32, #tpu.memory_space<hbm>>
      tpu.enqueue_dma source(%dma_start3A_199 : memref<250x80xi32, #tpu.memory_space<hbm>>) target(%arg10 : memref<250x80xi32, #tpu.memory_space<vmem>>) target_semaphore(%run_scoped3A : memref<!tpu.dma_semaphore, #tpu.memory_space<semaphore_mem>>)
      %dma_wait3A_200 = arith.constant 0 : i32
      %dma_wait3A_201 = arith.constant 0 : i32
      %dma_wait3A_202 = tpu.memref_slice %arg3[%arg1, %dma_wait3A_200, %dma_wait3A_201] : memref<16x250x80xi32, #tpu.memory_space<hbm>> -> memref<1x250x80xi32, #tpu.memory_space<hbm>>
      %dma_wait3A_203 = tpu.memref_squeeze %dma_wait3A_202 : memref<1x250x80xi32, #tpu.memory_space<hbm>> -> memref<250x80xi32, #tpu.memory_space<hbm>>
      %dma_wait3A_204 = arith.constant 0 : i32
      %dma_wait3A_205 = arith.constant 0 : i32
      %dma_wait3A_206 = tpu.memref_slice %arg3[%arg1, %dma_wait3A_204, %dma_wait3A_205] : memref<16x250x80xi32, #tpu.memory_space<hbm>> -> memref<1x250x80xi32, #tpu.memory_space<hbm>>
      %dma_wait3A_207 = tpu.memref_squeeze %dma_wait3A_206 : memref<1x250x80xi32, #tpu.memory_space<hbm>> -> memref<250x80xi32, #tpu.memory_space<hbm>>
      tpu.wait_dma2 semaphore(%run_scoped3A : memref<!tpu.dma_semaphore, #tpu.memory_space<semaphore_mem>>) src(%dma_wait3A_207 : memref<250x80xi32, #tpu.memory_space<hbm>>) dst(%arg10 : memref<250x80xi32, #tpu.memory_space<vmem>>)
      tpu.yield
    }) : () -> ()
    %broadcast_in_dim3A = arith.constant 0.000000e+00 : f32
    %broadcast_in_dim3A_0 = vector.broadcast %broadcast_in_dim3A : f32 to vector<16xf32>
    %broadcast_in_dim3A_1 = arith.constant 1.000000e+00 : f32
    %broadcast_in_dim3A_2 = vector.broadcast %broadcast_in_dim3A_1 : f32 to vector<16xf32>
    %scan3A = arith.constant 0 : i32
    %scan3A_3 = arith.constant 0 : i32
    %scan3A_4 = arith.constant 104 : i32
    %scan3A_5 = arith.addi %scan3A_3, %scan3A_4 : i32
    %scan3A_6 = arith.constant 1 : i32
    scf.for %scan3A_193 = %scan3A_3 to %scan3A_5 step %scan3A_6  : i32 {
      %swap3A = arith.index_cast %scan3A_193 : i32 to index
      %swap3A_194 = arith.constant 0 : index
      %swap3A_195 = tpu.vector_load %arg18[%swap3A, %swap3A_194] {strides = array<i32>} : memref<104x64xf32, #tpu.memory_space<vmem>>, vector<1x16xf32>,
      %swap3A_196 = vector.shape_cast %swap3A_195 : vector<1x16xf32> to vector<16xf32>
      %swap3A_197 = vector.shape_cast %broadcast_in_dim3A_0 : vector<16xf32> to vector<1x16xf32>
      tpu.vector_store %arg18[%swap3A, %swap3A_194], %swap3A_197 {strides = array<i32>} : memref<104x64xf32, #tpu.memory_space<vmem>>, vector<1x16xf32>,
      %swap3A_198 = arith.index_cast %scan3A_193 : i32 to index
      %swap3A_199 = arith.constant 16 : index
      %swap3A_200 = tpu.vector_load %arg18[%swap3A_198, %swap3A_199] {strides = array<i32>} : memref<104x64xf32, #tpu.memory_space<vmem>>, vector<1x16xf32>,
      %swap3A_201 = vector.shape_cast %swap3A_200 : vector<1x16xf32> to vector<16xf32>
      %swap3A_202 = vector.shape_cast %broadcast_in_dim3A_0 : vector<16xf32> to vector<1x16xf32>
      tpu.vector_store %arg18[%swap3A_198, %swap3A_199], %swap3A_202 {strides = array<i32>} : memref<104x64xf32, #tpu.memory_space<vmem>>, vector<1x16xf32>,
      %swap3A_203 = arith.index_cast %scan3A_193 : i32 to index
      %swap3A_204 = arith.constant 32 : index
      %swap3A_205 = tpu.vector_load %arg18[%swap3A_203, %swap3A_204] {strides = array<i32>} : memref<104x64xf32, #tpu.memory_space<vmem>>, vector<1x16xf32>,
      %swap3A_206 = vector.shape_cast %swap3A_205 : vector<1x16xf32> to vector<16xf32>
      %swap3A_207 = vector.shape_cast %broadcast_in_dim3A_0 : vector<16xf32> to vector<1x16xf32>
      tpu.vector_store %arg18[%swap3A_203, %swap3A_204], %swap3A_207 {strides = array<i32>} : memref<104x64xf32, #tpu.memory_space<vmem>>, vector<1x16xf32>,
      %swap3A_208 = arith.index_cast %scan3A_193 : i32 to index
      %swap3A_209 = arith.constant 48 : index
      %swap3A_210 = tpu.vector_load %arg18[%swap3A_208, %swap3A_209] {strides = array<i32>} : memref<104x64xf32, #tpu.memory_space<vmem>>, vector<1x16xf32>,
      %swap3A_211 = vector.shape_cast %swap3A_210 : vector<1x16xf32> to vector<16xf32>
      %swap3A_212 = vector.shape_cast %broadcast_in_dim3A_0 : vector<16xf32> to vector<1x16xf32>
      tpu.vector_store %arg18[%swap3A_208, %swap3A_209], %swap3A_212 {strides = array<i32>} : memref<104x64xf32, #tpu.memory_space<vmem>>, vector<1x16xf32>,
      %swap3A_213 = arith.index_cast %scan3A_193 : i32 to index
      %swap3A_214 = arith.constant 0 : index
      %swap3A_215 = tpu.vector_load %arg19[%swap3A_213, %swap3A_214] {strides = array<i32>} : memref<104x16xf32, #tpu.memory_space<vmem>>, vector<1x16xf32>,
      %swap3A_216 = vector.shape_cast %swap3A_215 : vector<1x16xf32> to vector<16xf32>
      %swap3A_217 = vector.shape_cast %broadcast_in_dim3A_0 : vector<16xf32> to vector<1x16xf32>
      tpu.vector_store %arg19[%swap3A_213, %swap3A_214], %swap3A_217 {strides = array<i32>} : memref<104x16xf32, #tpu.memory_space<vmem>>, vector<1x16xf32>,
    }
    %scan3A_7 = arith.constant 104 : i32
    %scan3A_8 = arith.constant 0 : i32
    %scan3A_9 = arith.constant 0 : i32
    %scan3A_10 = arith.constant 80 : i32
    %scan3A_11 = arith.addi %scan3A_9, %scan3A_10 : i32
    %scan3A_12 = arith.constant 1 : i32
    scf.for %scan3A_193 = %scan3A_9 to %scan3A_11 step %scan3A_12  : i32 {
      %swap3A = arith.index_cast %scan3A_193 : i32 to index
      %swap3A_194 = arith.constant 0 : index
      %swap3A_195 = tpu.vector_load %arg17[%swap3A, %swap3A_194] {strides = array<i32>} : memref<80x16xf32, #tpu.memory_space<vmem>>, vector<1x16xf32>,
      %swap3A_196 = vector.shape_cast %swap3A_195 : vector<1x16xf32> to vector<16xf32>
      %swap3A_197 = vector.shape_cast %broadcast_in_dim3A_2 : vector<16xf32> to vector<1x16xf32>
      tpu.vector_store %arg17[%swap3A, %swap3A_194], %swap3A_197 {strides = array<i32>} : memref<80x16xf32, #tpu.memory_space<vmem>>, vector<1x16xf32>,
    }
    %scan3A_13 = arith.constant 80 : i32
    %mul3A = arith.constant 624 : i32
    %mul3A_14 = arith.muli %arg1, %mul3A : i32
    %add3A = arith.constant 0 : i32
    %add3A_15 = arith.addi %mul3A_14, %add3A : i32
    "tpu.region"() ({
      %run_scoped3A = tpu.sem_alloc : memref<!tpu.dma_semaphore, #tpu.memory_space<semaphore_mem>>
      %dma_start3A = arith.constant 0 : i32
      %dma_start3A_193 = tpu.memref_slice %arg20[%add3A_15, %dma_start3A] : memref<10000x64xf32, #tpu.memory_space<vmem_shared>> -> memref<104x64xf32, #tpu.memory_space<vmem_shared>>
      %dma_start3A_194 = arith.constant 0 : i32
      %dma_start3A_195 = tpu.memref_slice %arg20[%add3A_15, %dma_start3A_194] : memref<10000x64xf32, #tpu.memory_space<vmem_shared>> -> memref<104x64xf32, #tpu.memory_space<vmem_shared>>
      tpu.enqueue_dma source(%arg18 : memref<104x64xf32, #tpu.memory_space<vmem>>) target(%dma_start3A_195 : memref<104x64xf32, #tpu.memory_space<vmem_shared>>) target_semaphore(%run_scoped3A : memref<!tpu.dma_semaphore, #tpu.memory_space<semaphore_mem>>)
      %dma_wait3A_196 = arith.constant 0 : i32
      %dma_wait3A_197 = tpu.memref_slice %arg20[%add3A_15, %dma_wait3A_196] : memref<10000x64xf32, #tpu.memory_space<vmem_shared>> -> memref<104x64xf32, #tpu.memory_space<vmem_shared>>
      %dma_wait3A_198 = arith.constant 0 : i32
      %dma_wait3A_199 = tpu.memref_slice %arg20[%add3A_15, %dma_wait3A_198] : memref<10000x64xf32, #tpu.memory_space<vmem_shared>> -> memref<104x64xf32, #tpu.memory_space<vmem_shared>>
      tpu.wait_dma2 semaphore(%run_scoped3A : memref<!tpu.dma_semaphore, #tpu.memory_space<semaphore_mem>>) src(%arg18 : memref<104x64xf32, #tpu.memory_space<vmem>>) dst(%dma_wait3A_199 : memref<104x64xf32, #tpu.memory_space<vmem_shared>>)
      tpu.yield
    }) : () -> ()
    %mul3A_16 = arith.constant 624 : i32
    %mul3A_17 = arith.muli %arg1, %mul3A_16 : i32
    %add3A_18 = arith.constant 0 : i32
    %add3A_19 = arith.addi %mul3A_17, %add3A_18 : i32
    "tpu.region"() ({
      %run_scoped3A = tpu.sem_alloc : memref<!tpu.dma_semaphore, #tpu.memory_space<semaphore_mem>>
      %dma_start3A = arith.constant 0 : i32
      %dma_start3A_193 = tpu.memref_slice %arg21[%add3A_19, %dma_start3A] : memref<10000x16xf32, #tpu.memory_space<vmem_shared>> -> memref<104x16xf32, #tpu.memory_space<vmem_shared>>
      %dma_start3A_194 = arith.constant 0 : i32
      %dma_start3A_195 = tpu.memref_slice %arg21[%add3A_19, %dma_start3A_194] : memref<10000x16xf32, #tpu.memory_space<vmem_shared>> -> memref<104x16xf32, #tpu.memory_space<vmem_shared>>
      tpu.enqueue_dma source(%arg19 : memref<104x16xf32, #tpu.memory_space<vmem>>) target(%dma_start3A_195 : memref<104x16xf32, #tpu.memory_space<vmem_shared>>) target_semaphore(%run_scoped3A : memref<!tpu.dma_semaphore, #tpu.memory_space<semaphore_mem>>)
      %dma_wait3A_196 = arith.constant 0 : i32
      %dma_wait3A_197 = tpu.memref_slice %arg21[%add3A_19, %dma_wait3A_196] : memref<10000x16xf32, #tpu.memory_space<vmem_shared>> -> memref<104x16xf32, #tpu.memory_space<vmem_shared>>
      %dma_wait3A_198 = arith.constant 0 : i32
      %dma_wait3A_199 = tpu.memref_slice %arg21[%add3A_19, %dma_wait3A_198] : memref<10000x16xf32, #tpu.memory_space<vmem_shared>> -> memref<104x16xf32, #tpu.memory_space<vmem_shared>>
      tpu.wait_dma2 semaphore(%run_scoped3A : memref<!tpu.dma_semaphore, #tpu.memory_space<semaphore_mem>>) src(%arg19 : memref<104x16xf32, #tpu.memory_space<vmem>>) dst(%dma_wait3A_199 : memref<104x16xf32, #tpu.memory_space<vmem_shared>>)
      tpu.yield
    }) : () -> ()
    %mul3A_20 = arith.constant 624 : i32
    %mul3A_21 = arith.muli %arg1, %mul3A_20 : i32
    %add3A_22 = arith.constant 104 : i32
    %add3A_23 = arith.addi %mul3A_21, %add3A_22 : i32
    "tpu.region"() ({
      %run_scoped3A = tpu.sem_alloc : memref<!tpu.dma_semaphore, #tpu.memory_space<semaphore_mem>>
      %dma_start3A = arith.constant 0 : i32
      %dma_start3A_193 = tpu.memref_slice %arg20[%add3A_23, %dma_start3A] : memref<10000x64xf32, #tpu.memory_space<vmem_shared>> -> memref<104x64xf32, #tpu.memory_space<vmem_shared>>
      %dma_start3A_194 = arith.constant 0 : i32
      %dma_start3A_195 = tpu.memref_slice %arg20[%add3A_23, %dma_start3A_194] : memref<10000x64xf32, #tpu.memory_space<vmem_shared>> -> memref<104x64xf32, #tpu.memory_space<vmem_shared>>
      tpu.enqueue_dma source(%arg18 : memref<104x64xf32, #tpu.memory_space<vmem>>) target(%dma_start3A_195 : memref<104x64xf32, #tpu.memory_space<vmem_shared>>) target_semaphore(%run_scoped3A : memref<!tpu.dma_semaphore, #tpu.memory_space<semaphore_mem>>)
      %dma_wait3A_196 = arith.constant 0 : i32
      %dma_wait3A_197 = tpu.memref_slice %arg20[%add3A_23, %dma_wait3A_196] : memref<10000x64xf32, #tpu.memory_space<vmem_shared>> -> memref<104x64xf32, #tpu.memory_space<vmem_shared>>
      %dma_wait3A_198 = arith.constant 0 : i32
      %dma_wait3A_199 = tpu.memref_slice %arg20[%add3A_23, %dma_wait3A_198] : memref<10000x64xf32, #tpu.memory_space<vmem_shared>> -> memref<104x64xf32, #tpu.memory_space<vmem_shared>>
      tpu.wait_dma2 semaphore(%run_scoped3A : memref<!tpu.dma_semaphore, #tpu.memory_space<semaphore_mem>>) src(%arg18 : memref<104x64xf32, #tpu.memory_space<vmem>>) dst(%dma_wait3A_199 : memref<104x64xf32, #tpu.memory_space<vmem_shared>>)
      tpu.yield
    }) : () -> ()
    %mul3A_24 = arith.constant 624 : i32
    %mul3A_25 = arith.muli %arg1, %mul3A_24 : i32
    %add3A_26 = arith.constant 104 : i32
    %add3A_27 = arith.addi %mul3A_25, %add3A_26 : i32
    "tpu.region"() ({
      %run_scoped3A = tpu.sem_alloc : memref<!tpu.dma_semaphore, #tpu.memory_space<semaphore_mem>>
      %dma_start3A = arith.constant 0 : i32
      %dma_start3A_193 = tpu.memref_slice %arg21[%add3A_27, %dma_start3A] : memref<10000x16xf32, #tpu.memory_space<vmem_shared>> -> memref<104x16xf32, #tpu.memory_space<vmem_shared>>
      %dma_start3A_194 = arith.constant 0 : i32
      %dma_start3A_195 = tpu.memref_slice %arg21[%add3A_27, %dma_start3A_194] : memref<10000x16xf32, #tpu.memory_space<vmem_shared>> -> memref<104x16xf32, #tpu.memory_space<vmem_shared>>
      tpu.enqueue_dma source(%arg19 : memref<104x16xf32, #tpu.memory_space<vmem>>) target(%dma_start3A_195 : memref<104x16xf32, #tpu.memory_space<vmem_shared>>) target_semaphore(%run_scoped3A : memref<!tpu.dma_semaphore, #tpu.memory_space<semaphore_mem>>)
      %dma_wait3A_196 = arith.constant 0 : i32
      %dma_wait3A_197 = tpu.memref_slice %arg21[%add3A_27, %dma_wait3A_196] : memref<10000x16xf32, #tpu.memory_space<vmem_shared>> -> memref<104x16xf32, #tpu.memory_space<vmem_shared>>
      %dma_wait3A_198 = arith.constant 0 : i32
      %dma_wait3A_199 = tpu.memref_slice %arg21[%add3A_27, %dma_wait3A_198] : memref<10000x16xf32, #tpu.memory_space<vmem_shared>> -> memref<104x16xf32, #tpu.memory_space<vmem_shared>>
      tpu.wait_dma2 semaphore(%run_scoped3A : memref<!tpu.dma_semaphore, #tpu.memory_space<semaphore_mem>>) src(%arg19 : memref<104x16xf32, #tpu.memory_space<vmem>>) dst(%dma_wait3A_199 : memref<104x16xf32, #tpu.memory_space<vmem_shared>>)
      tpu.yield
    }) : () -> ()
    %mul3A_28 = arith.constant 624 : i32
    %mul3A_29 = arith.muli %arg1, %mul3A_28 : i32
    %add3A_30 = arith.constant 208 : i32
    %add3A_31 = arith.addi %mul3A_29, %add3A_30 : i32
    "tpu.region"() ({
      %run_scoped3A = tpu.sem_alloc : memref<!tpu.dma_semaphore, #tpu.memory_space<semaphore_mem>>
      %dma_start3A = arith.constant 0 : i32
      %dma_start3A_193 = tpu.memref_slice %arg20[%add3A_31, %dma_start3A] : memref<10000x64xf32, #tpu.memory_space<vmem_shared>> -> memref<104x64xf32, #tpu.memory_space<vmem_shared>>
      %dma_start3A_194 = arith.constant 0 : i32
      %dma_start3A_195 = tpu.memref_slice %arg20[%add3A_31, %dma_start3A_194] : memref<10000x64xf32, #tpu.memory_space<vmem_shared>> -> memref<104x64xf32, #tpu.memory_space<vmem_shared>>
      tpu.enqueue_dma source(%arg18 : memref<104x64xf32, #tpu.memory_space<vmem>>) target(%dma_start3A_195 : memref<104x64xf32, #tpu.memory_space<vmem_shared>>) target_semaphore(%run_scoped3A : memref<!tpu.dma_semaphore, #tpu.memory_space<semaphore_mem>>)
      %dma_wait3A_196 = arith.constant 0 : i32
      %dma_wait3A_197 = tpu.memref_slice %arg20[%add3A_31, %dma_wait3A_196] : memref<10000x64xf32, #tpu.memory_space<vmem_shared>> -> memref<104x64xf32, #tpu.memory_space<vmem_shared>>
      %dma_wait3A_198 = arith.constant 0 : i32
      %dma_wait3A_199 = tpu.memref_slice %arg20[%add3A_31, %dma_wait3A_198] : memref<10000x64xf32, #tpu.memory_space<vmem_shared>> -> memref<104x64xf32, #tpu.memory_space<vmem_shared>>
      tpu.wait_dma2 semaphore(%run_scoped3A : memref<!tpu.dma_semaphore, #tpu.memory_space<semaphore_mem>>) src(%arg18 : memref<104x64xf32, #tpu.memory_space<vmem>>) dst(%dma_wait3A_199 : memref<104x64xf32, #tpu.memory_space<vmem_shared>>)
      tpu.yield
    }) : () -> ()
    %mul3A_32 = arith.constant 624 : i32
    %mul3A_33 = arith.muli %arg1, %mul3A_32 : i32
    %add3A_34 = arith.constant 208 : i32
    %add3A_35 = arith.addi %mul3A_33, %add3A_34 : i32
    "tpu.region"() ({
      %run_scoped3A = tpu.sem_alloc : memref<!tpu.dma_semaphore, #tpu.memory_space<semaphore_mem>>
      %dma_start3A = arith.constant 0 : i32
      %dma_start3A_193 = tpu.memref_slice %arg21[%add3A_35, %dma_start3A] : memref<10000x16xf32, #tpu.memory_space<vmem_shared>> -> memref<104x16xf32, #tpu.memory_space<vmem_shared>>
      %dma_start3A_194 = arith.constant 0 : i32
      %dma_start3A_195 = tpu.memref_slice %arg21[%add3A_35, %dma_start3A_194] : memref<10000x16xf32, #tpu.memory_space<vmem_shared>> -> memref<104x16xf32, #tpu.memory_space<vmem_shared>>
      tpu.enqueue_dma source(%arg19 : memref<104x16xf32, #tpu.memory_space<vmem>>) target(%dma_start3A_195 : memref<104x16xf32, #tpu.memory_space<vmem_shared>>) target_semaphore(%run_scoped3A : memref<!tpu.dma_semaphore, #tpu.memory_space<semaphore_mem>>)
      %dma_wait3A_196 = arith.constant 0 : i32
      %dma_wait3A_197 = tpu.memref_slice %arg21[%add3A_35, %dma_wait3A_196] : memref<10000x16xf32, #tpu.memory_space<vmem_shared>> -> memref<104x16xf32, #tpu.memory_space<vmem_shared>>
      %dma_wait3A_198 = arith.constant 0 : i32
      %dma_wait3A_199 = tpu.memref_slice %arg21[%add3A_35, %dma_wait3A_198] : memref<10000x16xf32, #tpu.memory_space<vmem_shared>> -> memref<104x16xf32, #tpu.memory_space<vmem_shared>>
      tpu.wait_dma2 semaphore(%run_scoped3A : memref<!tpu.dma_semaphore, #tpu.memory_space<semaphore_mem>>) src(%arg19 : memref<104x16xf32, #tpu.memory_space<vmem>>) dst(%dma_wait3A_199 : memref<104x16xf32, #tpu.memory_space<vmem_shared>>)
      tpu.yield
    }) : () -> ()
    %mul3A_36 = arith.constant 624 : i32
    %mul3A_37 = arith.muli %arg1, %mul3A_36 : i32
    %add3A_38 = arith.constant 312 : i32
    %add3A_39 = arith.addi %mul3A_37, %add3A_38 : i32
    "tpu.region"() ({
      %run_scoped3A = tpu.sem_alloc : memref<!tpu.dma_semaphore, #tpu.memory_space<semaphore_mem>>
      %dma_start3A = arith.constant 0 : i32
      %dma_start3A_193 = tpu.memref_slice %arg20[%add3A_39, %dma_start3A] : memref<10000x64xf32, #tpu.memory_space<vmem_shared>> -> memref<104x64xf32, #tpu.memory_space<vmem_shared>>
      %dma_start3A_194 = arith.constant 0 : i32
      %dma_start3A_195 = tpu.memref_slice %arg20[%add3A_39, %dma_start3A_194] : memref<10000x64xf32, #tpu.memory_space<vmem_shared>> -> memref<104x64xf32, #tpu.memory_space<vmem_shared>>
      tpu.enqueue_dma source(%arg18 : memref<104x64xf32, #tpu.memory_space<vmem>>) target(%dma_start3A_195 : memref<104x64xf32, #tpu.memory_space<vmem_shared>>) target_semaphore(%run_scoped3A : memref<!tpu.dma_semaphore, #tpu.memory_space<semaphore_mem>>)
      %dma_wait3A_196 = arith.constant 0 : i32
      %dma_wait3A_197 = tpu.memref_slice %arg20[%add3A_39, %dma_wait3A_196] : memref<10000x64xf32, #tpu.memory_space<vmem_shared>> -> memref<104x64xf32, #tpu.memory_space<vmem_shared>>
      %dma_wait3A_198 = arith.constant 0 : i32
      %dma_wait3A_199 = tpu.memref_slice %arg20[%add3A_39, %dma_wait3A_198] : memref<10000x64xf32, #tpu.memory_space<vmem_shared>> -> memref<104x64xf32, #tpu.memory_space<vmem_shared>>
      tpu.wait_dma2 semaphore(%run_scoped3A : memref<!tpu.dma_semaphore, #tpu.memory_space<semaphore_mem>>) src(%arg18 : memref<104x64xf32, #tpu.memory_space<vmem>>) dst(%dma_wait3A_199 : memref<104x64xf32, #tpu.memory_space<vmem_shared>>)
      tpu.yield
    }) : () -> ()
    %mul3A_40 = arith.constant 624 : i32
    %mul3A_41 = arith.muli %arg1, %mul3A_40 : i32
    %add3A_42 = arith.constant 312 : i32
    %add3A_43 = arith.addi %mul3A_41, %add3A_42 : i32
    "tpu.region"() ({
      %run_scoped3A = tpu.sem_alloc : memref<!tpu.dma_semaphore, #tpu.memory_space<semaphore_mem>>
      %dma_start3A = arith.constant 0 : i32
      %dma_start3A_193 = tpu.memref_slice %arg21[%add3A_43, %dma_start3A] : memref<10000x16xf32, #tpu.memory_space<vmem_shared>> -> memref<104x16xf32, #tpu.memory_space<vmem_shared>>
      %dma_start3A_194 = arith.constant 0 : i32
      %dma_start3A_195 = tpu.memref_slice %arg21[%add3A_43, %dma_start3A_194] : memref<10000x16xf32, #tpu.memory_space<vmem_shared>> -> memref<104x16xf32, #tpu.memory_space<vmem_shared>>
      tpu.enqueue_dma source(%arg19 : memref<104x16xf32, #tpu.memory_space<vmem>>) target(%dma_start3A_195 : memref<104x16xf32, #tpu.memory_space<vmem_shared>>) target_semaphore(%run_scoped3A : memref<!tpu.dma_semaphore, #tpu.memory_space<semaphore_mem>>)
      %dma_wait3A_196 = arith.constant 0 : i32
      %dma_wait3A_197 = tpu.memref_slice %arg21[%add3A_43, %dma_wait3A_196] : memref<10000x16xf32, #tpu.memory_space<vmem_shared>> -> memref<104x16xf32, #tpu.memory_space<vmem_shared>>
      %dma_wait3A_198 = arith.constant 0 : i32
      %dma_wait3A_199 = tpu.memref_slice %arg21[%add3A_43, %dma_wait3A_198] : memref<10000x16xf32, #tpu.memory_space<vmem_shared>> -> memref<104x16xf32, #tpu.memory_space<vmem_shared>>
      tpu.wait_dma2 semaphore(%run_scoped3A : memref<!tpu.dma_semaphore, #tpu.memory_space<semaphore_mem>>) src(%arg19 : memref<104x16xf32, #tpu.memory_space<vmem>>) dst(%dma_wait3A_199 : memref<104x16xf32, #tpu.memory_space<vmem_shared>>)
      tpu.yield
    }) : () -> ()
    %mul3A_44 = arith.constant 624 : i32
    %mul3A_45 = arith.muli %arg1, %mul3A_44 : i32
    %add3A_46 = arith.constant 416 : i32
    %add3A_47 = arith.addi %mul3A_45, %add3A_46 : i32
    "tpu.region"() ({
      %run_scoped3A = tpu.sem_alloc : memref<!tpu.dma_semaphore, #tpu.memory_space<semaphore_mem>>
      %dma_start3A = arith.constant 0 : i32
      %dma_start3A_193 = tpu.memref_slice %arg20[%add3A_47, %dma_start3A] : memref<10000x64xf32, #tpu.memory_space<vmem_shared>> -> memref<104x64xf32, #tpu.memory_space<vmem_shared>>
      %dma_start3A_194 = arith.constant 0 : i32
      %dma_start3A_195 = tpu.memref_slice %arg20[%add3A_47, %dma_start3A_194] : memref<10000x64xf32, #tpu.memory_space<vmem_shared>> -> memref<104x64xf32, #tpu.memory_space<vmem_shared>>
      tpu.enqueue_dma source(%arg18 : memref<104x64xf32, #tpu.memory_space<vmem>>) target(%dma_start3A_195 : memref<104x64xf32, #tpu.memory_space<vmem_shared>>) target_semaphore(%run_scoped3A : memref<!tpu.dma_semaphore, #tpu.memory_space<semaphore_mem>>)
      %dma_wait3A_196 = arith.constant 0 : i32
      %dma_wait3A_197 = tpu.memref_slice %arg20[%add3A_47, %dma_wait3A_196] : memref<10000x64xf32, #tpu.memory_space<vmem_shared>> -> memref<104x64xf32, #tpu.memory_space<vmem_shared>>
      %dma_wait3A_198 = arith.constant 0 : i32
      %dma_wait3A_199 = tpu.memref_slice %arg20[%add3A_47, %dma_wait3A_198] : memref<10000x64xf32, #tpu.memory_space<vmem_shared>> -> memref<104x64xf32, #tpu.memory_space<vmem_shared>>
      tpu.wait_dma2 semaphore(%run_scoped3A : memref<!tpu.dma_semaphore, #tpu.memory_space<semaphore_mem>>) src(%arg18 : memref<104x64xf32, #tpu.memory_space<vmem>>) dst(%dma_wait3A_199 : memref<104x64xf32, #tpu.memory_space<vmem_shared>>)
      tpu.yield
    }) : () -> ()
    %mul3A_48 = arith.constant 624 : i32
    %mul3A_49 = arith.muli %arg1, %mul3A_48 : i32
    %add3A_50 = arith.constant 416 : i32
    %add3A_51 = arith.addi %mul3A_49, %add3A_50 : i32
    "tpu.region"() ({
      %run_scoped3A = tpu.sem_alloc : memref<!tpu.dma_semaphore, #tpu.memory_space<semaphore_mem>>
      %dma_start3A = arith.constant 0 : i32
      %dma_start3A_193 = tpu.memref_slice %arg21[%add3A_51, %dma_start3A] : memref<10000x16xf32, #tpu.memory_space<vmem_shared>> -> memref<104x16xf32, #tpu.memory_space<vmem_shared>>
      %dma_start3A_194 = arith.constant 0 : i32
      %dma_start3A_195 = tpu.memref_slice %arg21[%add3A_51, %dma_start3A_194] : memref<10000x16xf32, #tpu.memory_space<vmem_shared>> -> memref<104x16xf32, #tpu.memory_space<vmem_shared>>
      tpu.enqueue_dma source(%arg19 : memref<104x16xf32, #tpu.memory_space<vmem>>) target(%dma_start3A_195 : memref<104x16xf32, #tpu.memory_space<vmem_shared>>) target_semaphore(%run_scoped3A : memref<!tpu.dma_semaphore, #tpu.memory_space<semaphore_mem>>)
      %dma_wait3A_196 = arith.constant 0 : i32
      %dma_wait3A_197 = tpu.memref_slice %arg21[%add3A_51, %dma_wait3A_196] : memref<10000x16xf32, #tpu.memory_space<vmem_shared>> -> memref<104x16xf32, #tpu.memory_space<vmem_shared>>
      %dma_wait3A_198 = arith.constant 0 : i32
      %dma_wait3A_199 = tpu.memref_slice %arg21[%add3A_51, %dma_wait3A_198] : memref<10000x16xf32, #tpu.memory_space<vmem_shared>> -> memref<104x16xf32, #tpu.memory_space<vmem_shared>>
      tpu.wait_dma2 semaphore(%run_scoped3A : memref<!tpu.dma_semaphore, #tpu.memory_space<semaphore_mem>>) src(%arg19 : memref<104x16xf32, #tpu.memory_space<vmem>>) dst(%dma_wait3A_199 : memref<104x16xf32, #tpu.memory_space<vmem_shared>>)
      tpu.yield
    }) : () -> ()
    %mul3A_52 = arith.constant 624 : i32
    %mul3A_53 = arith.muli %arg1, %mul3A_52 : i32
    %add3A_54 = arith.constant 520 : i32
    %add3A_55 = arith.addi %mul3A_53, %add3A_54 : i32
    "tpu.region"() ({
      %run_scoped3A = tpu.sem_alloc : memref<!tpu.dma_semaphore, #tpu.memory_space<semaphore_mem>>
      %dma_start3A = arith.constant 0 : i32
      %dma_start3A_193 = tpu.memref_slice %arg20[%add3A_55, %dma_start3A] : memref<10000x64xf32, #tpu.memory_space<vmem_shared>> -> memref<104x64xf32, #tpu.memory_space<vmem_shared>>
      %dma_start3A_194 = arith.constant 0 : i32
      %dma_start3A_195 = tpu.memref_slice %arg20[%add3A_55, %dma_start3A_194] : memref<10000x64xf32, #tpu.memory_space<vmem_shared>> -> memref<104x64xf32, #tpu.memory_space<vmem_shared>>
      tpu.enqueue_dma source(%arg18 : memref<104x64xf32, #tpu.memory_space<vmem>>) target(%dma_start3A_195 : memref<104x64xf32, #tpu.memory_space<vmem_shared>>) target_semaphore(%run_scoped3A : memref<!tpu.dma_semaphore, #tpu.memory_space<semaphore_mem>>)
      %dma_wait3A_196 = arith.constant 0 : i32
      %dma_wait3A_197 = tpu.memref_slice %arg20[%add3A_55, %dma_wait3A_196] : memref<10000x64xf32, #tpu.memory_space<vmem_shared>> -> memref<104x64xf32, #tpu.memory_space<vmem_shared>>
      %dma_wait3A_198 = arith.constant 0 : i32
      %dma_wait3A_199 = tpu.memref_slice %arg20[%add3A_55, %dma_wait3A_198] : memref<10000x64xf32, #tpu.memory_space<vmem_shared>> -> memref<104x64xf32, #tpu.memory_space<vmem_shared>>
      tpu.wait_dma2 semaphore(%run_scoped3A : memref<!tpu.dma_semaphore, #tpu.memory_space<semaphore_mem>>) src(%arg18 : memref<104x64xf32, #tpu.memory_space<vmem>>) dst(%dma_wait3A_199 : memref<104x64xf32, #tpu.memory_space<vmem_shared>>)
      tpu.yield
    }) : () -> ()
    %mul3A_56 = arith.constant 624 : i32
    %mul3A_57 = arith.muli %arg1, %mul3A_56 : i32
    %add3A_58 = arith.constant 520 : i32
    %add3A_59 = arith.addi %mul3A_57, %add3A_58 : i32
    "tpu.region"() ({
      %run_scoped3A = tpu.sem_alloc : memref<!tpu.dma_semaphore, #tpu.memory_space<semaphore_mem>>
      %dma_start3A = arith.constant 0 : i32
      %dma_start3A_193 = tpu.memref_slice %arg21[%add3A_59, %dma_start3A] : memref<10000x16xf32, #tpu.memory_space<vmem_shared>> -> memref<104x16xf32, #tpu.memory_space<vmem_shared>>
      %dma_start3A_194 = arith.constant 0 : i32
      %dma_start3A_195 = tpu.memref_slice %arg21[%add3A_59, %dma_start3A_194] : memref<10000x16xf32, #tpu.memory_space<vmem_shared>> -> memref<104x16xf32, #tpu.memory_space<vmem_shared>>
      tpu.enqueue_dma source(%arg19 : memref<104x16xf32, #tpu.memory_space<vmem>>) target(%dma_start3A_195 : memref<104x16xf32, #tpu.memory_space<vmem_shared>>) target_semaphore(%run_scoped3A : memref<!tpu.dma_semaphore, #tpu.memory_space<semaphore_mem>>)
      %dma_wait3A_196 = arith.constant 0 : i32
      %dma_wait3A_197 = tpu.memref_slice %arg21[%add3A_59, %dma_wait3A_196] : memref<10000x16xf32, #tpu.memory_space<vmem_shared>> -> memref<104x16xf32, #tpu.memory_space<vmem_shared>>
      %dma_wait3A_198 = arith.constant 0 : i32
      %dma_wait3A_199 = tpu.memref_slice %arg21[%add3A_59, %dma_wait3A_198] : memref<10000x16xf32, #tpu.memory_space<vmem_shared>> -> memref<104x16xf32, #tpu.memory_space<vmem_shared>>
      tpu.wait_dma2 semaphore(%run_scoped3A : memref<!tpu.dma_semaphore, #tpu.memory_space<semaphore_mem>>) src(%arg19 : memref<104x16xf32, #tpu.memory_space<vmem>>) dst(%dma_wait3A_199 : memref<104x16xf32, #tpu.memory_space<vmem_shared>>)
      tpu.yield
    }) : () -> ()
    %eq3A = arith.constant 15 : i32
    %eq3A_60 = arith.cmpi eq, %arg1, %eq3A : i32
    %convert_element_type3A = arith.extui %eq3A_60 : i1 to i32
    %cond3A = arith.constant 0 : i32
    %cond3A_61 = arith.cmpi ne, %convert_element_type3A, %cond3A : i32
    scf.if %cond3A_61 {
      "tpu.region"() ({
        %run_scoped3A = tpu.sem_alloc : memref<!tpu.dma_semaphore, #tpu.memory_space<semaphore_mem>>
        %dma_start3A = arith.constant 0 : i32
        %dma_start3A_193 = arith.constant 0 : i32
        %dma_start3A_194 = tpu.memref_slice %arg18[%dma_start3A, %dma_start3A_193] : memref<104x64xf32, #tpu.memory_space<vmem>> -> memref<16x64xf32, #tpu.memory_space<vmem>>
        %dma_start3A_195 = arith.constant 9984 : i32
        %dma_start3A_196 = arith.constant 0 : i32
        %dma_start3A_197 = tpu.memref_slice %arg20[%dma_start3A_195, %dma_start3A_196] : memref<10000x64xf32, #tpu.memory_space<vmem_shared>> -> memref<16x64xf32, #tpu.memory_space<vmem_shared>>
        %dma_start3A_198 = arith.constant 9984 : i32
        %dma_start3A_199 = arith.constant 0 : i32
        %dma_start3A_200 = tpu.memref_slice %arg20[%dma_start3A_198, %dma_start3A_199] : memref<10000x64xf32, #tpu.memory_space<vmem_shared>> -> memref<16x64xf32, #tpu.memory_space<vmem_shared>>
        %dma_start3A_201 = arith.constant 0 : i32
        %dma_start3A_202 = arith.constant 0 : i32
        %dma_start3A_203 = tpu.memref_slice %arg18[%dma_start3A_201, %dma_start3A_202] : memref<104x64xf32, #tpu.memory_space<vmem>> -> memref<16x64xf32, #tpu.memory_space<vmem>>
        tpu.enqueue_dma source(%dma_start3A_203 : memref<16x64xf32, #tpu.memory_space<vmem>>) target(%dma_start3A_200 : memref<16x64xf32, #tpu.memory_space<vmem_shared>>) target_semaphore(%run_scoped3A : memref<!tpu.dma_semaphore, #tpu.memory_space<semaphore_mem>>)
        %dma_wait3A_204 = arith.constant 0 : i32
        %dma_wait3A_205 = arith.constant 0 : i32
        %dma_wait3A_206 = tpu.memref_slice %arg18[%dma_wait3A_204, %dma_wait3A_205] : memref<104x64xf32, #tpu.memory_space<vmem>> -> memref<16x64xf32, #tpu.memory_space<vmem>>
        %dma_wait3A_207 = arith.constant 9984 : i32
        %dma_wait3A_208 = arith.constant 0 : i32
        %dma_wait3A_209 = tpu.memref_slice %arg20[%dma_wait3A_207, %dma_wait3A_208] : memref<10000x64xf32, #tpu.memory_space<vmem_shared>> -> memref<16x64xf32, #tpu.memory_space<vmem_shared>>
        %dma_wait3A_210 = arith.constant 9984 : i32
        %dma_wait3A_211 = arith.constant 0 : i32
        %dma_wait3A_212 = tpu.memref_slice %arg20[%dma_wait3A_210, %dma_wait3A_211] : memref<10000x64xf32, #tpu.memory_space<vmem_shared>> -> memref<16x64xf32, #tpu.memory_space<vmem_shared>>
        %dma_wait3A_213 = arith.constant 0 : i32
        %dma_wait3A_214 = arith.constant 0 : i32
        %dma_wait3A_215 = tpu.memref_slice %arg18[%dma_wait3A_213, %dma_wait3A_214] : memref<104x64xf32, #tpu.memory_space<vmem>> -> memref<16x64xf32, #tpu.memory_space<vmem>>
        tpu.wait_dma2 semaphore(%run_scoped3A : memref<!tpu.dma_semaphore, #tpu.memory_space<semaphore_mem>>) src(%dma_wait3A_215 : memref<16x64xf32, #tpu.memory_space<vmem>>) dst(%dma_wait3A_212 : memref<16x64xf32, #tpu.memory_space<vmem_shared>>)
        tpu.yield
      }) : () -> ()
      "tpu.region"() ({
        %run_scoped3A = tpu.sem_alloc : memref<!tpu.dma_semaphore, #tpu.memory_space<semaphore_mem>>
        %dma_start3A = arith.constant 0 : i32
        %dma_start3A_193 = arith.constant 0 : i32
        %dma_start3A_194 = tpu.memref_slice %arg19[%dma_start3A, %dma_start3A_193] : memref<104x16xf32, #tpu.memory_space<vmem>> -> memref<16x16xf32, #tpu.memory_space<vmem>>
        %dma_start3A_195 = arith.constant 9984 : i32
        %dma_start3A_196 = arith.constant 0 : i32
        %dma_start3A_197 = tpu.memref_slice %arg21[%dma_start3A_195, %dma_start3A_196] : memref<10000x16xf32, #tpu.memory_space<vmem_shared>> -> memref<16x16xf32, #tpu.memory_space<vmem_shared>>
        %dma_start3A_198 = arith.constant 9984 : i32
        %dma_start3A_199 = arith.constant 0 : i32
        %dma_start3A_200 = tpu.memref_slice %arg21[%dma_start3A_198, %dma_start3A_199] : memref<10000x16xf32, #tpu.memory_space<vmem_shared>> -> memref<16x16xf32, #tpu.memory_space<vmem_shared>>
        %dma_start3A_201 = arith.constant 0 : i32
        %dma_start3A_202 = arith.constant 0 : i32
        %dma_start3A_203 = tpu.memref_slice %arg19[%dma_start3A_201, %dma_start3A_202] : memref<104x16xf32, #tpu.memory_space<vmem>> -> memref<16x16xf32, #tpu.memory_space<vmem>>
        tpu.enqueue_dma source(%dma_start3A_203 : memref<16x16xf32, #tpu.memory_space<vmem>>) target(%dma_start3A_200 : memref<16x16xf32, #tpu.memory_space<vmem_shared>>) target_semaphore(%run_scoped3A : memref<!tpu.dma_semaphore, #tpu.memory_space<semaphore_mem>>)
        %dma_wait3A_204 = arith.constant 0 : i32
        %dma_wait3A_205 = arith.constant 0 : i32
        %dma_wait3A_206 = tpu.memref_slice %arg19[%dma_wait3A_204, %dma_wait3A_205] : memref<104x16xf32, #tpu.memory_space<vmem>> -> memref<16x16xf32, #tpu.memory_space<vmem>>
        %dma_wait3A_207 = arith.constant 9984 : i32
        %dma_wait3A_208 = arith.constant 0 : i32
        %dma_wait3A_209 = tpu.memref_slice %arg21[%dma_wait3A_207, %dma_wait3A_208] : memref<10000x16xf32, #tpu.memory_space<vmem_shared>> -> memref<16x16xf32, #tpu.memory_space<vmem_shared>>
        %dma_wait3A_210 = arith.constant 9984 : i32
        %dma_wait3A_211 = arith.constant 0 : i32
        %dma_wait3A_212 = tpu.memref_slice %arg21[%dma_wait3A_210, %dma_wait3A_211] : memref<10000x16xf32, #tpu.memory_space<vmem_shared>> -> memref<16x16xf32, #tpu.memory_space<vmem_shared>>
        %dma_wait3A_213 = arith.constant 0 : i32
        %dma_wait3A_214 = arith.constant 0 : i32
        %dma_wait3A_215 = tpu.memref_slice %arg19[%dma_wait3A_213, %dma_wait3A_214] : memref<104x16xf32, #tpu.memory_space<vmem>> -> memref<16x16xf32, #tpu.memory_space<vmem>>
        tpu.wait_dma2 semaphore(%run_scoped3A : memref<!tpu.dma_semaphore, #tpu.memory_space<semaphore_mem>>) src(%dma_wait3A_215 : memref<16x16xf32, #tpu.memory_space<vmem>>) dst(%dma_wait3A_212 : memref<16x16xf32, #tpu.memory_space<vmem_shared>>)
        tpu.yield
      }) : () -> ()
    } else {
    }
    %barrier3A = arith.constant 0 : index
    tpu.barrier barrier_id(%barrier3A)
    %eq3A_62 = arith.constant 0 : i32
    %eq3A_63 = arith.cmpi eq, %arg0, %eq3A_62 : i32
    %convert_element_type3A_64 = arith.extui %eq3A_63 : i1 to i32
    %cond3A_65 = arith.constant 0 : i32
    %cond3A_66 = arith.cmpi ne, %convert_element_type3A_64, %cond3A_65 : i32
    scf.if %cond3A_66 {
      %dma_start3A = arith.constant 0 : i32
      %dma_start3A_193 = arith.constant 0 : i32
      %dma_start3A_194 = tpu.memref_slice %arg9[%dma_start3A, %dma_start3A_193] : memref<250x80xi32, #tpu.memory_space<vmem>> -> memref<1x80xi32, #tpu.memory_space<vmem>>
      %dma_start3A_195 = tpu.memref_squeeze %dma_start3A_194 : memref<1x80xi32, #tpu.memory_space<vmem>> -> memref<80xi32, #tpu.memory_space<vmem>>
      %dma_start3A_196 = arith.constant 0 : i32
      %dma_start3A_197 = arith.constant 0 : i32
      %dma_start3A_198 = tpu.memref_slice %arg4[%dma_start3A_196, %dma_start3A_197] : memref<10000x64xf32, #tpu.memory_space<hbm>> -> memref<10000x64xf32, #tpu.memory_space<hbm>>
      tpu.enqueue_indirect_dma source(%dma_start3A_198 : memref<10000x64xf32, #tpu.memory_space<hbm>>) target(%arg11 : memref<80x64xf32, #tpu.memory_space<vmem>>) offsets(%dma_start3A_195 : memref<80xi32, #tpu.memory_space<vmem>>) semaphore(%arg22 : memref<!tpu.dma_semaphore, #tpu.memory_space<semaphore_mem>>)
      %dma_start3A_199 = arith.constant 0 : i32
      %dma_start3A_200 = arith.constant 0 : i32
      %dma_start3A_201 = tpu.memref_slice %arg10[%dma_start3A_199, %dma_start3A_200] : memref<250x80xi32, #tpu.memory_space<vmem>> -> memref<1x80xi32, #tpu.memory_space<vmem>>
      %dma_start3A_202 = tpu.memref_squeeze %dma_start3A_201 : memref<1x80xi32, #tpu.memory_space<vmem>> -> memref<80xi32, #tpu.memory_space<vmem>>
      %dma_start3A_203 = arith.constant 0 : i32
      %dma_start3A_204 = arith.constant 0 : i32
      %dma_start3A_205 = tpu.memref_slice %arg6[%dma_start3A_203, %dma_start3A_204] : memref<10000x64xf32, #tpu.memory_space<hbm>> -> memref<10000x64xf32, #tpu.memory_space<hbm>>
      tpu.enqueue_indirect_dma source(%dma_start3A_205 : memref<10000x64xf32, #tpu.memory_space<hbm>>) target(%arg13 : memref<80x64xf32, #tpu.memory_space<vmem>>) offsets(%dma_start3A_202 : memref<80xi32, #tpu.memory_space<vmem>>) semaphore(%arg22 : memref<!tpu.dma_semaphore, #tpu.memory_space<semaphore_mem>>)
    } else {
    }
    %eq3A_67 = arith.constant 1 : i32
    %eq3A_68 = arith.cmpi eq, %arg0, %eq3A_67 : i32
    %convert_element_type3A_69 = arith.extui %eq3A_68 : i1 to i32
    %cond3A_70 = arith.constant 0 : i32
    %cond3A_71 = arith.cmpi ne, %convert_element_type3A_69, %cond3A_70 : i32
    scf.if %cond3A_71 {
      %dma_start3A = arith.constant 0 : i32
      %dma_start3A_193 = arith.constant 0 : i32
      %dma_start3A_194 = tpu.memref_slice %arg9[%dma_start3A, %dma_start3A_193] : memref<250x80xi32, #tpu.memory_space<vmem>> -> memref<1x80xi32, #tpu.memory_space<vmem>>
      %dma_start3A_195 = tpu.memref_squeeze %dma_start3A_194 : memref<1x80xi32, #tpu.memory_space<vmem>> -> memref<80xi32, #tpu.memory_space<vmem>>
      %dma_start3A_196 = arith.constant 0 : i32
      %dma_start3A_197 = arith.constant 0 : i32
      %dma_start3A_198 = tpu.memref_slice %arg5[%dma_start3A_196, %dma_start3A_197] : memref<10000x64xf32, #tpu.memory_space<hbm>> -> memref<10000x64xf32, #tpu.memory_space<hbm>>
      tpu.enqueue_indirect_dma source(%dma_start3A_198 : memref<10000x64xf32, #tpu.memory_space<hbm>>) target(%arg11 : memref<80x64xf32, #tpu.memory_space<vmem>>) offsets(%dma_start3A_195 : memref<80xi32, #tpu.memory_space<vmem>>) semaphore(%arg22 : memref<!tpu.dma_semaphore, #tpu.memory_space<semaphore_mem>>)
      %dma_start3A_199 = arith.constant 0 : i32
      %dma_start3A_200 = arith.constant 0 : i32
      %dma_start3A_201 = tpu.memref_slice %arg10[%dma_start3A_199, %dma_start3A_200] : memref<250x80xi32, #tpu.memory_space<vmem>> -> memref<1x80xi32, #tpu.memory_space<vmem>>
      %dma_start3A_202 = tpu.memref_squeeze %dma_start3A_201 : memref<1x80xi32, #tpu.memory_space<vmem>> -> memref<80xi32, #tpu.memory_space<vmem>>
      %dma_start3A_203 = arith.constant 0 : i32
      %dma_start3A_204 = arith.constant 0 : i32
      %dma_start3A_205 = tpu.memref_slice %arg7[%dma_start3A_203, %dma_start3A_204] : memref<10000x64xf32, #tpu.memory_space<hbm>> -> memref<10000x64xf32, #tpu.memory_space<hbm>>
      tpu.enqueue_indirect_dma source(%dma_start3A_205 : memref<10000x64xf32, #tpu.memory_space<hbm>>) target(%arg13 : memref<80x64xf32, #tpu.memory_space<vmem>>) offsets(%dma_start3A_202 : memref<80xi32, #tpu.memory_space<vmem>>) semaphore(%arg22 : memref<!tpu.dma_semaphore, #tpu.memory_space<semaphore_mem>>)
    } else {
    }
    %eq3A_72 = arith.constant 0 : i32
    %eq3A_73 = arith.cmpi eq, %arg0, %eq3A_72 : i32
    %convert_element_type3A_74 = arith.extui %eq3A_73 : i1 to i32
    %cond3A_75 = arith.constant 0 : i32
    %cond3A_76 = arith.cmpi ne, %convert_element_type3A_74, %cond3A_75 : i32
    scf.if %cond3A_76 {
      %dma_start3A = arith.constant 1 : i32
      %dma_start3A_193 = arith.constant 0 : i32
      %dma_start3A_194 = tpu.memref_slice %arg9[%dma_start3A, %dma_start3A_193] : memref<250x80xi32, #tpu.memory_space<vmem>> -> memref<1x80xi32, #tpu.memory_space<vmem>>
      %dma_start3A_195 = tpu.memref_squeeze %dma_start3A_194 : memref<1x80xi32, #tpu.memory_space<vmem>> -> memref<80xi32, #tpu.memory_space<vmem>>
      %dma_start3A_196 = arith.constant 0 : i32
      %dma_start3A_197 = arith.constant 0 : i32
      %dma_start3A_198 = tpu.memref_slice %arg4[%dma_start3A_196, %dma_start3A_197] : memref<10000x64xf32, #tpu.memory_space<hbm>> -> memref<10000x64xf32, #tpu.memory_space<hbm>>
      tpu.enqueue_indirect_dma source(%dma_start3A_198 : memref<10000x64xf32, #tpu.memory_space<hbm>>) target(%arg12 : memref<80x64xf32, #tpu.memory_space<vmem>>) offsets(%dma_start3A_195 : memref<80xi32, #tpu.memory_space<vmem>>) semaphore(%arg23 : memref<!tpu.dma_semaphore, #tpu.memory_space<semaphore_mem>>)
      %dma_start3A_199 = arith.constant 1 : i32
      %dma_start3A_200 = arith.constant 0 : i32
      %dma_start3A_201 = tpu.memref_slice %arg10[%dma_start3A_199, %dma_start3A_200] : memref<250x80xi32, #tpu.memory_space<vmem>> -> memref<1x80xi32, #tpu.memory_space<vmem>>
      %dma_start3A_202 = tpu.memref_squeeze %dma_start3A_201 : memref<1x80xi32, #tpu.memory_space<vmem>> -> memref<80xi32, #tpu.memory_space<vmem>>
      %dma_start3A_203 = arith.constant 0 : i32
      %dma_start3A_204 = arith.constant 0 : i32
      %dma_start3A_205 = tpu.memref_slice %arg6[%dma_start3A_203, %dma_start3A_204] : memref<10000x64xf32, #tpu.memory_space<hbm>> -> memref<10000x64xf32, #tpu.memory_space<hbm>>
      tpu.enqueue_indirect_dma source(%dma_start3A_205 : memref<10000x64xf32, #tpu.memory_space<hbm>>) target(%arg14 : memref<80x64xf32, #tpu.memory_space<vmem>>) offsets(%dma_start3A_202 : memref<80xi32, #tpu.memory_space<vmem>>) semaphore(%arg23 : memref<!tpu.dma_semaphore, #tpu.memory_space<semaphore_mem>>)
    } else {
    }
    %eq3A_77 = arith.constant 1 : i32
    %eq3A_78 = arith.cmpi eq, %arg0, %eq3A_77 : i32
    %convert_element_type3A_79 = arith.extui %eq3A_78 : i1 to i32
    %cond3A_80 = arith.constant 0 : i32
    %cond3A_81 = arith.cmpi ne, %convert_element_type3A_79, %cond3A_80 : i32
    scf.if %cond3A_81 {
      %dma_start3A = arith.constant 1 : i32
      %dma_start3A_193 = arith.constant 0 : i32
      %dma_start3A_194 = tpu.memref_slice %arg9[%dma_start3A, %dma_start3A_193] : memref<250x80xi32, #tpu.memory_space<vmem>> -> memref<1x80xi32, #tpu.memory_space<vmem>>
      %dma_start3A_195 = tpu.memref_squeeze %dma_start3A_194 : memref<1x80xi32, #tpu.memory_space<vmem>> -> memref<80xi32, #tpu.memory_space<vmem>>
      %dma_start3A_196 = arith.constant 0 : i32
      %dma_start3A_197 = arith.constant 0 : i32
      %dma_start3A_198 = tpu.memref_slice %arg5[%dma_start3A_196, %dma_start3A_197] : memref<10000x64xf32, #tpu.memory_space<hbm>> -> memref<10000x64xf32, #tpu.memory_space<hbm>>
      tpu.enqueue_indirect_dma source(%dma_start3A_198 : memref<10000x64xf32, #tpu.memory_space<hbm>>) target(%arg12 : memref<80x64xf32, #tpu.memory_space<vmem>>) offsets(%dma_start3A_195 : memref<80xi32, #tpu.memory_space<vmem>>) semaphore(%arg23 : memref<!tpu.dma_semaphore, #tpu.memory_space<semaphore_mem>>)
      %dma_start3A_199 = arith.constant 1 : i32
      %dma_start3A_200 = arith.constant 0 : i32
      %dma_start3A_201 = tpu.memref_slice %arg10[%dma_start3A_199, %dma_start3A_200] : memref<250x80xi32, #tpu.memory_space<vmem>> -> memref<1x80xi32, #tpu.memory_space<vmem>>
      %dma_start3A_202 = tpu.memref_squeeze %dma_start3A_201 : memref<1x80xi32, #tpu.memory_space<vmem>> -> memref<80xi32, #tpu.memory_space<vmem>>
      %dma_start3A_203 = arith.constant 0 : i32
      %dma_start3A_204 = arith.constant 0 : i32
      %dma_start3A_205 = tpu.memref_slice %arg7[%dma_start3A_203, %dma_start3A_204] : memref<10000x64xf32, #tpu.memory_space<hbm>> -> memref<10000x64xf32, #tpu.memory_space<hbm>>
      tpu.enqueue_indirect_dma source(%dma_start3A_205 : memref<10000x64xf32, #tpu.memory_space<hbm>>) target(%arg14 : memref<80x64xf32, #tpu.memory_space<vmem>>) offsets(%dma_start3A_202 : memref<80xi32, #tpu.memory_space<vmem>>) semaphore(%arg23 : memref<!tpu.dma_semaphore, #tpu.memory_space<semaphore_mem>>)
    } else {
    }
    %scan3A_82 = arith.constant 0 : i32
    %scan3A_83 = arith.constant 0 : i32
    %scan3A_84 = arith.constant 125 : i32
    %scan3A_85 = arith.addi %scan3A_83, %scan3A_84 : i32
    %scan3A_86 = arith.constant 1 : i32
    scf.for %scan3A_193 = %scan3A_83 to %scan3A_85 step %scan3A_86  : i32 {
      %mul3A_194 = arith.constant 2 : i32
      %mul3A_195 = arith.muli %mul3A_194, %scan3A_193 : i32
      %add3A_196 = arith.constant 0 : i32
      %add3A_197 = arith.addi %mul3A_195, %add3A_196 : i32
      %dma_wait3A_198 = arith.constant 0 : i32
      %dma_wait3A_199 = tpu.memref_slice %arg9[%add3A_197, %dma_wait3A_198] : memref<250x80xi32, #tpu.memory_space<vmem>> -> memref<1x80xi32, #tpu.memory_space<vmem>>
      %dma_wait3A_200 = tpu.memref_squeeze %dma_wait3A_199 : memref<1x80xi32, #tpu.memory_space<vmem>> -> memref<80xi32, #tpu.memory_space<vmem>>
      %dma_wait3A_201 = arith.constant 0 : i32
      %dma_wait3A_202 = arith.constant 0 : i32
      %dma_wait3A_203 = tpu.memref_slice %arg4[%dma_wait3A_201, %dma_wait3A_202] : memref<10000x64xf32, #tpu.memory_space<hbm>> -> memref<10000x64xf32, #tpu.memory_space<hbm>>
      tpu.wait_indirect_dma semaphore(%arg22 : memref<!tpu.dma_semaphore, #tpu.memory_space<semaphore_mem>>) src(%dma_wait3A_203 : memref<10000x64xf32, #tpu.memory_space<hbm>>) dst(%arg11 : memref<80x64xf32, #tpu.memory_space<vmem>>)
      %dma_wait3A_204 = arith.constant 0 : i32
      %dma_wait3A_205 = tpu.memref_slice %arg9[%add3A_197, %dma_wait3A_204] : memref<250x80xi32, #tpu.memory_space<vmem>> -> memref<1x80xi32, #tpu.memory_space<vmem>>
      %dma_wait3A_206 = tpu.memref_squeeze %dma_wait3A_205 : memref<1x80xi32, #tpu.memory_space<vmem>> -> memref<80xi32, #tpu.memory_space<vmem>>
      %dma_wait3A_207 = arith.constant 0 : i32
      %dma_wait3A_208 = arith.constant 0 : i32
      %dma_wait3A_209 = tpu.memref_slice %arg6[%dma_wait3A_207, %dma_wait3A_208] : memref<10000x64xf32, #tpu.memory_space<hbm>> -> memref<10000x64xf32, #tpu.memory_space<hbm>>
      tpu.wait_indirect_dma semaphore(%arg22 : memref<!tpu.dma_semaphore, #tpu.memory_space<semaphore_mem>>) src(%dma_wait3A_209 : memref<10000x64xf32, #tpu.memory_space<hbm>>) dst(%arg13 : memref<80x64xf32, #tpu.memory_space<vmem>>)
      %ge3A = arith.constant 2 : i32
      %ge3A_210 = arith.cmpi sge, %add3A_197, %ge3A : i32
      %convert_element_type3A_211 = arith.extui %ge3A_210 : i1 to i32
      %cond3A_212 = arith.constant 0 : i32
      %cond3A_213 = arith.cmpi ne, %convert_element_type3A_211, %cond3A_212 : i32
      scf.if %cond3A_213 {
        %dma_wait3A_283 = arith.constant 0 : i32
        %dma_wait3A_284 = tpu.memref_slice %arg9[%add3A_197, %dma_wait3A_283] : memref<250x80xi32, #tpu.memory_space<vmem>> -> memref<1x80xi32, #tpu.memory_space<vmem>>
        %dma_wait3A_285 = tpu.memref_squeeze %dma_wait3A_284 : memref<1x80xi32, #tpu.memory_space<vmem>> -> memref<80xi32, #tpu.memory_space<vmem>>
        %dma_wait3A_286 = arith.constant 0 : i32
        %dma_wait3A_287 = arith.constant 0 : i32
        %dma_wait3A_288 = tpu.memref_slice %arg20[%dma_wait3A_286, %dma_wait3A_287] : memref<10000x64xf32, #tpu.memory_space<vmem_shared>> -> memref<10000x64xf32, #tpu.memory_space<vmem_shared>>
        tpu.wait_indirect_dma semaphore(%arg24 : memref<!tpu.dma_semaphore, #tpu.memory_space<semaphore_mem>>) src(%arg15 : memref<80x64xf32, #tpu.memory_space<vmem>>) dst(%dma_wait3A_288 : memref<10000x64xf32, #tpu.memory_space<vmem_shared>>)
        %dma_wait3A_289 = arith.constant 0 : i32
        %dma_wait3A_290 = tpu.memref_slice %arg9[%add3A_197, %dma_wait3A_289] : memref<250x80xi32, #tpu.memory_space<vmem>> -> memref<1x80xi32, #tpu.memory_space<vmem>>
        %dma_wait3A_291 = tpu.memref_squeeze %dma_wait3A_290 : memref<1x80xi32, #tpu.memory_space<vmem>> -> memref<80xi32, #tpu.memory_space<vmem>>
        %dma_wait3A_292 = arith.constant 0 : i32
        %dma_wait3A_293 = arith.constant 0 : i32
        %dma_wait3A_294 = tpu.memref_slice %arg21[%dma_wait3A_292, %dma_wait3A_293] : memref<10000x16xf32, #tpu.memory_space<vmem_shared>> -> memref<10000x16xf32, #tpu.memory_space<vmem_shared>>
        tpu.wait_indirect_dma semaphore(%arg26 : memref<!tpu.dma_semaphore, #tpu.memory_space<semaphore_mem>>) src(%arg17 : memref<80x16xf32, #tpu.memory_space<vmem>>) dst(%dma_wait3A_294 : memref<10000x16xf32, #tpu.memory_space<vmem_shared>>)
      } else {
      }
      %scan3A_214 = arith.constant 0 : i32
      %scan3A_215 = arith.constant 0 : i32
      %scan3A_216 = arith.constant 16 : i32
      %scan3A_217 = arith.addi %scan3A_215, %scan3A_216 : i32
      %scan3A_218 = arith.constant 1 : i32
      scf.for %scan3A_283 = %scan3A_215 to %scan3A_217 step %scan3A_218  : i32 {
        %mul3A_284 = arith.constant 5 : i32
        %mul3A_285 = arith.muli %scan3A_283, %mul3A_284 : i32
        %add3A_286 = arith.constant 0 : i32
        %add3A_287 = arith.addi %mul3A_285, %add3A_286 : i32
        %get3A = arith.index_cast %add3A_287 : i32 to index
        %get3A_288 = arith.constant 0 : index
        %get3A_289 = tpu.vector_load %arg11[%get3A, %get3A_288] {strides = array<i32>} : memref<80x64xf32, #tpu.memory_space<vmem>>, vector<1x16xf32>,
        %get3A_290 = vector.shape_cast %get3A_289 : vector<1x16xf32> to vector<16xf32>
        %get3A_291 = arith.index_cast %add3A_287 : i32 to index
        %get3A_292 = arith.constant 0 : index
        %get3A_293 = tpu.vector_load %arg13[%get3A_291, %get3A_292] {strides = array<i32>} : memref<80x64xf32, #tpu.memory_space<vmem>>, vector<1x16xf32>,
        %get3A_294 = vector.shape_cast %get3A_293 : vector<1x16xf32> to vector<16xf32>
        %add3A_295 = arith.addf %get3A_290, %get3A_294 : vector<16xf32>
        %max3A = arith.constant 0.000000e+00 : f32
        %max3A_296 = vector.broadcast %max3A : f32 to vector<16xf32>
        %max3A_297 = arith.maximumf %add3A_295, %max3A_296 : vector<16xf32>
        %swap3A = arith.index_cast %add3A_287 : i32 to index
        %swap3A_298 = arith.constant 0 : index
        %swap3A_299 = tpu.vector_load %arg15[%swap3A, %swap3A_298] {strides = array<i32>} : memref<80x64xf32, #tpu.memory_space<vmem>>, vector<1x16xf32>,
        %swap3A_300 = vector.shape_cast %swap3A_299 : vector<1x16xf32> to vector<16xf32>
        %swap3A_301 = vector.shape_cast %max3A_297 : vector<16xf32> to vector<1x16xf32>
        tpu.vector_store %arg15[%swap3A, %swap3A_298], %swap3A_301 {strides = array<i32>} : memref<80x64xf32, #tpu.memory_space<vmem>>, vector<1x16xf32>,
        %get3A_302 = arith.index_cast %add3A_287 : i32 to index
        %get3A_303 = arith.constant 16 : index
        %get3A_304 = tpu.vector_load %arg11[%get3A_302, %get3A_303] {strides = array<i32>} : memref<80x64xf32, #tpu.memory_space<vmem>>, vector<1x16xf32>,
        %get3A_305 = vector.shape_cast %get3A_304 : vector<1x16xf32> to vector<16xf32>
        %get3A_306 = arith.index_cast %add3A_287 : i32 to index
        %get3A_307 = arith.constant 16 : index
        %get3A_308 = tpu.vector_load %arg13[%get3A_306, %get3A_307] {strides = array<i32>} : memref<80x64xf32, #tpu.memory_space<vmem>>, vector<1x16xf32>,
        %get3A_309 = vector.shape_cast %get3A_308 : vector<1x16xf32> to vector<16xf32>
        %add3A_310 = arith.addf %get3A_305, %get3A_309 : vector<16xf32>
        %max3A_311 = arith.constant 0.000000e+00 : f32
        %max3A_312 = vector.broadcast %max3A_311 : f32 to vector<16xf32>
        %max3A_313 = arith.maximumf %add3A_310, %max3A_312 : vector<16xf32>
        %swap3A_314 = arith.index_cast %add3A_287 : i32 to index
        %swap3A_315 = arith.constant 16 : index
        %swap3A_316 = tpu.vector_load %arg15[%swap3A_314, %swap3A_315] {strides = array<i32>} : memref<80x64xf32, #tpu.memory_space<vmem>>, vector<1x16xf32>,
        %swap3A_317 = vector.shape_cast %swap3A_316 : vector<1x16xf32> to vector<16xf32>
        %swap3A_318 = vector.shape_cast %max3A_313 : vector<16xf32> to vector<1x16xf32>
        tpu.vector_store %arg15[%swap3A_314, %swap3A_315], %swap3A_318 {strides = array<i32>} : memref<80x64xf32, #tpu.memory_space<vmem>>, vector<1x16xf32>,
        %get3A_319 = arith.index_cast %add3A_287 : i32 to index
        %get3A_320 = arith.constant 32 : index
        %get3A_321 = tpu.vector_load %arg11[%get3A_319, %get3A_320] {strides = array<i32>} : memref<80x64xf32, #tpu.memory_space<vmem>>, vector<1x16xf32>,
        %get3A_322 = vector.shape_cast %get3A_321 : vector<1x16xf32> to vector<16xf32>
        %get3A_323 = arith.index_cast %add3A_287 : i32 to index
        %get3A_324 = arith.constant 32 : index
        %get3A_325 = tpu.vector_load %arg13[%get3A_323, %get3A_324] {strides = array<i32>} : memref<80x64xf32, #tpu.memory_space<vmem>>, vector<1x16xf32>,
        %get3A_326 = vector.shape_cast %get3A_325 : vector<1x16xf32> to vector<16xf32>
        %add3A_327 = arith.addf %get3A_322, %get3A_326 : vector<16xf32>
        %max3A_328 = arith.constant 0.000000e+00 : f32
        %max3A_329 = vector.broadcast %max3A_328 : f32 to vector<16xf32>
        %max3A_330 = arith.maximumf %add3A_327, %max3A_329 : vector<16xf32>
        %swap3A_331 = arith.index_cast %add3A_287 : i32 to index
        %swap3A_332 = arith.constant 32 : index
        %swap3A_333 = tpu.vector_load %arg15[%swap3A_331, %swap3A_332] {strides = array<i32>} : memref<80x64xf32, #tpu.memory_space<vmem>>, vector<1x16xf32>,
        %swap3A_334 = vector.shape_cast %swap3A_333 : vector<1x16xf32> to vector<16xf32>
        %swap3A_335 = vector.shape_cast %max3A_330 : vector<16xf32> to vector<1x16xf32>
        tpu.vector_store %arg15[%swap3A_331, %swap3A_332], %swap3A_335 {strides = array<i32>} : memref<80x64xf32, #tpu.memory_space<vmem>>, vector<1x16xf32>,
        %get3A_336 = arith.index_cast %add3A_287 : i32 to index
        %get3A_337 = arith.constant 48 : index
        %get3A_338 = tpu.vector_load %arg11[%get3A_336, %get3A_337] {strides = array<i32>} : memref<80x64xf32, #tpu.memory_space<vmem>>, vector<1x16xf32>,
        %get3A_339 = vector.shape_cast %get3A_338 : vector<1x16xf32> to vector<16xf32>
        %get3A_340 = arith.index_cast %add3A_287 : i32 to index
        %get3A_341 = arith.constant 48 : index
        %get3A_342 = tpu.vector_load %arg13[%get3A_340, %get3A_341] {strides = array<i32>} : memref<80x64xf32, #tpu.memory_space<vmem>>, vector<1x16xf32>,
        %get3A_343 = vector.shape_cast %get3A_342 : vector<1x16xf32> to vector<16xf32>
        %add3A_344 = arith.addf %get3A_339, %get3A_343 : vector<16xf32>
        %max3A_345 = arith.constant 0.000000e+00 : f32
        %max3A_346 = vector.broadcast %max3A_345 : f32 to vector<16xf32>
        %max3A_347 = arith.maximumf %add3A_344, %max3A_346 : vector<16xf32>
        %swap3A_348 = arith.index_cast %add3A_287 : i32 to index
        %swap3A_349 = arith.constant 48 : index
        %swap3A_350 = tpu.vector_load %arg15[%swap3A_348, %swap3A_349] {strides = array<i32>} : memref<80x64xf32, #tpu.memory_space<vmem>>, vector<1x16xf32>,
        %swap3A_351 = vector.shape_cast %swap3A_350 : vector<1x16xf32> to vector<16xf32>
        %swap3A_352 = vector.shape_cast %max3A_347 : vector<16xf32> to vector<1x16xf32>
        tpu.vector_store %arg15[%swap3A_348, %swap3A_349], %swap3A_352 {strides = array<i32>} : memref<80x64xf32, #tpu.memory_space<vmem>>, vector<1x16xf32>,
        %mul3A_353 = arith.constant 5 : i32
        %mul3A_354 = arith.muli %scan3A_283, %mul3A_353 : i32
        %add3A_355 = arith.constant 1 : i32
        %add3A_356 = arith.addi %mul3A_354, %add3A_355 : i32
        %get3A_357 = arith.index_cast %add3A_356 : i32 to index
        %get3A_358 = arith.constant 0 : index
        %get3A_359 = tpu.vector_load %arg11[%get3A_357, %get3A_358] {strides = array<i32>} : memref<80x64xf32, #tpu.memory_space<vmem>>, vector<1x16xf32>,
        %get3A_360 = vector.shape_cast %get3A_359 : vector<1x16xf32> to vector<16xf32>
        %get3A_361 = arith.index_cast %add3A_356 : i32 to index
        %get3A_362 = arith.constant 0 : index
        %get3A_363 = tpu.vector_load %arg13[%get3A_361, %get3A_362] {strides = array<i32>} : memref<80x64xf32, #tpu.memory_space<vmem>>, vector<1x16xf32>,
        %get3A_364 = vector.shape_cast %get3A_363 : vector<1x16xf32> to vector<16xf32>
        %add3A_365 = arith.addf %get3A_360, %get3A_364 : vector<16xf32>
        %max3A_366 = arith.constant 0.000000e+00 : f32
        %max3A_367 = vector.broadcast %max3A_366 : f32 to vector<16xf32>
        %max3A_368 = arith.maximumf %add3A_365, %max3A_367 : vector<16xf32>
        %swap3A_369 = arith.index_cast %add3A_356 : i32 to index
        %swap3A_370 = arith.constant 0 : index
        %swap3A_371 = tpu.vector_load %arg15[%swap3A_369, %swap3A_370] {strides = array<i32>} : memref<80x64xf32, #tpu.memory_space<vmem>>, vector<1x16xf32>,
        %swap3A_372 = vector.shape_cast %swap3A_371 : vector<1x16xf32> to vector<16xf32>
        %swap3A_373 = vector.shape_cast %max3A_368 : vector<16xf32> to vector<1x16xf32>
        tpu.vector_store %arg15[%swap3A_369, %swap3A_370], %swap3A_373 {strides = array<i32>} : memref<80x64xf32, #tpu.memory_space<vmem>>, vector<1x16xf32>,
        %get3A_374 = arith.index_cast %add3A_356 : i32 to index
        %get3A_375 = arith.constant 16 : index
        %get3A_376 = tpu.vector_load %arg11[%get3A_374, %get3A_375] {strides = array<i32>} : memref<80x64xf32, #tpu.memory_space<vmem>>, vector<1x16xf32>,
        %get3A_377 = vector.shape_cast %get3A_376 : vector<1x16xf32> to vector<16xf32>
        %get3A_378 = arith.index_cast %add3A_356 : i32 to index
        %get3A_379 = arith.constant 16 : index
        %get3A_380 = tpu.vector_load %arg13[%get3A_378, %get3A_379] {strides = array<i32>} : memref<80x64xf32, #tpu.memory_space<vmem>>, vector<1x16xf32>,
        %get3A_381 = vector.shape_cast %get3A_380 : vector<1x16xf32> to vector<16xf32>
        %add3A_382 = arith.addf %get3A_377, %get3A_381 : vector<16xf32>
        %max3A_383 = arith.constant 0.000000e+00 : f32
        %max3A_384 = vector.broadcast %max3A_383 : f32 to vector<16xf32>
        %max3A_385 = arith.maximumf %add3A_382, %max3A_384 : vector<16xf32>
        %swap3A_386 = arith.index_cast %add3A_356 : i32 to index
        %swap3A_387 = arith.constant 16 : index
        %swap3A_388 = tpu.vector_load %arg15[%swap3A_386, %swap3A_387] {strides = array<i32>} : memref<80x64xf32, #tpu.memory_space<vmem>>, vector<1x16xf32>,
        %swap3A_389 = vector.shape_cast %swap3A_388 : vector<1x16xf32> to vector<16xf32>
        %swap3A_390 = vector.shape_cast %max3A_385 : vector<16xf32> to vector<1x16xf32>
        tpu.vector_store %arg15[%swap3A_386, %swap3A_387], %swap3A_390 {strides = array<i32>} : memref<80x64xf32, #tpu.memory_space<vmem>>, vector<1x16xf32>,
        %get3A_391 = arith.index_cast %add3A_356 : i32 to index
        %get3A_392 = arith.constant 32 : index
        %get3A_393 = tpu.vector_load %arg11[%get3A_391, %get3A_392] {strides = array<i32>} : memref<80x64xf32, #tpu.memory_space<vmem>>, vector<1x16xf32>,
        %get3A_394 = vector.shape_cast %get3A_393 : vector<1x16xf32> to vector<16xf32>
        %get3A_395 = arith.index_cast %add3A_356 : i32 to index
        %get3A_396 = arith.constant 32 : index
        %get3A_397 = tpu.vector_load %arg13[%get3A_395, %get3A_396] {strides = array<i32>} : memref<80x64xf32, #tpu.memory_space<vmem>>, vector<1x16xf32>,
        %get3A_398 = vector.shape_cast %get3A_397 : vector<1x16xf32> to vector<16xf32>
        %add3A_399 = arith.addf %get3A_394, %get3A_398 : vector<16xf32>
        %max3A_400 = arith.constant 0.000000e+00 : f32
        %max3A_401 = vector.broadcast %max3A_400 : f32 to vector<16xf32>
        %max3A_402 = arith.maximumf %add3A_399, %max3A_401 : vector<16xf32>
        %swap3A_403 = arith.index_cast %add3A_356 : i32 to index
        %swap3A_404 = arith.constant 32 : index
        %swap3A_405 = tpu.vector_load %arg15[%swap3A_403, %swap3A_404] {strides = array<i32>} : memref<80x64xf32, #tpu.memory_space<vmem>>, vector<1x16xf32>,
        %swap3A_406 = vector.shape_cast %swap3A_405 : vector<1x16xf32> to vector<16xf32>
        %swap3A_407 = vector.shape_cast %max3A_402 : vector<16xf32> to vector<1x16xf32>
        tpu.vector_store %arg15[%swap3A_403, %swap3A_404], %swap3A_407 {strides = array<i32>} : memref<80x64xf32, #tpu.memory_space<vmem>>, vector<1x16xf32>,
        %get3A_408 = arith.index_cast %add3A_356 : i32 to index
        %get3A_409 = arith.constant 48 : index
        %get3A_410 = tpu.vector_load %arg11[%get3A_408, %get3A_409] {strides = array<i32>} : memref<80x64xf32, #tpu.memory_space<vmem>>, vector<1x16xf32>,
        %get3A_411 = vector.shape_cast %get3A_410 : vector<1x16xf32> to vector<16xf32>
        %get3A_412 = arith.index_cast %add3A_356 : i32 to index
        %get3A_413 = arith.constant 48 : index
        %get3A_414 = tpu.vector_load %arg13[%get3A_412, %get3A_413] {strides = array<i32>} : memref<80x64xf32, #tpu.memory_space<vmem>>, vector<1x16xf32>,
        %get3A_415 = vector.shape_cast %get3A_414 : vector<1x16xf32> to vector<16xf32>
        %add3A_416 = arith.addf %get3A_411, %get3A_415 : vector<16xf32>
        %max3A_417 = arith.constant 0.000000e+00 : f32
        %max3A_418 = vector.broadcast %max3A_417 : f32 to vector<16xf32>
        %max3A_419 = arith.maximumf %add3A_416, %max3A_418 : vector<16xf32>
        %swap3A_420 = arith.index_cast %add3A_356 : i32 to index
        %swap3A_421 = arith.constant 48 : index
        %swap3A_422 = tpu.vector_load %arg15[%swap3A_420, %swap3A_421] {strides = array<i32>} : memref<80x64xf32, #tpu.memory_space<vmem>>, vector<1x16xf32>,
        %swap3A_423 = vector.shape_cast %swap3A_422 : vector<1x16xf32> to vector<16xf32>
        %swap3A_424 = vector.shape_cast %max3A_419 : vector<16xf32> to vector<1x16xf32>
        tpu.vector_store %arg15[%swap3A_420, %swap3A_421], %swap3A_424 {strides = array<i32>} : memref<80x64xf32, #tpu.memory_space<vmem>>, vector<1x16xf32>,
        %mul3A_425 = arith.constant 5 : i32
        %mul3A_426 = arith.muli %scan3A_283, %mul3A_425 : i32
        %add3A_427 = arith.constant 2 : i32
        %add3A_428 = arith.addi %mul3A_426, %add3A_427 : i32
        %get3A_429 = arith.index_cast %add3A_428 : i32 to index
        %get3A_430 = arith.constant 0 : index
        %get3A_431 = tpu.vector_load %arg11[%get3A_429, %get3A_430] {strides = array<i32>} : memref<80x64xf32, #tpu.memory_space<vmem>>, vector<1x16xf32>,
        %get3A_432 = vector.shape_cast %get3A_431 : vector<1x16xf32> to vector<16xf32>
        %get3A_433 = arith.index_cast %add3A_428 : i32 to index
        %get3A_434 = arith.constant 0 : index
        %get3A_435 = tpu.vector_load %arg13[%get3A_433, %get3A_434] {strides = array<i32>} : memref<80x64xf32, #tpu.memory_space<vmem>>, vector<1x16xf32>,
        %get3A_436 = vector.shape_cast %get3A_435 : vector<1x16xf32> to vector<16xf32>
        %add3A_437 = arith.addf %get3A_432, %get3A_436 : vector<16xf32>
        %max3A_438 = arith.constant 0.000000e+00 : f32
        %max3A_439 = vector.broadcast %max3A_438 : f32 to vector<16xf32>
        %max3A_440 = arith.maximumf %add3A_437, %max3A_439 : vector<16xf32>
        %swap3A_441 = arith.index_cast %add3A_428 : i32 to index
        %swap3A_442 = arith.constant 0 : index
        %swap3A_443 = tpu.vector_load %arg15[%swap3A_441, %swap3A_442] {strides = array<i32>} : memref<80x64xf32, #tpu.memory_space<vmem>>, vector<1x16xf32>,
        %swap3A_444 = vector.shape_cast %swap3A_443 : vector<1x16xf32> to vector<16xf32>
        %swap3A_445 = vector.shape_cast %max3A_440 : vector<16xf32> to vector<1x16xf32>
        tpu.vector_store %arg15[%swap3A_441, %swap3A_442], %swap3A_445 {strides = array<i32>} : memref<80x64xf32, #tpu.memory_space<vmem>>, vector<1x16xf32>,
        %get3A_446 = arith.index_cast %add3A_428 : i32 to index
        %get3A_447 = arith.constant 16 : index
        %get3A_448 = tpu.vector_load %arg11[%get3A_446, %get3A_447] {strides = array<i32>} : memref<80x64xf32, #tpu.memory_space<vmem>>, vector<1x16xf32>,
        %get3A_449 = vector.shape_cast %get3A_448 : vector<1x16xf32> to vector<16xf32>
        %get3A_450 = arith.index_cast %add3A_428 : i32 to index
        %get3A_451 = arith.constant 16 : index
        %get3A_452 = tpu.vector_load %arg13[%get3A_450, %get3A_451] {strides = array<i32>} : memref<80x64xf32, #tpu.memory_space<vmem>>, vector<1x16xf32>,
        %get3A_453 = vector.shape_cast %get3A_452 : vector<1x16xf32> to vector<16xf32>
        %add3A_454 = arith.addf %get3A_449, %get3A_453 : vector<16xf32>
        %max3A_455 = arith.constant 0.000000e+00 : f32
        %max3A_456 = vector.broadcast %max3A_455 : f32 to vector<16xf32>
        %max3A_457 = arith.maximumf %add3A_454, %max3A_456 : vector<16xf32>
        %swap3A_458 = arith.index_cast %add3A_428 : i32 to index
        %swap3A_459 = arith.constant 16 : index
        %swap3A_460 = tpu.vector_load %arg15[%swap3A_458, %swap3A_459] {strides = array<i32>} : memref<80x64xf32, #tpu.memory_space<vmem>>, vector<1x16xf32>,
        %swap3A_461 = vector.shape_cast %swap3A_460 : vector<1x16xf32> to vector<16xf32>
        %swap3A_462 = vector.shape_cast %max3A_457 : vector<16xf32> to vector<1x16xf32>
        tpu.vector_store %arg15[%swap3A_458, %swap3A_459], %swap3A_462 {strides = array<i32>} : memref<80x64xf32, #tpu.memory_space<vmem>>, vector<1x16xf32>,
        %get3A_463 = arith.index_cast %add3A_428 : i32 to index
        %get3A_464 = arith.constant 32 : index
        %get3A_465 = tpu.vector_load %arg11[%get3A_463, %get3A_464] {strides = array<i32>} : memref<80x64xf32, #tpu.memory_space<vmem>>, vector<1x16xf32>,
        %get3A_466 = vector.shape_cast %get3A_465 : vector<1x16xf32> to vector<16xf32>
        %get3A_467 = arith.index_cast %add3A_428 : i32 to index
        %get3A_468 = arith.constant 32 : index
        %get3A_469 = tpu.vector_load %arg13[%get3A_467, %get3A_468] {strides = array<i32>} : memref<80x64xf32, #tpu.memory_space<vmem>>, vector<1x16xf32>,
        %get3A_470 = vector.shape_cast %get3A_469 : vector<1x16xf32> to vector<16xf32>
        %add3A_471 = arith.addf %get3A_466, %get3A_470 : vector<16xf32>
        %max3A_472 = arith.constant 0.000000e+00 : f32
        %max3A_473 = vector.broadcast %max3A_472 : f32 to vector<16xf32>
        %max3A_474 = arith.maximumf %add3A_471, %max3A_473 : vector<16xf32>
        %swap3A_475 = arith.index_cast %add3A_428 : i32 to index
        %swap3A_476 = arith.constant 32 : index
        %swap3A_477 = tpu.vector_load %arg15[%swap3A_475, %swap3A_476] {strides = array<i32>} : memref<80x64xf32, #tpu.memory_space<vmem>>, vector<1x16xf32>,
        %swap3A_478 = vector.shape_cast %swap3A_477 : vector<1x16xf32> to vector<16xf32>
        %swap3A_479 = vector.shape_cast %max3A_474 : vector<16xf32> to vector<1x16xf32>
        tpu.vector_store %arg15[%swap3A_475, %swap3A_476], %swap3A_479 {strides = array<i32>} : memref<80x64xf32, #tpu.memory_space<vmem>>, vector<1x16xf32>,
        %get3A_480 = arith.index_cast %add3A_428 : i32 to index
        %get3A_481 = arith.constant 48 : index
        %get3A_482 = tpu.vector_load %arg11[%get3A_480, %get3A_481] {strides = array<i32>} : memref<80x64xf32, #tpu.memory_space<vmem>>, vector<1x16xf32>,
        %get3A_483 = vector.shape_cast %get3A_482 : vector<1x16xf32> to vector<16xf32>
        %get3A_484 = arith.index_cast %add3A_428 : i32 to index
        %get3A_485 = arith.constant 48 : index
        %get3A_486 = tpu.vector_load %arg13[%get3A_484, %get3A_485] {strides = array<i32>} : memref<80x64xf32, #tpu.memory_space<vmem>>, vector<1x16xf32>,
        %get3A_487 = vector.shape_cast %get3A_486 : vector<1x16xf32> to vector<16xf32>
        %add3A_488 = arith.addf %get3A_483, %get3A_487 : vector<16xf32>
        %max3A_489 = arith.constant 0.000000e+00 : f32
        %max3A_490 = vector.broadcast %max3A_489 : f32 to vector<16xf32>
        %max3A_491 = arith.maximumf %add3A_488, %max3A_490 : vector<16xf32>
        %swap3A_492 = arith.index_cast %add3A_428 : i32 to index
        %swap3A_493 = arith.constant 48 : index
        %swap3A_494 = tpu.vector_load %arg15[%swap3A_492, %swap3A_493] {strides = array<i32>} : memref<80x64xf32, #tpu.memory_space<vmem>>, vector<1x16xf32>,
        %swap3A_495 = vector.shape_cast %swap3A_494 : vector<1x16xf32> to vector<16xf32>
        %swap3A_496 = vector.shape_cast %max3A_491 : vector<16xf32> to vector<1x16xf32>
        tpu.vector_store %arg15[%swap3A_492, %swap3A_493], %swap3A_496 {strides = array<i32>} : memref<80x64xf32, #tpu.memory_space<vmem>>, vector<1x16xf32>,
        %mul3A_497 = arith.constant 5 : i32
        %mul3A_498 = arith.muli %scan3A_283, %mul3A_497 : i32
        %add3A_499 = arith.constant 3 : i32
        %add3A_500 = arith.addi %mul3A_498, %add3A_499 : i32
        %get3A_501 = arith.index_cast %add3A_500 : i32 to index
        %get3A_502 = arith.constant 0 : index
        %get3A_503 = tpu.vector_load %arg11[%get3A_501, %get3A_502] {strides = array<i32>} : memref<80x64xf32, #tpu.memory_space<vmem>>, vector<1x16xf32>,
        %get3A_504 = vector.shape_cast %get3A_503 : vector<1x16xf32> to vector<16xf32>
        %get3A_505 = arith.index_cast %add3A_500 : i32 to index
        %get3A_506 = arith.constant 0 : index
        %get3A_507 = tpu.vector_load %arg13[%get3A_505, %get3A_506] {strides = array<i32>} : memref<80x64xf32, #tpu.memory_space<vmem>>, vector<1x16xf32>,
        %get3A_508 = vector.shape_cast %get3A_507 : vector<1x16xf32> to vector<16xf32>
        %add3A_509 = arith.addf %get3A_504, %get3A_508 : vector<16xf32>
        %max3A_510 = arith.constant 0.000000e+00 : f32
        %max3A_511 = vector.broadcast %max3A_510 : f32 to vector<16xf32>
        %max3A_512 = arith.maximumf %add3A_509, %max3A_511 : vector<16xf32>
        %swap3A_513 = arith.index_cast %add3A_500 : i32 to index
        %swap3A_514 = arith.constant 0 : index
        %swap3A_515 = tpu.vector_load %arg15[%swap3A_513, %swap3A_514] {strides = array<i32>} : memref<80x64xf32, #tpu.memory_space<vmem>>, vector<1x16xf32>,
        %swap3A_516 = vector.shape_cast %swap3A_515 : vector<1x16xf32> to vector<16xf32>
        %swap3A_517 = vector.shape_cast %max3A_512 : vector<16xf32> to vector<1x16xf32>
        tpu.vector_store %arg15[%swap3A_513, %swap3A_514], %swap3A_517 {strides = array<i32>} : memref<80x64xf32, #tpu.memory_space<vmem>>, vector<1x16xf32>,
        %get3A_518 = arith.index_cast %add3A_500 : i32 to index
        %get3A_519 = arith.constant 16 : index
        %get3A_520 = tpu.vector_load %arg11[%get3A_518, %get3A_519] {strides = array<i32>} : memref<80x64xf32, #tpu.memory_space<vmem>>, vector<1x16xf32>,
        %get3A_521 = vector.shape_cast %get3A_520 : vector<1x16xf32> to vector<16xf32>
        %get3A_522 = arith.index_cast %add3A_500 : i32 to index
        %get3A_523 = arith.constant 16 : index
        %get3A_524 = tpu.vector_load %arg13[%get3A_522, %get3A_523] {strides = array<i32>} : memref<80x64xf32, #tpu.memory_space<vmem>>, vector<1x16xf32>,
        %get3A_525 = vector.shape_cast %get3A_524 : vector<1x16xf32> to vector<16xf32>
        %add3A_526 = arith.addf %get3A_521, %get3A_525 : vector<16xf32>
        %max3A_527 = arith.constant 0.000000e+00 : f32
        %max3A_528 = vector.broadcast %max3A_527 : f32 to vector<16xf32>
        %max3A_529 = arith.maximumf %add3A_526, %max3A_528 : vector<16xf32>
        %swap3A_530 = arith.index_cast %add3A_500 : i32 to index
        %swap3A_531 = arith.constant 16 : index
        %swap3A_532 = tpu.vector_load %arg15[%swap3A_530, %swap3A_531] {strides = array<i32>} : memref<80x64xf32, #tpu.memory_space<vmem>>, vector<1x16xf32>,
        %swap3A_533 = vector.shape_cast %swap3A_532 : vector<1x16xf32> to vector<16xf32>
        %swap3A_534 = vector.shape_cast %max3A_529 : vector<16xf32> to vector<1x16xf32>
        tpu.vector_store %arg15[%swap3A_530, %swap3A_531], %swap3A_534 {strides = array<i32>} : memref<80x64xf32, #tpu.memory_space<vmem>>, vector<1x16xf32>,
        %get3A_535 = arith.index_cast %add3A_500 : i32 to index
        %get3A_536 = arith.constant 32 : index
        %get3A_537 = tpu.vector_load %arg11[%get3A_535, %get3A_536] {strides = array<i32>} : memref<80x64xf32, #tpu.memory_space<vmem>>, vector<1x16xf32>,
        %get3A_538 = vector.shape_cast %get3A_537 : vector<1x16xf32> to vector<16xf32>
        %get3A_539 = arith.index_cast %add3A_500 : i32 to index
        %get3A_540 = arith.constant 32 : index
        %get3A_541 = tpu.vector_load %arg13[%get3A_539, %get3A_540] {strides = array<i32>} : memref<80x64xf32, #tpu.memory_space<vmem>>, vector<1x16xf32>,
        %get3A_542 = vector.shape_cast %get3A_541 : vector<1x16xf32> to vector<16xf32>
        %add3A_543 = arith.addf %get3A_538, %get3A_542 : vector<16xf32>
        %max3A_544 = arith.constant 0.000000e+00 : f32
        %max3A_545 = vector.broadcast %max3A_544 : f32 to vector<16xf32>
        %max3A_546 = arith.maximumf %add3A_543, %max3A_545 : vector<16xf32>
        %swap3A_547 = arith.index_cast %add3A_500 : i32 to index
        %swap3A_548 = arith.constant 32 : index
        %swap3A_549 = tpu.vector_load %arg15[%swap3A_547, %swap3A_548] {strides = array<i32>} : memref<80x64xf32, #tpu.memory_space<vmem>>, vector<1x16xf32>,
        %swap3A_550 = vector.shape_cast %swap3A_549 : vector<1x16xf32> to vector<16xf32>
        %swap3A_551 = vector.shape_cast %max3A_546 : vector<16xf32> to vector<1x16xf32>
        tpu.vector_store %arg15[%swap3A_547, %swap3A_548], %swap3A_551 {strides = array<i32>} : memref<80x64xf32, #tpu.memory_space<vmem>>, vector<1x16xf32>,
        %get3A_552 = arith.index_cast %add3A_500 : i32 to index
        %get3A_553 = arith.constant 48 : index
        %get3A_554 = tpu.vector_load %arg11[%get3A_552, %get3A_553] {strides = array<i32>} : memref<80x64xf32, #tpu.memory_space<vmem>>, vector<1x16xf32>,
        %get3A_555 = vector.shape_cast %get3A_554 : vector<1x16xf32> to vector<16xf32>
        %get3A_556 = arith.index_cast %add3A_500 : i32 to index
        %get3A_557 = arith.constant 48 : index
        %get3A_558 = tpu.vector_load %arg13[%get3A_556, %get3A_557] {strides = array<i32>} : memref<80x64xf32, #tpu.memory_space<vmem>>, vector<1x16xf32>,
        %get3A_559 = vector.shape_cast %get3A_558 : vector<1x16xf32> to vector<16xf32>
        %add3A_560 = arith.addf %get3A_555, %get3A_559 : vector<16xf32>
        %max3A_561 = arith.constant 0.000000e+00 : f32
        %max3A_562 = vector.broadcast %max3A_561 : f32 to vector<16xf32>
        %max3A_563 = arith.maximumf %add3A_560, %max3A_562 : vector<16xf32>
        %swap3A_564 = arith.index_cast %add3A_500 : i32 to index
        %swap3A_565 = arith.constant 48 : index
        %swap3A_566 = tpu.vector_load %arg15[%swap3A_564, %swap3A_565] {strides = array<i32>} : memref<80x64xf32, #tpu.memory_space<vmem>>, vector<1x16xf32>,
        %swap3A_567 = vector.shape_cast %swap3A_566 : vector<1x16xf32> to vector<16xf32>
        %swap3A_568 = vector.shape_cast %max3A_563 : vector<16xf32> to vector<1x16xf32>
        tpu.vector_store %arg15[%swap3A_564, %swap3A_565], %swap3A_568 {strides = array<i32>} : memref<80x64xf32, #tpu.memory_space<vmem>>, vector<1x16xf32>,
        %mul3A_569 = arith.constant 5 : i32
        %mul3A_570 = arith.muli %scan3A_283, %mul3A_569 : i32
        %add3A_571 = arith.constant 4 : i32
        %add3A_572 = arith.addi %mul3A_570, %add3A_571 : i32
        %get3A_573 = arith.index_cast %add3A_572 : i32 to index
        %get3A_574 = arith.constant 0 : index
        %get3A_575 = tpu.vector_load %arg11[%get3A_573, %get3A_574] {strides = array<i32>} : memref<80x64xf32, #tpu.memory_space<vmem>>, vector<1x16xf32>,
        %get3A_576 = vector.shape_cast %get3A_575 : vector<1x16xf32> to vector<16xf32>
        %get3A_577 = arith.index_cast %add3A_572 : i32 to index
        %get3A_578 = arith.constant 0 : index
        %get3A_579 = tpu.vector_load %arg13[%get3A_577, %get3A_578] {strides = array<i32>} : memref<80x64xf32, #tpu.memory_space<vmem>>, vector<1x16xf32>,
        %get3A_580 = vector.shape_cast %get3A_579 : vector<1x16xf32> to vector<16xf32>
        %add3A_581 = arith.addf %get3A_576, %get3A_580 : vector<16xf32>
        %max3A_582 = arith.constant 0.000000e+00 : f32
        %max3A_583 = vector.broadcast %max3A_582 : f32 to vector<16xf32>
        %max3A_584 = arith.maximumf %add3A_581, %max3A_583 : vector<16xf32>
        %swap3A_585 = arith.index_cast %add3A_572 : i32 to index
        %swap3A_586 = arith.constant 0 : index
        %swap3A_587 = tpu.vector_load %arg15[%swap3A_585, %swap3A_586] {strides = array<i32>} : memref<80x64xf32, #tpu.memory_space<vmem>>, vector<1x16xf32>,
        %swap3A_588 = vector.shape_cast %swap3A_587 : vector<1x16xf32> to vector<16xf32>
        %swap3A_589 = vector.shape_cast %max3A_584 : vector<16xf32> to vector<1x16xf32>
        tpu.vector_store %arg15[%swap3A_585, %swap3A_586], %swap3A_589 {strides = array<i32>} : memref<80x64xf32, #tpu.memory_space<vmem>>, vector<1x16xf32>,
        %get3A_590 = arith.index_cast %add3A_572 : i32 to index
        %get3A_591 = arith.constant 16 : index
        %get3A_592 = tpu.vector_load %arg11[%get3A_590, %get3A_591] {strides = array<i32>} : memref<80x64xf32, #tpu.memory_space<vmem>>, vector<1x16xf32>,
        %get3A_593 = vector.shape_cast %get3A_592 : vector<1x16xf32> to vector<16xf32>
        %get3A_594 = arith.index_cast %add3A_572 : i32 to index
        %get3A_595 = arith.constant 16 : index
        %get3A_596 = tpu.vector_load %arg13[%get3A_594, %get3A_595] {strides = array<i32>} : memref<80x64xf32, #tpu.memory_space<vmem>>, vector<1x16xf32>,
        %get3A_597 = vector.shape_cast %get3A_596 : vector<1x16xf32> to vector<16xf32>
        %add3A_598 = arith.addf %get3A_593, %get3A_597 : vector<16xf32>
        %max3A_599 = arith.constant 0.000000e+00 : f32
        %max3A_600 = vector.broadcast %max3A_599 : f32 to vector<16xf32>
        %max3A_601 = arith.maximumf %add3A_598, %max3A_600 : vector<16xf32>
        %swap3A_602 = arith.index_cast %add3A_572 : i32 to index
        %swap3A_603 = arith.constant 16 : index
        %swap3A_604 = tpu.vector_load %arg15[%swap3A_602, %swap3A_603] {strides = array<i32>} : memref<80x64xf32, #tpu.memory_space<vmem>>, vector<1x16xf32>,
        %swap3A_605 = vector.shape_cast %swap3A_604 : vector<1x16xf32> to vector<16xf32>
        %swap3A_606 = vector.shape_cast %max3A_601 : vector<16xf32> to vector<1x16xf32>
        tpu.vector_store %arg15[%swap3A_602, %swap3A_603], %swap3A_606 {strides = array<i32>} : memref<80x64xf32, #tpu.memory_space<vmem>>, vector<1x16xf32>,
        %get3A_607 = arith.index_cast %add3A_572 : i32 to index
        %get3A_608 = arith.constant 32 : index
        %get3A_609 = tpu.vector_load %arg11[%get3A_607, %get3A_608] {strides = array<i32>} : memref<80x64xf32, #tpu.memory_space<vmem>>, vector<1x16xf32>,
        %get3A_610 = vector.shape_cast %get3A_609 : vector<1x16xf32> to vector<16xf32>
        %get3A_611 = arith.index_cast %add3A_572 : i32 to index
        %get3A_612 = arith.constant 32 : index
        %get3A_613 = tpu.vector_load %arg13[%get3A_611, %get3A_612] {strides = array<i32>} : memref<80x64xf32, #tpu.memory_space<vmem>>, vector<1x16xf32>,
        %get3A_614 = vector.shape_cast %get3A_613 : vector<1x16xf32> to vector<16xf32>
        %add3A_615 = arith.addf %get3A_610, %get3A_614 : vector<16xf32>
        %max3A_616 = arith.constant 0.000000e+00 : f32
        %max3A_617 = vector.broadcast %max3A_616 : f32 to vector<16xf32>
        %max3A_618 = arith.maximumf %add3A_615, %max3A_617 : vector<16xf32>
        %swap3A_619 = arith.index_cast %add3A_572 : i32 to index
        %swap3A_620 = arith.constant 32 : index
        %swap3A_621 = tpu.vector_load %arg15[%swap3A_619, %swap3A_620] {strides = array<i32>} : memref<80x64xf32, #tpu.memory_space<vmem>>, vector<1x16xf32>,
        %swap3A_622 = vector.shape_cast %swap3A_621 : vector<1x16xf32> to vector<16xf32>
        %swap3A_623 = vector.shape_cast %max3A_618 : vector<16xf32> to vector<1x16xf32>
        tpu.vector_store %arg15[%swap3A_619, %swap3A_620], %swap3A_623 {strides = array<i32>} : memref<80x64xf32, #tpu.memory_space<vmem>>, vector<1x16xf32>,
        %get3A_624 = arith.index_cast %add3A_572 : i32 to index
        %get3A_625 = arith.constant 48 : index
        %get3A_626 = tpu.vector_load %arg11[%get3A_624, %get3A_625] {strides = array<i32>} : memref<80x64xf32, #tpu.memory_space<vmem>>, vector<1x16xf32>,
        %get3A_627 = vector.shape_cast %get3A_626 : vector<1x16xf32> to vector<16xf32>
        %get3A_628 = arith.index_cast %add3A_572 : i32 to index
        %get3A_629 = arith.constant 48 : index
        %get3A_630 = tpu.vector_load %arg13[%get3A_628, %get3A_629] {strides = array<i32>} : memref<80x64xf32, #tpu.memory_space<vmem>>, vector<1x16xf32>,
        %get3A_631 = vector.shape_cast %get3A_630 : vector<1x16xf32> to vector<16xf32>
        %add3A_632 = arith.addf %get3A_627, %get3A_631 : vector<16xf32>
        %max3A_633 = arith.constant 0.000000e+00 : f32
        %max3A_634 = vector.broadcast %max3A_633 : f32 to vector<16xf32>
        %max3A_635 = arith.maximumf %add3A_632, %max3A_634 : vector<16xf32>
        %swap3A_636 = arith.index_cast %add3A_572 : i32 to index
        %swap3A_637 = arith.constant 48 : index
        %swap3A_638 = tpu.vector_load %arg15[%swap3A_636, %swap3A_637] {strides = array<i32>} : memref<80x64xf32, #tpu.memory_space<vmem>>, vector<1x16xf32>,
        %swap3A_639 = vector.shape_cast %swap3A_638 : vector<1x16xf32> to vector<16xf32>
        %swap3A_640 = vector.shape_cast %max3A_635 : vector<16xf32> to vector<1x16xf32>
        tpu.vector_store %arg15[%swap3A_636, %swap3A_637], %swap3A_640 {strides = array<i32>} : memref<80x64xf32, #tpu.memory_space<vmem>>, vector<1x16xf32>,
      }
      %scan3A_219 = arith.constant 16 : i32
      %dma_start3A = arith.constant 0 : i32
      %dma_start3A_220 = tpu.memref_slice %arg9[%add3A_197, %dma_start3A] : memref<250x80xi32, #tpu.memory_space<vmem>> -> memref<1x80xi32, #tpu.memory_space<vmem>>
      %dma_start3A_221 = tpu.memref_squeeze %dma_start3A_220 : memref<1x80xi32, #tpu.memory_space<vmem>> -> memref<80xi32, #tpu.memory_space<vmem>>
      %dma_start3A_222 = arith.constant 0 : i32
      %dma_start3A_223 = arith.constant 0 : i32
      %dma_start3A_224 = tpu.memref_slice %arg20[%dma_start3A_222, %dma_start3A_223] : memref<10000x64xf32, #tpu.memory_space<vmem_shared>> -> memref<10000x64xf32, #tpu.memory_space<vmem_shared>>
      tpu.enqueue_indirect_dma source(%arg15 : memref<80x64xf32, #tpu.memory_space<vmem>>) target(%dma_start3A_224 : memref<10000x64xf32, #tpu.memory_space<vmem_shared>>) offsets(%dma_start3A_221 : memref<80xi32, #tpu.memory_space<vmem>>) semaphore(%arg24 : memref<!tpu.dma_semaphore, #tpu.memory_space<semaphore_mem>>) {add = true}
      %dma_start3A_225 = arith.constant 0 : i32
      %dma_start3A_226 = tpu.memref_slice %arg9[%add3A_197, %dma_start3A_225] : memref<250x80xi32, #tpu.memory_space<vmem>> -> memref<1x80xi32, #tpu.memory_space<vmem>>
      %dma_start3A_227 = tpu.memref_squeeze %dma_start3A_226 : memref<1x80xi32, #tpu.memory_space<vmem>> -> memref<80xi32, #tpu.memory_space<vmem>>
      %dma_start3A_228 = arith.constant 0 : i32
      %dma_start3A_229 = arith.constant 0 : i32
      %dma_start3A_230 = tpu.memref_slice %arg21[%dma_start3A_228, %dma_start3A_229] : memref<10000x16xf32, #tpu.memory_space<vmem_shared>> -> memref<10000x16xf32, #tpu.memory_space<vmem_shared>>
      tpu.enqueue_indirect_dma source(%arg17 : memref<80x16xf32, #tpu.memory_space<vmem>>) target(%dma_start3A_230 : memref<10000x16xf32, #tpu.memory_space<vmem_shared>>) offsets(%dma_start3A_227 : memref<80xi32, #tpu.memory_space<vmem>>) semaphore(%arg26 : memref<!tpu.dma_semaphore, #tpu.memory_space<semaphore_mem>>) {add = true}
      %add3A_231 = arith.constant 2 : i32
      %add3A_232 = arith.addi %add3A_197, %add3A_231 : i32
      %lt3A = arith.constant 250 : i32
      %lt3A_233 = arith.cmpi slt, %add3A_232, %lt3A : i32
      %convert_element_type3A_234 = arith.extui %lt3A_233 : i1 to i32
      %cond3A_235 = arith.constant 0 : i32
      %cond3A_236 = arith.cmpi ne, %convert_element_type3A_234, %cond3A_235 : i32
      scf.if %cond3A_236 {
        %add3A_283 = arith.constant 2 : i32
        %add3A_284 = arith.addi %add3A_197, %add3A_283 : i32
        %eq3A_285 = arith.constant 0 : i32
        %eq3A_286 = arith.cmpi eq, %arg0, %eq3A_285 : i32
        %convert_element_type3A_287 = arith.extui %eq3A_286 : i1 to i32
        %cond3A_288 = arith.constant 0 : i32
        %cond3A_289 = arith.cmpi ne, %convert_element_type3A_287, %cond3A_288 : i32
        scf.if %cond3A_289 {
          %dma_start3A_295 = arith.constant 0 : i32
          %dma_start3A_296 = tpu.memref_slice %arg9[%add3A_284, %dma_start3A_295] : memref<250x80xi32, #tpu.memory_space<vmem>> -> memref<1x80xi32, #tpu.memory_space<vmem>>
          %dma_start3A_297 = tpu.memref_squeeze %dma_start3A_296 : memref<1x80xi32, #tpu.memory_space<vmem>> -> memref<80xi32, #tpu.memory_space<vmem>>
          %dma_start3A_298 = arith.constant 0 : i32
          %dma_start3A_299 = arith.constant 0 : i32
          %dma_start3A_300 = tpu.memref_slice %arg4[%dma_start3A_298, %dma_start3A_299] : memref<10000x64xf32, #tpu.memory_space<hbm>> -> memref<10000x64xf32, #tpu.memory_space<hbm>>
          tpu.enqueue_indirect_dma source(%dma_start3A_300 : memref<10000x64xf32, #tpu.memory_space<hbm>>) target(%arg11 : memref<80x64xf32, #tpu.memory_space<vmem>>) offsets(%dma_start3A_297 : memref<80xi32, #tpu.memory_space<vmem>>) semaphore(%arg22 : memref<!tpu.dma_semaphore, #tpu.memory_space<semaphore_mem>>)
          %dma_start3A_301 = arith.constant 0 : i32
          %dma_start3A_302 = tpu.memref_slice %arg10[%add3A_284, %dma_start3A_301] : memref<250x80xi32, #tpu.memory_space<vmem>> -> memref<1x80xi32, #tpu.memory_space<vmem>>
          %dma_start3A_303 = tpu.memref_squeeze %dma_start3A_302 : memref<1x80xi32, #tpu.memory_space<vmem>> -> memref<80xi32, #tpu.memory_space<vmem>>
          %dma_start3A_304 = arith.constant 0 : i32
          %dma_start3A_305 = arith.constant 0 : i32
          %dma_start3A_306 = tpu.memref_slice %arg6[%dma_start3A_304, %dma_start3A_305] : memref<10000x64xf32, #tpu.memory_space<hbm>> -> memref<10000x64xf32, #tpu.memory_space<hbm>>
          tpu.enqueue_indirect_dma source(%dma_start3A_306 : memref<10000x64xf32, #tpu.memory_space<hbm>>) target(%arg13 : memref<80x64xf32, #tpu.memory_space<vmem>>) offsets(%dma_start3A_303 : memref<80xi32, #tpu.memory_space<vmem>>) semaphore(%arg22 : memref<!tpu.dma_semaphore, #tpu.memory_space<semaphore_mem>>)
        } else {
        }
        %eq3A_290 = arith.constant 1 : i32
        %eq3A_291 = arith.cmpi eq, %arg0, %eq3A_290 : i32
        %convert_element_type3A_292 = arith.extui %eq3A_291 : i1 to i32
        %cond3A_293 = arith.constant 0 : i32
        %cond3A_294 = arith.cmpi ne, %convert_element_type3A_292, %cond3A_293 : i32
        scf.if %cond3A_294 {
          %dma_start3A_295 = arith.constant 0 : i32
          %dma_start3A_296 = tpu.memref_slice %arg9[%add3A_284, %dma_start3A_295] : memref<250x80xi32, #tpu.memory_space<vmem>> -> memref<1x80xi32, #tpu.memory_space<vmem>>
          %dma_start3A_297 = tpu.memref_squeeze %dma_start3A_296 : memref<1x80xi32, #tpu.memory_space<vmem>> -> memref<80xi32, #tpu.memory_space<vmem>>
          %dma_start3A_298 = arith.constant 0 : i32
          %dma_start3A_299 = arith.constant 0 : i32
          %dma_start3A_300 = tpu.memref_slice %arg5[%dma_start3A_298, %dma_start3A_299] : memref<10000x64xf32, #tpu.memory_space<hbm>> -> memref<10000x64xf32, #tpu.memory_space<hbm>>
          tpu.enqueue_indirect_dma source(%dma_start3A_300 : memref<10000x64xf32, #tpu.memory_space<hbm>>) target(%arg11 : memref<80x64xf32, #tpu.memory_space<vmem>>) offsets(%dma_start3A_297 : memref<80xi32, #tpu.memory_space<vmem>>) semaphore(%arg22 : memref<!tpu.dma_semaphore, #tpu.memory_space<semaphore_mem>>)
          %dma_start3A_301 = arith.constant 0 : i32
          %dma_start3A_302 = tpu.memref_slice %arg10[%add3A_284, %dma_start3A_301] : memref<250x80xi32, #tpu.memory_space<vmem>> -> memref<1x80xi32, #tpu.memory_space<vmem>>
          %dma_start3A_303 = tpu.memref_squeeze %dma_start3A_302 : memref<1x80xi32, #tpu.memory_space<vmem>> -> memref<80xi32, #tpu.memory_space<vmem>>
          %dma_start3A_304 = arith.constant 0 : i32
          %dma_start3A_305 = arith.constant 0 : i32
          %dma_start3A_306 = tpu.memref_slice %arg7[%dma_start3A_304, %dma_start3A_305] : memref<10000x64xf32, #tpu.memory_space<hbm>> -> memref<10000x64xf32, #tpu.memory_space<hbm>>
          tpu.enqueue_indirect_dma source(%dma_start3A_306 : memref<10000x64xf32, #tpu.memory_space<hbm>>) target(%arg13 : memref<80x64xf32, #tpu.memory_space<vmem>>) offsets(%dma_start3A_303 : memref<80xi32, #tpu.memory_space<vmem>>) semaphore(%arg22 : memref<!tpu.dma_semaphore, #tpu.memory_space<semaphore_mem>>)
        } else {
        }
      } else {
      }
      %mul3A_237 = arith.constant 2 : i32
      %mul3A_238 = arith.muli %mul3A_237, %scan3A_193 : i32
      %add3A_239 = arith.constant 1 : i32
      %add3A_240 = arith.addi %mul3A_238, %add3A_239 : i32
      %dma_wait3A_241 = arith.constant 0 : i32
      %dma_wait3A_242 = tpu.memref_slice %arg9[%add3A_240, %dma_wait3A_241] : memref<250x80xi32, #tpu.memory_space<vmem>> -> memref<1x80xi32, #tpu.memory_space<vmem>>
      %dma_wait3A_243 = tpu.memref_squeeze %dma_wait3A_242 : memref<1x80xi32, #tpu.memory_space<vmem>> -> memref<80xi32, #tpu.memory_space<vmem>>
      %dma_wait3A_244 = arith.constant 0 : i32
      %dma_wait3A_245 = arith.constant 0 : i32
      %dma_wait3A_246 = tpu.memref_slice %arg4[%dma_wait3A_244, %dma_wait3A_245] : memref<10000x64xf32, #tpu.memory_space<hbm>> -> memref<10000x64xf32, #tpu.memory_space<hbm>>
      tpu.wait_indirect_dma semaphore(%arg23 : memref<!tpu.dma_semaphore, #tpu.memory_space<semaphore_mem>>) src(%dma_wait3A_246 : memref<10000x64xf32, #tpu.memory_space<hbm>>) dst(%arg12 : memref<80x64xf32, #tpu.memory_space<vmem>>)
      %dma_wait3A_247 = arith.constant 0 : i32
      %dma_wait3A_248 = tpu.memref_slice %arg9[%add3A_240, %dma_wait3A_247] : memref<250x80xi32, #tpu.memory_space<vmem>> -> memref<1x80xi32, #tpu.memory_space<vmem>>
      %dma_wait3A_249 = tpu.memref_squeeze %dma_wait3A_248 : memref<1x80xi32, #tpu.memory_space<vmem>> -> memref<80xi32, #tpu.memory_space<vmem>>
      %dma_wait3A_250 = arith.constant 0 : i32
      %dma_wait3A_251 = arith.constant 0 : i32
      %dma_wait3A_252 = tpu.memref_slice %arg6[%dma_wait3A_250, %dma_wait3A_251] : memref<10000x64xf32, #tpu.memory_space<hbm>> -> memref<10000x64xf32, #tpu.memory_space<hbm>>
      tpu.wait_indirect_dma semaphore(%arg23 : memref<!tpu.dma_semaphore, #tpu.memory_space<semaphore_mem>>) src(%dma_wait3A_252 : memref<10000x64xf32, #tpu.memory_space<hbm>>) dst(%arg14 : memref<80x64xf32, #tpu.memory_space<vmem>>)
      %ge3A_253 = arith.constant 2 : i32
      %ge3A_254 = arith.cmpi sge, %add3A_240, %ge3A_253 : i32
      %convert_element_type3A_255 = arith.extui %ge3A_254 : i1 to i32
      %cond3A_256 = arith.constant 0 : i32
      %cond3A_257 = arith.cmpi ne, %convert_element_type3A_255, %cond3A_256 : i32
      scf.if %cond3A_257 {
        %dma_wait3A_283 = arith.constant 0 : i32
        %dma_wait3A_284 = tpu.memref_slice %arg9[%add3A_240, %dma_wait3A_283] : memref<250x80xi32, #tpu.memory_space<vmem>> -> memref<1x80xi32, #tpu.memory_space<vmem>>
        %dma_wait3A_285 = tpu.memref_squeeze %dma_wait3A_284 : memref<1x80xi32, #tpu.memory_space<vmem>> -> memref<80xi32, #tpu.memory_space<vmem>>
        %dma_wait3A_286 = arith.constant 0 : i32
        %dma_wait3A_287 = arith.constant 0 : i32
        %dma_wait3A_288 = tpu.memref_slice %arg20[%dma_wait3A_286, %dma_wait3A_287] : memref<10000x64xf32, #tpu.memory_space<vmem_shared>> -> memref<10000x64xf32, #tpu.memory_space<vmem_shared>>
        tpu.wait_indirect_dma semaphore(%arg25 : memref<!tpu.dma_semaphore, #tpu.memory_space<semaphore_mem>>) src(%arg16 : memref<80x64xf32, #tpu.memory_space<vmem>>) dst(%dma_wait3A_288 : memref<10000x64xf32, #tpu.memory_space<vmem_shared>>)
        %dma_wait3A_289 = arith.constant 0 : i32
        %dma_wait3A_290 = tpu.memref_slice %arg9[%add3A_240, %dma_wait3A_289] : memref<250x80xi32, #tpu.memory_space<vmem>> -> memref<1x80xi32, #tpu.memory_space<vmem>>
        %dma_wait3A_291 = tpu.memref_squeeze %dma_wait3A_290 : memref<1x80xi32, #tpu.memory_space<vmem>> -> memref<80xi32, #tpu.memory_space<vmem>>
        %dma_wait3A_292 = arith.constant 0 : i32
        %dma_wait3A_293 = arith.constant 0 : i32
        %dma_wait3A_294 = tpu.memref_slice %arg21[%dma_wait3A_292, %dma_wait3A_293] : memref<10000x16xf32, #tpu.memory_space<vmem_shared>> -> memref<10000x16xf32, #tpu.memory_space<vmem_shared>>
        tpu.wait_indirect_dma semaphore(%arg27 : memref<!tpu.dma_semaphore, #tpu.memory_space<semaphore_mem>>) src(%arg17 : memref<80x16xf32, #tpu.memory_space<vmem>>) dst(%dma_wait3A_294 : memref<10000x16xf32, #tpu.memory_space<vmem_shared>>)
      } else {
      }
      %scan3A_258 = arith.constant 0 : i32
      %scan3A_259 = arith.constant 0 : i32
      %scan3A_260 = arith.constant 16 : i32
      %scan3A_261 = arith.addi %scan3A_259, %scan3A_260 : i32
      %scan3A_262 = arith.constant 1 : i32
      scf.for %scan3A_283 = %scan3A_259 to %scan3A_261 step %scan3A_262  : i32 {
        %mul3A_284 = arith.constant 5 : i32
        %mul3A_285 = arith.muli %scan3A_283, %mul3A_284 : i32
        %add3A_286 = arith.constant 0 : i32
        %add3A_287 = arith.addi %mul3A_285, %add3A_286 : i32
        %get3A = arith.index_cast %add3A_287 : i32 to index
        %get3A_288 = arith.constant 0 : index
        %get3A_289 = tpu.vector_load %arg12[%get3A, %get3A_288] {strides = array<i32>} : memref<80x64xf32, #tpu.memory_space<vmem>>, vector<1x16xf32>,
        %get3A_290 = vector.shape_cast %get3A_289 : vector<1x16xf32> to vector<16xf32>
        %get3A_291 = arith.index_cast %add3A_287 : i32 to index
        %get3A_292 = arith.constant 0 : index
        %get3A_293 = tpu.vector_load %arg14[%get3A_291, %get3A_292] {strides = array<i32>} : memref<80x64xf32, #tpu.memory_space<vmem>>, vector<1x16xf32>,
        %get3A_294 = vector.shape_cast %get3A_293 : vector<1x16xf32> to vector<16xf32>
        %add3A_295 = arith.addf %get3A_290, %get3A_294 : vector<16xf32>
        %max3A = arith.constant 0.000000e+00 : f32
        %max3A_296 = vector.broadcast %max3A : f32 to vector<16xf32>
        %max3A_297 = arith.maximumf %add3A_295, %max3A_296 : vector<16xf32>
        %swap3A = arith.index_cast %add3A_287 : i32 to index
        %swap3A_298 = arith.constant 0 : index
        %swap3A_299 = tpu.vector_load %arg16[%swap3A, %swap3A_298] {strides = array<i32>} : memref<80x64xf32, #tpu.memory_space<vmem>>, vector<1x16xf32>,
        %swap3A_300 = vector.shape_cast %swap3A_299 : vector<1x16xf32> to vector<16xf32>
        %swap3A_301 = vector.shape_cast %max3A_297 : vector<16xf32> to vector<1x16xf32>
        tpu.vector_store %arg16[%swap3A, %swap3A_298], %swap3A_301 {strides = array<i32>} : memref<80x64xf32, #tpu.memory_space<vmem>>, vector<1x16xf32>,
        %get3A_302 = arith.index_cast %add3A_287 : i32 to index
        %get3A_303 = arith.constant 16 : index
        %get3A_304 = tpu.vector_load %arg12[%get3A_302, %get3A_303] {strides = array<i32>} : memref<80x64xf32, #tpu.memory_space<vmem>>, vector<1x16xf32>,
        %get3A_305 = vector.shape_cast %get3A_304 : vector<1x16xf32> to vector<16xf32>
        %get3A_306 = arith.index_cast %add3A_287 : i32 to index
        %get3A_307 = arith.constant 16 : index
        %get3A_308 = tpu.vector_load %arg14[%get3A_306, %get3A_307] {strides = array<i32>} : memref<80x64xf32, #tpu.memory_space<vmem>>, vector<1x16xf32>,
        %get3A_309 = vector.shape_cast %get3A_308 : vector<1x16xf32> to vector<16xf32>
        %add3A_310 = arith.addf %get3A_305, %get3A_309 : vector<16xf32>
        %max3A_311 = arith.constant 0.000000e+00 : f32
        %max3A_312 = vector.broadcast %max3A_311 : f32 to vector<16xf32>
        %max3A_313 = arith.maximumf %add3A_310, %max3A_312 : vector<16xf32>
        %swap3A_314 = arith.index_cast %add3A_287 : i32 to index
        %swap3A_315 = arith.constant 16 : index
        %swap3A_316 = tpu.vector_load %arg16[%swap3A_314, %swap3A_315] {strides = array<i32>} : memref<80x64xf32, #tpu.memory_space<vmem>>, vector<1x16xf32>,
        %swap3A_317 = vector.shape_cast %swap3A_316 : vector<1x16xf32> to vector<16xf32>
        %swap3A_318 = vector.shape_cast %max3A_313 : vector<16xf32> to vector<1x16xf32>
        tpu.vector_store %arg16[%swap3A_314, %swap3A_315], %swap3A_318 {strides = array<i32>} : memref<80x64xf32, #tpu.memory_space<vmem>>, vector<1x16xf32>,
        %get3A_319 = arith.index_cast %add3A_287 : i32 to index
        %get3A_320 = arith.constant 32 : index
        %get3A_321 = tpu.vector_load %arg12[%get3A_319, %get3A_320] {strides = array<i32>} : memref<80x64xf32, #tpu.memory_space<vmem>>, vector<1x16xf32>,
        %get3A_322 = vector.shape_cast %get3A_321 : vector<1x16xf32> to vector<16xf32>
        %get3A_323 = arith.index_cast %add3A_287 : i32 to index
        %get3A_324 = arith.constant 32 : index
        %get3A_325 = tpu.vector_load %arg14[%get3A_323, %get3A_324] {strides = array<i32>} : memref<80x64xf32, #tpu.memory_space<vmem>>, vector<1x16xf32>,
        %get3A_326 = vector.shape_cast %get3A_325 : vector<1x16xf32> to vector<16xf32>
        %add3A_327 = arith.addf %get3A_322, %get3A_326 : vector<16xf32>
        %max3A_328 = arith.constant 0.000000e+00 : f32
        %max3A_329 = vector.broadcast %max3A_328 : f32 to vector<16xf32>
        %max3A_330 = arith.maximumf %add3A_327, %max3A_329 : vector<16xf32>
        %swap3A_331 = arith.index_cast %add3A_287 : i32 to index
        %swap3A_332 = arith.constant 32 : index
        %swap3A_333 = tpu.vector_load %arg16[%swap3A_331, %swap3A_332] {strides = array<i32>} : memref<80x64xf32, #tpu.memory_space<vmem>>, vector<1x16xf32>,
        %swap3A_334 = vector.shape_cast %swap3A_333 : vector<1x16xf32> to vector<16xf32>
        %swap3A_335 = vector.shape_cast %max3A_330 : vector<16xf32> to vector<1x16xf32>
        tpu.vector_store %arg16[%swap3A_331, %swap3A_332], %swap3A_335 {strides = array<i32>} : memref<80x64xf32, #tpu.memory_space<vmem>>, vector<1x16xf32>,
        %get3A_336 = arith.index_cast %add3A_287 : i32 to index
        %get3A_337 = arith.constant 48 : index
        %get3A_338 = tpu.vector_load %arg12[%get3A_336, %get3A_337] {strides = array<i32>} : memref<80x64xf32, #tpu.memory_space<vmem>>, vector<1x16xf32>,
        %get3A_339 = vector.shape_cast %get3A_338 : vector<1x16xf32> to vector<16xf32>
        %get3A_340 = arith.index_cast %add3A_287 : i32 to index
        %get3A_341 = arith.constant 48 : index
        %get3A_342 = tpu.vector_load %arg14[%get3A_340, %get3A_341] {strides = array<i32>} : memref<80x64xf32, #tpu.memory_space<vmem>>, vector<1x16xf32>,
        %get3A_343 = vector.shape_cast %get3A_342 : vector<1x16xf32> to vector<16xf32>
        %add3A_344 = arith.addf %get3A_339, %get3A_343 : vector<16xf32>
        %max3A_345 = arith.constant 0.000000e+00 : f32
        %max3A_346 = vector.broadcast %max3A_345 : f32 to vector<16xf32>
        %max3A_347 = arith.maximumf %add3A_344, %max3A_346 : vector<16xf32>
        %swap3A_348 = arith.index_cast %add3A_287 : i32 to index
        %swap3A_349 = arith.constant 48 : index
        %swap3A_350 = tpu.vector_load %arg16[%swap3A_348, %swap3A_349] {strides = array<i32>} : memref<80x64xf32, #tpu.memory_space<vmem>>, vector<1x16xf32>,
        %swap3A_351 = vector.shape_cast %swap3A_350 : vector<1x16xf32> to vector<16xf32>
        %swap3A_352 = vector.shape_cast %max3A_347 : vector<16xf32> to vector<1x16xf32>
        tpu.vector_store %arg16[%swap3A_348, %swap3A_349], %swap3A_352 {strides = array<i32>} : memref<80x64xf32, #tpu.memory_space<vmem>>, vector<1x16xf32>,
        %mul3A_353 = arith.constant 5 : i32
        %mul3A_354 = arith.muli %scan3A_283, %mul3A_353 : i32
        %add3A_355 = arith.constant 1 : i32
        %add3A_356 = arith.addi %mul3A_354, %add3A_355 : i32
        %get3A_357 = arith.index_cast %add3A_356 : i32 to index
        %get3A_358 = arith.constant 0 : index
        %get3A_359 = tpu.vector_load %arg12[%get3A_357, %get3A_358] {strides = array<i32>} : memref<80x64xf32, #tpu.memory_space<vmem>>, vector<1x16xf32>,
        %get3A_360 = vector.shape_cast %get3A_359 : vector<1x16xf32> to vector<16xf32>
        %get3A_361 = arith.index_cast %add3A_356 : i32 to index
        %get3A_362 = arith.constant 0 : index
        %get3A_363 = tpu.vector_load %arg14[%get3A_361, %get3A_362] {strides = array<i32>} : memref<80x64xf32, #tpu.memory_space<vmem>>, vector<1x16xf32>,
        %get3A_364 = vector.shape_cast %get3A_363 : vector<1x16xf32> to vector<16xf32>
        %add3A_365 = arith.addf %get3A_360, %get3A_364 : vector<16xf32>
        %max3A_366 = arith.constant 0.000000e+00 : f32
        %max3A_367 = vector.broadcast %max3A_366 : f32 to vector<16xf32>
        %max3A_368 = arith.maximumf %add3A_365, %max3A_367 : vector<16xf32>
        %swap3A_369 = arith.index_cast %add3A_356 : i32 to index
        %swap3A_370 = arith.constant 0 : index
        %swap3A_371 = tpu.vector_load %arg16[%swap3A_369, %swap3A_370] {strides = array<i32>} : memref<80x64xf32, #tpu.memory_space<vmem>>, vector<1x16xf32>,
        %swap3A_372 = vector.shape_cast %swap3A_371 : vector<1x16xf32> to vector<16xf32>
        %swap3A_373 = vector.shape_cast %max3A_368 : vector<16xf32> to vector<1x16xf32>
        tpu.vector_store %arg16[%swap3A_369, %swap3A_370], %swap3A_373 {strides = array<i32>} : memref<80x64xf32, #tpu.memory_space<vmem>>, vector<1x16xf32>,
        %get3A_374 = arith.index_cast %add3A_356 : i32 to index
        %get3A_375 = arith.constant 16 : index
        %get3A_376 = tpu.vector_load %arg12[%get3A_374, %get3A_375] {strides = array<i32>} : memref<80x64xf32, #tpu.memory_space<vmem>>, vector<1x16xf32>,
        %get3A_377 = vector.shape_cast %get3A_376 : vector<1x16xf32> to vector<16xf32>
        %get3A_378 = arith.index_cast %add3A_356 : i32 to index
        %get3A_379 = arith.constant 16 : index
        %get3A_380 = tpu.vector_load %arg14[%get3A_378, %get3A_379] {strides = array<i32>} : memref<80x64xf32, #tpu.memory_space<vmem>>, vector<1x16xf32>,
        %get3A_381 = vector.shape_cast %get3A_380 : vector<1x16xf32> to vector<16xf32>
        %add3A_382 = arith.addf %get3A_377, %get3A_381 : vector<16xf32>
        %max3A_383 = arith.constant 0.000000e+00 : f32
        %max3A_384 = vector.broadcast %max3A_383 : f32 to vector<16xf32>
        %max3A_385 = arith.maximumf %add3A_382, %max3A_384 : vector<16xf32>
        %swap3A_386 = arith.index_cast %add3A_356 : i32 to index
        %swap3A_387 = arith.constant 16 : index
        %swap3A_388 = tpu.vector_load %arg16[%swap3A_386, %swap3A_387] {strides = array<i32>} : memref<80x64xf32, #tpu.memory_space<vmem>>, vector<1x16xf32>,
        %swap3A_389 = vector.shape_cast %swap3A_388 : vector<1x16xf32> to vector<16xf32>
        %swap3A_390 = vector.shape_cast %max3A_385 : vector<16xf32> to vector<1x16xf32>
        tpu.vector_store %arg16[%swap3A_386, %swap3A_387], %swap3A_390 {strides = array<i32>} : memref<80x64xf32, #tpu.memory_space<vmem>>, vector<1x16xf32>,
        %get3A_391 = arith.index_cast %add3A_356 : i32 to index
        %get3A_392 = arith.constant 32 : index
        %get3A_393 = tpu.vector_load %arg12[%get3A_391, %get3A_392] {strides = array<i32>} : memref<80x64xf32, #tpu.memory_space<vmem>>, vector<1x16xf32>,
        %get3A_394 = vector.shape_cast %get3A_393 : vector<1x16xf32> to vector<16xf32>
        %get3A_395 = arith.index_cast %add3A_356 : i32 to index
        %get3A_396 = arith.constant 32 : index
        %get3A_397 = tpu.vector_load %arg14[%get3A_395, %get3A_396] {strides = array<i32>} : memref<80x64xf32, #tpu.memory_space<vmem>>, vector<1x16xf32>,
        %get3A_398 = vector.shape_cast %get3A_397 : vector<1x16xf32> to vector<16xf32>
        %add3A_399 = arith.addf %get3A_394, %get3A_398 : vector<16xf32>
        %max3A_400 = arith.constant 0.000000e+00 : f32
        %max3A_401 = vector.broadcast %max3A_400 : f32 to vector<16xf32>
        %max3A_402 = arith.maximumf %add3A_399, %max3A_401 : vector<16xf32>
        %swap3A_403 = arith.index_cast %add3A_356 : i32 to index
        %swap3A_404 = arith.constant 32 : index
        %swap3A_405 = tpu.vector_load %arg16[%swap3A_403, %swap3A_404] {strides = array<i32>} : memref<80x64xf32, #tpu.memory_space<vmem>>, vector<1x16xf32>,
        %swap3A_406 = vector.shape_cast %swap3A_405 : vector<1x16xf32> to vector<16xf32>
        %swap3A_407 = vector.shape_cast %max3A_402 : vector<16xf32> to vector<1x16xf32>
        tpu.vector_store %arg16[%swap3A_403, %swap3A_404], %swap3A_407 {strides = array<i32>} : memref<80x64xf32, #tpu.memory_space<vmem>>, vector<1x16xf32>,
        %get3A_408 = arith.index_cast %add3A_356 : i32 to index
        %get3A_409 = arith.constant 48 : index
        %get3A_410 = tpu.vector_load %arg12[%get3A_408, %get3A_409] {strides = array<i32>} : memref<80x64xf32, #tpu.memory_space<vmem>>, vector<1x16xf32>,
        %get3A_411 = vector.shape_cast %get3A_410 : vector<1x16xf32> to vector<16xf32>
        %get3A_412 = arith.index_cast %add3A_356 : i32 to index
        %get3A_413 = arith.constant 48 : index
        %get3A_414 = tpu.vector_load %arg14[%get3A_412, %get3A_413] {strides = array<i32>} : memref<80x64xf32, #tpu.memory_space<vmem>>, vector<1x16xf32>,
        %get3A_415 = vector.shape_cast %get3A_414 : vector<1x16xf32> to vector<16xf32>
        %add3A_416 = arith.addf %get3A_411, %get3A_415 : vector<16xf32>
        %max3A_417 = arith.constant 0.000000e+00 : f32
        %max3A_418 = vector.broadcast %max3A_417 : f32 to vector<16xf32>
        %max3A_419 = arith.maximumf %add3A_416, %max3A_418 : vector<16xf32>
        %swap3A_420 = arith.index_cast %add3A_356 : i32 to index
        %swap3A_421 = arith.constant 48 : index
        %swap3A_422 = tpu.vector_load %arg16[%swap3A_420, %swap3A_421] {strides = array<i32>} : memref<80x64xf32, #tpu.memory_space<vmem>>, vector<1x16xf32>,
        %swap3A_423 = vector.shape_cast %swap3A_422 : vector<1x16xf32> to vector<16xf32>
        %swap3A_424 = vector.shape_cast %max3A_419 : vector<16xf32> to vector<1x16xf32>
        tpu.vector_store %arg16[%swap3A_420, %swap3A_421], %swap3A_424 {strides = array<i32>} : memref<80x64xf32, #tpu.memory_space<vmem>>, vector<1x16xf32>,
        %mul3A_425 = arith.constant 5 : i32
        %mul3A_426 = arith.muli %scan3A_283, %mul3A_425 : i32
        %add3A_427 = arith.constant 2 : i32
        %add3A_428 = arith.addi %mul3A_426, %add3A_427 : i32
        %get3A_429 = arith.index_cast %add3A_428 : i32 to index
        %get3A_430 = arith.constant 0 : index
        %get3A_431 = tpu.vector_load %arg12[%get3A_429, %get3A_430] {strides = array<i32>} : memref<80x64xf32, #tpu.memory_space<vmem>>, vector<1x16xf32>,
        %get3A_432 = vector.shape_cast %get3A_431 : vector<1x16xf32> to vector<16xf32>
        %get3A_433 = arith.index_cast %add3A_428 : i32 to index
        %get3A_434 = arith.constant 0 : index
        %get3A_435 = tpu.vector_load %arg14[%get3A_433, %get3A_434] {strides = array<i32>} : memref<80x64xf32, #tpu.memory_space<vmem>>, vector<1x16xf32>,
        %get3A_436 = vector.shape_cast %get3A_435 : vector<1x16xf32> to vector<16xf32>
        %add3A_437 = arith.addf %get3A_432, %get3A_436 : vector<16xf32>
        %max3A_438 = arith.constant 0.000000e+00 : f32
        %max3A_439 = vector.broadcast %max3A_438 : f32 to vector<16xf32>
        %max3A_440 = arith.maximumf %add3A_437, %max3A_439 : vector<16xf32>
        %swap3A_441 = arith.index_cast %add3A_428 : i32 to index
        %swap3A_442 = arith.constant 0 : index
        %swap3A_443 = tpu.vector_load %arg16[%swap3A_441, %swap3A_442] {strides = array<i32>} : memref<80x64xf32, #tpu.memory_space<vmem>>, vector<1x16xf32>,
        %swap3A_444 = vector.shape_cast %swap3A_443 : vector<1x16xf32> to vector<16xf32>
        %swap3A_445 = vector.shape_cast %max3A_440 : vector<16xf32> to vector<1x16xf32>
        tpu.vector_store %arg16[%swap3A_441, %swap3A_442], %swap3A_445 {strides = array<i32>} : memref<80x64xf32, #tpu.memory_space<vmem>>, vector<1x16xf32>,
        %get3A_446 = arith.index_cast %add3A_428 : i32 to index
        %get3A_447 = arith.constant 16 : index
        %get3A_448 = tpu.vector_load %arg12[%get3A_446, %get3A_447] {strides = array<i32>} : memref<80x64xf32, #tpu.memory_space<vmem>>, vector<1x16xf32>,
        %get3A_449 = vector.shape_cast %get3A_448 : vector<1x16xf32> to vector<16xf32>
        %get3A_450 = arith.index_cast %add3A_428 : i32 to index
        %get3A_451 = arith.constant 16 : index
        %get3A_452 = tpu.vector_load %arg14[%get3A_450, %get3A_451] {strides = array<i32>} : memref<80x64xf32, #tpu.memory_space<vmem>>, vector<1x16xf32>,
        %get3A_453 = vector.shape_cast %get3A_452 : vector<1x16xf32> to vector<16xf32>
        %add3A_454 = arith.addf %get3A_449, %get3A_453 : vector<16xf32>
        %max3A_455 = arith.constant 0.000000e+00 : f32
        %max3A_456 = vector.broadcast %max3A_455 : f32 to vector<16xf32>
        %max3A_457 = arith.maximumf %add3A_454, %max3A_456 : vector<16xf32>
        %swap3A_458 = arith.index_cast %add3A_428 : i32 to index
        %swap3A_459 = arith.constant 16 : index
        %swap3A_460 = tpu.vector_load %arg16[%swap3A_458, %swap3A_459] {strides = array<i32>} : memref<80x64xf32, #tpu.memory_space<vmem>>, vector<1x16xf32>,
        %swap3A_461 = vector.shape_cast %swap3A_460 : vector<1x16xf32> to vector<16xf32>
        %swap3A_462 = vector.shape_cast %max3A_457 : vector<16xf32> to vector<1x16xf32>
        tpu.vector_store %arg16[%swap3A_458, %swap3A_459], %swap3A_462 {strides = array<i32>} : memref<80x64xf32, #tpu.memory_space<vmem>>, vector<1x16xf32>,
        %get3A_463 = arith.index_cast %add3A_428 : i32 to index
        %get3A_464 = arith.constant 32 : index
        %get3A_465 = tpu.vector_load %arg12[%get3A_463, %get3A_464] {strides = array<i32>} : memref<80x64xf32, #tpu.memory_space<vmem>>, vector<1x16xf32>,
        %get3A_466 = vector.shape_cast %get3A_465 : vector<1x16xf32> to vector<16xf32>
        %get3A_467 = arith.index_cast %add3A_428 : i32 to index
        %get3A_468 = arith.constant 32 : index
        %get3A_469 = tpu.vector_load %arg14[%get3A_467, %get3A_468] {strides = array<i32>} : memref<80x64xf32, #tpu.memory_space<vmem>>, vector<1x16xf32>,
        %get3A_470 = vector.shape_cast %get3A_469 : vector<1x16xf32> to vector<16xf32>
        %add3A_471 = arith.addf %get3A_466, %get3A_470 : vector<16xf32>
        %max3A_472 = arith.constant 0.000000e+00 : f32
        %max3A_473 = vector.broadcast %max3A_472 : f32 to vector<16xf32>
        %max3A_474 = arith.maximumf %add3A_471, %max3A_473 : vector<16xf32>
        %swap3A_475 = arith.index_cast %add3A_428 : i32 to index
        %swap3A_476 = arith.constant 32 : index
        %swap3A_477 = tpu.vector_load %arg16[%swap3A_475, %swap3A_476] {strides = array<i32>} : memref<80x64xf32, #tpu.memory_space<vmem>>, vector<1x16xf32>,
        %swap3A_478 = vector.shape_cast %swap3A_477 : vector<1x16xf32> to vector<16xf32>
        %swap3A_479 = vector.shape_cast %max3A_474 : vector<16xf32> to vector<1x16xf32>
        tpu.vector_store %arg16[%swap3A_475, %swap3A_476], %swap3A_479 {strides = array<i32>} : memref<80x64xf32, #tpu.memory_space<vmem>>, vector<1x16xf32>,
        %get3A_480 = arith.index_cast %add3A_428 : i32 to index
        %get3A_481 = arith.constant 48 : index
        %get3A_482 = tpu.vector_load %arg12[%get3A_480, %get3A_481] {strides = array<i32>} : memref<80x64xf32, #tpu.memory_space<vmem>>, vector<1x16xf32>,
        %get3A_483 = vector.shape_cast %get3A_482 : vector<1x16xf32> to vector<16xf32>
        %get3A_484 = arith.index_cast %add3A_428 : i32 to index
        %get3A_485 = arith.constant 48 : index
        %get3A_486 = tpu.vector_load %arg14[%get3A_484, %get3A_485] {strides = array<i32>} : memref<80x64xf32, #tpu.memory_space<vmem>>, vector<1x16xf32>,
        %get3A_487 = vector.shape_cast %get3A_486 : vector<1x16xf32> to vector<16xf32>
        %add3A_488 = arith.addf %get3A_483, %get3A_487 : vector<16xf32>
        %max3A_489 = arith.constant 0.000000e+00 : f32
        %max3A_490 = vector.broadcast %max3A_489 : f32 to vector<16xf32>
        %max3A_491 = arith.maximumf %add3A_488, %max3A_490 : vector<16xf32>
        %swap3A_492 = arith.index_cast %add3A_428 : i32 to index
        %swap3A_493 = arith.constant 48 : index
        %swap3A_494 = tpu.vector_load %arg16[%swap3A_492, %swap3A_493] {strides = array<i32>} : memref<80x64xf32, #tpu.memory_space<vmem>>, vector<1x16xf32>,
        %swap3A_495 = vector.shape_cast %swap3A_494 : vector<1x16xf32> to vector<16xf32>
        %swap3A_496 = vector.shape_cast %max3A_491 : vector<16xf32> to vector<1x16xf32>
        tpu.vector_store %arg16[%swap3A_492, %swap3A_493], %swap3A_496 {strides = array<i32>} : memref<80x64xf32, #tpu.memory_space<vmem>>, vector<1x16xf32>,
        %mul3A_497 = arith.constant 5 : i32
        %mul3A_498 = arith.muli %scan3A_283, %mul3A_497 : i32
        %add3A_499 = arith.constant 3 : i32
        %add3A_500 = arith.addi %mul3A_498, %add3A_499 : i32
        %get3A_501 = arith.index_cast %add3A_500 : i32 to index
        %get3A_502 = arith.constant 0 : index
        %get3A_503 = tpu.vector_load %arg12[%get3A_501, %get3A_502] {strides = array<i32>} : memref<80x64xf32, #tpu.memory_space<vmem>>, vector<1x16xf32>,
        %get3A_504 = vector.shape_cast %get3A_503 : vector<1x16xf32> to vector<16xf32>
        %get3A_505 = arith.index_cast %add3A_500 : i32 to index
        %get3A_506 = arith.constant 0 : index
        %get3A_507 = tpu.vector_load %arg14[%get3A_505, %get3A_506] {strides = array<i32>} : memref<80x64xf32, #tpu.memory_space<vmem>>, vector<1x16xf32>,
        %get3A_508 = vector.shape_cast %get3A_507 : vector<1x16xf32> to vector<16xf32>
        %add3A_509 = arith.addf %get3A_504, %get3A_508 : vector<16xf32>
        %max3A_510 = arith.constant 0.000000e+00 : f32
        %max3A_511 = vector.broadcast %max3A_510 : f32 to vector<16xf32>
        %max3A_512 = arith.maximumf %add3A_509, %max3A_511 : vector<16xf32>
        %swap3A_513 = arith.index_cast %add3A_500 : i32 to index
        %swap3A_514 = arith.constant 0 : index
        %swap3A_515 = tpu.vector_load %arg16[%swap3A_513, %swap3A_514] {strides = array<i32>} : memref<80x64xf32, #tpu.memory_space<vmem>>, vector<1x16xf32>,
        %swap3A_516 = vector.shape_cast %swap3A_515 : vector<1x16xf32> to vector<16xf32>
        %swap3A_517 = vector.shape_cast %max3A_512 : vector<16xf32> to vector<1x16xf32>
        tpu.vector_store %arg16[%swap3A_513, %swap3A_514], %swap3A_517 {strides = array<i32>} : memref<80x64xf32, #tpu.memory_space<vmem>>, vector<1x16xf32>,
        %get3A_518 = arith.index_cast %add3A_500 : i32 to index
        %get3A_519 = arith.constant 16 : index
        %get3A_520 = tpu.vector_load %arg12[%get3A_518, %get3A_519] {strides = array<i32>} : memref<80x64xf32, #tpu.memory_space<vmem>>, vector<1x16xf32>,
        %get3A_521 = vector.shape_cast %get3A_520 : vector<1x16xf32> to vector<16xf32>
        %get3A_522 = arith.index_cast %add3A_500 : i32 to index
        %get3A_523 = arith.constant 16 : index
        %get3A_524 = tpu.vector_load %arg14[%get3A_522, %get3A_523] {strides = array<i32>} : memref<80x64xf32, #tpu.memory_space<vmem>>, vector<1x16xf32>,
        %get3A_525 = vector.shape_cast %get3A_524 : vector<1x16xf32> to vector<16xf32>
        %add3A_526 = arith.addf %get3A_521, %get3A_525 : vector<16xf32>
        %max3A_527 = arith.constant 0.000000e+00 : f32
        %max3A_528 = vector.broadcast %max3A_527 : f32 to vector<16xf32>
        %max3A_529 = arith.maximumf %add3A_526, %max3A_528 : vector<16xf32>
        %swap3A_530 = arith.index_cast %add3A_500 : i32 to index
        %swap3A_531 = arith.constant 16 : index
        %swap3A_532 = tpu.vector_load %arg16[%swap3A_530, %swap3A_531] {strides = array<i32>} : memref<80x64xf32, #tpu.memory_space<vmem>>, vector<1x16xf32>,
        %swap3A_533 = vector.shape_cast %swap3A_532 : vector<1x16xf32> to vector<16xf32>
        %swap3A_534 = vector.shape_cast %max3A_529 : vector<16xf32> to vector<1x16xf32>
        tpu.vector_store %arg16[%swap3A_530, %swap3A_531], %swap3A_534 {strides = array<i32>} : memref<80x64xf32, #tpu.memory_space<vmem>>, vector<1x16xf32>,
        %get3A_535 = arith.index_cast %add3A_500 : i32 to index
        %get3A_536 = arith.constant 32 : index
        %get3A_537 = tpu.vector_load %arg12[%get3A_535, %get3A_536] {strides = array<i32>} : memref<80x64xf32, #tpu.memory_space<vmem>>, vector<1x16xf32>,
        %get3A_538 = vector.shape_cast %get3A_537 : vector<1x16xf32> to vector<16xf32>
        %get3A_539 = arith.index_cast %add3A_500 : i32 to index
        %get3A_540 = arith.constant 32 : index
        %get3A_541 = tpu.vector_load %arg14[%get3A_539, %get3A_540] {strides = array<i32>} : memref<80x64xf32, #tpu.memory_space<vmem>>, vector<1x16xf32>,
        %get3A_542 = vector.shape_cast %get3A_541 : vector<1x16xf32> to vector<16xf32>
        %add3A_543 = arith.addf %get3A_538, %get3A_542 : vector<16xf32>
        %max3A_544 = arith.constant 0.000000e+00 : f32
        %max3A_545 = vector.broadcast %max3A_544 : f32 to vector<16xf32>
        %max3A_546 = arith.maximumf %add3A_543, %max3A_545 : vector<16xf32>
        %swap3A_547 = arith.index_cast %add3A_500 : i32 to index
        %swap3A_548 = arith.constant 32 : index
        %swap3A_549 = tpu.vector_load %arg16[%swap3A_547, %swap3A_548] {strides = array<i32>} : memref<80x64xf32, #tpu.memory_space<vmem>>, vector<1x16xf32>,
        %swap3A_550 = vector.shape_cast %swap3A_549 : vector<1x16xf32> to vector<16xf32>
        %swap3A_551 = vector.shape_cast %max3A_546 : vector<16xf32> to vector<1x16xf32>
        tpu.vector_store %arg16[%swap3A_547, %swap3A_548], %swap3A_551 {strides = array<i32>} : memref<80x64xf32, #tpu.memory_space<vmem>>, vector<1x16xf32>,
        %get3A_552 = arith.index_cast %add3A_500 : i32 to index
        %get3A_553 = arith.constant 48 : index
        %get3A_554 = tpu.vector_load %arg12[%get3A_552, %get3A_553] {strides = array<i32>} : memref<80x64xf32, #tpu.memory_space<vmem>>, vector<1x16xf32>,
        %get3A_555 = vector.shape_cast %get3A_554 : vector<1x16xf32> to vector<16xf32>
        %get3A_556 = arith.index_cast %add3A_500 : i32 to index
        %get3A_557 = arith.constant 48 : index
        %get3A_558 = tpu.vector_load %arg14[%get3A_556, %get3A_557] {strides = array<i32>} : memref<80x64xf32, #tpu.memory_space<vmem>>, vector<1x16xf32>,
        %get3A_559 = vector.shape_cast %get3A_558 : vector<1x16xf32> to vector<16xf32>
        %add3A_560 = arith.addf %get3A_555, %get3A_559 : vector<16xf32>
        %max3A_561 = arith.constant 0.000000e+00 : f32
        %max3A_562 = vector.broadcast %max3A_561 : f32 to vector<16xf32>
        %max3A_563 = arith.maximumf %add3A_560, %max3A_562 : vector<16xf32>
        %swap3A_564 = arith.index_cast %add3A_500 : i32 to index
        %swap3A_565 = arith.constant 48 : index
        %swap3A_566 = tpu.vector_load %arg16[%swap3A_564, %swap3A_565] {strides = array<i32>} : memref<80x64xf32, #tpu.memory_space<vmem>>, vector<1x16xf32>,
        %swap3A_567 = vector.shape_cast %swap3A_566 : vector<1x16xf32> to vector<16xf32>
        %swap3A_568 = vector.shape_cast %max3A_563 : vector<16xf32> to vector<1x16xf32>
        tpu.vector_store %arg16[%swap3A_564, %swap3A_565], %swap3A_568 {strides = array<i32>} : memref<80x64xf32, #tpu.memory_space<vmem>>, vector<1x16xf32>,
        %mul3A_569 = arith.constant 5 : i32
        %mul3A_570 = arith.muli %scan3A_283, %mul3A_569 : i32
        %add3A_571 = arith.constant 4 : i32
        %add3A_572 = arith.addi %mul3A_570, %add3A_571 : i32
        %get3A_573 = arith.index_cast %add3A_572 : i32 to index
        %get3A_574 = arith.constant 0 : index
        %get3A_575 = tpu.vector_load %arg12[%get3A_573, %get3A_574] {strides = array<i32>} : memref<80x64xf32, #tpu.memory_space<vmem>>, vector<1x16xf32>,
        %get3A_576 = vector.shape_cast %get3A_575 : vector<1x16xf32> to vector<16xf32>
        %get3A_577 = arith.index_cast %add3A_572 : i32 to index
        %get3A_578 = arith.constant 0 : index
        %get3A_579 = tpu.vector_load %arg14[%get3A_577, %get3A_578] {strides = array<i32>} : memref<80x64xf32, #tpu.memory_space<vmem>>, vector<1x16xf32>,
        %get3A_580 = vector.shape_cast %get3A_579 : vector<1x16xf32> to vector<16xf32>
        %add3A_581 = arith.addf %get3A_576, %get3A_580 : vector<16xf32>
        %max3A_582 = arith.constant 0.000000e+00 : f32
        %max3A_583 = vector.broadcast %max3A_582 : f32 to vector<16xf32>
        %max3A_584 = arith.maximumf %add3A_581, %max3A_583 : vector<16xf32>
        %swap3A_585 = arith.index_cast %add3A_572 : i32 to index
        %swap3A_586 = arith.constant 0 : index
        %swap3A_587 = tpu.vector_load %arg16[%swap3A_585, %swap3A_586] {strides = array<i32>} : memref<80x64xf32, #tpu.memory_space<vmem>>, vector<1x16xf32>,
        %swap3A_588 = vector.shape_cast %swap3A_587 : vector<1x16xf32> to vector<16xf32>
        %swap3A_589 = vector.shape_cast %max3A_584 : vector<16xf32> to vector<1x16xf32>
        tpu.vector_store %arg16[%swap3A_585, %swap3A_586], %swap3A_589 {strides = array<i32>} : memref<80x64xf32, #tpu.memory_space<vmem>>, vector<1x16xf32>,
        %get3A_590 = arith.index_cast %add3A_572 : i32 to index
        %get3A_591 = arith.constant 16 : index
        %get3A_592 = tpu.vector_load %arg12[%get3A_590, %get3A_591] {strides = array<i32>} : memref<80x64xf32, #tpu.memory_space<vmem>>, vector<1x16xf32>,
        %get3A_593 = vector.shape_cast %get3A_592 : vector<1x16xf32> to vector<16xf32>
        %get3A_594 = arith.index_cast %add3A_572 : i32 to index
        %get3A_595 = arith.constant 16 : index
        %get3A_596 = tpu.vector_load %arg14[%get3A_594, %get3A_595] {strides = array<i32>} : memref<80x64xf32, #tpu.memory_space<vmem>>, vector<1x16xf32>,
        %get3A_597 = vector.shape_cast %get3A_596 : vector<1x16xf32> to vector<16xf32>
        %add3A_598 = arith.addf %get3A_593, %get3A_597 : vector<16xf32>
        %max3A_599 = arith.constant 0.000000e+00 : f32
        %max3A_600 = vector.broadcast %max3A_599 : f32 to vector<16xf32>
        %max3A_601 = arith.maximumf %add3A_598, %max3A_600 : vector<16xf32>
        %swap3A_602 = arith.index_cast %add3A_572 : i32 to index
        %swap3A_603 = arith.constant 16 : index
        %swap3A_604 = tpu.vector_load %arg16[%swap3A_602, %swap3A_603] {strides = array<i32>} : memref<80x64xf32, #tpu.memory_space<vmem>>, vector<1x16xf32>,
        %swap3A_605 = vector.shape_cast %swap3A_604 : vector<1x16xf32> to vector<16xf32>
        %swap3A_606 = vector.shape_cast %max3A_601 : vector<16xf32> to vector<1x16xf32>
        tpu.vector_store %arg16[%swap3A_602, %swap3A_603], %swap3A_606 {strides = array<i32>} : memref<80x64xf32, #tpu.memory_space<vmem>>, vector<1x16xf32>,
        %get3A_607 = arith.index_cast %add3A_572 : i32 to index
        %get3A_608 = arith.constant 32 : index
        %get3A_609 = tpu.vector_load %arg12[%get3A_607, %get3A_608] {strides = array<i32>} : memref<80x64xf32, #tpu.memory_space<vmem>>, vector<1x16xf32>,
        %get3A_610 = vector.shape_cast %get3A_609 : vector<1x16xf32> to vector<16xf32>
        %get3A_611 = arith.index_cast %add3A_572 : i32 to index
        %get3A_612 = arith.constant 32 : index
        %get3A_613 = tpu.vector_load %arg14[%get3A_611, %get3A_612] {strides = array<i32>} : memref<80x64xf32, #tpu.memory_space<vmem>>, vector<1x16xf32>,
        %get3A_614 = vector.shape_cast %get3A_613 : vector<1x16xf32> to vector<16xf32>
        %add3A_615 = arith.addf %get3A_610, %get3A_614 : vector<16xf32>
        %max3A_616 = arith.constant 0.000000e+00 : f32
        %max3A_617 = vector.broadcast %max3A_616 : f32 to vector<16xf32>
        %max3A_618 = arith.maximumf %add3A_615, %max3A_617 : vector<16xf32>
        %swap3A_619 = arith.index_cast %add3A_572 : i32 to index
        %swap3A_620 = arith.constant 32 : index
        %swap3A_621 = tpu.vector_load %arg16[%swap3A_619, %swap3A_620] {strides = array<i32>} : memref<80x64xf32, #tpu.memory_space<vmem>>, vector<1x16xf32>,
        %swap3A_622 = vector.shape_cast %swap3A_621 : vector<1x16xf32> to vector<16xf32>
        %swap3A_623 = vector.shape_cast %max3A_618 : vector<16xf32> to vector<1x16xf32>
        tpu.vector_store %arg16[%swap3A_619, %swap3A_620], %swap3A_623 {strides = array<i32>} : memref<80x64xf32, #tpu.memory_space<vmem>>, vector<1x16xf32>,
        %get3A_624 = arith.index_cast %add3A_572 : i32 to index
        %get3A_625 = arith.constant 48 : index
        %get3A_626 = tpu.vector_load %arg12[%get3A_624, %get3A_625] {strides = array<i32>} : memref<80x64xf32, #tpu.memory_space<vmem>>, vector<1x16xf32>,
        %get3A_627 = vector.shape_cast %get3A_626 : vector<1x16xf32> to vector<16xf32>
        %get3A_628 = arith.index_cast %add3A_572 : i32 to index
        %get3A_629 = arith.constant 48 : index
        %get3A_630 = tpu.vector_load %arg14[%get3A_628, %get3A_629] {strides = array<i32>} : memref<80x64xf32, #tpu.memory_space<vmem>>, vector<1x16xf32>,
        %get3A_631 = vector.shape_cast %get3A_630 : vector<1x16xf32> to vector<16xf32>
        %add3A_632 = arith.addf %get3A_627, %get3A_631 : vector<16xf32>
        %max3A_633 = arith.constant 0.000000e+00 : f32
        %max3A_634 = vector.broadcast %max3A_633 : f32 to vector<16xf32>
        %max3A_635 = arith.maximumf %add3A_632, %max3A_634 : vector<16xf32>
        %swap3A_636 = arith.index_cast %add3A_572 : i32 to index
        %swap3A_637 = arith.constant 48 : index
        %swap3A_638 = tpu.vector_load %arg16[%swap3A_636, %swap3A_637] {strides = array<i32>} : memref<80x64xf32, #tpu.memory_space<vmem>>, vector<1x16xf32>,
        %swap3A_639 = vector.shape_cast %swap3A_638 : vector<1x16xf32> to vector<16xf32>
        %swap3A_640 = vector.shape_cast %max3A_635 : vector<16xf32> to vector<1x16xf32>
        tpu.vector_store %arg16[%swap3A_636, %swap3A_637], %swap3A_640 {strides = array<i32>} : memref<80x64xf32, #tpu.memory_space<vmem>>, vector<1x16xf32>,
      }
      %scan3A_263 = arith.constant 16 : i32
      %dma_start3A_264 = arith.constant 0 : i32
      %dma_start3A_265 = tpu.memref_slice %arg9[%add3A_240, %dma_start3A_264] : memref<250x80xi32, #tpu.memory_space<vmem>> -> memref<1x80xi32, #tpu.memory_space<vmem>>
      %dma_start3A_266 = tpu.memref_squeeze %dma_start3A_265 : memref<1x80xi32, #tpu.memory_space<vmem>> -> memref<80xi32, #tpu.memory_space<vmem>>
      %dma_start3A_267 = arith.constant 0 : i32
      %dma_start3A_268 = arith.constant 0 : i32
      %dma_start3A_269 = tpu.memref_slice %arg20[%dma_start3A_267, %dma_start3A_268] : memref<10000x64xf32, #tpu.memory_space<vmem_shared>> -> memref<10000x64xf32, #tpu.memory_space<vmem_shared>>
      tpu.enqueue_indirect_dma source(%arg16 : memref<80x64xf32, #tpu.memory_space<vmem>>) target(%dma_start3A_269 : memref<10000x64xf32, #tpu.memory_space<vmem_shared>>) offsets(%dma_start3A_266 : memref<80xi32, #tpu.memory_space<vmem>>) semaphore(%arg25 : memref<!tpu.dma_semaphore, #tpu.memory_space<semaphore_mem>>) {add = true}
      %dma_start3A_270 = arith.constant 0 : i32
      %dma_start3A_271 = tpu.memref_slice %arg9[%add3A_240, %dma_start3A_270] : memref<250x80xi32, #tpu.memory_space<vmem>> -> memref<1x80xi32, #tpu.memory_space<vmem>>
      %dma_start3A_272 = tpu.memref_squeeze %dma_start3A_271 : memref<1x80xi32, #tpu.memory_space<vmem>> -> memref<80xi32, #tpu.memory_space<vmem>>
      %dma_start3A_273 = arith.constant 0 : i32
      %dma_start3A_274 = arith.constant 0 : i32
      %dma_start3A_275 = tpu.memref_slice %arg21[%dma_start3A_273, %dma_start3A_274] : memref<10000x16xf32, #tpu.memory_space<vmem_shared>> -> memref<10000x16xf32, #tpu.memory_space<vmem_shared>>
      tpu.enqueue_indirect_dma source(%arg17 : memref<80x16xf32, #tpu.memory_space<vmem>>) target(%dma_start3A_275 : memref<10000x16xf32, #tpu.memory_space<vmem_shared>>) offsets(%dma_start3A_272 : memref<80xi32, #tpu.memory_space<vmem>>) semaphore(%arg27 : memref<!tpu.dma_semaphore, #tpu.memory_space<semaphore_mem>>) {add = true}
      %add3A_276 = arith.constant 2 : i32
      %add3A_277 = arith.addi %add3A_240, %add3A_276 : i32
      %lt3A_278 = arith.constant 250 : i32
      %lt3A_279 = arith.cmpi slt, %add3A_277, %lt3A_278 : i32
      %convert_element_type3A_280 = arith.extui %lt3A_279 : i1 to i32
      %cond3A_281 = arith.constant 0 : i32
      %cond3A_282 = arith.cmpi ne, %convert_element_type3A_280, %cond3A_281 : i32
      scf.if %cond3A_282 {
        %add3A_283 = arith.constant 2 : i32
        %add3A_284 = arith.addi %add3A_240, %add3A_283 : i32
        %eq3A_285 = arith.constant 0 : i32
        %eq3A_286 = arith.cmpi eq, %arg0, %eq3A_285 : i32
        %convert_element_type3A_287 = arith.extui %eq3A_286 : i1 to i32
        %cond3A_288 = arith.constant 0 : i32
        %cond3A_289 = arith.cmpi ne, %convert_element_type3A_287, %cond3A_288 : i32
        scf.if %cond3A_289 {
          %dma_start3A_295 = arith.constant 0 : i32
          %dma_start3A_296 = tpu.memref_slice %arg9[%add3A_284, %dma_start3A_295] : memref<250x80xi32, #tpu.memory_space<vmem>> -> memref<1x80xi32, #tpu.memory_space<vmem>>
          %dma_start3A_297 = tpu.memref_squeeze %dma_start3A_296 : memref<1x80xi32, #tpu.memory_space<vmem>> -> memref<80xi32, #tpu.memory_space<vmem>>
          %dma_start3A_298 = arith.constant 0 : i32
          %dma_start3A_299 = arith.constant 0 : i32
          %dma_start3A_300 = tpu.memref_slice %arg4[%dma_start3A_298, %dma_start3A_299] : memref<10000x64xf32, #tpu.memory_space<hbm>> -> memref<10000x64xf32, #tpu.memory_space<hbm>>
          tpu.enqueue_indirect_dma source(%dma_start3A_300 : memref<10000x64xf32, #tpu.memory_space<hbm>>) target(%arg12 : memref<80x64xf32, #tpu.memory_space<vmem>>) offsets(%dma_start3A_297 : memref<80xi32, #tpu.memory_space<vmem>>) semaphore(%arg23 : memref<!tpu.dma_semaphore, #tpu.memory_space<semaphore_mem>>)
          %dma_start3A_301 = arith.constant 0 : i32
          %dma_start3A_302 = tpu.memref_slice %arg10[%add3A_284, %dma_start3A_301] : memref<250x80xi32, #tpu.memory_space<vmem>> -> memref<1x80xi32, #tpu.memory_space<vmem>>
          %dma_start3A_303 = tpu.memref_squeeze %dma_start3A_302 : memref<1x80xi32, #tpu.memory_space<vmem>> -> memref<80xi32, #tpu.memory_space<vmem>>
          %dma_start3A_304 = arith.constant 0 : i32
          %dma_start3A_305 = arith.constant 0 : i32
          %dma_start3A_306 = tpu.memref_slice %arg6[%dma_start3A_304, %dma_start3A_305] : memref<10000x64xf32, #tpu.memory_space<hbm>> -> memref<10000x64xf32, #tpu.memory_space<hbm>>
          tpu.enqueue_indirect_dma source(%dma_start3A_306 : memref<10000x64xf32, #tpu.memory_space<hbm>>) target(%arg14 : memref<80x64xf32, #tpu.memory_space<vmem>>) offsets(%dma_start3A_303 : memref<80xi32, #tpu.memory_space<vmem>>) semaphore(%arg23 : memref<!tpu.dma_semaphore, #tpu.memory_space<semaphore_mem>>)
        } else {
        }
        %eq3A_290 = arith.constant 1 : i32
        %eq3A_291 = arith.cmpi eq, %arg0, %eq3A_290 : i32
        %convert_element_type3A_292 = arith.extui %eq3A_291 : i1 to i32
        %cond3A_293 = arith.constant 0 : i32
        %cond3A_294 = arith.cmpi ne, %convert_element_type3A_292, %cond3A_293 : i32
        scf.if %cond3A_294 {
          %dma_start3A_295 = arith.constant 0 : i32
          %dma_start3A_296 = tpu.memref_slice %arg9[%add3A_284, %dma_start3A_295] : memref<250x80xi32, #tpu.memory_space<vmem>> -> memref<1x80xi32, #tpu.memory_space<vmem>>
          %dma_start3A_297 = tpu.memref_squeeze %dma_start3A_296 : memref<1x80xi32, #tpu.memory_space<vmem>> -> memref<80xi32, #tpu.memory_space<vmem>>
          %dma_start3A_298 = arith.constant 0 : i32
          %dma_start3A_299 = arith.constant 0 : i32
          %dma_start3A_300 = tpu.memref_slice %arg5[%dma_start3A_298, %dma_start3A_299] : memref<10000x64xf32, #tpu.memory_space<hbm>> -> memref<10000x64xf32, #tpu.memory_space<hbm>>
          tpu.enqueue_indirect_dma source(%dma_start3A_300 : memref<10000x64xf32, #tpu.memory_space<hbm>>) target(%arg12 : memref<80x64xf32, #tpu.memory_space<vmem>>) offsets(%dma_start3A_297 : memref<80xi32, #tpu.memory_space<vmem>>) semaphore(%arg23 : memref<!tpu.dma_semaphore, #tpu.memory_space<semaphore_mem>>)
          %dma_start3A_301 = arith.constant 0 : i32
          %dma_start3A_302 = tpu.memref_slice %arg10[%add3A_284, %dma_start3A_301] : memref<250x80xi32, #tpu.memory_space<vmem>> -> memref<1x80xi32, #tpu.memory_space<vmem>>
          %dma_start3A_303 = tpu.memref_squeeze %dma_start3A_302 : memref<1x80xi32, #tpu.memory_space<vmem>> -> memref<80xi32, #tpu.memory_space<vmem>>
          %dma_start3A_304 = arith.constant 0 : i32
          %dma_start3A_305 = arith.constant 0 : i32
          %dma_start3A_306 = tpu.memref_slice %arg7[%dma_start3A_304, %dma_start3A_305] : memref<10000x64xf32, #tpu.memory_space<hbm>> -> memref<10000x64xf32, #tpu.memory_space<hbm>>
          tpu.enqueue_indirect_dma source(%dma_start3A_306 : memref<10000x64xf32, #tpu.memory_space<hbm>>) target(%arg14 : memref<80x64xf32, #tpu.memory_space<vmem>>) offsets(%dma_start3A_303 : memref<80xi32, #tpu.memory_space<vmem>>) semaphore(%arg23 : memref<!tpu.dma_semaphore, #tpu.memory_space<semaphore_mem>>)
        } else {
        }
      } else {
      }
    }
    %scan3A_87 = arith.constant 125 : i32
    %dma_wait3A = arith.constant 0 : i32
    %dma_wait3A_88 = arith.constant 0 : i32
    %dma_wait3A_89 = tpu.memref_slice %arg9[%dma_wait3A, %dma_wait3A_88] : memref<250x80xi32, #tpu.memory_space<vmem>> -> memref<1x80xi32, #tpu.memory_space<vmem>>
    %dma_wait3A_90 = tpu.memref_squeeze %dma_wait3A_89 : memref<1x80xi32, #tpu.memory_space<vmem>> -> memref<80xi32, #tpu.memory_space<vmem>>
    %dma_wait3A_91 = arith.constant 0 : i32
    %dma_wait3A_92 = arith.constant 0 : i32
    %dma_wait3A_93 = tpu.memref_slice %arg20[%dma_wait3A_91, %dma_wait3A_92] : memref<10000x64xf32, #tpu.memory_space<vmem_shared>> -> memref<10000x64xf32, #tpu.memory_space<vmem_shared>>
    tpu.wait_indirect_dma semaphore(%arg24 : memref<!tpu.dma_semaphore, #tpu.memory_space<semaphore_mem>>) src(%arg15 : memref<80x64xf32, #tpu.memory_space<vmem>>) dst(%dma_wait3A_93 : memref<10000x64xf32, #tpu.memory_space<vmem_shared>>)
    %dma_wait3A_94 = arith.constant 0 : i32
    %dma_wait3A_95 = arith.constant 0 : i32
    %dma_wait3A_96 = tpu.memref_slice %arg9[%dma_wait3A_94, %dma_wait3A_95] : memref<250x80xi32, #tpu.memory_space<vmem>> -> memref<1x80xi32, #tpu.memory_space<vmem>>
    %dma_wait3A_97 = tpu.memref_squeeze %dma_wait3A_96 : memref<1x80xi32, #tpu.memory_space<vmem>> -> memref<80xi32, #tpu.memory_space<vmem>>
    %dma_wait3A_98 = arith.constant 0 : i32
    %dma_wait3A_99 = arith.constant 0 : i32
    %dma_wait3A_100 = tpu.memref_slice %arg20[%dma_wait3A_98, %dma_wait3A_99] : memref<10000x64xf32, #tpu.memory_space<vmem_shared>> -> memref<10000x64xf32, #tpu.memory_space<vmem_shared>>
    tpu.wait_indirect_dma semaphore(%arg25 : memref<!tpu.dma_semaphore, #tpu.memory_space<semaphore_mem>>) src(%arg16 : memref<80x64xf32, #tpu.memory_space<vmem>>) dst(%dma_wait3A_100 : memref<10000x64xf32, #tpu.memory_space<vmem_shared>>)
    %dma_wait3A_101 = arith.constant 0 : i32
    %dma_wait3A_102 = arith.constant 0 : i32
    %dma_wait3A_103 = tpu.memref_slice %arg9[%dma_wait3A_101, %dma_wait3A_102] : memref<250x80xi32, #tpu.memory_space<vmem>> -> memref<1x80xi32, #tpu.memory_space<vmem>>
    %dma_wait3A_104 = tpu.memref_squeeze %dma_wait3A_103 : memref<1x80xi32, #tpu.memory_space<vmem>> -> memref<80xi32, #tpu.memory_space<vmem>>
    %dma_wait3A_105 = arith.constant 0 : i32
    %dma_wait3A_106 = arith.constant 0 : i32
    %dma_wait3A_107 = tpu.memref_slice %arg21[%dma_wait3A_105, %dma_wait3A_106] : memref<10000x16xf32, #tpu.memory_space<vmem_shared>> -> memref<10000x16xf32, #tpu.memory_space<vmem_shared>>
    tpu.wait_indirect_dma semaphore(%arg26 : memref<!tpu.dma_semaphore, #tpu.memory_space<semaphore_mem>>) src(%arg17 : memref<80x16xf32, #tpu.memory_space<vmem>>) dst(%dma_wait3A_107 : memref<10000x16xf32, #tpu.memory_space<vmem_shared>>)
    %dma_wait3A_108 = arith.constant 0 : i32
    %dma_wait3A_109 = arith.constant 0 : i32
    %dma_wait3A_110 = tpu.memref_slice %arg9[%dma_wait3A_108, %dma_wait3A_109] : memref<250x80xi32, #tpu.memory_space<vmem>> -> memref<1x80xi32, #tpu.memory_space<vmem>>
    %dma_wait3A_111 = tpu.memref_squeeze %dma_wait3A_110 : memref<1x80xi32, #tpu.memory_space<vmem>> -> memref<80xi32, #tpu.memory_space<vmem>>
    %dma_wait3A_112 = arith.constant 0 : i32
    %dma_wait3A_113 = arith.constant 0 : i32
    %dma_wait3A_114 = tpu.memref_slice %arg21[%dma_wait3A_112, %dma_wait3A_113] : memref<10000x16xf32, #tpu.memory_space<vmem_shared>> -> memref<10000x16xf32, #tpu.memory_space<vmem_shared>>
    tpu.wait_indirect_dma semaphore(%arg27 : memref<!tpu.dma_semaphore, #tpu.memory_space<semaphore_mem>>) src(%arg17 : memref<80x16xf32, #tpu.memory_space<vmem>>) dst(%dma_wait3A_114 : memref<10000x16xf32, #tpu.memory_space<vmem_shared>>)
    %barrier3A_115 = arith.constant 0 : index
    tpu.barrier barrier_id(%barrier3A_115)
    %mul3A_116 = arith.constant 624 : i32
    %mul3A_117 = arith.muli %arg1, %mul3A_116 : i32
    %add3A_118 = arith.constant 0 : i32
    %add3A_119 = arith.addi %mul3A_117, %add3A_118 : i32
    "tpu.region"() ({
      %run_scoped3A = tpu.sem_alloc : memref<!tpu.dma_semaphore, #tpu.memory_space<semaphore_mem>>
      %dma_start3A = arith.constant 0 : i32
      %dma_start3A_193 = arith.constant 0 : i32
      %dma_start3A_194 = tpu.memref_slice %arg18[%dma_start3A, %dma_start3A_193] : memref<104x64xf32, #tpu.memory_space<vmem>> -> memref<104x64xf32, #tpu.memory_space<vmem>>
      %dma_start3A_195 = arith.constant 0 : i32
      %dma_start3A_196 = tpu.memref_slice %arg20[%add3A_119, %dma_start3A_195] : memref<10000x64xf32, #tpu.memory_space<vmem_shared>> -> memref<104x64xf32, #tpu.memory_space<vmem_shared>>
      %dma_start3A_197 = arith.constant 0 : i32
      %dma_start3A_198 = arith.constant 0 : i32
      %dma_start3A_199 = tpu.memref_slice %arg18[%dma_start3A_197, %dma_start3A_198] : memref<104x64xf32, #tpu.memory_space<vmem>> -> memref<104x64xf32, #tpu.memory_space<vmem>>
      %dma_start3A_200 = arith.constant 0 : i32
      %dma_start3A_201 = tpu.memref_slice %arg20[%add3A_119, %dma_start3A_200] : memref<10000x64xf32, #tpu.memory_space<vmem_shared>> -> memref<104x64xf32, #tpu.memory_space<vmem_shared>>
      tpu.enqueue_dma source(%dma_start3A_201 : memref<104x64xf32, #tpu.memory_space<vmem_shared>>) target(%dma_start3A_199 : memref<104x64xf32, #tpu.memory_space<vmem>>) target_semaphore(%run_scoped3A : memref<!tpu.dma_semaphore, #tpu.memory_space<semaphore_mem>>)
      %dma_wait3A_202 = arith.constant 0 : i32
      %dma_wait3A_203 = arith.constant 0 : i32
      %dma_wait3A_204 = tpu.memref_slice %arg18[%dma_wait3A_202, %dma_wait3A_203] : memref<104x64xf32, #tpu.memory_space<vmem>> -> memref<104x64xf32, #tpu.memory_space<vmem>>
      %dma_wait3A_205 = arith.constant 0 : i32
      %dma_wait3A_206 = tpu.memref_slice %arg20[%add3A_119, %dma_wait3A_205] : memref<10000x64xf32, #tpu.memory_space<vmem_shared>> -> memref<104x64xf32, #tpu.memory_space<vmem_shared>>
      %dma_wait3A_207 = arith.constant 0 : i32
      %dma_wait3A_208 = arith.constant 0 : i32
      %dma_wait3A_209 = tpu.memref_slice %arg18[%dma_wait3A_207, %dma_wait3A_208] : memref<104x64xf32, #tpu.memory_space<vmem>> -> memref<104x64xf32, #tpu.memory_space<vmem>>
      %dma_wait3A_210 = arith.constant 0 : i32
      %dma_wait3A_211 = tpu.memref_slice %arg20[%add3A_119, %dma_wait3A_210] : memref<10000x64xf32, #tpu.memory_space<vmem_shared>> -> memref<104x64xf32, #tpu.memory_space<vmem_shared>>
      tpu.wait_dma2 semaphore(%run_scoped3A : memref<!tpu.dma_semaphore, #tpu.memory_space<semaphore_mem>>) src(%dma_wait3A_211 : memref<104x64xf32, #tpu.memory_space<vmem_shared>>) dst(%dma_wait3A_209 : memref<104x64xf32, #tpu.memory_space<vmem>>)
      tpu.yield
    }) : () -> ()
    "tpu.region"() ({
      %run_scoped3A = tpu.sem_alloc : memref<!tpu.dma_semaphore, #tpu.memory_space<semaphore_mem>>
      %dma_start3A = arith.constant 0 : i32
      %dma_start3A_193 = arith.constant 0 : i32
      %dma_start3A_194 = tpu.memref_slice %arg19[%dma_start3A, %dma_start3A_193] : memref<104x16xf32, #tpu.memory_space<vmem>> -> memref<104x16xf32, #tpu.memory_space<vmem>>
      %dma_start3A_195 = arith.constant 0 : i32
      %dma_start3A_196 = tpu.memref_slice %arg21[%add3A_119, %dma_start3A_195] : memref<10000x16xf32, #tpu.memory_space<vmem_shared>> -> memref<104x16xf32, #tpu.memory_space<vmem_shared>>
      %dma_start3A_197 = arith.constant 0 : i32
      %dma_start3A_198 = arith.constant 0 : i32
      %dma_start3A_199 = tpu.memref_slice %arg19[%dma_start3A_197, %dma_start3A_198] : memref<104x16xf32, #tpu.memory_space<vmem>> -> memref<104x16xf32, #tpu.memory_space<vmem>>
      %dma_start3A_200 = arith.constant 0 : i32
      %dma_start3A_201 = tpu.memref_slice %arg21[%add3A_119, %dma_start3A_200] : memref<10000x16xf32, #tpu.memory_space<vmem_shared>> -> memref<104x16xf32, #tpu.memory_space<vmem_shared>>
      tpu.enqueue_dma source(%dma_start3A_201 : memref<104x16xf32, #tpu.memory_space<vmem_shared>>) target(%dma_start3A_199 : memref<104x16xf32, #tpu.memory_space<vmem>>) target_semaphore(%run_scoped3A : memref<!tpu.dma_semaphore, #tpu.memory_space<semaphore_mem>>)
      %dma_wait3A_202 = arith.constant 0 : i32
      %dma_wait3A_203 = arith.constant 0 : i32
      %dma_wait3A_204 = tpu.memref_slice %arg19[%dma_wait3A_202, %dma_wait3A_203] : memref<104x16xf32, #tpu.memory_space<vmem>> -> memref<104x16xf32, #tpu.memory_space<vmem>>
      %dma_wait3A_205 = arith.constant 0 : i32
      %dma_wait3A_206 = tpu.memref_slice %arg21[%add3A_119, %dma_wait3A_205] : memref<10000x16xf32, #tpu.memory_space<vmem_shared>> -> memref<104x16xf32, #tpu.memory_space<vmem_shared>>
      %dma_wait3A_207 = arith.constant 0 : i32
      %dma_wait3A_208 = arith.constant 0 : i32
      %dma_wait3A_209 = tpu.memref_slice %arg19[%dma_wait3A_207, %dma_wait3A_208] : memref<104x16xf32, #tpu.memory_space<vmem>> -> memref<104x16xf32, #tpu.memory_space<vmem>>
      %dma_wait3A_210 = arith.constant 0 : i32
      %dma_wait3A_211 = tpu.memref_slice %arg21[%add3A_119, %dma_wait3A_210] : memref<10000x16xf32, #tpu.memory_space<vmem_shared>> -> memref<104x16xf32, #tpu.memory_space<vmem_shared>>
      tpu.wait_dma2 semaphore(%run_scoped3A : memref<!tpu.dma_semaphore, #tpu.memory_space<semaphore_mem>>) src(%dma_wait3A_211 : memref<104x16xf32, #tpu.memory_space<vmem_shared>>) dst(%dma_wait3A_209 : memref<104x16xf32, #tpu.memory_space<vmem>>)
      tpu.yield
    }) : () -> ()
    %scan3A_120 = arith.constant 0 : i32
    %scan3A_121 = arith.constant 0 : i32
    %scan3A_122 = arith.constant 104 : i32
    %scan3A_123 = arith.addi %scan3A_121, %scan3A_122 : i32
    %scan3A_124 = arith.constant 1 : i32
    scf.for %scan3A_193 = %scan3A_121 to %scan3A_123 step %scan3A_124  : i32 {
      %get3A = arith.index_cast %scan3A_193 : i32 to index
      %get3A_194 = arith.constant 0 : index
      %get3A_195 = tpu.vector_load %arg19[%get3A, %get3A_194] {strides = array<i32>} : memref<104x16xf32, #tpu.memory_space<vmem>>, vector<1x16xf32>,
      %get3A_196 = vector.shape_cast %get3A_195 : vector<1x16xf32> to vector<16xf32>
      %add3A_197 = arith.constant 9.99999993E-9 : f32
      %add3A_198 = vector.broadcast %add3A_197 : f32 to vector<16xf32>
      %add3A_199 = arith.addf %get3A_196, %add3A_198 : vector<16xf32>
      %div3A = arith.constant 1.000000e+00 : f32
      %div3A_200 = vector.broadcast %div3A : f32 to vector<16xf32>
      %div3A_201 = arith.divf %div3A_200, %add3A_199 : vector<16xf32>
      %get3A_202 = arith.index_cast %scan3A_193 : i32 to index
      %get3A_203 = arith.constant 0 : index
      %get3A_204 = tpu.vector_load %arg18[%get3A_202, %get3A_203] {strides = array<i32>} : memref<104x64xf32, #tpu.memory_space<vmem>>, vector<1x16xf32>,
      %get3A_205 = vector.shape_cast %get3A_204 : vector<1x16xf32> to vector<16xf32>
      %mul3A_206 = arith.mulf %get3A_205, %div3A_201 : vector<16xf32>
      %swap3A = arith.index_cast %scan3A_193 : i32 to index
      %swap3A_207 = arith.constant 0 : index
      %swap3A_208 = tpu.vector_load %arg18[%swap3A, %swap3A_207] {strides = array<i32>} : memref<104x64xf32, #tpu.memory_space<vmem>>, vector<1x16xf32>,
      %swap3A_209 = vector.shape_cast %swap3A_208 : vector<1x16xf32> to vector<16xf32>
      %swap3A_210 = vector.shape_cast %mul3A_206 : vector<16xf32> to vector<1x16xf32>
      tpu.vector_store %arg18[%swap3A, %swap3A_207], %swap3A_210 {strides = array<i32>} : memref<104x64xf32, #tpu.memory_space<vmem>>, vector<1x16xf32>,
      %get3A_211 = arith.index_cast %scan3A_193 : i32 to index
      %get3A_212 = arith.constant 16 : index
      %get3A_213 = tpu.vector_load %arg18[%get3A_211, %get3A_212] {strides = array<i32>} : memref<104x64xf32, #tpu.memory_space<vmem>>, vector<1x16xf32>,
      %get3A_214 = vector.shape_cast %get3A_213 : vector<1x16xf32> to vector<16xf32>
      %mul3A_215 = arith.mulf %get3A_214, %div3A_201 : vector<16xf32>
      %swap3A_216 = arith.index_cast %scan3A_193 : i32 to index
      %swap3A_217 = arith.constant 16 : index
      %swap3A_218 = tpu.vector_load %arg18[%swap3A_216, %swap3A_217] {strides = array<i32>} : memref<104x64xf32, #tpu.memory_space<vmem>>, vector<1x16xf32>,
      %swap3A_219 = vector.shape_cast %swap3A_218 : vector<1x16xf32> to vector<16xf32>
      %swap3A_220 = vector.shape_cast %mul3A_215 : vector<16xf32> to vector<1x16xf32>
      tpu.vector_store %arg18[%swap3A_216, %swap3A_217], %swap3A_220 {strides = array<i32>} : memref<104x64xf32, #tpu.memory_space<vmem>>, vector<1x16xf32>,
      %get3A_221 = arith.index_cast %scan3A_193 : i32 to index
      %get3A_222 = arith.constant 32 : index
      %get3A_223 = tpu.vector_load %arg18[%get3A_221, %get3A_222] {strides = array<i32>} : memref<104x64xf32, #tpu.memory_space<vmem>>, vector<1x16xf32>,
      %get3A_224 = vector.shape_cast %get3A_223 : vector<1x16xf32> to vector<16xf32>
      %mul3A_225 = arith.mulf %get3A_224, %div3A_201 : vector<16xf32>
      %swap3A_226 = arith.index_cast %scan3A_193 : i32 to index
      %swap3A_227 = arith.constant 32 : index
      %swap3A_228 = tpu.vector_load %arg18[%swap3A_226, %swap3A_227] {strides = array<i32>} : memref<104x64xf32, #tpu.memory_space<vmem>>, vector<1x16xf32>,
      %swap3A_229 = vector.shape_cast %swap3A_228 : vector<1x16xf32> to vector<16xf32>
      %swap3A_230 = vector.shape_cast %mul3A_225 : vector<16xf32> to vector<1x16xf32>
      tpu.vector_store %arg18[%swap3A_226, %swap3A_227], %swap3A_230 {strides = array<i32>} : memref<104x64xf32, #tpu.memory_space<vmem>>, vector<1x16xf32>,
      %get3A_231 = arith.index_cast %scan3A_193 : i32 to index
      %get3A_232 = arith.constant 48 : index
      %get3A_233 = tpu.vector_load %arg18[%get3A_231, %get3A_232] {strides = array<i32>} : memref<104x64xf32, #tpu.memory_space<vmem>>, vector<1x16xf32>,
      %get3A_234 = vector.shape_cast %get3A_233 : vector<1x16xf32> to vector<16xf32>
      %mul3A_235 = arith.mulf %get3A_234, %div3A_201 : vector<16xf32>
      %swap3A_236 = arith.index_cast %scan3A_193 : i32 to index
      %swap3A_237 = arith.constant 48 : index
      %swap3A_238 = tpu.vector_load %arg18[%swap3A_236, %swap3A_237] {strides = array<i32>} : memref<104x64xf32, #tpu.memory_space<vmem>>, vector<1x16xf32>,
      %swap3A_239 = vector.shape_cast %swap3A_238 : vector<1x16xf32> to vector<16xf32>
      %swap3A_240 = vector.shape_cast %mul3A_235 : vector<16xf32> to vector<1x16xf32>
      tpu.vector_store %arg18[%swap3A_236, %swap3A_237], %swap3A_240 {strides = array<i32>} : memref<104x64xf32, #tpu.memory_space<vmem>>, vector<1x16xf32>,
    }
    %scan3A_125 = arith.constant 104 : i32
    %mul3A_126 = arith.constant 64 : i32
    %mul3A_127 = arith.muli %arg0, %mul3A_126 : i32
    "tpu.region"() ({
      %run_scoped3A = tpu.sem_alloc : memref<!tpu.dma_semaphore, #tpu.memory_space<semaphore_mem>>
      %dma_start3A = arith.constant 0 : i32
      %dma_start3A_193 = arith.constant 0 : i32
      %dma_start3A_194 = tpu.memref_slice %arg18[%dma_start3A, %dma_start3A_193] : memref<104x64xf32, #tpu.memory_space<vmem>> -> memref<104x64xf32, #tpu.memory_space<vmem>>
      %dma_start3A_195 = tpu.memref_slice %arg8[%add3A_119, %mul3A_127] : memref<10000x128xf32, #tpu.memory_space<hbm>> -> memref<104x64xf32, #tpu.memory_space<hbm>>
      %dma_start3A_196 = tpu.memref_slice %arg8[%add3A_119, %mul3A_127] : memref<10000x128xf32, #tpu.memory_space<hbm>> -> memref<104x64xf32, #tpu.memory_space<hbm>>
      %dma_start3A_197 = arith.constant 0 : i32
      %dma_start3A_198 = arith.constant 0 : i32
      %dma_start3A_199 = tpu.memref_slice %arg18[%dma_start3A_197, %dma_start3A_198] : memref<104x64xf32, #tpu.memory_space<vmem>> -> memref<104x64xf32, #tpu.memory_space<vmem>>
      tpu.enqueue_dma source(%dma_start3A_199 : memref<104x64xf32, #tpu.memory_space<vmem>>) target(%dma_start3A_196 : memref<104x64xf32, #tpu.memory_space<hbm>>) target_semaphore(%run_scoped3A : memref<!tpu.dma_semaphore, #tpu.memory_space<semaphore_mem>>)
      %dma_wait3A_200 = arith.constant 0 : i32
      %dma_wait3A_201 = arith.constant 0 : i32
      %dma_wait3A_202 = tpu.memref_slice %arg18[%dma_wait3A_200, %dma_wait3A_201] : memref<104x64xf32, #tpu.memory_space<vmem>> -> memref<104x64xf32, #tpu.memory_space<vmem>>
      %dma_wait3A_203 = tpu.memref_slice %arg8[%add3A_119, %mul3A_127] : memref<10000x128xf32, #tpu.memory_space<hbm>> -> memref<104x64xf32, #tpu.memory_space<hbm>>
      %dma_wait3A_204 = tpu.memref_slice %arg8[%add3A_119, %mul3A_127] : memref<10000x128xf32, #tpu.memory_space<hbm>> -> memref<104x64xf32, #tpu.memory_space<hbm>>
      %dma_wait3A_205 = arith.constant 0 : i32
      %dma_wait3A_206 = arith.constant 0 : i32
      %dma_wait3A_207 = tpu.memref_slice %arg18[%dma_wait3A_205, %dma_wait3A_206] : memref<104x64xf32, #tpu.memory_space<vmem>> -> memref<104x64xf32, #tpu.memory_space<vmem>>
      tpu.wait_dma2 semaphore(%run_scoped3A : memref<!tpu.dma_semaphore, #tpu.memory_space<semaphore_mem>>) src(%dma_wait3A_207 : memref<104x64xf32, #tpu.memory_space<vmem>>) dst(%dma_wait3A_204 : memref<104x64xf32, #tpu.memory_space<hbm>>)
      tpu.yield
    }) : () -> ()
    %mul3A_128 = arith.constant 624 : i32
    %mul3A_129 = arith.muli %arg1, %mul3A_128 : i32
    %add3A_130 = arith.constant 104 : i32
    %add3A_131 = arith.addi %mul3A_129, %add3A_130 : i32
    "tpu.region"() ({
      %run_scoped3A = tpu.sem_alloc : memref<!tpu.dma_semaphore, #tpu.memory_space<semaphore_mem>>
      %dma_start3A = arith.constant 0 : i32
      %dma_start3A_193 = arith.constant 0 : i32
      %dma_start3A_194 = tpu.memref_slice %arg18[%dma_start3A, %dma_start3A_193] : memref<104x64xf32, #tpu.memory_space<vmem>> -> memref<104x64xf32, #tpu.memory_space<vmem>>
      %dma_start3A_195 = arith.constant 0 : i32
      %dma_start3A_196 = tpu.memref_slice %arg20[%add3A_131, %dma_start3A_195] : memref<10000x64xf32, #tpu.memory_space<vmem_shared>> -> memref<104x64xf32, #tpu.memory_space<vmem_shared>>
      %dma_start3A_197 = arith.constant 0 : i32
      %dma_start3A_198 = arith.constant 0 : i32
      %dma_start3A_199 = tpu.memref_slice %arg18[%dma_start3A_197, %dma_start3A_198] : memref<104x64xf32, #tpu.memory_space<vmem>> -> memref<104x64xf32, #tpu.memory_space<vmem>>
      %dma_start3A_200 = arith.constant 0 : i32
      %dma_start3A_201 = tpu.memref_slice %arg20[%add3A_131, %dma_start3A_200] : memref<10000x64xf32, #tpu.memory_space<vmem_shared>> -> memref<104x64xf32, #tpu.memory_space<vmem_shared>>
      tpu.enqueue_dma source(%dma_start3A_201 : memref<104x64xf32, #tpu.memory_space<vmem_shared>>) target(%dma_start3A_199 : memref<104x64xf32, #tpu.memory_space<vmem>>) target_semaphore(%run_scoped3A : memref<!tpu.dma_semaphore, #tpu.memory_space<semaphore_mem>>)
      %dma_wait3A_202 = arith.constant 0 : i32
      %dma_wait3A_203 = arith.constant 0 : i32
      %dma_wait3A_204 = tpu.memref_slice %arg18[%dma_wait3A_202, %dma_wait3A_203] : memref<104x64xf32, #tpu.memory_space<vmem>> -> memref<104x64xf32, #tpu.memory_space<vmem>>
      %dma_wait3A_205 = arith.constant 0 : i32
      %dma_wait3A_206 = tpu.memref_slice %arg20[%add3A_131, %dma_wait3A_205] : memref<10000x64xf32, #tpu.memory_space<vmem_shared>> -> memref<104x64xf32, #tpu.memory_space<vmem_shared>>
      %dma_wait3A_207 = arith.constant 0 : i32
      %dma_wait3A_208 = arith.constant 0 : i32
      %dma_wait3A_209 = tpu.memref_slice %arg18[%dma_wait3A_207, %dma_wait3A_208] : memref<104x64xf32, #tpu.memory_space<vmem>> -> memref<104x64xf32, #tpu.memory_space<vmem>>
      %dma_wait3A_210 = arith.constant 0 : i32
      %dma_wait3A_211 = tpu.memref_slice %arg20[%add3A_131, %dma_wait3A_210] : memref<10000x64xf32, #tpu.memory_space<vmem_shared>> -> memref<104x64xf32, #tpu.memory_space<vmem_shared>>
      tpu.wait_dma2 semaphore(%run_scoped3A : memref<!tpu.dma_semaphore, #tpu.memory_space<semaphore_mem>>) src(%dma_wait3A_211 : memref<104x64xf32, #tpu.memory_space<vmem_shared>>) dst(%dma_wait3A_209 : memref<104x64xf32, #tpu.memory_space<vmem>>)
      tpu.yield
    }) : () -> ()
    "tpu.region"() ({
      %run_scoped3A = tpu.sem_alloc : memref<!tpu.dma_semaphore, #tpu.memory_space<semaphore_mem>>
      %dma_start3A = arith.constant 0 : i32
      %dma_start3A_193 = arith.constant 0 : i32
      %dma_start3A_194 = tpu.memref_slice %arg19[%dma_start3A, %dma_start3A_193] : memref<104x16xf32, #tpu.memory_space<vmem>> -> memref<104x16xf32, #tpu.memory_space<vmem>>
      %dma_start3A_195 = arith.constant 0 : i32
      %dma_start3A_196 = tpu.memref_slice %arg21[%add3A_131, %dma_start3A_195] : memref<10000x16xf32, #tpu.memory_space<vmem_shared>> -> memref<104x16xf32, #tpu.memory_space<vmem_shared>>
      %dma_start3A_197 = arith.constant 0 : i32
      %dma_start3A_198 = arith.constant 0 : i32
      %dma_start3A_199 = tpu.memref_slice %arg19[%dma_start3A_197, %dma_start3A_198] : memref<104x16xf32, #tpu.memory_space<vmem>> -> memref<104x16xf32, #tpu.memory_space<vmem>>
      %dma_start3A_200 = arith.constant 0 : i32
      %dma_start3A_201 = tpu.memref_slice %arg21[%add3A_131, %dma_start3A_200] : memref<10000x16xf32, #tpu.memory_space<vmem_shared>> -> memref<104x16xf32, #tpu.memory_space<vmem_shared>>
      tpu.enqueue_dma source(%dma_start3A_201 : memref<104x16xf32, #tpu.memory_space<vmem_shared>>) target(%dma_start3A_199 : memref<104x16xf32, #tpu.memory_space<vmem>>) target_semaphore(%run_scoped3A : memref<!tpu.dma_semaphore, #tpu.memory_space<semaphore_mem>>)
      %dma_wait3A_202 = arith.constant 0 : i32
      %dma_wait3A_203 = arith.constant 0 : i32
      %dma_wait3A_204 = tpu.memref_slice %arg19[%dma_wait3A_202, %dma_wait3A_203] : memref<104x16xf32, #tpu.memory_space<vmem>> -> memref<104x16xf32, #tpu.memory_space<vmem>>
      %dma_wait3A_205 = arith.constant 0 : i32
      %dma_wait3A_206 = tpu.memref_slice %arg21[%add3A_131, %dma_wait3A_205] : memref<10000x16xf32, #tpu.memory_space<vmem_shared>> -> memref<104x16xf32, #tpu.memory_space<vmem_shared>>
      %dma_wait3A_207 = arith.constant 0 : i32
      %dma_wait3A_208 = arith.constant 0 : i32
      %dma_wait3A_209 = tpu.memref_slice %arg19[%dma_wait3A_207, %dma_wait3A_208] : memref<104x16xf32, #tpu.memory_space<vmem>> -> memref<104x16xf32, #tpu.memory_space<vmem>>
      %dma_wait3A_210 = arith.constant 0 : i32
      %dma_wait3A_211 = tpu.memref_slice %arg21[%add3A_131, %dma_wait3A_210] : memref<10000x16xf32, #tpu.memory_space<vmem_shared>> -> memref<104x16xf32, #tpu.memory_space<vmem_shared>>
      tpu.wait_dma2 semaphore(%run_scoped3A : memref<!tpu.dma_semaphore, #tpu.memory_space<semaphore_mem>>) src(%dma_wait3A_211 : memref<104x16xf32, #tpu.memory_space<vmem_shared>>) dst(%dma_wait3A_209 : memref<104x16xf32, #tpu.memory_space<vmem>>)
      tpu.yield
    }) : () -> ()
    %scan3A_132 = arith.constant 0 : i32
    %scan3A_133 = arith.constant 0 : i32
    %scan3A_134 = arith.constant 104 : i32
    %scan3A_135 = arith.addi %scan3A_133, %scan3A_134 : i32
    %scan3A_136 = arith.constant 1 : i32
    scf.for %scan3A_193 = %scan3A_133 to %scan3A_135 step %scan3A_136  : i32 {
      %get3A = arith.index_cast %scan3A_193 : i32 to index
      %get3A_194 = arith.constant 0 : index
      %get3A_195 = tpu.vector_load %arg19[%get3A, %get3A_194] {strides = array<i32>} : memref<104x16xf32, #tpu.memory_space<vmem>>, vector<1x16xf32>,
      %get3A_196 = vector.shape_cast %get3A_195 : vector<1x16xf32> to vector<16xf32>
      %add3A_197 = arith.constant 9.99999993E-9 : f32
      %add3A_198 = vector.broadcast %add3A_197 : f32 to vector<16xf32>
      %add3A_199 = arith.addf %get3A_196, %add3A_198 : vector<16xf32>
      %div3A = arith.constant 1.000000e+00 : f32
      %div3A_200 = vector.broadcast %div3A : f32 to vector<16xf32>
      %div3A_201 = arith.divf %div3A_200, %add3A_199 : vector<16xf32>
      %get3A_202 = arith.index_cast %scan3A_193 : i32 to index
      %get3A_203 = arith.constant 0 : index
      %get3A_204 = tpu.vector_load %arg18[%get3A_202, %get3A_203] {strides = array<i32>} : memref<104x64xf32, #tpu.memory_space<vmem>>, vector<1x16xf32>,
      %get3A_205 = vector.shape_cast %get3A_204 : vector<1x16xf32> to vector<16xf32>
      %mul3A_206 = arith.mulf %get3A_205, %div3A_201 : vector<16xf32>
      %swap3A = arith.index_cast %scan3A_193 : i32 to index
      %swap3A_207 = arith.constant 0 : index
      %swap3A_208 = tpu.vector_load %arg18[%swap3A, %swap3A_207] {strides = array<i32>} : memref<104x64xf32, #tpu.memory_space<vmem>>, vector<1x16xf32>,
      %swap3A_209 = vector.shape_cast %swap3A_208 : vector<1x16xf32> to vector<16xf32>
      %swap3A_210 = vector.shape_cast %mul3A_206 : vector<16xf32> to vector<1x16xf32>
      tpu.vector_store %arg18[%swap3A, %swap3A_207], %swap3A_210 {strides = array<i32>} : memref<104x64xf32, #tpu.memory_space<vmem>>, vector<1x16xf32>,
      %get3A_211 = arith.index_cast %scan3A_193 : i32 to index
      %get3A_212 = arith.constant 16 : index
      %get3A_213 = tpu.vector_load %arg18[%get3A_211, %get3A_212] {strides = array<i32>} : memref<104x64xf32, #tpu.memory_space<vmem>>, vector<1x16xf32>,
      %get3A_214 = vector.shape_cast %get3A_213 : vector<1x16xf32> to vector<16xf32>
      %mul3A_215 = arith.mulf %get3A_214, %div3A_201 : vector<16xf32>
      %swap3A_216 = arith.index_cast %scan3A_193 : i32 to index
      %swap3A_217 = arith.constant 16 : index
      %swap3A_218 = tpu.vector_load %arg18[%swap3A_216, %swap3A_217] {strides = array<i32>} : memref<104x64xf32, #tpu.memory_space<vmem>>, vector<1x16xf32>,
      %swap3A_219 = vector.shape_cast %swap3A_218 : vector<1x16xf32> to vector<16xf32>
      %swap3A_220 = vector.shape_cast %mul3A_215 : vector<16xf32> to vector<1x16xf32>
      tpu.vector_store %arg18[%swap3A_216, %swap3A_217], %swap3A_220 {strides = array<i32>} : memref<104x64xf32, #tpu.memory_space<vmem>>, vector<1x16xf32>,
      %get3A_221 = arith.index_cast %scan3A_193 : i32 to index
      %get3A_222 = arith.constant 32 : index
      %get3A_223 = tpu.vector_load %arg18[%get3A_221, %get3A_222] {strides = array<i32>} : memref<104x64xf32, #tpu.memory_space<vmem>>, vector<1x16xf32>,
      %get3A_224 = vector.shape_cast %get3A_223 : vector<1x16xf32> to vector<16xf32>
      %mul3A_225 = arith.mulf %get3A_224, %div3A_201 : vector<16xf32>
      %swap3A_226 = arith.index_cast %scan3A_193 : i32 to index
      %swap3A_227 = arith.constant 32 : index
      %swap3A_228 = tpu.vector_load %arg18[%swap3A_226, %swap3A_227] {strides = array<i32>} : memref<104x64xf32, #tpu.memory_space<vmem>>, vector<1x16xf32>,
      %swap3A_229 = vector.shape_cast %swap3A_228 : vector<1x16xf32> to vector<16xf32>
      %swap3A_230 = vector.shape_cast %mul3A_225 : vector<16xf32> to vector<1x16xf32>
      tpu.vector_store %arg18[%swap3A_226, %swap3A_227], %swap3A_230 {strides = array<i32>} : memref<104x64xf32, #tpu.memory_space<vmem>>, vector<1x16xf32>,
      %get3A_231 = arith.index_cast %scan3A_193 : i32 to index
      %get3A_232 = arith.constant 48 : index
      %get3A_233 = tpu.vector_load %arg18[%get3A_231, %get3A_232] {strides = array<i32>} : memref<104x64xf32, #tpu.memory_space<vmem>>, vector<1x16xf32>,
      %get3A_234 = vector.shape_cast %get3A_233 : vector<1x16xf32> to vector<16xf32>
      %mul3A_235 = arith.mulf %get3A_234, %div3A_201 : vector<16xf32>
      %swap3A_236 = arith.index_cast %scan3A_193 : i32 to index
      %swap3A_237 = arith.constant 48 : index
      %swap3A_238 = tpu.vector_load %arg18[%swap3A_236, %swap3A_237] {strides = array<i32>} : memref<104x64xf32, #tpu.memory_space<vmem>>, vector<1x16xf32>,
      %swap3A_239 = vector.shape_cast %swap3A_238 : vector<1x16xf32> to vector<16xf32>
      %swap3A_240 = vector.shape_cast %mul3A_235 : vector<16xf32> to vector<1x16xf32>
      tpu.vector_store %arg18[%swap3A_236, %swap3A_237], %swap3A_240 {strides = array<i32>} : memref<104x64xf32, #tpu.memory_space<vmem>>, vector<1x16xf32>,
    }
    %scan3A_137 = arith.constant 104 : i32
    %mul3A_138 = arith.constant 64 : i32
    %mul3A_139 = arith.muli %arg0, %mul3A_138 : i32
    "tpu.region"() ({
      %run_scoped3A = tpu.sem_alloc : memref<!tpu.dma_semaphore, #tpu.memory_space<semaphore_mem>>
      %dma_start3A = arith.constant 0 : i32
      %dma_start3A_193 = arith.constant 0 : i32
      %dma_start3A_194 = tpu.memref_slice %arg18[%dma_start3A, %dma_start3A_193] : memref<104x64xf32, #tpu.memory_space<vmem>> -> memref<104x64xf32, #tpu.memory_space<vmem>>
      %dma_start3A_195 = tpu.memref_slice %arg8[%add3A_131, %mul3A_139] : memref<10000x128xf32, #tpu.memory_space<hbm>> -> memref<104x64xf32, #tpu.memory_space<hbm>>
      %dma_start3A_196 = tpu.memref_slice %arg8[%add3A_131, %mul3A_139] : memref<10000x128xf32, #tpu.memory_space<hbm>> -> memref<104x64xf32, #tpu.memory_space<hbm>>
      %dma_start3A_197 = arith.constant 0 : i32
      %dma_start3A_198 = arith.constant 0 : i32
      %dma_start3A_199 = tpu.memref_slice %arg18[%dma_start3A_197, %dma_start3A_198] : memref<104x64xf32, #tpu.memory_space<vmem>> -> memref<104x64xf32, #tpu.memory_space<vmem>>
      tpu.enqueue_dma source(%dma_start3A_199 : memref<104x64xf32, #tpu.memory_space<vmem>>) target(%dma_start3A_196 : memref<104x64xf32, #tpu.memory_space<hbm>>) target_semaphore(%run_scoped3A : memref<!tpu.dma_semaphore, #tpu.memory_space<semaphore_mem>>)
      %dma_wait3A_200 = arith.constant 0 : i32
      %dma_wait3A_201 = arith.constant 0 : i32
      %dma_wait3A_202 = tpu.memref_slice %arg18[%dma_wait3A_200, %dma_wait3A_201] : memref<104x64xf32, #tpu.memory_space<vmem>> -> memref<104x64xf32, #tpu.memory_space<vmem>>
      %dma_wait3A_203 = tpu.memref_slice %arg8[%add3A_131, %mul3A_139] : memref<10000x128xf32, #tpu.memory_space<hbm>> -> memref<104x64xf32, #tpu.memory_space<hbm>>
      %dma_wait3A_204 = tpu.memref_slice %arg8[%add3A_131, %mul3A_139] : memref<10000x128xf32, #tpu.memory_space<hbm>> -> memref<104x64xf32, #tpu.memory_space<hbm>>
      %dma_wait3A_205 = arith.constant 0 : i32
      %dma_wait3A_206 = arith.constant 0 : i32
      %dma_wait3A_207 = tpu.memref_slice %arg18[%dma_wait3A_205, %dma_wait3A_206] : memref<104x64xf32, #tpu.memory_space<vmem>> -> memref<104x64xf32, #tpu.memory_space<vmem>>
      tpu.wait_dma2 semaphore(%run_scoped3A : memref<!tpu.dma_semaphore, #tpu.memory_space<semaphore_mem>>) src(%dma_wait3A_207 : memref<104x64xf32, #tpu.memory_space<vmem>>) dst(%dma_wait3A_204 : memref<104x64xf32, #tpu.memory_space<hbm>>)
      tpu.yield
    }) : () -> ()
    %mul3A_140 = arith.constant 624 : i32
    %mul3A_141 = arith.muli %arg1, %mul3A_140 : i32
    %add3A_142 = arith.constant 208 : i32
    %add3A_143 = arith.addi %mul3A_141, %add3A_142 : i32
    "tpu.region"() ({
      %run_scoped3A = tpu.sem_alloc : memref<!tpu.dma_semaphore, #tpu.memory_space<semaphore_mem>>
      %dma_start3A = arith.constant 0 : i32
      %dma_start3A_193 = arith.constant 0 : i32
      %dma_start3A_194 = tpu.memref_slice %arg18[%dma_start3A, %dma_start3A_193] : memref<104x64xf32, #tpu.memory_space<vmem>> -> memref<104x64xf32, #tpu.memory_space<vmem>>
      %dma_start3A_195 = arith.constant 0 : i32
      %dma_start3A_196 = tpu.memref_slice %arg20[%add3A_143, %dma_start3A_195] : memref<10000x64xf32, #tpu.memory_space<vmem_shared>> -> memref<104x64xf32, #tpu.memory_space<vmem_shared>>
      %dma_start3A_197 = arith.constant 0 : i32
      %dma_start3A_198 = arith.constant 0 : i32
      %dma_start3A_199 = tpu.memref_slice %arg18[%dma_start3A_197, %dma_start3A_198] : memref<104x64xf32, #tpu.memory_space<vmem>> -> memref<104x64xf32, #tpu.memory_space<vmem>>
      %dma_start3A_200 = arith.constant 0 : i32
      %dma_start3A_201 = tpu.memref_slice %arg20[%add3A_143, %dma_start3A_200] : memref<10000x64xf32, #tpu.memory_space<vmem_shared>> -> memref<104x64xf32, #tpu.memory_space<vmem_shared>>
      tpu.enqueue_dma source(%dma_start3A_201 : memref<104x64xf32, #tpu.memory_space<vmem_shared>>) target(%dma_start3A_199 : memref<104x64xf32, #tpu.memory_space<vmem>>) target_semaphore(%run_scoped3A : memref<!tpu.dma_semaphore, #tpu.memory_space<semaphore_mem>>)
      %dma_wait3A_202 = arith.constant 0 : i32
      %dma_wait3A_203 = arith.constant 0 : i32
      %dma_wait3A_204 = tpu.memref_slice %arg18[%dma_wait3A_202, %dma_wait3A_203] : memref<104x64xf32, #tpu.memory_space<vmem>> -> memref<104x64xf32, #tpu.memory_space<vmem>>
      %dma_wait3A_205 = arith.constant 0 : i32
      %dma_wait3A_206 = tpu.memref_slice %arg20[%add3A_143, %dma_wait3A_205] : memref<10000x64xf32, #tpu.memory_space<vmem_shared>> -> memref<104x64xf32, #tpu.memory_space<vmem_shared>>
      %dma_wait3A_207 = arith.constant 0 : i32
      %dma_wait3A_208 = arith.constant 0 : i32
      %dma_wait3A_209 = tpu.memref_slice %arg18[%dma_wait3A_207, %dma_wait3A_208] : memref<104x64xf32, #tpu.memory_space<vmem>> -> memref<104x64xf32, #tpu.memory_space<vmem>>
      %dma_wait3A_210 = arith.constant 0 : i32
      %dma_wait3A_211 = tpu.memref_slice %arg20[%add3A_143, %dma_wait3A_210] : memref<10000x64xf32, #tpu.memory_space<vmem_shared>> -> memref<104x64xf32, #tpu.memory_space<vmem_shared>>
      tpu.wait_dma2 semaphore(%run_scoped3A : memref<!tpu.dma_semaphore, #tpu.memory_space<semaphore_mem>>) src(%dma_wait3A_211 : memref<104x64xf32, #tpu.memory_space<vmem_shared>>) dst(%dma_wait3A_209 : memref<104x64xf32, #tpu.memory_space<vmem>>)
      tpu.yield
    }) : () -> ()
    "tpu.region"() ({
      %run_scoped3A = tpu.sem_alloc : memref<!tpu.dma_semaphore, #tpu.memory_space<semaphore_mem>>
      %dma_start3A = arith.constant 0 : i32
      %dma_start3A_193 = arith.constant 0 : i32
      %dma_start3A_194 = tpu.memref_slice %arg19[%dma_start3A, %dma_start3A_193] : memref<104x16xf32, #tpu.memory_space<vmem>> -> memref<104x16xf32, #tpu.memory_space<vmem>>
      %dma_start3A_195 = arith.constant 0 : i32
      %dma_start3A_196 = tpu.memref_slice %arg21[%add3A_143, %dma_start3A_195] : memref<10000x16xf32, #tpu.memory_space<vmem_shared>> -> memref<104x16xf32, #tpu.memory_space<vmem_shared>>
      %dma_start3A_197 = arith.constant 0 : i32
      %dma_start3A_198 = arith.constant 0 : i32
      %dma_start3A_199 = tpu.memref_slice %arg19[%dma_start3A_197, %dma_start3A_198] : memref<104x16xf32, #tpu.memory_space<vmem>> -> memref<104x16xf32, #tpu.memory_space<vmem>>
      %dma_start3A_200 = arith.constant 0 : i32
      %dma_start3A_201 = tpu.memref_slice %arg21[%add3A_143, %dma_start3A_200] : memref<10000x16xf32, #tpu.memory_space<vmem_shared>> -> memref<104x16xf32, #tpu.memory_space<vmem_shared>>
      tpu.enqueue_dma source(%dma_start3A_201 : memref<104x16xf32, #tpu.memory_space<vmem_shared>>) target(%dma_start3A_199 : memref<104x16xf32, #tpu.memory_space<vmem>>) target_semaphore(%run_scoped3A : memref<!tpu.dma_semaphore, #tpu.memory_space<semaphore_mem>>)
      %dma_wait3A_202 = arith.constant 0 : i32
      %dma_wait3A_203 = arith.constant 0 : i32
      %dma_wait3A_204 = tpu.memref_slice %arg19[%dma_wait3A_202, %dma_wait3A_203] : memref<104x16xf32, #tpu.memory_space<vmem>> -> memref<104x16xf32, #tpu.memory_space<vmem>>
      %dma_wait3A_205 = arith.constant 0 : i32
      %dma_wait3A_206 = tpu.memref_slice %arg21[%add3A_143, %dma_wait3A_205] : memref<10000x16xf32, #tpu.memory_space<vmem_shared>> -> memref<104x16xf32, #tpu.memory_space<vmem_shared>>
      %dma_wait3A_207 = arith.constant 0 : i32
      %dma_wait3A_208 = arith.constant 0 : i32
      %dma_wait3A_209 = tpu.memref_slice %arg19[%dma_wait3A_207, %dma_wait3A_208] : memref<104x16xf32, #tpu.memory_space<vmem>> -> memref<104x16xf32, #tpu.memory_space<vmem>>
      %dma_wait3A_210 = arith.constant 0 : i32
      %dma_wait3A_211 = tpu.memref_slice %arg21[%add3A_143, %dma_wait3A_210] : memref<10000x16xf32, #tpu.memory_space<vmem_shared>> -> memref<104x16xf32, #tpu.memory_space<vmem_shared>>
      tpu.wait_dma2 semaphore(%run_scoped3A : memref<!tpu.dma_semaphore, #tpu.memory_space<semaphore_mem>>) src(%dma_wait3A_211 : memref<104x16xf32, #tpu.memory_space<vmem_shared>>) dst(%dma_wait3A_209 : memref<104x16xf32, #tpu.memory_space<vmem>>)
      tpu.yield
    }) : () -> ()
    %scan3A_144 = arith.constant 0 : i32
    %scan3A_145 = arith.constant 0 : i32
    %scan3A_146 = arith.constant 104 : i32
    %scan3A_147 = arith.addi %scan3A_145, %scan3A_146 : i32
    %scan3A_148 = arith.constant 1 : i32
    scf.for %scan3A_193 = %scan3A_145 to %scan3A_147 step %scan3A_148  : i32 {
      %get3A = arith.index_cast %scan3A_193 : i32 to index
      %get3A_194 = arith.constant 0 : index
      %get3A_195 = tpu.vector_load %arg19[%get3A, %get3A_194] {strides = array<i32>} : memref<104x16xf32, #tpu.memory_space<vmem>>, vector<1x16xf32>,
      %get3A_196 = vector.shape_cast %get3A_195 : vector<1x16xf32> to vector<16xf32>
      %add3A_197 = arith.constant 9.99999993E-9 : f32
      %add3A_198 = vector.broadcast %add3A_197 : f32 to vector<16xf32>
      %add3A_199 = arith.addf %get3A_196, %add3A_198 : vector<16xf32>
      %div3A = arith.constant 1.000000e+00 : f32
      %div3A_200 = vector.broadcast %div3A : f32 to vector<16xf32>
      %div3A_201 = arith.divf %div3A_200, %add3A_199 : vector<16xf32>
      %get3A_202 = arith.index_cast %scan3A_193 : i32 to index
      %get3A_203 = arith.constant 0 : index
      %get3A_204 = tpu.vector_load %arg18[%get3A_202, %get3A_203] {strides = array<i32>} : memref<104x64xf32, #tpu.memory_space<vmem>>, vector<1x16xf32>,
      %get3A_205 = vector.shape_cast %get3A_204 : vector<1x16xf32> to vector<16xf32>
      %mul3A_206 = arith.mulf %get3A_205, %div3A_201 : vector<16xf32>
      %swap3A = arith.index_cast %scan3A_193 : i32 to index
      %swap3A_207 = arith.constant 0 : index
      %swap3A_208 = tpu.vector_load %arg18[%swap3A, %swap3A_207] {strides = array<i32>} : memref<104x64xf32, #tpu.memory_space<vmem>>, vector<1x16xf32>,
      %swap3A_209 = vector.shape_cast %swap3A_208 : vector<1x16xf32> to vector<16xf32>
      %swap3A_210 = vector.shape_cast %mul3A_206 : vector<16xf32> to vector<1x16xf32>
      tpu.vector_store %arg18[%swap3A, %swap3A_207], %swap3A_210 {strides = array<i32>} : memref<104x64xf32, #tpu.memory_space<vmem>>, vector<1x16xf32>,
      %get3A_211 = arith.index_cast %scan3A_193 : i32 to index
      %get3A_212 = arith.constant 16 : index
      %get3A_213 = tpu.vector_load %arg18[%get3A_211, %get3A_212] {strides = array<i32>} : memref<104x64xf32, #tpu.memory_space<vmem>>, vector<1x16xf32>,
      %get3A_214 = vector.shape_cast %get3A_213 : vector<1x16xf32> to vector<16xf32>
      %mul3A_215 = arith.mulf %get3A_214, %div3A_201 : vector<16xf32>
      %swap3A_216 = arith.index_cast %scan3A_193 : i32 to index
      %swap3A_217 = arith.constant 16 : index
      %swap3A_218 = tpu.vector_load %arg18[%swap3A_216, %swap3A_217] {strides = array<i32>} : memref<104x64xf32, #tpu.memory_space<vmem>>, vector<1x16xf32>,
      %swap3A_219 = vector.shape_cast %swap3A_218 : vector<1x16xf32> to vector<16xf32>
      %swap3A_220 = vector.shape_cast %mul3A_215 : vector<16xf32> to vector<1x16xf32>
      tpu.vector_store %arg18[%swap3A_216, %swap3A_217], %swap3A_220 {strides = array<i32>} : memref<104x64xf32, #tpu.memory_space<vmem>>, vector<1x16xf32>,
      %get3A_221 = arith.index_cast %scan3A_193 : i32 to index
      %get3A_222 = arith.constant 32 : index
      %get3A_223 = tpu.vector_load %arg18[%get3A_221, %get3A_222] {strides = array<i32>} : memref<104x64xf32, #tpu.memory_space<vmem>>, vector<1x16xf32>,
      %get3A_224 = vector.shape_cast %get3A_223 : vector<1x16xf32> to vector<16xf32>
      %mul3A_225 = arith.mulf %get3A_224, %div3A_201 : vector<16xf32>
      %swap3A_226 = arith.index_cast %scan3A_193 : i32 to index
      %swap3A_227 = arith.constant 32 : index
      %swap3A_228 = tpu.vector_load %arg18[%swap3A_226, %swap3A_227] {strides = array<i32>} : memref<104x64xf32, #tpu.memory_space<vmem>>, vector<1x16xf32>,
      %swap3A_229 = vector.shape_cast %swap3A_228 : vector<1x16xf32> to vector<16xf32>
      %swap3A_230 = vector.shape_cast %mul3A_225 : vector<16xf32> to vector<1x16xf32>
      tpu.vector_store %arg18[%swap3A_226, %swap3A_227], %swap3A_230 {strides = array<i32>} : memref<104x64xf32, #tpu.memory_space<vmem>>, vector<1x16xf32>,
      %get3A_231 = arith.index_cast %scan3A_193 : i32 to index
      %get3A_232 = arith.constant 48 : index
      %get3A_233 = tpu.vector_load %arg18[%get3A_231, %get3A_232] {strides = array<i32>} : memref<104x64xf32, #tpu.memory_space<vmem>>, vector<1x16xf32>,
      %get3A_234 = vector.shape_cast %get3A_233 : vector<1x16xf32> to vector<16xf32>
      %mul3A_235 = arith.mulf %get3A_234, %div3A_201 : vector<16xf32>
      %swap3A_236 = arith.index_cast %scan3A_193 : i32 to index
      %swap3A_237 = arith.constant 48 : index
      %swap3A_238 = tpu.vector_load %arg18[%swap3A_236, %swap3A_237] {strides = array<i32>} : memref<104x64xf32, #tpu.memory_space<vmem>>, vector<1x16xf32>,
      %swap3A_239 = vector.shape_cast %swap3A_238 : vector<1x16xf32> to vector<16xf32>
      %swap3A_240 = vector.shape_cast %mul3A_235 : vector<16xf32> to vector<1x16xf32>
      tpu.vector_store %arg18[%swap3A_236, %swap3A_237], %swap3A_240 {strides = array<i32>} : memref<104x64xf32, #tpu.memory_space<vmem>>, vector<1x16xf32>,
    }
    %scan3A_149 = arith.constant 104 : i32
    %mul3A_150 = arith.constant 64 : i32
    %mul3A_151 = arith.muli %arg0, %mul3A_150 : i32
    "tpu.region"() ({
      %run_scoped3A = tpu.sem_alloc : memref<!tpu.dma_semaphore, #tpu.memory_space<semaphore_mem>>
      %dma_start3A = arith.constant 0 : i32
      %dma_start3A_193 = arith.constant 0 : i32
      %dma_start3A_194 = tpu.memref_slice %arg18[%dma_start3A, %dma_start3A_193] : memref<104x64xf32, #tpu.memory_space<vmem>> -> memref<104x64xf32, #tpu.memory_space<vmem>>
      %dma_start3A_195 = tpu.memref_slice %arg8[%add3A_143, %mul3A_151] : memref<10000x128xf32, #tpu.memory_space<hbm>> -> memref<104x64xf32, #tpu.memory_space<hbm>>
      %dma_start3A_196 = tpu.memref_slice %arg8[%add3A_143, %mul3A_151] : memref<10000x128xf32, #tpu.memory_space<hbm>> -> memref<104x64xf32, #tpu.memory_space<hbm>>
      %dma_start3A_197 = arith.constant 0 : i32
      %dma_start3A_198 = arith.constant 0 : i32
      %dma_start3A_199 = tpu.memref_slice %arg18[%dma_start3A_197, %dma_start3A_198] : memref<104x64xf32, #tpu.memory_space<vmem>> -> memref<104x64xf32, #tpu.memory_space<vmem>>
      tpu.enqueue_dma source(%dma_start3A_199 : memref<104x64xf32, #tpu.memory_space<vmem>>) target(%dma_start3A_196 : memref<104x64xf32, #tpu.memory_space<hbm>>) target_semaphore(%run_scoped3A : memref<!tpu.dma_semaphore, #tpu.memory_space<semaphore_mem>>)
      %dma_wait3A_200 = arith.constant 0 : i32
      %dma_wait3A_201 = arith.constant 0 : i32
      %dma_wait3A_202 = tpu.memref_slice %arg18[%dma_wait3A_200, %dma_wait3A_201] : memref<104x64xf32, #tpu.memory_space<vmem>> -> memref<104x64xf32, #tpu.memory_space<vmem>>
      %dma_wait3A_203 = tpu.memref_slice %arg8[%add3A_143, %mul3A_151] : memref<10000x128xf32, #tpu.memory_space<hbm>> -> memref<104x64xf32, #tpu.memory_space<hbm>>
      %dma_wait3A_204 = tpu.memref_slice %arg8[%add3A_143, %mul3A_151] : memref<10000x128xf32, #tpu.memory_space<hbm>> -> memref<104x64xf32, #tpu.memory_space<hbm>>
      %dma_wait3A_205 = arith.constant 0 : i32
      %dma_wait3A_206 = arith.constant 0 : i32
      %dma_wait3A_207 = tpu.memref_slice %arg18[%dma_wait3A_205, %dma_wait3A_206] : memref<104x64xf32, #tpu.memory_space<vmem>> -> memref<104x64xf32, #tpu.memory_space<vmem>>
      tpu.wait_dma2 semaphore(%run_scoped3A : memref<!tpu.dma_semaphore, #tpu.memory_space<semaphore_mem>>) src(%dma_wait3A_207 : memref<104x64xf32, #tpu.memory_space<vmem>>) dst(%dma_wait3A_204 : memref<104x64xf32, #tpu.memory_space<hbm>>)
      tpu.yield
    }) : () -> ()
    %mul3A_152 = arith.constant 624 : i32
    %mul3A_153 = arith.muli %arg1, %mul3A_152 : i32
    %add3A_154 = arith.constant 312 : i32
    %add3A_155 = arith.addi %mul3A_153, %add3A_154 : i32
    "tpu.region"() ({
      %run_scoped3A = tpu.sem_alloc : memref<!tpu.dma_semaphore, #tpu.memory_space<semaphore_mem>>
      %dma_start3A = arith.constant 0 : i32
      %dma_start3A_193 = arith.constant 0 : i32
      %dma_start3A_194 = tpu.memref_slice %arg18[%dma_start3A, %dma_start3A_193] : memref<104x64xf32, #tpu.memory_space<vmem>> -> memref<104x64xf32, #tpu.memory_space<vmem>>
      %dma_start3A_195 = arith.constant 0 : i32
      %dma_start3A_196 = tpu.memref_slice %arg20[%add3A_155, %dma_start3A_195] : memref<10000x64xf32, #tpu.memory_space<vmem_shared>> -> memref<104x64xf32, #tpu.memory_space<vmem_shared>>
      %dma_start3A_197 = arith.constant 0 : i32
      %dma_start3A_198 = arith.constant 0 : i32
      %dma_start3A_199 = tpu.memref_slice %arg18[%dma_start3A_197, %dma_start3A_198] : memref<104x64xf32, #tpu.memory_space<vmem>> -> memref<104x64xf32, #tpu.memory_space<vmem>>
      %dma_start3A_200 = arith.constant 0 : i32
      %dma_start3A_201 = tpu.memref_slice %arg20[%add3A_155, %dma_start3A_200] : memref<10000x64xf32, #tpu.memory_space<vmem_shared>> -> memref<104x64xf32, #tpu.memory_space<vmem_shared>>
      tpu.enqueue_dma source(%dma_start3A_201 : memref<104x64xf32, #tpu.memory_space<vmem_shared>>) target(%dma_start3A_199 : memref<104x64xf32, #tpu.memory_space<vmem>>) target_semaphore(%run_scoped3A : memref<!tpu.dma_semaphore, #tpu.memory_space<semaphore_mem>>)
      %dma_wait3A_202 = arith.constant 0 : i32
      %dma_wait3A_203 = arith.constant 0 : i32
      %dma_wait3A_204 = tpu.memref_slice %arg18[%dma_wait3A_202, %dma_wait3A_203] : memref<104x64xf32, #tpu.memory_space<vmem>> -> memref<104x64xf32, #tpu.memory_space<vmem>>
      %dma_wait3A_205 = arith.constant 0 : i32
      %dma_wait3A_206 = tpu.memref_slice %arg20[%add3A_155, %dma_wait3A_205] : memref<10000x64xf32, #tpu.memory_space<vmem_shared>> -> memref<104x64xf32, #tpu.memory_space<vmem_shared>>
      %dma_wait3A_207 = arith.constant 0 : i32
      %dma_wait3A_208 = arith.constant 0 : i32
      %dma_wait3A_209 = tpu.memref_slice %arg18[%dma_wait3A_207, %dma_wait3A_208] : memref<104x64xf32, #tpu.memory_space<vmem>> -> memref<104x64xf32, #tpu.memory_space<vmem>>
      %dma_wait3A_210 = arith.constant 0 : i32
      %dma_wait3A_211 = tpu.memref_slice %arg20[%add3A_155, %dma_wait3A_210] : memref<10000x64xf32, #tpu.memory_space<vmem_shared>> -> memref<104x64xf32, #tpu.memory_space<vmem_shared>>
      tpu.wait_dma2 semaphore(%run_scoped3A : memref<!tpu.dma_semaphore, #tpu.memory_space<semaphore_mem>>) src(%dma_wait3A_211 : memref<104x64xf32, #tpu.memory_space<vmem_shared>>) dst(%dma_wait3A_209 : memref<104x64xf32, #tpu.memory_space<vmem>>)
      tpu.yield
    }) : () -> ()
    "tpu.region"() ({
      %run_scoped3A = tpu.sem_alloc : memref<!tpu.dma_semaphore, #tpu.memory_space<semaphore_mem>>
      %dma_start3A = arith.constant 0 : i32
      %dma_start3A_193 = arith.constant 0 : i32
      %dma_start3A_194 = tpu.memref_slice %arg19[%dma_start3A, %dma_start3A_193] : memref<104x16xf32, #tpu.memory_space<vmem>> -> memref<104x16xf32, #tpu.memory_space<vmem>>
      %dma_start3A_195 = arith.constant 0 : i32
      %dma_start3A_196 = tpu.memref_slice %arg21[%add3A_155, %dma_start3A_195] : memref<10000x16xf32, #tpu.memory_space<vmem_shared>> -> memref<104x16xf32, #tpu.memory_space<vmem_shared>>
      %dma_start3A_197 = arith.constant 0 : i32
      %dma_start3A_198 = arith.constant 0 : i32
      %dma_start3A_199 = tpu.memref_slice %arg19[%dma_start3A_197, %dma_start3A_198] : memref<104x16xf32, #tpu.memory_space<vmem>> -> memref<104x16xf32, #tpu.memory_space<vmem>>
      %dma_start3A_200 = arith.constant 0 : i32
      %dma_start3A_201 = tpu.memref_slice %arg21[%add3A_155, %dma_start3A_200] : memref<10000x16xf32, #tpu.memory_space<vmem_shared>> -> memref<104x16xf32, #tpu.memory_space<vmem_shared>>
      tpu.enqueue_dma source(%dma_start3A_201 : memref<104x16xf32, #tpu.memory_space<vmem_shared>>) target(%dma_start3A_199 : memref<104x16xf32, #tpu.memory_space<vmem>>) target_semaphore(%run_scoped3A : memref<!tpu.dma_semaphore, #tpu.memory_space<semaphore_mem>>)
      %dma_wait3A_202 = arith.constant 0 : i32
      %dma_wait3A_203 = arith.constant 0 : i32
      %dma_wait3A_204 = tpu.memref_slice %arg19[%dma_wait3A_202, %dma_wait3A_203] : memref<104x16xf32, #tpu.memory_space<vmem>> -> memref<104x16xf32, #tpu.memory_space<vmem>>
      %dma_wait3A_205 = arith.constant 0 : i32
      %dma_wait3A_206 = tpu.memref_slice %arg21[%add3A_155, %dma_wait3A_205] : memref<10000x16xf32, #tpu.memory_space<vmem_shared>> -> memref<104x16xf32, #tpu.memory_space<vmem_shared>>
      %dma_wait3A_207 = arith.constant 0 : i32
      %dma_wait3A_208 = arith.constant 0 : i32
      %dma_wait3A_209 = tpu.memref_slice %arg19[%dma_wait3A_207, %dma_wait3A_208] : memref<104x16xf32, #tpu.memory_space<vmem>> -> memref<104x16xf32, #tpu.memory_space<vmem>>
      %dma_wait3A_210 = arith.constant 0 : i32
      %dma_wait3A_211 = tpu.memref_slice %arg21[%add3A_155, %dma_wait3A_210] : memref<10000x16xf32, #tpu.memory_space<vmem_shared>> -> memref<104x16xf32, #tpu.memory_space<vmem_shared>>
      tpu.wait_dma2 semaphore(%run_scoped3A : memref<!tpu.dma_semaphore, #tpu.memory_space<semaphore_mem>>) src(%dma_wait3A_211 : memref<104x16xf32, #tpu.memory_space<vmem_shared>>) dst(%dma_wait3A_209 : memref<104x16xf32, #tpu.memory_space<vmem>>)
      tpu.yield
    }) : () -> ()
    %scan3A_156 = arith.constant 0 : i32
    %scan3A_157 = arith.constant 0 : i32
    %scan3A_158 = arith.constant 104 : i32
    %scan3A_159 = arith.addi %scan3A_157, %scan3A_158 : i32
    %scan3A_160 = arith.constant 1 : i32
    scf.for %scan3A_193 = %scan3A_157 to %scan3A_159 step %scan3A_160  : i32 {
      %get3A = arith.index_cast %scan3A_193 : i32 to index
      %get3A_194 = arith.constant 0 : index
      %get3A_195 = tpu.vector_load %arg19[%get3A, %get3A_194] {strides = array<i32>} : memref<104x16xf32, #tpu.memory_space<vmem>>, vector<1x16xf32>,
      %get3A_196 = vector.shape_cast %get3A_195 : vector<1x16xf32> to vector<16xf32>
      %add3A_197 = arith.constant 9.99999993E-9 : f32
      %add3A_198 = vector.broadcast %add3A_197 : f32 to vector<16xf32>
      %add3A_199 = arith.addf %get3A_196, %add3A_198 : vector<16xf32>
      %div3A = arith.constant 1.000000e+00 : f32
      %div3A_200 = vector.broadcast %div3A : f32 to vector<16xf32>
      %div3A_201 = arith.divf %div3A_200, %add3A_199 : vector<16xf32>
      %get3A_202 = arith.index_cast %scan3A_193 : i32 to index
      %get3A_203 = arith.constant 0 : index
      %get3A_204 = tpu.vector_load %arg18[%get3A_202, %get3A_203] {strides = array<i32>} : memref<104x64xf32, #tpu.memory_space<vmem>>, vector<1x16xf32>,
      %get3A_205 = vector.shape_cast %get3A_204 : vector<1x16xf32> to vector<16xf32>
      %mul3A_206 = arith.mulf %get3A_205, %div3A_201 : vector<16xf32>
      %swap3A = arith.index_cast %scan3A_193 : i32 to index
      %swap3A_207 = arith.constant 0 : index
      %swap3A_208 = tpu.vector_load %arg18[%swap3A, %swap3A_207] {strides = array<i32>} : memref<104x64xf32, #tpu.memory_space<vmem>>, vector<1x16xf32>,
      %swap3A_209 = vector.shape_cast %swap3A_208 : vector<1x16xf32> to vector<16xf32>
      %swap3A_210 = vector.shape_cast %mul3A_206 : vector<16xf32> to vector<1x16xf32>
      tpu.vector_store %arg18[%swap3A, %swap3A_207], %swap3A_210 {strides = array<i32>} : memref<104x64xf32, #tpu.memory_space<vmem>>, vector<1x16xf32>,
      %get3A_211 = arith.index_cast %scan3A_193 : i32 to index
      %get3A_212 = arith.constant 16 : index
      %get3A_213 = tpu.vector_load %arg18[%get3A_211, %get3A_212] {strides = array<i32>} : memref<104x64xf32, #tpu.memory_space<vmem>>, vector<1x16xf32>,
      %get3A_214 = vector.shape_cast %get3A_213 : vector<1x16xf32> to vector<16xf32>
      %mul3A_215 = arith.mulf %get3A_214, %div3A_201 : vector<16xf32>
      %swap3A_216 = arith.index_cast %scan3A_193 : i32 to index
      %swap3A_217 = arith.constant 16 : index
      %swap3A_218 = tpu.vector_load %arg18[%swap3A_216, %swap3A_217] {strides = array<i32>} : memref<104x64xf32, #tpu.memory_space<vmem>>, vector<1x16xf32>,
      %swap3A_219 = vector.shape_cast %swap3A_218 : vector<1x16xf32> to vector<16xf32>
      %swap3A_220 = vector.shape_cast %mul3A_215 : vector<16xf32> to vector<1x16xf32>
      tpu.vector_store %arg18[%swap3A_216, %swap3A_217], %swap3A_220 {strides = array<i32>} : memref<104x64xf32, #tpu.memory_space<vmem>>, vector<1x16xf32>,
      %get3A_221 = arith.index_cast %scan3A_193 : i32 to index
      %get3A_222 = arith.constant 32 : index
      %get3A_223 = tpu.vector_load %arg18[%get3A_221, %get3A_222] {strides = array<i32>} : memref<104x64xf32, #tpu.memory_space<vmem>>, vector<1x16xf32>,
      %get3A_224 = vector.shape_cast %get3A_223 : vector<1x16xf32> to vector<16xf32>
      %mul3A_225 = arith.mulf %get3A_224, %div3A_201 : vector<16xf32>
      %swap3A_226 = arith.index_cast %scan3A_193 : i32 to index
      %swap3A_227 = arith.constant 32 : index
      %swap3A_228 = tpu.vector_load %arg18[%swap3A_226, %swap3A_227] {strides = array<i32>} : memref<104x64xf32, #tpu.memory_space<vmem>>, vector<1x16xf32>,
      %swap3A_229 = vector.shape_cast %swap3A_228 : vector<1x16xf32> to vector<16xf32>
      %swap3A_230 = vector.shape_cast %mul3A_225 : vector<16xf32> to vector<1x16xf32>
      tpu.vector_store %arg18[%swap3A_226, %swap3A_227], %swap3A_230 {strides = array<i32>} : memref<104x64xf32, #tpu.memory_space<vmem>>, vector<1x16xf32>,
      %get3A_231 = arith.index_cast %scan3A_193 : i32 to index
      %get3A_232 = arith.constant 48 : index
      %get3A_233 = tpu.vector_load %arg18[%get3A_231, %get3A_232] {strides = array<i32>} : memref<104x64xf32, #tpu.memory_space<vmem>>, vector<1x16xf32>,
      %get3A_234 = vector.shape_cast %get3A_233 : vector<1x16xf32> to vector<16xf32>
      %mul3A_235 = arith.mulf %get3A_234, %div3A_201 : vector<16xf32>
      %swap3A_236 = arith.index_cast %scan3A_193 : i32 to index
      %swap3A_237 = arith.constant 48 : index
      %swap3A_238 = tpu.vector_load %arg18[%swap3A_236, %swap3A_237] {strides = array<i32>} : memref<104x64xf32, #tpu.memory_space<vmem>>, vector<1x16xf32>,
      %swap3A_239 = vector.shape_cast %swap3A_238 : vector<1x16xf32> to vector<16xf32>
      %swap3A_240 = vector.shape_cast %mul3A_235 : vector<16xf32> to vector<1x16xf32>
      tpu.vector_store %arg18[%swap3A_236, %swap3A_237], %swap3A_240 {strides = array<i32>} : memref<104x64xf32, #tpu.memory_space<vmem>>, vector<1x16xf32>,
    }
    %scan3A_161 = arith.constant 104 : i32
    %mul3A_162 = arith.constant 64 : i32
    %mul3A_163 = arith.muli %arg0, %mul3A_162 : i32
    "tpu.region"() ({
      %run_scoped3A = tpu.sem_alloc : memref<!tpu.dma_semaphore, #tpu.memory_space<semaphore_mem>>
      %dma_start3A = arith.constant 0 : i32
      %dma_start3A_193 = arith.constant 0 : i32
      %dma_start3A_194 = tpu.memref_slice %arg18[%dma_start3A, %dma_start3A_193] : memref<104x64xf32, #tpu.memory_space<vmem>> -> memref<104x64xf32, #tpu.memory_space<vmem>>
      %dma_start3A_195 = tpu.memref_slice %arg8[%add3A_155, %mul3A_163] : memref<10000x128xf32, #tpu.memory_space<hbm>> -> memref<104x64xf32, #tpu.memory_space<hbm>>
      %dma_start3A_196 = tpu.memref_slice %arg8[%add3A_155, %mul3A_163] : memref<10000x128xf32, #tpu.memory_space<hbm>> -> memref<104x64xf32, #tpu.memory_space<hbm>>
      %dma_start3A_197 = arith.constant 0 : i32
      %dma_start3A_198 = arith.constant 0 : i32
      %dma_start3A_199 = tpu.memref_slice %arg18[%dma_start3A_197, %dma_start3A_198] : memref<104x64xf32, #tpu.memory_space<vmem>> -> memref<104x64xf32, #tpu.memory_space<vmem>>
      tpu.enqueue_dma source(%dma_start3A_199 : memref<104x64xf32, #tpu.memory_space<vmem>>) target(%dma_start3A_196 : memref<104x64xf32, #tpu.memory_space<hbm>>) target_semaphore(%run_scoped3A : memref<!tpu.dma_semaphore, #tpu.memory_space<semaphore_mem>>)
      %dma_wait3A_200 = arith.constant 0 : i32
      %dma_wait3A_201 = arith.constant 0 : i32
      %dma_wait3A_202 = tpu.memref_slice %arg18[%dma_wait3A_200, %dma_wait3A_201] : memref<104x64xf32, #tpu.memory_space<vmem>> -> memref<104x64xf32, #tpu.memory_space<vmem>>
      %dma_wait3A_203 = tpu.memref_slice %arg8[%add3A_155, %mul3A_163] : memref<10000x128xf32, #tpu.memory_space<hbm>> -> memref<104x64xf32, #tpu.memory_space<hbm>>
      %dma_wait3A_204 = tpu.memref_slice %arg8[%add3A_155, %mul3A_163] : memref<10000x128xf32, #tpu.memory_space<hbm>> -> memref<104x64xf32, #tpu.memory_space<hbm>>
      %dma_wait3A_205 = arith.constant 0 : i32
      %dma_wait3A_206 = arith.constant 0 : i32
      %dma_wait3A_207 = tpu.memref_slice %arg18[%dma_wait3A_205, %dma_wait3A_206] : memref<104x64xf32, #tpu.memory_space<vmem>> -> memref<104x64xf32, #tpu.memory_space<vmem>>
      tpu.wait_dma2 semaphore(%run_scoped3A : memref<!tpu.dma_semaphore, #tpu.memory_space<semaphore_mem>>) src(%dma_wait3A_207 : memref<104x64xf32, #tpu.memory_space<vmem>>) dst(%dma_wait3A_204 : memref<104x64xf32, #tpu.memory_space<hbm>>)
      tpu.yield
    }) : () -> ()
    %mul3A_164 = arith.constant 624 : i32
    %mul3A_165 = arith.muli %arg1, %mul3A_164 : i32
    %add3A_166 = arith.constant 416 : i32
    %add3A_167 = arith.addi %mul3A_165, %add3A_166 : i32
    "tpu.region"() ({
      %run_scoped3A = tpu.sem_alloc : memref<!tpu.dma_semaphore, #tpu.memory_space<semaphore_mem>>
      %dma_start3A = arith.constant 0 : i32
      %dma_start3A_193 = arith.constant 0 : i32
      %dma_start3A_194 = tpu.memref_slice %arg18[%dma_start3A, %dma_start3A_193] : memref<104x64xf32, #tpu.memory_space<vmem>> -> memref<104x64xf32, #tpu.memory_space<vmem>>
      %dma_start3A_195 = arith.constant 0 : i32
      %dma_start3A_196 = tpu.memref_slice %arg20[%add3A_167, %dma_start3A_195] : memref<10000x64xf32, #tpu.memory_space<vmem_shared>> -> memref<104x64xf32, #tpu.memory_space<vmem_shared>>
      %dma_start3A_197 = arith.constant 0 : i32
      %dma_start3A_198 = arith.constant 0 : i32
      %dma_start3A_199 = tpu.memref_slice %arg18[%dma_start3A_197, %dma_start3A_198] : memref<104x64xf32, #tpu.memory_space<vmem>> -> memref<104x64xf32, #tpu.memory_space<vmem>>
      %dma_start3A_200 = arith.constant 0 : i32
      %dma_start3A_201 = tpu.memref_slice %arg20[%add3A_167, %dma_start3A_200] : memref<10000x64xf32, #tpu.memory_space<vmem_shared>> -> memref<104x64xf32, #tpu.memory_space<vmem_shared>>
      tpu.enqueue_dma source(%dma_start3A_201 : memref<104x64xf32, #tpu.memory_space<vmem_shared>>) target(%dma_start3A_199 : memref<104x64xf32, #tpu.memory_space<vmem>>) target_semaphore(%run_scoped3A : memref<!tpu.dma_semaphore, #tpu.memory_space<semaphore_mem>>)
      %dma_wait3A_202 = arith.constant 0 : i32
      %dma_wait3A_203 = arith.constant 0 : i32
      %dma_wait3A_204 = tpu.memref_slice %arg18[%dma_wait3A_202, %dma_wait3A_203] : memref<104x64xf32, #tpu.memory_space<vmem>> -> memref<104x64xf32, #tpu.memory_space<vmem>>
      %dma_wait3A_205 = arith.constant 0 : i32
      %dma_wait3A_206 = tpu.memref_slice %arg20[%add3A_167, %dma_wait3A_205] : memref<10000x64xf32, #tpu.memory_space<vmem_shared>> -> memref<104x64xf32, #tpu.memory_space<vmem_shared>>
      %dma_wait3A_207 = arith.constant 0 : i32
      %dma_wait3A_208 = arith.constant 0 : i32
      %dma_wait3A_209 = tpu.memref_slice %arg18[%dma_wait3A_207, %dma_wait3A_208] : memref<104x64xf32, #tpu.memory_space<vmem>> -> memref<104x64xf32, #tpu.memory_space<vmem>>
      %dma_wait3A_210 = arith.constant 0 : i32
      %dma_wait3A_211 = tpu.memref_slice %arg20[%add3A_167, %dma_wait3A_210] : memref<10000x64xf32, #tpu.memory_space<vmem_shared>> -> memref<104x64xf32, #tpu.memory_space<vmem_shared>>
      tpu.wait_dma2 semaphore(%run_scoped3A : memref<!tpu.dma_semaphore, #tpu.memory_space<semaphore_mem>>) src(%dma_wait3A_211 : memref<104x64xf32, #tpu.memory_space<vmem_shared>>) dst(%dma_wait3A_209 : memref<104x64xf32, #tpu.memory_space<vmem>>)
      tpu.yield
    }) : () -> ()
    "tpu.region"() ({
      %run_scoped3A = tpu.sem_alloc : memref<!tpu.dma_semaphore, #tpu.memory_space<semaphore_mem>>
      %dma_start3A = arith.constant 0 : i32
      %dma_start3A_193 = arith.constant 0 : i32
      %dma_start3A_194 = tpu.memref_slice %arg19[%dma_start3A, %dma_start3A_193] : memref<104x16xf32, #tpu.memory_space<vmem>> -> memref<104x16xf32, #tpu.memory_space<vmem>>
      %dma_start3A_195 = arith.constant 0 : i32
      %dma_start3A_196 = tpu.memref_slice %arg21[%add3A_167, %dma_start3A_195] : memref<10000x16xf32, #tpu.memory_space<vmem_shared>> -> memref<104x16xf32, #tpu.memory_space<vmem_shared>>
      %dma_start3A_197 = arith.constant 0 : i32
      %dma_start3A_198 = arith.constant 0 : i32
      %dma_start3A_199 = tpu.memref_slice %arg19[%dma_start3A_197, %dma_start3A_198] : memref<104x16xf32, #tpu.memory_space<vmem>> -> memref<104x16xf32, #tpu.memory_space<vmem>>
      %dma_start3A_200 = arith.constant 0 : i32
      %dma_start3A_201 = tpu.memref_slice %arg21[%add3A_167, %dma_start3A_200] : memref<10000x16xf32, #tpu.memory_space<vmem_shared>> -> memref<104x16xf32, #tpu.memory_space<vmem_shared>>
      tpu.enqueue_dma source(%dma_start3A_201 : memref<104x16xf32, #tpu.memory_space<vmem_shared>>) target(%dma_start3A_199 : memref<104x16xf32, #tpu.memory_space<vmem>>) target_semaphore(%run_scoped3A : memref<!tpu.dma_semaphore, #tpu.memory_space<semaphore_mem>>)
      %dma_wait3A_202 = arith.constant 0 : i32
      %dma_wait3A_203 = arith.constant 0 : i32
      %dma_wait3A_204 = tpu.memref_slice %arg19[%dma_wait3A_202, %dma_wait3A_203] : memref<104x16xf32, #tpu.memory_space<vmem>> -> memref<104x16xf32, #tpu.memory_space<vmem>>
      %dma_wait3A_205 = arith.constant 0 : i32
      %dma_wait3A_206 = tpu.memref_slice %arg21[%add3A_167, %dma_wait3A_205] : memref<10000x16xf32, #tpu.memory_space<vmem_shared>> -> memref<104x16xf32, #tpu.memory_space<vmem_shared>>
      %dma_wait3A_207 = arith.constant 0 : i32
      %dma_wait3A_208 = arith.constant 0 : i32
      %dma_wait3A_209 = tpu.memref_slice %arg19[%dma_wait3A_207, %dma_wait3A_208] : memref<104x16xf32, #tpu.memory_space<vmem>> -> memref<104x16xf32, #tpu.memory_space<vmem>>
      %dma_wait3A_210 = arith.constant 0 : i32
      %dma_wait3A_211 = tpu.memref_slice %arg21[%add3A_167, %dma_wait3A_210] : memref<10000x16xf32, #tpu.memory_space<vmem_shared>> -> memref<104x16xf32, #tpu.memory_space<vmem_shared>>
      tpu.wait_dma2 semaphore(%run_scoped3A : memref<!tpu.dma_semaphore, #tpu.memory_space<semaphore_mem>>) src(%dma_wait3A_211 : memref<104x16xf32, #tpu.memory_space<vmem_shared>>) dst(%dma_wait3A_209 : memref<104x16xf32, #tpu.memory_space<vmem>>)
      tpu.yield
    }) : () -> ()
    %scan3A_168 = arith.constant 0 : i32
    %scan3A_169 = arith.constant 0 : i32
    %scan3A_170 = arith.constant 104 : i32
    %scan3A_171 = arith.addi %scan3A_169, %scan3A_170 : i32
    %scan3A_172 = arith.constant 1 : i32
    scf.for %scan3A_193 = %scan3A_169 to %scan3A_171 step %scan3A_172  : i32 {
      %get3A = arith.index_cast %scan3A_193 : i32 to index
      %get3A_194 = arith.constant 0 : index
      %get3A_195 = tpu.vector_load %arg19[%get3A, %get3A_194] {strides = array<i32>} : memref<104x16xf32, #tpu.memory_space<vmem>>, vector<1x16xf32>,
      %get3A_196 = vector.shape_cast %get3A_195 : vector<1x16xf32> to vector<16xf32>
      %add3A_197 = arith.constant 9.99999993E-9 : f32
      %add3A_198 = vector.broadcast %add3A_197 : f32 to vector<16xf32>
      %add3A_199 = arith.addf %get3A_196, %add3A_198 : vector<16xf32>
      %div3A = arith.constant 1.000000e+00 : f32
      %div3A_200 = vector.broadcast %div3A : f32 to vector<16xf32>
      %div3A_201 = arith.divf %div3A_200, %add3A_199 : vector<16xf32>
      %get3A_202 = arith.index_cast %scan3A_193 : i32 to index
      %get3A_203 = arith.constant 0 : index
      %get3A_204 = tpu.vector_load %arg18[%get3A_202, %get3A_203] {strides = array<i32>} : memref<104x64xf32, #tpu.memory_space<vmem>>, vector<1x16xf32>,
      %get3A_205 = vector.shape_cast %get3A_204 : vector<1x16xf32> to vector<16xf32>
      %mul3A_206 = arith.mulf %get3A_205, %div3A_201 : vector<16xf32>
      %swap3A = arith.index_cast %scan3A_193 : i32 to index
      %swap3A_207 = arith.constant 0 : index
      %swap3A_208 = tpu.vector_load %arg18[%swap3A, %swap3A_207] {strides = array<i32>} : memref<104x64xf32, #tpu.memory_space<vmem>>, vector<1x16xf32>,
      %swap3A_209 = vector.shape_cast %swap3A_208 : vector<1x16xf32> to vector<16xf32>
      %swap3A_210 = vector.shape_cast %mul3A_206 : vector<16xf32> to vector<1x16xf32>
      tpu.vector_store %arg18[%swap3A, %swap3A_207], %swap3A_210 {strides = array<i32>} : memref<104x64xf32, #tpu.memory_space<vmem>>, vector<1x16xf32>,
      %get3A_211 = arith.index_cast %scan3A_193 : i32 to index
      %get3A_212 = arith.constant 16 : index
      %get3A_213 = tpu.vector_load %arg18[%get3A_211, %get3A_212] {strides = array<i32>} : memref<104x64xf32, #tpu.memory_space<vmem>>, vector<1x16xf32>,
      %get3A_214 = vector.shape_cast %get3A_213 : vector<1x16xf32> to vector<16xf32>
      %mul3A_215 = arith.mulf %get3A_214, %div3A_201 : vector<16xf32>
      %swap3A_216 = arith.index_cast %scan3A_193 : i32 to index
      %swap3A_217 = arith.constant 16 : index
      %swap3A_218 = tpu.vector_load %arg18[%swap3A_216, %swap3A_217] {strides = array<i32>} : memref<104x64xf32, #tpu.memory_space<vmem>>, vector<1x16xf32>,
      %swap3A_219 = vector.shape_cast %swap3A_218 : vector<1x16xf32> to vector<16xf32>
      %swap3A_220 = vector.shape_cast %mul3A_215 : vector<16xf32> to vector<1x16xf32>
      tpu.vector_store %arg18[%swap3A_216, %swap3A_217], %swap3A_220 {strides = array<i32>} : memref<104x64xf32, #tpu.memory_space<vmem>>, vector<1x16xf32>,
      %get3A_221 = arith.index_cast %scan3A_193 : i32 to index
      %get3A_222 = arith.constant 32 : index
      %get3A_223 = tpu.vector_load %arg18[%get3A_221, %get3A_222] {strides = array<i32>} : memref<104x64xf32, #tpu.memory_space<vmem>>, vector<1x16xf32>,
      %get3A_224 = vector.shape_cast %get3A_223 : vector<1x16xf32> to vector<16xf32>
      %mul3A_225 = arith.mulf %get3A_224, %div3A_201 : vector<16xf32>
      %swap3A_226 = arith.index_cast %scan3A_193 : i32 to index
      %swap3A_227 = arith.constant 32 : index
      %swap3A_228 = tpu.vector_load %arg18[%swap3A_226, %swap3A_227] {strides = array<i32>} : memref<104x64xf32, #tpu.memory_space<vmem>>, vector<1x16xf32>,
      %swap3A_229 = vector.shape_cast %swap3A_228 : vector<1x16xf32> to vector<16xf32>
      %swap3A_230 = vector.shape_cast %mul3A_225 : vector<16xf32> to vector<1x16xf32>
      tpu.vector_store %arg18[%swap3A_226, %swap3A_227], %swap3A_230 {strides = array<i32>} : memref<104x64xf32, #tpu.memory_space<vmem>>, vector<1x16xf32>,
      %get3A_231 = arith.index_cast %scan3A_193 : i32 to index
      %get3A_232 = arith.constant 48 : index
      %get3A_233 = tpu.vector_load %arg18[%get3A_231, %get3A_232] {strides = array<i32>} : memref<104x64xf32, #tpu.memory_space<vmem>>, vector<1x16xf32>,
      %get3A_234 = vector.shape_cast %get3A_233 : vector<1x16xf32> to vector<16xf32>
      %mul3A_235 = arith.mulf %get3A_234, %div3A_201 : vector<16xf32>
      %swap3A_236 = arith.index_cast %scan3A_193 : i32 to index
      %swap3A_237 = arith.constant 48 : index
      %swap3A_238 = tpu.vector_load %arg18[%swap3A_236, %swap3A_237] {strides = array<i32>} : memref<104x64xf32, #tpu.memory_space<vmem>>, vector<1x16xf32>,
      %swap3A_239 = vector.shape_cast %swap3A_238 : vector<1x16xf32> to vector<16xf32>
      %swap3A_240 = vector.shape_cast %mul3A_235 : vector<16xf32> to vector<1x16xf32>
      tpu.vector_store %arg18[%swap3A_236, %swap3A_237], %swap3A_240 {strides = array<i32>} : memref<104x64xf32, #tpu.memory_space<vmem>>, vector<1x16xf32>,
    }
    %scan3A_173 = arith.constant 104 : i32
    %mul3A_174 = arith.constant 64 : i32
    %mul3A_175 = arith.muli %arg0, %mul3A_174 : i32
    "tpu.region"() ({
      %run_scoped3A = tpu.sem_alloc : memref<!tpu.dma_semaphore, #tpu.memory_space<semaphore_mem>>
      %dma_start3A = arith.constant 0 : i32
      %dma_start3A_193 = arith.constant 0 : i32
      %dma_start3A_194 = tpu.memref_slice %arg18[%dma_start3A, %dma_start3A_193] : memref<104x64xf32, #tpu.memory_space<vmem>> -> memref<104x64xf32, #tpu.memory_space<vmem>>
      %dma_start3A_195 = tpu.memref_slice %arg8[%add3A_167, %mul3A_175] : memref<10000x128xf32, #tpu.memory_space<hbm>> -> memref<104x64xf32, #tpu.memory_space<hbm>>
      %dma_start3A_196 = tpu.memref_slice %arg8[%add3A_167, %mul3A_175] : memref<10000x128xf32, #tpu.memory_space<hbm>> -> memref<104x64xf32, #tpu.memory_space<hbm>>
      %dma_start3A_197 = arith.constant 0 : i32
      %dma_start3A_198 = arith.constant 0 : i32
      %dma_start3A_199 = tpu.memref_slice %arg18[%dma_start3A_197, %dma_start3A_198] : memref<104x64xf32, #tpu.memory_space<vmem>> -> memref<104x64xf32, #tpu.memory_space<vmem>>
      tpu.enqueue_dma source(%dma_start3A_199 : memref<104x64xf32, #tpu.memory_space<vmem>>) target(%dma_start3A_196 : memref<104x64xf32, #tpu.memory_space<hbm>>) target_semaphore(%run_scoped3A : memref<!tpu.dma_semaphore, #tpu.memory_space<semaphore_mem>>)
      %dma_wait3A_200 = arith.constant 0 : i32
      %dma_wait3A_201 = arith.constant 0 : i32
      %dma_wait3A_202 = tpu.memref_slice %arg18[%dma_wait3A_200, %dma_wait3A_201] : memref<104x64xf32, #tpu.memory_space<vmem>> -> memref<104x64xf32, #tpu.memory_space<vmem>>
      %dma_wait3A_203 = tpu.memref_slice %arg8[%add3A_167, %mul3A_175] : memref<10000x128xf32, #tpu.memory_space<hbm>> -> memref<104x64xf32, #tpu.memory_space<hbm>>
      %dma_wait3A_204 = tpu.memref_slice %arg8[%add3A_167, %mul3A_175] : memref<10000x128xf32, #tpu.memory_space<hbm>> -> memref<104x64xf32, #tpu.memory_space<hbm>>
      %dma_wait3A_205 = arith.constant 0 : i32
      %dma_wait3A_206 = arith.constant 0 : i32
      %dma_wait3A_207 = tpu.memref_slice %arg18[%dma_wait3A_205, %dma_wait3A_206] : memref<104x64xf32, #tpu.memory_space<vmem>> -> memref<104x64xf32, #tpu.memory_space<vmem>>
      tpu.wait_dma2 semaphore(%run_scoped3A : memref<!tpu.dma_semaphore, #tpu.memory_space<semaphore_mem>>) src(%dma_wait3A_207 : memref<104x64xf32, #tpu.memory_space<vmem>>) dst(%dma_wait3A_204 : memref<104x64xf32, #tpu.memory_space<hbm>>)
      tpu.yield
    }) : () -> ()
    %mul3A_176 = arith.constant 624 : i32
    %mul3A_177 = arith.muli %arg1, %mul3A_176 : i32
    %add3A_178 = arith.constant 520 : i32
    %add3A_179 = arith.addi %mul3A_177, %add3A_178 : i32
    "tpu.region"() ({
      %run_scoped3A = tpu.sem_alloc : memref<!tpu.dma_semaphore, #tpu.memory_space<semaphore_mem>>
      %dma_start3A = arith.constant 0 : i32
      %dma_start3A_193 = arith.constant 0 : i32
      %dma_start3A_194 = tpu.memref_slice %arg18[%dma_start3A, %dma_start3A_193] : memref<104x64xf32, #tpu.memory_space<vmem>> -> memref<104x64xf32, #tpu.memory_space<vmem>>
      %dma_start3A_195 = arith.constant 0 : i32
      %dma_start3A_196 = tpu.memref_slice %arg20[%add3A_179, %dma_start3A_195] : memref<10000x64xf32, #tpu.memory_space<vmem_shared>> -> memref<104x64xf32, #tpu.memory_space<vmem_shared>>
      %dma_start3A_197 = arith.constant 0 : i32
      %dma_start3A_198 = arith.constant 0 : i32
      %dma_start3A_199 = tpu.memref_slice %arg18[%dma_start3A_197, %dma_start3A_198] : memref<104x64xf32, #tpu.memory_space<vmem>> -> memref<104x64xf32, #tpu.memory_space<vmem>>
      %dma_start3A_200 = arith.constant 0 : i32
      %dma_start3A_201 = tpu.memref_slice %arg20[%add3A_179, %dma_start3A_200] : memref<10000x64xf32, #tpu.memory_space<vmem_shared>> -> memref<104x64xf32, #tpu.memory_space<vmem_shared>>
      tpu.enqueue_dma source(%dma_start3A_201 : memref<104x64xf32, #tpu.memory_space<vmem_shared>>) target(%dma_start3A_199 : memref<104x64xf32, #tpu.memory_space<vmem>>) target_semaphore(%run_scoped3A : memref<!tpu.dma_semaphore, #tpu.memory_space<semaphore_mem>>)
      %dma_wait3A_202 = arith.constant 0 : i32
      %dma_wait3A_203 = arith.constant 0 : i32
      %dma_wait3A_204 = tpu.memref_slice %arg18[%dma_wait3A_202, %dma_wait3A_203] : memref<104x64xf32, #tpu.memory_space<vmem>> -> memref<104x64xf32, #tpu.memory_space<vmem>>
      %dma_wait3A_205 = arith.constant 0 : i32
      %dma_wait3A_206 = tpu.memref_slice %arg20[%add3A_179, %dma_wait3A_205] : memref<10000x64xf32, #tpu.memory_space<vmem_shared>> -> memref<104x64xf32, #tpu.memory_space<vmem_shared>>
      %dma_wait3A_207 = arith.constant 0 : i32
      %dma_wait3A_208 = arith.constant 0 : i32
      %dma_wait3A_209 = tpu.memref_slice %arg18[%dma_wait3A_207, %dma_wait3A_208] : memref<104x64xf32, #tpu.memory_space<vmem>> -> memref<104x64xf32, #tpu.memory_space<vmem>>
      %dma_wait3A_210 = arith.constant 0 : i32
      %dma_wait3A_211 = tpu.memref_slice %arg20[%add3A_179, %dma_wait3A_210] : memref<10000x64xf32, #tpu.memory_space<vmem_shared>> -> memref<104x64xf32, #tpu.memory_space<vmem_shared>>
      tpu.wait_dma2 semaphore(%run_scoped3A : memref<!tpu.dma_semaphore, #tpu.memory_space<semaphore_mem>>) src(%dma_wait3A_211 : memref<104x64xf32, #tpu.memory_space<vmem_shared>>) dst(%dma_wait3A_209 : memref<104x64xf32, #tpu.memory_space<vmem>>)
      tpu.yield
    }) : () -> ()
    "tpu.region"() ({
      %run_scoped3A = tpu.sem_alloc : memref<!tpu.dma_semaphore, #tpu.memory_space<semaphore_mem>>
      %dma_start3A = arith.constant 0 : i32
      %dma_start3A_193 = arith.constant 0 : i32
      %dma_start3A_194 = tpu.memref_slice %arg19[%dma_start3A, %dma_start3A_193] : memref<104x16xf32, #tpu.memory_space<vmem>> -> memref<104x16xf32, #tpu.memory_space<vmem>>
      %dma_start3A_195 = arith.constant 0 : i32
      %dma_start3A_196 = tpu.memref_slice %arg21[%add3A_179, %dma_start3A_195] : memref<10000x16xf32, #tpu.memory_space<vmem_shared>> -> memref<104x16xf32, #tpu.memory_space<vmem_shared>>
      %dma_start3A_197 = arith.constant 0 : i32
      %dma_start3A_198 = arith.constant 0 : i32
      %dma_start3A_199 = tpu.memref_slice %arg19[%dma_start3A_197, %dma_start3A_198] : memref<104x16xf32, #tpu.memory_space<vmem>> -> memref<104x16xf32, #tpu.memory_space<vmem>>
      %dma_start3A_200 = arith.constant 0 : i32
      %dma_start3A_201 = tpu.memref_slice %arg21[%add3A_179, %dma_start3A_200] : memref<10000x16xf32, #tpu.memory_space<vmem_shared>> -> memref<104x16xf32, #tpu.memory_space<vmem_shared>>
      tpu.enqueue_dma source(%dma_start3A_201 : memref<104x16xf32, #tpu.memory_space<vmem_shared>>) target(%dma_start3A_199 : memref<104x16xf32, #tpu.memory_space<vmem>>) target_semaphore(%run_scoped3A : memref<!tpu.dma_semaphore, #tpu.memory_space<semaphore_mem>>)
      %dma_wait3A_202 = arith.constant 0 : i32
      %dma_wait3A_203 = arith.constant 0 : i32
      %dma_wait3A_204 = tpu.memref_slice %arg19[%dma_wait3A_202, %dma_wait3A_203] : memref<104x16xf32, #tpu.memory_space<vmem>> -> memref<104x16xf32, #tpu.memory_space<vmem>>
      %dma_wait3A_205 = arith.constant 0 : i32
      %dma_wait3A_206 = tpu.memref_slice %arg21[%add3A_179, %dma_wait3A_205] : memref<10000x16xf32, #tpu.memory_space<vmem_shared>> -> memref<104x16xf32, #tpu.memory_space<vmem_shared>>
      %dma_wait3A_207 = arith.constant 0 : i32
      %dma_wait3A_208 = arith.constant 0 : i32
      %dma_wait3A_209 = tpu.memref_slice %arg19[%dma_wait3A_207, %dma_wait3A_208] : memref<104x16xf32, #tpu.memory_space<vmem>> -> memref<104x16xf32, #tpu.memory_space<vmem>>
      %dma_wait3A_210 = arith.constant 0 : i32
      %dma_wait3A_211 = tpu.memref_slice %arg21[%add3A_179, %dma_wait3A_210] : memref<10000x16xf32, #tpu.memory_space<vmem_shared>> -> memref<104x16xf32, #tpu.memory_space<vmem_shared>>
      tpu.wait_dma2 semaphore(%run_scoped3A : memref<!tpu.dma_semaphore, #tpu.memory_space<semaphore_mem>>) src(%dma_wait3A_211 : memref<104x16xf32, #tpu.memory_space<vmem_shared>>) dst(%dma_wait3A_209 : memref<104x16xf32, #tpu.memory_space<vmem>>)
      tpu.yield
    }) : () -> ()
    %scan3A_180 = arith.constant 0 : i32
    %scan3A_181 = arith.constant 0 : i32
    %scan3A_182 = arith.constant 104 : i32
    %scan3A_183 = arith.addi %scan3A_181, %scan3A_182 : i32
    %scan3A_184 = arith.constant 1 : i32
    scf.for %scan3A_193 = %scan3A_181 to %scan3A_183 step %scan3A_184  : i32 {
      %get3A = arith.index_cast %scan3A_193 : i32 to index
      %get3A_194 = arith.constant 0 : index
      %get3A_195 = tpu.vector_load %arg19[%get3A, %get3A_194] {strides = array<i32>} : memref<104x16xf32, #tpu.memory_space<vmem>>, vector<1x16xf32>,
      %get3A_196 = vector.shape_cast %get3A_195 : vector<1x16xf32> to vector<16xf32>
      %add3A_197 = arith.constant 9.99999993E-9 : f32
      %add3A_198 = vector.broadcast %add3A_197 : f32 to vector<16xf32>
      %add3A_199 = arith.addf %get3A_196, %add3A_198 : vector<16xf32>
      %div3A = arith.constant 1.000000e+00 : f32
      %div3A_200 = vector.broadcast %div3A : f32 to vector<16xf32>
      %div3A_201 = arith.divf %div3A_200, %add3A_199 : vector<16xf32>
      %get3A_202 = arith.index_cast %scan3A_193 : i32 to index
      %get3A_203 = arith.constant 0 : index
      %get3A_204 = tpu.vector_load %arg18[%get3A_202, %get3A_203] {strides = array<i32>} : memref<104x64xf32, #tpu.memory_space<vmem>>, vector<1x16xf32>,
      %get3A_205 = vector.shape_cast %get3A_204 : vector<1x16xf32> to vector<16xf32>
      %mul3A_206 = arith.mulf %get3A_205, %div3A_201 : vector<16xf32>
      %swap3A = arith.index_cast %scan3A_193 : i32 to index
      %swap3A_207 = arith.constant 0 : index
      %swap3A_208 = tpu.vector_load %arg18[%swap3A, %swap3A_207] {strides = array<i32>} : memref<104x64xf32, #tpu.memory_space<vmem>>, vector<1x16xf32>,
      %swap3A_209 = vector.shape_cast %swap3A_208 : vector<1x16xf32> to vector<16xf32>
      %swap3A_210 = vector.shape_cast %mul3A_206 : vector<16xf32> to vector<1x16xf32>
      tpu.vector_store %arg18[%swap3A, %swap3A_207], %swap3A_210 {strides = array<i32>} : memref<104x64xf32, #tpu.memory_space<vmem>>, vector<1x16xf32>,
      %get3A_211 = arith.index_cast %scan3A_193 : i32 to index
      %get3A_212 = arith.constant 16 : index
      %get3A_213 = tpu.vector_load %arg18[%get3A_211, %get3A_212] {strides = array<i32>} : memref<104x64xf32, #tpu.memory_space<vmem>>, vector<1x16xf32>,
      %get3A_214 = vector.shape_cast %get3A_213 : vector<1x16xf32> to vector<16xf32>
      %mul3A_215 = arith.mulf %get3A_214, %div3A_201 : vector<16xf32>
      %swap3A_216 = arith.index_cast %scan3A_193 : i32 to index
      %swap3A_217 = arith.constant 16 : index
      %swap3A_218 = tpu.vector_load %arg18[%swap3A_216, %swap3A_217] {strides = array<i32>} : memref<104x64xf32, #tpu.memory_space<vmem>>, vector<1x16xf32>,
      %swap3A_219 = vector.shape_cast %swap3A_218 : vector<1x16xf32> to vector<16xf32>
      %swap3A_220 = vector.shape_cast %mul3A_215 : vector<16xf32> to vector<1x16xf32>
      tpu.vector_store %arg18[%swap3A_216, %swap3A_217], %swap3A_220 {strides = array<i32>} : memref<104x64xf32, #tpu.memory_space<vmem>>, vector<1x16xf32>,
      %get3A_221 = arith.index_cast %scan3A_193 : i32 to index
      %get3A_222 = arith.constant 32 : index
      %get3A_223 = tpu.vector_load %arg18[%get3A_221, %get3A_222] {strides = array<i32>} : memref<104x64xf32, #tpu.memory_space<vmem>>, vector<1x16xf32>,
      %get3A_224 = vector.shape_cast %get3A_223 : vector<1x16xf32> to vector<16xf32>
      %mul3A_225 = arith.mulf %get3A_224, %div3A_201 : vector<16xf32>
      %swap3A_226 = arith.index_cast %scan3A_193 : i32 to index
      %swap3A_227 = arith.constant 32 : index
      %swap3A_228 = tpu.vector_load %arg18[%swap3A_226, %swap3A_227] {strides = array<i32>} : memref<104x64xf32, #tpu.memory_space<vmem>>, vector<1x16xf32>,
      %swap3A_229 = vector.shape_cast %swap3A_228 : vector<1x16xf32> to vector<16xf32>
      %swap3A_230 = vector.shape_cast %mul3A_225 : vector<16xf32> to vector<1x16xf32>
      tpu.vector_store %arg18[%swap3A_226, %swap3A_227], %swap3A_230 {strides = array<i32>} : memref<104x64xf32, #tpu.memory_space<vmem>>, vector<1x16xf32>,
      %get3A_231 = arith.index_cast %scan3A_193 : i32 to index
      %get3A_232 = arith.constant 48 : index
      %get3A_233 = tpu.vector_load %arg18[%get3A_231, %get3A_232] {strides = array<i32>} : memref<104x64xf32, #tpu.memory_space<vmem>>, vector<1x16xf32>,
      %get3A_234 = vector.shape_cast %get3A_233 : vector<1x16xf32> to vector<16xf32>
      %mul3A_235 = arith.mulf %get3A_234, %div3A_201 : vector<16xf32>
      %swap3A_236 = arith.index_cast %scan3A_193 : i32 to index
      %swap3A_237 = arith.constant 48 : index
      %swap3A_238 = tpu.vector_load %arg18[%swap3A_236, %swap3A_237] {strides = array<i32>} : memref<104x64xf32, #tpu.memory_space<vmem>>, vector<1x16xf32>,
      %swap3A_239 = vector.shape_cast %swap3A_238 : vector<1x16xf32> to vector<16xf32>
      %swap3A_240 = vector.shape_cast %mul3A_235 : vector<16xf32> to vector<1x16xf32>
      tpu.vector_store %arg18[%swap3A_236, %swap3A_237], %swap3A_240 {strides = array<i32>} : memref<104x64xf32, #tpu.memory_space<vmem>>, vector<1x16xf32>,
    }
    %scan3A_185 = arith.constant 104 : i32
    %mul3A_186 = arith.constant 64 : i32
    %mul3A_187 = arith.muli %arg0, %mul3A_186 : i32
    "tpu.region"() ({
      %run_scoped3A = tpu.sem_alloc : memref<!tpu.dma_semaphore, #tpu.memory_space<semaphore_mem>>
      %dma_start3A = arith.constant 0 : i32
      %dma_start3A_193 = arith.constant 0 : i32
      %dma_start3A_194 = tpu.memref_slice %arg18[%dma_start3A, %dma_start3A_193] : memref<104x64xf32, #tpu.memory_space<vmem>> -> memref<104x64xf32, #tpu.memory_space<vmem>>
      %dma_start3A_195 = tpu.memref_slice %arg8[%add3A_179, %mul3A_187] : memref<10000x128xf32, #tpu.memory_space<hbm>> -> memref<104x64xf32, #tpu.memory_space<hbm>>
      %dma_start3A_196 = tpu.memref_slice %arg8[%add3A_179, %mul3A_187] : memref<10000x128xf32, #tpu.memory_space<hbm>> -> memref<104x64xf32, #tpu.memory_space<hbm>>
      %dma_start3A_197 = arith.constant 0 : i32
      %dma_start3A_198 = arith.constant 0 : i32
      %dma_start3A_199 = tpu.memref_slice %arg18[%dma_start3A_197, %dma_start3A_198] : memref<104x64xf32, #tpu.memory_space<vmem>> -> memref<104x64xf32, #tpu.memory_space<vmem>>
      tpu.enqueue_dma source(%dma_start3A_199 : memref<104x64xf32, #tpu.memory_space<vmem>>) target(%dma_start3A_196 : memref<104x64xf32, #tpu.memory_space<hbm>>) target_semaphore(%run_scoped3A : memref<!tpu.dma_semaphore, #tpu.memory_space<semaphore_mem>>)
      %dma_wait3A_200 = arith.constant 0 : i32
      %dma_wait3A_201 = arith.constant 0 : i32
      %dma_wait3A_202 = tpu.memref_slice %arg18[%dma_wait3A_200, %dma_wait3A_201] : memref<104x64xf32, #tpu.memory_space<vmem>> -> memref<104x64xf32, #tpu.memory_space<vmem>>
      %dma_wait3A_203 = tpu.memref_slice %arg8[%add3A_179, %mul3A_187] : memref<10000x128xf32, #tpu.memory_space<hbm>> -> memref<104x64xf32, #tpu.memory_space<hbm>>
      %dma_wait3A_204 = tpu.memref_slice %arg8[%add3A_179, %mul3A_187] : memref<10000x128xf32, #tpu.memory_space<hbm>> -> memref<104x64xf32, #tpu.memory_space<hbm>>
      %dma_wait3A_205 = arith.constant 0 : i32
      %dma_wait3A_206 = arith.constant 0 : i32
      %dma_wait3A_207 = tpu.memref_slice %arg18[%dma_wait3A_205, %dma_wait3A_206] : memref<104x64xf32, #tpu.memory_space<vmem>> -> memref<104x64xf32, #tpu.memory_space<vmem>>
      tpu.wait_dma2 semaphore(%run_scoped3A : memref<!tpu.dma_semaphore, #tpu.memory_space<semaphore_mem>>) src(%dma_wait3A_207 : memref<104x64xf32, #tpu.memory_space<vmem>>) dst(%dma_wait3A_204 : memref<104x64xf32, #tpu.memory_space<hbm>>)
      tpu.yield
    }) : () -> ()
    %eq3A_188 = arith.constant 15 : i32
    %eq3A_189 = arith.cmpi eq, %arg1, %eq3A_188 : i32
    %convert_element_type3A_190 = arith.extui %eq3A_189 : i1 to i32
    %cond3A_191 = arith.constant 0 : i32
    %cond3A_192 = arith.cmpi ne, %convert_element_type3A_190, %cond3A_191 : i32
    scf.if %cond3A_192 {
      "tpu.region"() ({
        %run_scoped3A = tpu.sem_alloc : memref<!tpu.dma_semaphore, #tpu.memory_space<semaphore_mem>>
        %dma_start3A = arith.constant 0 : i32
        %dma_start3A_201 = arith.constant 0 : i32
        %dma_start3A_202 = tpu.memref_slice %arg18[%dma_start3A, %dma_start3A_201] : memref<104x64xf32, #tpu.memory_space<vmem>> -> memref<16x64xf32, #tpu.memory_space<vmem>>
        %dma_start3A_203 = arith.constant 9984 : i32
        %dma_start3A_204 = arith.constant 0 : i32
        %dma_start3A_205 = tpu.memref_slice %arg20[%dma_start3A_203, %dma_start3A_204] : memref<10000x64xf32, #tpu.memory_space<vmem_shared>> -> memref<16x64xf32, #tpu.memory_space<vmem_shared>>
        %dma_start3A_206 = arith.constant 0 : i32
        %dma_start3A_207 = arith.constant 0 : i32
        %dma_start3A_208 = tpu.memref_slice %arg18[%dma_start3A_206, %dma_start3A_207] : memref<104x64xf32, #tpu.memory_space<vmem>> -> memref<16x64xf32, #tpu.memory_space<vmem>>
        %dma_start3A_209 = arith.constant 9984 : i32
        %dma_start3A_210 = arith.constant 0 : i32
        %dma_start3A_211 = tpu.memref_slice %arg20[%dma_start3A_209, %dma_start3A_210] : memref<10000x64xf32, #tpu.memory_space<vmem_shared>> -> memref<16x64xf32, #tpu.memory_space<vmem_shared>>
        tpu.enqueue_dma source(%dma_start3A_211 : memref<16x64xf32, #tpu.memory_space<vmem_shared>>) target(%dma_start3A_208 : memref<16x64xf32, #tpu.memory_space<vmem>>) target_semaphore(%run_scoped3A : memref<!tpu.dma_semaphore, #tpu.memory_space<semaphore_mem>>)
        %dma_wait3A_212 = arith.constant 0 : i32
        %dma_wait3A_213 = arith.constant 0 : i32
        %dma_wait3A_214 = tpu.memref_slice %arg18[%dma_wait3A_212, %dma_wait3A_213] : memref<104x64xf32, #tpu.memory_space<vmem>> -> memref<16x64xf32, #tpu.memory_space<vmem>>
        %dma_wait3A_215 = arith.constant 9984 : i32
        %dma_wait3A_216 = arith.constant 0 : i32
        %dma_wait3A_217 = tpu.memref_slice %arg20[%dma_wait3A_215, %dma_wait3A_216] : memref<10000x64xf32, #tpu.memory_space<vmem_shared>> -> memref<16x64xf32, #tpu.memory_space<vmem_shared>>
        %dma_wait3A_218 = arith.constant 0 : i32
        %dma_wait3A_219 = arith.constant 0 : i32
        %dma_wait3A_220 = tpu.memref_slice %arg18[%dma_wait3A_218, %dma_wait3A_219] : memref<104x64xf32, #tpu.memory_space<vmem>> -> memref<16x64xf32, #tpu.memory_space<vmem>>
        %dma_wait3A_221 = arith.constant 9984 : i32
        %dma_wait3A_222 = arith.constant 0 : i32
        %dma_wait3A_223 = tpu.memref_slice %arg20[%dma_wait3A_221, %dma_wait3A_222] : memref<10000x64xf32, #tpu.memory_space<vmem_shared>> -> memref<16x64xf32, #tpu.memory_space<vmem_shared>>
        tpu.wait_dma2 semaphore(%run_scoped3A : memref<!tpu.dma_semaphore, #tpu.memory_space<semaphore_mem>>) src(%dma_wait3A_223 : memref<16x64xf32, #tpu.memory_space<vmem_shared>>) dst(%dma_wait3A_220 : memref<16x64xf32, #tpu.memory_space<vmem>>)
        tpu.yield
      }) : () -> ()
      "tpu.region"() ({
        %run_scoped3A = tpu.sem_alloc : memref<!tpu.dma_semaphore, #tpu.memory_space<semaphore_mem>>
        %dma_start3A = arith.constant 0 : i32
        %dma_start3A_201 = arith.constant 0 : i32
        %dma_start3A_202 = tpu.memref_slice %arg19[%dma_start3A, %dma_start3A_201] : memref<104x16xf32, #tpu.memory_space<vmem>> -> memref<16x16xf32, #tpu.memory_space<vmem>>
        %dma_start3A_203 = arith.constant 9984 : i32
        %dma_start3A_204 = arith.constant 0 : i32
        %dma_start3A_205 = tpu.memref_slice %arg21[%dma_start3A_203, %dma_start3A_204] : memref<10000x16xf32, #tpu.memory_space<vmem_shared>> -> memref<16x16xf32, #tpu.memory_space<vmem_shared>>
        %dma_start3A_206 = arith.constant 0 : i32
        %dma_start3A_207 = arith.constant 0 : i32
        %dma_start3A_208 = tpu.memref_slice %arg19[%dma_start3A_206, %dma_start3A_207] : memref<104x16xf32, #tpu.memory_space<vmem>> -> memref<16x16xf32, #tpu.memory_space<vmem>>
        %dma_start3A_209 = arith.constant 9984 : i32
        %dma_start3A_210 = arith.constant 0 : i32
        %dma_start3A_211 = tpu.memref_slice %arg21[%dma_start3A_209, %dma_start3A_210] : memref<10000x16xf32, #tpu.memory_space<vmem_shared>> -> memref<16x16xf32, #tpu.memory_space<vmem_shared>>
        tpu.enqueue_dma source(%dma_start3A_211 : memref<16x16xf32, #tpu.memory_space<vmem_shared>>) target(%dma_start3A_208 : memref<16x16xf32, #tpu.memory_space<vmem>>) target_semaphore(%run_scoped3A : memref<!tpu.dma_semaphore, #tpu.memory_space<semaphore_mem>>)
        %dma_wait3A_212 = arith.constant 0 : i32
        %dma_wait3A_213 = arith.constant 0 : i32
        %dma_wait3A_214 = tpu.memref_slice %arg19[%dma_wait3A_212, %dma_wait3A_213] : memref<104x16xf32, #tpu.memory_space<vmem>> -> memref<16x16xf32, #tpu.memory_space<vmem>>
        %dma_wait3A_215 = arith.constant 9984 : i32
        %dma_wait3A_216 = arith.constant 0 : i32
        %dma_wait3A_217 = tpu.memref_slice %arg21[%dma_wait3A_215, %dma_wait3A_216] : memref<10000x16xf32, #tpu.memory_space<vmem_shared>> -> memref<16x16xf32, #tpu.memory_space<vmem_shared>>
        %dma_wait3A_218 = arith.constant 0 : i32
        %dma_wait3A_219 = arith.constant 0 : i32
        %dma_wait3A_220 = tpu.memref_slice %arg19[%dma_wait3A_218, %dma_wait3A_219] : memref<104x16xf32, #tpu.memory_space<vmem>> -> memref<16x16xf32, #tpu.memory_space<vmem>>
        %dma_wait3A_221 = arith.constant 9984 : i32
        %dma_wait3A_222 = arith.constant 0 : i32
        %dma_wait3A_223 = tpu.memref_slice %arg21[%dma_wait3A_221, %dma_wait3A_222] : memref<10000x16xf32, #tpu.memory_space<vmem_shared>> -> memref<16x16xf32, #tpu.memory_space<vmem_shared>>
        tpu.wait_dma2 semaphore(%run_scoped3A : memref<!tpu.dma_semaphore, #tpu.memory_space<semaphore_mem>>) src(%dma_wait3A_223 : memref<16x16xf32, #tpu.memory_space<vmem_shared>>) dst(%dma_wait3A_220 : memref<16x16xf32, #tpu.memory_space<vmem>>)
        tpu.yield
      }) : () -> ()
      %scan3A_193 = arith.constant 0 : i32
      %scan3A_194 = arith.constant 0 : i32
      %scan3A_195 = arith.constant 16 : i32
      %scan3A_196 = arith.addi %scan3A_194, %scan3A_195 : i32
      %scan3A_197 = arith.constant 1 : i32
      scf.for %scan3A_201 = %scan3A_194 to %scan3A_196 step %scan3A_197  : i32 {
        %get3A = arith.index_cast %scan3A_201 : i32 to index
        %get3A_202 = arith.constant 0 : index
        %get3A_203 = tpu.vector_load %arg19[%get3A, %get3A_202] {strides = array<i32>} : memref<104x16xf32, #tpu.memory_space<vmem>>, vector<1x16xf32>,
        %get3A_204 = vector.shape_cast %get3A_203 : vector<1x16xf32> to vector<16xf32>
        %add3A_205 = arith.constant 9.99999993E-9 : f32
        %add3A_206 = vector.broadcast %add3A_205 : f32 to vector<16xf32>
        %add3A_207 = arith.addf %get3A_204, %add3A_206 : vector<16xf32>
        %div3A = arith.constant 1.000000e+00 : f32
        %div3A_208 = vector.broadcast %div3A : f32 to vector<16xf32>
        %div3A_209 = arith.divf %div3A_208, %add3A_207 : vector<16xf32>
        %get3A_210 = arith.index_cast %scan3A_201 : i32 to index
        %get3A_211 = arith.constant 0 : index
        %get3A_212 = tpu.vector_load %arg18[%get3A_210, %get3A_211] {strides = array<i32>} : memref<104x64xf32, #tpu.memory_space<vmem>>, vector<1x16xf32>,
        %get3A_213 = vector.shape_cast %get3A_212 : vector<1x16xf32> to vector<16xf32>
        %mul3A_214 = arith.mulf %get3A_213, %div3A_209 : vector<16xf32>
        %swap3A = arith.index_cast %scan3A_201 : i32 to index
        %swap3A_215 = arith.constant 0 : index
        %swap3A_216 = tpu.vector_load %arg18[%swap3A, %swap3A_215] {strides = array<i32>} : memref<104x64xf32, #tpu.memory_space<vmem>>, vector<1x16xf32>,
        %swap3A_217 = vector.shape_cast %swap3A_216 : vector<1x16xf32> to vector<16xf32>
        %swap3A_218 = vector.shape_cast %mul3A_214 : vector<16xf32> to vector<1x16xf32>
        tpu.vector_store %arg18[%swap3A, %swap3A_215], %swap3A_218 {strides = array<i32>} : memref<104x64xf32, #tpu.memory_space<vmem>>, vector<1x16xf32>,
        %get3A_219 = arith.index_cast %scan3A_201 : i32 to index
        %get3A_220 = arith.constant 16 : index
        %get3A_221 = tpu.vector_load %arg18[%get3A_219, %get3A_220] {strides = array<i32>} : memref<104x64xf32, #tpu.memory_space<vmem>>, vector<1x16xf32>,
        %get3A_222 = vector.shape_cast %get3A_221 : vector<1x16xf32> to vector<16xf32>
        %mul3A_223 = arith.mulf %get3A_222, %div3A_209 : vector<16xf32>
        %swap3A_224 = arith.index_cast %scan3A_201 : i32 to index
        %swap3A_225 = arith.constant 16 : index
        %swap3A_226 = tpu.vector_load %arg18[%swap3A_224, %swap3A_225] {strides = array<i32>} : memref<104x64xf32, #tpu.memory_space<vmem>>, vector<1x16xf32>,
        %swap3A_227 = vector.shape_cast %swap3A_226 : vector<1x16xf32> to vector<16xf32>
        %swap3A_228 = vector.shape_cast %mul3A_223 : vector<16xf32> to vector<1x16xf32>
        tpu.vector_store %arg18[%swap3A_224, %swap3A_225], %swap3A_228 {strides = array<i32>} : memref<104x64xf32, #tpu.memory_space<vmem>>, vector<1x16xf32>,
        %get3A_229 = arith.index_cast %scan3A_201 : i32 to index
        %get3A_230 = arith.constant 32 : index
        %get3A_231 = tpu.vector_load %arg18[%get3A_229, %get3A_230] {strides = array<i32>} : memref<104x64xf32, #tpu.memory_space<vmem>>, vector<1x16xf32>,
        %get3A_232 = vector.shape_cast %get3A_231 : vector<1x16xf32> to vector<16xf32>
        %mul3A_233 = arith.mulf %get3A_232, %div3A_209 : vector<16xf32>
        %swap3A_234 = arith.index_cast %scan3A_201 : i32 to index
        %swap3A_235 = arith.constant 32 : index
        %swap3A_236 = tpu.vector_load %arg18[%swap3A_234, %swap3A_235] {strides = array<i32>} : memref<104x64xf32, #tpu.memory_space<vmem>>, vector<1x16xf32>,
        %swap3A_237 = vector.shape_cast %swap3A_236 : vector<1x16xf32> to vector<16xf32>
        %swap3A_238 = vector.shape_cast %mul3A_233 : vector<16xf32> to vector<1x16xf32>
        tpu.vector_store %arg18[%swap3A_234, %swap3A_235], %swap3A_238 {strides = array<i32>} : memref<104x64xf32, #tpu.memory_space<vmem>>, vector<1x16xf32>,
        %get3A_239 = arith.index_cast %scan3A_201 : i32 to index
        %get3A_240 = arith.constant 48 : index
        %get3A_241 = tpu.vector_load %arg18[%get3A_239, %get3A_240] {strides = array<i32>} : memref<104x64xf32, #tpu.memory_space<vmem>>, vector<1x16xf32>,
        %get3A_242 = vector.shape_cast %get3A_241 : vector<1x16xf32> to vector<16xf32>
        %mul3A_243 = arith.mulf %get3A_242, %div3A_209 : vector<16xf32>
        %swap3A_244 = arith.index_cast %scan3A_201 : i32 to index
        %swap3A_245 = arith.constant 48 : index
        %swap3A_246 = tpu.vector_load %arg18[%swap3A_244, %swap3A_245] {strides = array<i32>} : memref<104x64xf32, #tpu.memory_space<vmem>>, vector<1x16xf32>,
        %swap3A_247 = vector.shape_cast %swap3A_246 : vector<1x16xf32> to vector<16xf32>
        %swap3A_248 = vector.shape_cast %mul3A_243 : vector<16xf32> to vector<1x16xf32>
        tpu.vector_store %arg18[%swap3A_244, %swap3A_245], %swap3A_248 {strides = array<i32>} : memref<104x64xf32, #tpu.memory_space<vmem>>, vector<1x16xf32>,
      }
      %scan3A_198 = arith.constant 16 : i32
      %mul3A_199 = arith.constant 64 : i32
      %mul3A_200 = arith.muli %arg0, %mul3A_199 : i32
      "tpu.region"() ({
        %run_scoped3A = tpu.sem_alloc : memref<!tpu.dma_semaphore, #tpu.memory_space<semaphore_mem>>
        %dma_start3A = arith.constant 0 : i32
        %dma_start3A_201 = arith.constant 0 : i32
        %dma_start3A_202 = tpu.memref_slice %arg18[%dma_start3A, %dma_start3A_201] : memref<104x64xf32, #tpu.memory_space<vmem>> -> memref<16x64xf32, #tpu.memory_space<vmem>>
        %dma_start3A_203 = arith.constant 9984 : i32
        %dma_start3A_204 = tpu.memref_slice %arg8[%dma_start3A_203, %mul3A_200] : memref<10000x128xf32, #tpu.memory_space<hbm>> -> memref<16x64xf32, #tpu.memory_space<hbm>>
        %dma_start3A_205 = arith.constant 9984 : i32
        %dma_start3A_206 = tpu.memref_slice %arg8[%dma_start3A_205, %mul3A_200] : memref<10000x128xf32, #tpu.memory_space<hbm>> -> memref<16x64xf32, #tpu.memory_space<hbm>>
        %dma_start3A_207 = arith.constant 0 : i32
        %dma_start3A_208 = arith.constant 0 : i32
        %dma_start3A_209 = tpu.memref_slice %arg18[%dma_start3A_207, %dma_start3A_208] : memref<104x64xf32, #tpu.memory_space<vmem>> -> memref<16x64xf32, #tpu.memory_space<vmem>>
        tpu.enqueue_dma source(%dma_start3A_209 : memref<16x64xf32, #tpu.memory_space<vmem>>) target(%dma_start3A_206 : memref<16x64xf32, #tpu.memory_space<hbm>>) target_semaphore(%run_scoped3A : memref<!tpu.dma_semaphore, #tpu.memory_space<semaphore_mem>>)
        %dma_wait3A_210 = arith.constant 0 : i32
        %dma_wait3A_211 = arith.constant 0 : i32
        %dma_wait3A_212 = tpu.memref_slice %arg18[%dma_wait3A_210, %dma_wait3A_211] : memref<104x64xf32, #tpu.memory_space<vmem>> -> memref<16x64xf32, #tpu.memory_space<vmem>>
        %dma_wait3A_213 = arith.constant 9984 : i32
        %dma_wait3A_214 = tpu.memref_slice %arg8[%dma_wait3A_213, %mul3A_200] : memref<10000x128xf32, #tpu.memory_space<hbm>> -> memref<16x64xf32, #tpu.memory_space<hbm>>
        %dma_wait3A_215 = arith.constant 9984 : i32
        %dma_wait3A_216 = tpu.memref_slice %arg8[%dma_wait3A_215, %mul3A_200] : memref<10000x128xf32, #tpu.memory_space<hbm>> -> memref<16x64xf32, #tpu.memory_space<hbm>>
        %dma_wait3A_217 = arith.constant 0 : i32
        %dma_wait3A_218 = arith.constant 0 : i32
        %dma_wait3A_219 = tpu.memref_slice %arg18[%dma_wait3A_217, %dma_wait3A_218] : memref<104x64xf32, #tpu.memory_space<vmem>> -> memref<16x64xf32, #tpu.memory_space<vmem>>
        tpu.wait_dma2 semaphore(%run_scoped3A : memref<!tpu.dma_semaphore, #tpu.memory_space<semaphore_mem>>) src(%dma_wait3A_219 : memref<16x64xf32, #tpu.memory_space<vmem>>) dst(%dma_wait3A_216 : memref<16x64xf32, #tpu.memory_space<hbm>>)
        tpu.yield
      }) : () -> ()
    } else {
    }
    return
  }
}

module attributes {stable_mosaic.version = 14 : i64} {
  func.func @_prep_body(%arg0: i32, %arg1: memref<1000x128xf32, #tpu.memory_space<vmem>>, %arg2: memref<256x128xf32, #tpu.memory_space<vmem>>, %arg3: memref<1x128xf32, #tpu.memory_space<vmem>>, %arg4: memref<1000x64xf32, #tpu.memory_space<vmem>>, %arg5: memref<1000x64xf32, #tpu.memory_space<vmem>>, %arg6: memref<1000x64xf32, #tpu.memory_space<vmem>>, %arg7: memref<1000x64xf32, #tpu.memory_space<vmem>>) attributes {dimension_semantics = [#tpu.dimension_semantics<arbitrary>], iteration_bounds = array<i64: 10>, scalar_prefetch = 0 : i64, scratch_operands = 0 : i64, tpu.core_type = #tpu.core_type<tc>, window_params = [{transform_indices = @transform_0, window_bounds = array<i64: 1000, 128>}, {pipeline_mode = #tpu.pipeline_mode<synchronous>, transform_indices = @transform_1, window_bounds = array<i64: 256, 128>}, {pipeline_mode = #tpu.pipeline_mode<synchronous>, transform_indices = @transform_2, window_bounds = array<i64: 1, 128>}, {transform_indices = @transform_3, window_bounds = array<i64: 1000, 64>}, {transform_indices = @transform_4, window_bounds = array<i64: 1000, 64>}, {transform_indices = @transform_5, window_bounds = array<i64: 1000, 64>}, {transform_indices = @transform_6, window_bounds = array<i64: 1000, 64>}]} {
    %get3A = arith.constant 0 : index
    %get3A_0 = arith.constant 0 : index
    %get3A_1 = vector.load %arg2[%get3A, %get3A_0] : memref<256x128xf32, #tpu.memory_space<vmem>>, vector<128x128xf32>
    %get3A_2 = arith.constant 128 : index
    %get3A_3 = arith.constant 0 : index
    %get3A_4 = vector.load %arg2[%get3A_2, %get3A_3] : memref<256x128xf32, #tpu.memory_space<vmem>>, vector<128x128xf32>
    %get3A_5 = arith.constant 0 : index
    %get3A_6 = arith.constant 0 : index
    %get3A_7 = vector.load %arg1[%get3A_5, %get3A_6] : memref<1000x128xf32, #tpu.memory_space<vmem>>, vector<1000x128xf32>
    %sub3A = arith.subf %get3A_1, %get3A_4 : vector<128x128xf32>
    %dot_general3A = arith.constant dense<0.000000e+00> : vector<1000x128xf32>
    %dot_general3A_8 = tpu.matmul %get3A_7, %sub3A, %dot_general3A {dimension_numbers = #tpu.dot_dimension_numbers<[1], [0], [0], [1], [0, 0, 1, 1], [], []>, transpose_lhs_hint = false} : vector<1000x128xf32>, vector<128x128xf32>, vector<1000x128xf32> -> vector<1000x128xf32>
    %get3A_9 = arith.constant 0 : index
    %get3A_10 = arith.constant 0 : index
    %get3A_11 = vector.load %arg3[%get3A_9, %get3A_10] : memref<1x128xf32, #tpu.memory_space<vmem>>, vector<1x128xf32>
    %add3A = vector.broadcast %get3A_11 : vector<1x128xf32> to vector<1000x128xf32>
    %add3A_12 = arith.addf %dot_general3A_8, %add3A : vector<1000x128xf32>
    %dot_general3A_13 = arith.constant dense<0.000000e+00> : vector<1000x128xf32>
    %dot_general3A_14 = tpu.matmul %get3A_7, %get3A_4, %dot_general3A_13 {dimension_numbers = #tpu.dot_dimension_numbers<[1], [0], [0], [1], [0, 0, 1, 1], [], []>, transpose_lhs_hint = false} : vector<1000x128xf32>, vector<128x128xf32>, vector<1000x128xf32> -> vector<1000x128xf32>
    %slice3A = vector.extract_strided_slice %add3A_12 {offsets = [0, 0], sizes = [1000, 64], strides = [1, 1]} : vector<1000x128xf32> to vector<1000x64xf32>
    %swap3A = arith.constant 0 : index
    %swap3A_15 = arith.constant 0 : index
    %swap3A_16 = vector.load %arg4[%swap3A, %swap3A_15] : memref<1000x64xf32, #tpu.memory_space<vmem>>, vector<1000x64xf32>
    tpu.vector_store %arg4[%swap3A, %swap3A_15], %slice3A {strides = array<i32>} : memref<1000x64xf32, #tpu.memory_space<vmem>>, vector<1000x64xf32>,
    %slice3A_17 = vector.extract_strided_slice %add3A_12 {offsets = [0, 64], sizes = [1000, 64], strides = [1, 1]} : vector<1000x128xf32> to vector<1000x64xf32>
    %swap3A_18 = arith.constant 0 : index
    %swap3A_19 = arith.constant 0 : index
    %swap3A_20 = vector.load %arg5[%swap3A_18, %swap3A_19] : memref<1000x64xf32, #tpu.memory_space<vmem>>, vector<1000x64xf32>
    tpu.vector_store %arg5[%swap3A_18, %swap3A_19], %slice3A_17 {strides = array<i32>} : memref<1000x64xf32, #tpu.memory_space<vmem>>, vector<1000x64xf32>,
    %slice3A_21 = vector.extract_strided_slice %dot_general3A_14 {offsets = [0, 0], sizes = [1000, 64], strides = [1, 1]} : vector<1000x128xf32> to vector<1000x64xf32>
    %swap3A_22 = arith.constant 0 : index
    %swap3A_23 = arith.constant 0 : index
    %swap3A_24 = vector.load %arg6[%swap3A_22, %swap3A_23] : memref<1000x64xf32, #tpu.memory_space<vmem>>, vector<1000x64xf32>
    tpu.vector_store %arg6[%swap3A_22, %swap3A_23], %slice3A_21 {strides = array<i32>} : memref<1000x64xf32, #tpu.memory_space<vmem>>, vector<1000x64xf32>,
    %slice3A_25 = vector.extract_strided_slice %dot_general3A_14 {offsets = [0, 64], sizes = [1000, 64], strides = [1, 1]} : vector<1000x128xf32> to vector<1000x64xf32>
    %swap3A_26 = arith.constant 0 : index
    %swap3A_27 = arith.constant 0 : index
    %swap3A_28 = vector.load %arg7[%swap3A_26, %swap3A_27] : memref<1000x64xf32, #tpu.memory_space<vmem>>, vector<1000x64xf32>
    tpu.vector_store %arg7[%swap3A_26, %swap3A_27], %slice3A_25 {strides = array<i32>} : memref<1000x64xf32, #tpu.memory_space<vmem>>, vector<1000x64xf32>,
    return
  }
  func.func @transform_0(%arg0: i32) -> (i32, i32) {
    %c0_i32 = arith.constant 0 : i32
    %c0_i32_0 = arith.constant 0 : i32
    return %arg0, %c0_i32 : i32, i32
  }
  func.func @transform_1(%arg0: i32) -> (i32, i32) {
    %c0_i32 = arith.constant 0 : i32
    %c0_i32_0 = arith.constant 0 : i32
    %c0_i32_1 = arith.constant 0 : i32
    return %c0_i32, %c0_i32_0 : i32, i32
  }
  func.func @transform_2(%arg0: i32) -> (i32, i32) {
    %c0_i32 = arith.constant 0 : i32
    %c0_i32_0 = arith.constant 0 : i32
    %c0_i32_1 = arith.constant 0 : i32
    return %c0_i32, %c0_i32_0 : i32, i32
  }
  func.func @transform_3(%arg0: i32) -> (i32, i32) {
    %c0_i32 = arith.constant 0 : i32
    %c0_i32_0 = arith.constant 0 : i32
    return %arg0, %c0_i32 : i32, i32
  }
  func.func @transform_4(%arg0: i32) -> (i32, i32) {
    %c0_i32 = arith.constant 0 : i32
    %c0_i32_0 = arith.constant 0 : i32
    return %arg0, %c0_i32 : i32, i32
  }
  func.func @transform_5(%arg0: i32) -> (i32, i32) {
    %c0_i32 = arith.constant 0 : i32
    %c0_i32_0 = arith.constant 0 : i32
    return %arg0, %c0_i32 : i32, i32
  }
  func.func @transform_6(%arg0: i32) -> (i32, i32) {
    %c0_i32 = arith.constant 0 : i32
    %c0_i32_0 = arith.constant 0 : i32
    return %arg0, %c0_i32 : i32, i32
  }
}

</mosaic_0001>

<sc_bundles>
// kernel: kernel.4.cloned.1.call-start
scs
__scs_entry_jumppad:
0x0: {  	(pc) =	sbr.rel $0x88, $3  }
0x1: {  	(tag) =	ssettag $0x0;
	lr =	simm.s32 $0x1  }
0x2: {  	[smem:$0x3F9D] =	sst lr;
	_ =	strace $0xD0000000  }
0x3: {  	_ = 	snop  }
0x4: {  	_ = 	snop  }
0x5: {  	_ = 	snop  }
0x6: {  	_ = 	snop  }
0x7: {  	_ = 	snop  }
__scs_overlays_trampoline_lowered:
0x8: {  	[smem:$0x3FAC] =	sst s0  }
0x9: {  	[smem:$0x3FAD] =	sst s1  }
0xa: {  	[smem:$0x3FAE] =	sst s2  }
0xb: {  	[smem:$0x3FAF] =	sst s3  }
0xc: {  	[smem:$0x3FB0] =	sst s4  }
0xd: {  	[smem:$0x3FB1] =	sst s5  }
0xe: {  	[smem:$0x3FB2] =	sst s6  }
0xf: {  	[smem:$0x3FB3] =	sst s7  }
0x10: {  	[smem:$0x3FB4] =	sst s8  }
0x11: {  	[smem:$0x3FB5] =	sst s9;
	s0 =	simm.s32 @!p0 $0x0  }
0x12: {  	s1 =	sld [smem:$0x3F9B];
	s0 =	simm.s32 @p0 $0x1  }
0x13: {  	[smem:$0x3FB6] =	sst s0;
	s0 =	simm.s32 @!p1 $0x0  }
0x14: {  	s2 =	sld [smem:$0x3F9A];
	s0 =	simm.s32 @p1 $0x1  }
0x15: {  	[smem:$0x3FB7] =	sst s0;
	s0 =	simm.s32 @!p2 $0x0  }
0x16: {  	s3 =	sld [smem:$0x3FDB];
	s0 =	simm.s32 @p2 $0x1  }
0x17: {  	s4 =	simm.s32 $0x1BF5;
	[smem:$0x3FB9] =	sst s0  }
0x18: {  	s0 =	sld [smem:$0x3F9C];
	_ =	swait.ge [sflag:s4], $0x0  }
0x19: {  	s7 =	sld [smem:$0x3F9D]  }
0x1a: {  	s8 =	sadd.s32 $0xFFFFE003, lr  }
0x1b: {  	s9 =	sadd.s32 $0xFFFFFEF7, lr;
	s5 =	simm.s32 $0xFFFFFFFF;
	p2 =	slt.u32 s8, $0xFFFFF086  }
0x1c: {  	p1 =	slt.u32 s9, $0xF7A;
	s5 =	simm.s32 @!p2 $0x0  }
0x1d: {  	s5 =	simm.s32 @p1 $0x1;
	p0 =	seq.s32 s7, s2  }
0x1e: {  	s7 =	smul.u32 @!p0 $0xF7A, s2;
	p2 =	seq.s32 @!p0 s5, $0x0  }
0x1f: {  	s9 =	smul.u32 $0xF7A, s1;
	s8 =	simm.s32 @!p0 $0x1BF5;
	p2 =	por !p2, p0  }
0x20: {  	[sflag:s8] =	ssyncset.s32 @!p0 $0xFFFFF086;
	s6 =	sadd.s32 @!p0 s3, s7;
	s7 =	simm.s32 @!p0 $0x108  }
0x21: {  	s3 =	sadd.s32 s3, s9;
	s6 =	sadd.s32 @!p0 $0x88, s6;
	s7 =	simm.s32 @p2 $0x1082  }
0x22: {  	[simem:s7], [sflag:s8] =	dma.local @!p0 [hbm:s6], $0xF7A  }
0x23: {  	s9 =	sor.u32 $0xD0000000, s2;
	s6 =	simm.s32 $0x108;
	_ =	swait.ge @!p0 [sflag:s8], $0x0  }
0x24: {  	s3 =	sadd.s32 $0x88, s3;
	s6 =	simm.s32 @!p1 $0x1082;
	[sflag:s4] =	ssyncset.s32 $0xFFFFF086  }
0x25: {  	[simem:s6], [sflag:s4] =	dma.local [hbm:s3], $0xF7A  }
0x26: {  	[smem:$0x3F9D] =	sst s1;
	(tag) =	ssettag s2;
	_ =	strace s9  }
0x27: {  	s1 =	sld [smem:$0x3FAD]  }
0x28: {  	s2 =	sld [smem:$0x3FAE]  }
0x29: {  	s4 =	sld [smem:$0x3FB0]  }
0x2a: {  	p0 =	seq.s32 s5, $0x0;
	s5 =	sld [smem:$0x3FB1]  }
0x2b: {  	s6 =	sld [smem:$0x3FB2]  }
0x2c: {  	s7 =	sld [smem:$0x3FB3]  }
0x2d: {  	s3 =	simm.s32 $0x108;
	s8 =	sld [smem:$0x3FB4]  }
0x2e: {  	s3 =	simm.s32 @!p0 $0x1082;
	s9 =	sld [smem:$0x3FB5]  }
0x2f: {  	lr =	sadd.s32 s0, s3;
	s0 =	sld [smem:$0x3FAC]  }
0x30: {  	s3 =	sld [smem:$0x3FAF]  }
0x31: {  	[smem:$0x3FB8] =	sst s10  }
0x32: {  	s10 =	sld [smem:$0x3FB6];
	_ =	sdelay $0x3  }
0x33: {  	p0 =	seq.s32 s10, $0x1;
	s10 =	sld [smem:$0x3FB8];
	_ =	sdelay $0x3  }
0x34: {  	[smem:$0x3FB8] =	sst s10  }
0x35: {  	s10 =	sld [smem:$0x3FB7];
	_ =	sdelay $0x3  }
0x36: {  	p1 =	seq.s32 s10, $0x1;
	s10 =	sld [smem:$0x3FB8];
	_ =	sdelay $0x3  }
0x37: {  	[smem:$0x3FB8] =	sst s10  }
0x38: {  	s10 =	sld [smem:$0x3FB9]  }
0x39: {  	_ = 	snop;
	(pc) =	sbr.ind lr, $3  }
0x3a: {  	_ = 	snop  }
0x3b: {  	_ = 	snop  }
0x3c: {  	p2 =	seq.s32 s10, $0x1;
	s10 =	sld [smem:$0x3FB8]  }
0x3d: {  	_ =	shalt  }
0x3e: {  	_ =	shalt  }
0x3f: {  	_ =	shalt  }
0x40: {  	_ =	shalt  }
0x41: {  	_ =	shalt  }
0x42: {  	_ =	shalt  }
0x43: {  	_ =	shalt  }
0x44: {  	_ =	shalt  }
0x45: {  	_ =	shalt  }
0x46: {  	_ =	shalt  }
0x47: {  	_ =	shalt  }
0x48: {  	_ =	shalt  }
0x49: {  	_ =	shalt  }
0x4a: {  	_ =	shalt  }
0x4b: {  	_ =	shalt  }
0x4c: {  	_ =	shalt  }
0x4d: {  	_ =	shalt  }
0x4e: {  	_ =	shalt  }
0x4f: {  	_ =	shalt  }
0x50: {  	_ =	shalt  }
0x51: {  	_ =	shalt  }
0x52: {  	_ =	shalt  }
0x53: {  	_ =	shalt  }
0x54: {  	_ =	shalt  }
0x55: {  	_ =	shalt  }
0x56: {  	_ =	shalt  }
0x57: {  	_ =	shalt  }
0x58: {  	_ =	shalt  }
0x59: {  	_ =	shalt  }
0x5a: {  	_ =	shalt  }
0x5b: {  	_ =	shalt  }
0x5c: {  	_ =	shalt  }
0x5d: {  	_ =	shalt  }
0x5e: {  	_ =	shalt  }
0x5f: {  	_ =	shalt  }
0x60: {  	_ =	shalt  }
0x61: {  	_ =	shalt  }
0x62: {  	_ =	shalt  }
0x63: {  	_ =	shalt  }
0x64: {  	_ =	shalt  }
0x65: {  	_ =	shalt  }
0x66: {  	_ =	shalt  }
0x67: {  	_ =	shalt  }
0x68: {  	_ =	shalt  }
0x69: {  	_ =	shalt  }
0x6a: {  	_ =	shalt  }
0x6b: {  	_ =	shalt  }
0x6c: {  	_ =	shalt  }
0x6d: {  	_ =	shalt  }
0x6e: {  	_ =	shalt  }
0x6f: {  	_ =	shalt  }
0x70: {  	_ =	shalt  }
0x71: {  	_ =	shalt  }
0x72: {  	_ =	shalt  }
0x73: {  	_ =	shalt  }
0x74: {  	_ =	shalt  }
0x75: {  	_ =	shalt  }
0x76: {  	_ =	shalt  }
0x77: {  	_ =	shalt  }
0x78: {  	_ =	shalt  }
0x79: {  	_ =	shalt  }
0x7a: {  	_ =	shalt  }
0x7b: {  	_ =	shalt  }
0x7c: {  	_ =	shalt  }
0x7d: {  	_ =	shalt  }
0x7e: {  	_ =	shalt  }
0x7f: {  	_ =	shalt  }
0x80: {  	_ =	shalt  }
0x81: {  	_ =	shalt  }
0x82: {  	_ =	shalt  }
0x83: {  	_ =	shalt  }
0x84: {  	_ =	shalt  }
0x85: {  	_ =	shalt  }
0x86: {  	_ =	shalt  }
0x87: {  	_ =	shalt  }
.Lfunc_end0:
.L_simem_size_0:
called_computation_lowered:
.L_overlay_start_0:
0x88: {  	s2 =	sld [smem:$0x3FD9]  }
0x89: {  	s3 =	sld [smem:$0x3FFE];
	_ =	sdelay $0x1  }
0x8a: {  	s1 =	srdreg.scid  }
0x8b: {  	s0 =	sand.u32 $0x1, s1  }
0x8c: {  	s17 =	sshll.u32 s0, $0xA;
	s2 =	sadd.s32 s3, s2  }
0x8d: {  	s2 =	sadd.s32 s2, s17  }
0x8e: {  	[smem:$0x3FC4] =	sst s2  }
0x8f: {  	_ = 	snop  }
0x90: {  	s2 =	sld [smem:$0x3FD0];
	(tm) =	ssettm $0x1  }
0x91: {  	s18 =	sld [smem:$0x3FFB];
	_ =	sdelay $0x3  }
0x92: {  	_ =	strace s18  }
0x93: {  	s3 =	sld [smem:$0x3FFC];
	_ =	sdelay $0x3  }
0x94: {  	_ =	strace s3  }
0x95: {  	s3 =	sld [smem:$0x3FFD];
	_ =	sdelay $0x3  }
0x96: {  	_ =	strace s3  }
0x97: {  	_ =	strace $0x8FFFFFFF  }
0x98: {  	s19 =	sld [smem:$0x3FDB];
	_ =	sdelay $0x1  }
0x99: {  	s4 =	simm.s32 $_scs_section_size  }
0x9a: {  	s5 =	simm.s32 $_size__tile_overlayer_lowered;
	s6 =	simm.s32 $_tile_overlayer_lowered  }
0x9b: {  	s22 =	simm.s32 $0x1BFF;
	s21 =	sshll.u32 s6, $0x1;
	s3 =	sadd.s32 s4, s19  }
0x9c: {  	s7 =	simm.s32 $0x0;
	s20 =	sshll.u32 s5, $0x1;
	s5 =	sadd.s32 s21, s3  }
0x9d: {  	[timem:s7], [sflag:s22] =	dma.local [hbm:s5], s20  }
0x9e: {  	_ =	swait.ge [sflag:s22], s20  }
0x9f: {  	s4 =	ssub.s32 $0x0, s20;
	[sflag:s22] =	ssyncset.done $0x0  }
0xa0: {  	[sflag:s22] =	ssyncadd.s32 s4;
	_ =	sdelay $0x1  }
0xa1: {  	s23 =	simm.s32 $0x1B8B  }
0xa2: {  	_ =	swait.ge [sflag:s23], $0x1  }
0xa3: {  	[sflag:s23] =	ssyncset.done $0x0  }
0xa4: {  	s25 =	simm.s32 $0x1B8E;
	s24 =	sld [smem:$0x3FFE];
	[sflag:s23] =	ssyncadd.s32 $0xFFFFFFFF  }
0xa5: {  	s26 =	simm.s32 $execute0_lowered;
	[smem:$0x3FD2] =	sst s25  }
0xa6: {  	s5 =	sshll.u32 s26, $0x1;
	_ =	strace $0x80000046;
	[dreg:$0x1] =	wrdreg $0xFFFFFFFF  }
0xa7: {  	s28 =	simm.s32 $_size_execute0_lowered;
	s3 =	sadd.s32 s3, s5;
	[dreg:$0x0] =	wrdreg $0x0  }
0xa8: {  	s5 =	sshll.u32 s28, $0x1;
	[dreg:$0x2] =	wrdreg s3  }
0xa9: {  	[dreg:$0x3] =	wrdreg s5  }
0xaa: {  	[dreg:$0x4] =	wrdreg $0xC0  }
0xab: {  	_ =	task [dreg:s7], $0x5FFFF  }
0xac: {  	[dreg:$0x1] =	wrdreg $0xFFFFFFFF  }
0xad: {  	[dreg:$0x0] =	wrdreg $0x60  }
0xae: {  	[dreg:$0x2] =	wrdreg s24  }
0xaf: {  	[dreg:$0x3] =	wrdreg s2  }
0xb0: {  	[dreg:$0x4] =	wrdreg $0x139C00  }
0xb1: {  	[dreg:$0x5] =	wrdreg $0x1D6000  }
0xb2: {  	[dreg:$0x6] =	wrdreg $0x9  }
0xb3: {  	_ =	task.clear_ibuf [dreg:s7], $0x7FFFF;
	_ =	strace $0x90000046  }
0xb4: {  	s29 =	simm.s32 $0x9;
	_ =	strace $0x80000048  }
0xb5: {  	_ =	swait.ge [sflag:s29], $0x1  }
0xb6: {  	[sflag:s29] =	ssyncadd.s32 $0xFFFFFFFF  }
0xb7: {  	_ =	strace $0x90000048  }
0xb8: {  	_ =	sfence  }
0xb9: {  	s30 =	sld [smem:$0x0];
	_ =	sdelay $0x2  }
0xba: {  	s31 =	sshll.u32 s1, $0xD;
	s1 =	sshrl.u32 s1, $0x2  }
0xbb: {  	s3 =	sand.u32 $0x4000, s31;
	s1 =	sadd.s32 s1, s30  }
0xbc: {  	s0 =	sor.u32 s3, s0;
	s1 =	sshll.u32 s1, $0x11  }
0xbd: {  	s0 =	sor.u32 s1, s0  }
0xbe: {  	s0 =	sadd.s32 $0x8F2B, s0  }
0xbf: {  	[sflag:s0] =	ssyncadd.remote.s32 $0x1  }
0xc0: {  	_ =	sfence.sel $0xFFFF  }
0xc1: {  	[dreg:$0x0] =	wrdreg $0xFFFFFFFF;
	(pc) =	sbr.abs _section_cstart, $3  }
0xc2: {  	[dreg:$0x1] =	wrdreg $0xFFFFFFFF  }
0xc3: {  	_ =	task.clear_ibuf [dreg:s7], $0x2FFFF;
	_ =	strace $0x9FFFFFFF  }
0xc4: {  	(tm) =	ssettm $0x7FFFFFFF  }
0xc5: {  	_ =	shalt  }
tec
execute0_lowered:
.L_overlay_start_1:
0x0: {  	(tag) =	ssettag $0x1  }
0x1: {  	s0 =	rddreg [dreg:$0x0]  }
0x2: {  	s1 =	rddreg [dreg:$0x1]  }
0x3: {  	s2 =	rddreg [dreg:$0x2]  }
0x4: {  	s3 =	rddreg [dreg:$0x3];
	s28 =	stileid.u32;
	s5 =	simm.s32 $0x0  }
0x5: {  	s16 =	srdreg.scid;
	s31 =	simm.s32 $0x40;
	s29 =	simm.s32 $0x80  }
0x6: {  	s30 =	simm.s32 $0x0;
	s4 =	smul.u32 $0x9C4, s28;
	[smem:$0x7FF] =	sst s5  }
0x7: {  	s7 =	sadd.s32 $0x3B200, s0;
	s8 =	sand.u32 $0x1, s16;
	s9 =	smul.u32 $0x270, s28  }
0x8: {  	s5 =	sadd.s32 $0x27800, s0;
	s11 =	smul.u32 $0x27000, s28;
	s12 =	sadd.s32 $0x13E00, s0  }
0x9: {  	s6 =	sadd.s32 $0x400, s0;
	s15 =	smul.u32 $0x13800, s28;
	_ =	strace $0x80000047  }
0xa: {  	s10 =	ssub.s32 $0x2, s8;
	p0 =	seq.s32 s8, $0x0;
	s4 =	sadd.s32 s4, s0  }
0xb: {  	s17 =	sshrl.u32 s10, $0x1;
	s13 =	sadd.s32 $0xD0, s9;
	s14 =	sadd.s32 $0x138, s9  }
0xc: {  	s16 =	sadd.s32 $0x1A0, s9;
	s5 =	smov.u32 @p0 s7;
	s6 =	smov.u32 @p0 s12  }
0xd: {  	p0 =	sne.s32 s28, $0xF;
	s7 =	simm.s32 $0x50;
	s0 =	ssub.s32 s10, s17  }
0xe: {  	s10 =	sshrl.u32 s11, $0x2;
	s11 =	sadd.s32 $0x68, s9;
	s9 =	sadd.s32 $0x208, s9  }
0xf: {  	s17 =	sshll.u32 s8, $0x6;
	s19 =	sshll.u32 s13, $0x7;
	s20 =	sshll.u32 s14, $0x7  }
0x10: {  	s21 =	sshll.u32 s16, $0x7;
	s8 =	sshll.u32 s8, $0x3;
	s12 =	sshll.u32 s14, $0x6  }
0x11: {  	s15 =	sor.u32 s17, s15;
	s18 =	sshll.u32 s11, $0x7;
	s19 =	sor.u32 s17, s19  }
0x12: {  	s22 =	sshll.u32 s9, $0x7;
	s20 =	sor.u32 s17, s20;
	s21 =	sor.u32 s17, s21  }
0x13: {  	s0 =	smax.u32 s0, $0x1;
	s15 =	sshrl.u32 s15, $0x3;
	s18 =	sor.u32 s17, s18  }
0x14: {  	s17 =	sor.u32 s17, s22;
	s22 =	smul.u32 $0x9C00, s28;
	s23 =	sshrl.u32 s19, $0x3  }
0x15: {  	s24 =	sshrl.u32 s20, $0x3;
	s20 =	sadd.s32 $0x58A00, s4;
	s4 =	sadd.s32 $0x4EC00, s4  }
0x16: {  	[dreg:$0x13] =	wrdreg s0;
	s0 =	simm.s32 $0x7;
	s28 =	simm.s32 $0x11940  }
0x17: {  	s15 =	sadd.s32 s1, s15;
	s18 =	sshrl.u32 s18, $0x3;
	[dreg:$0xb] =	wrdreg s20  }
0x18: {  	s25 =	sadd.s32 s1, s23;
	s26 =	sadd.s32 s1, s24;
	[dreg:$0xc] =	wrdreg s4  }
0x19: {  	s17 =	sshrl.u32 s17, $0x3;
	s24 =	sshll.u32 s11, $0x4;
	[dreg:$0x5] =	wrdreg s15  }
0x1a: {  	s20 =	sadd.s32 $0x27000, s3;
	s15 =	sadd.s32 s1, s18;
	[dreg:$0x7] =	wrdreg s25  }
0x1b: {  	[dreg:$0x8] =	wrdreg s26;
	s18 =	sshrl.u32 s21, $0x3;
	s19 =	sadd.s32 s1, s17  }
0x1c: {  	s17 =	sadd.s32 s10, s2;
	s21 =	sshrl.u32 s22, $0x2;
	s22 =	sshll.u32 s11, $0x6  }
0x1d: {  	s25 =	sshll.u32 s13, $0x6;
	s26 =	sshll.u32 s13, $0x4;
	[dreg:$0x15] =	wrdreg s20  }
0x1e: {  	s13 =	sshll.u32 s14, $0x4;
	s14 =	sshll.u32 s16, $0x6;
	[dreg:$0x6] =	wrdreg s15  }
0x1f: {  	s15 =	sadd.s32 s1, s18;
	[dreg:$0xa] =	wrdreg s19;
	s1 =	sadd.s32 s8, s1  }
0x20: {  	s4 =	sadd.s32 s21, s3;
	s23 =	sadd.s32 s22, s2;
	s10 =	sadd.s32 s25, s2  }
0x21: {  	s11 =	sadd.s32 s26, s3;
	s21 =	sadd.s32 s12, s2;
	[dreg:$0x9] =	wrdreg s15  }
0x22: {  	s22 =	sadd.s32 s13, s3;
	s18 =	sshll.u32 s9, $0x4;
	[dreg:$0xd] =	wrdreg s4  }
0x23: {  	s19 =	sadd.s32 $0x9C000, s2;
	s8 =	simm.s32 $0xB040;
	[dreg:$0xe] =	wrdreg s23  }
0x24: {  	s12 =	simm.s32 $0x11440;
	s13 =	simm.s32 $0x2;
	[dreg:$0x10] =	wrdreg s10  }
0x25: {  	s4 =	sadd.s32 s24, s3;
	[dreg:$0x11] =	wrdreg s11;
	s23 =	sadd.s32 s14, s2  }
.Ltmp0:
0x26: {  	s15 =	sshll.u32 s16, $0x4;
	s16 =	sshll.u32 s9, $0x6;
	(pc) =	sbr.rel .LBB2_1-.Ltmp0, $4  }
0x27: {  	s26 =	sadd.s32 s18, s3;
	s1 =	sadd.s32 $0x27000, s1;
	[dreg:$0x14] =	wrdreg s19  }
0x28: {  	s9 =	simm.s32 $0xD840;
	s10 =	simm.s32 $0x1;
	s11 =	simm.s32 $0xEC40  }
0x29: {  	s14 =	simm.s32 $0x10040;
	[dreg:$0xf] =	wrdreg s4;
	s24 =	sadd.s32 s15, s3  }
0x2a: {  	v0 =	vimm.f32 $0.0e+00;
	v1 =	vimm.f32 $1.000000000e+00;
	s25 =	sadd.s32 s16, s2;
	[dreg:$0x12] =	wrdreg s1;
	s4 =	simm.s32 $0x13340  }
.LBB2_28:
0x2b: {  	s30 =	sadd.s32 $0x1, s30;
	s1 =	rddreg [dreg:$0x13]  }
0x2c: {  	p1 =	sne.s32 s30, s1  }
.Ltmp1:
0x2d: {  	_ = 	snop;
	(pc) =	sbr.rel @!p1 .LBB2_29-.Ltmp1, $1  }
0x2e: {  	_ =	sdelay $0x3  }
.LBB2_1:
0x2f: {  	s1 =	simm.s32 $0x0;
	s15 =	rddreg [dreg:$0xb]  }
0x30: {  	[tilespmem:s1], [sflag:$0x7] =	stream.linear.gather [hbm4b:s15+s1], $0x4E20, $0x38;
	[tilespmem:$0x1FD10] =	vst v63  }
0x31: {  	_ =	swait.ge [sflag:s0], $0x4E20  }
0x32: {  	[sflag:s0] =	ssyncset.done $0x0  }
0x33: {  	s16 =	simm.s32 $0x4E20;
	s20 =	rddreg [dreg:$0xc];
	[sflag:s0] =	ssyncadd.s32 $0xFFFFB1E0  }
0x34: {  	[tilespmem:s16], [sflag:$0x7] =	stream.linear.gather [hbm4b:s20+s1], $0x4E20, $0x38;
	[tilespmem:$0x1FD10] =	vst v63  }
0x35: {  	_ =	swait.ge [sflag:s0], $0x4E20  }
0x36: {  	[sflag:s0] =	ssyncset.done $0x0  }
0x37: {  	s15 =	simm.s32 $0x0;
	s1 =	simm.s32 $0x11960;
	[sflag:s0] =	ssyncadd.s32 $0xFFFFB1E0  }
.LBB2_2:
0x38: {  	p1 =	sne.s32 s15, $0x19C0  }
.Ltmp2:
0x39: {  	[tilespmem:s1+$0xFFFFFFE0] =	vst v0;
	(pc) =	sbr.rel @p1 .LBB2_2-.Ltmp2, $4  }
0x3a: {  	[tilespmem:s1+$0xFFFFFFF0] =	vst v0  }
0x3b: {  	[tilespmem:s1+$0x0] =	vst v0  }
0x3c: {  	[tilespmem:s1+$0x10] =	vst v0;
	s16 =	sshra.s32 s15, $0x2  }
0x3d: {  	s1 =	sadd.s32 $0x40, s1;
	s15 =	sadd.s32 $0x40, s15;
	[tilespmem:s16+$0x13340] =	vst v0  }
0x3e: {  	s1 =	simm.s32 $0x40;
	s15 =	simm.s32 $0x0  }
.LBB2_4:
0x3f: {  	p1 =	sne.s32 s1, $0x13C0;
	[tilespmem:s15+$0x11440] =	vst v1;
	s15 =	smov.u32 s1;
	s1 =	sadd.s32 $0x40, s1  }
.Ltmp3:
0x40: {  	(pc) =	sbr.rel @p1 .LBB2_4-.Ltmp3, $2  }
0x41: {  	_ =	sdelay $0x2  }
0x42: {  	s15 =	sshra.s32 s15, $0x2  }
0x43: {  	[tilespmem:s15+$0x11440] =	vst v1  }
0x44: {  	[spmem:s17] =	stream.linear.scatter [tilespmem:s28], [sflag:$0x7], $0x1A00, $0x38;
	[tilespmem:$0x1FD10] =	vst v63  }
0x45: {  	_ =	swait.ge [sflag:s0], $0x1A00  }
0x46: {  	[sflag:s0] =	ssyncset.done $0x0  }
0x47: {  	s1 =	rddreg [dreg:$0xd];
	[sflag:s0] =	ssyncadd.s32 $0xFFFFE600  }
0x48: {  	[spmem:s1] =	stream.linear.scatter [tilespmem:s4], [sflag:$0x7], $0x680, $0x38;
	[tilespmem:$0x1FD10] =	vst v63  }
0x49: {  	_ =	swait.ge [sflag:s0], $0x680  }
0x4a: {  	[sflag:s0] =	ssyncset.done $0x0  }
0x4b: {  	s20 =	smov.u32 s17;
	s17 =	rddreg [dreg:$0xe];
	[sflag:s0] =	ssyncadd.s32 $0xFFFFF980  }
0x4c: {  	[spmem:s17] =	stream.linear.scatter [tilespmem:s28], [sflag:$0x7], $0x1A00, $0x38;
	[tilespmem:$0x1FD10] =	vst v63  }
0x4d: {  	_ =	swait.ge [sflag:s0], $0x1A00  }
0x4e: {  	[sflag:s0] =	ssyncset.done $0x0  }
0x4f: {  	s18 =	rddreg [dreg:$0xf];
	[sflag:s0] =	ssyncadd.s32 $0xFFFFE600  }
0x50: {  	[spmem:s18] =	stream.linear.scatter [tilespmem:s4], [sflag:$0x7], $0x680, $0x38;
	[tilespmem:$0x1FD10] =	vst v63  }
0x51: {  	_ =	swait.ge [sflag:s0], $0x680  }
0x52: {  	[sflag:s0] =	ssyncset.done $0x0  }
0x53: {  	s19 =	rddreg [dreg:$0x10];
	[sflag:s0] =	ssyncadd.s32 $0xFFFFF980  }
0x54: {  	[spmem:s19] =	stream.linear.scatter [tilespmem:s28], [sflag:$0x7], $0x1A00, $0x38;
	[tilespmem:$0x1FD10] =	vst v63  }
0x55: {  	_ =	swait.ge [sflag:s0], $0x1A00  }
0x56: {  	[sflag:s0] =	ssyncset.done $0x0  }
0x57: {  	s15 =	rddreg [dreg:$0x11];
	[sflag:s0] =	ssyncadd.s32 $0xFFFFE600  }
0x58: {  	[spmem:s15] =	stream.linear.scatter [tilespmem:s4], [sflag:$0x7], $0x680, $0x38;
	[tilespmem:$0x1FD10] =	vst v63  }
0x59: {  	_ =	swait.ge [sflag:s0], $0x680  }
0x5a: {  	[sflag:s0] =	ssyncset.done $0x0  }
0x5b: {  	[sflag:s0] =	ssyncadd.s32 $0xFFFFF980  }
0x5c: {  	[spmem:s21] =	stream.linear.scatter [tilespmem:s28], [sflag:$0x7], $0x1A00, $0x38;
	[tilespmem:$0x1FD10] =	vst v63  }
0x5d: {  	_ =	swait.ge [sflag:s0], $0x1A00  }
0x5e: {  	[sflag:s0] =	ssyncset.done $0x0  }
0x5f: {  	[sflag:s0] =	ssyncadd.s32 $0xFFFFE600  }
0x60: {  	[spmem:s22] =	stream.linear.scatter [tilespmem:s4], [sflag:$0x7], $0x680, $0x38;
	[tilespmem:$0x1FD10] =	vst v63  }
0x61: {  	_ =	swait.ge [sflag:s0], $0x680  }
0x62: {  	[sflag:s0] =	ssyncset.done $0x0  }
0x63: {  	[sflag:s0] =	ssyncadd.s32 $0xFFFFF980  }
0x64: {  	[spmem:s23] =	stream.linear.scatter [tilespmem:s28], [sflag:$0x7], $0x1A00, $0x38;
	[tilespmem:$0x1FD10] =	vst v63  }
0x65: {  	_ =	swait.ge [sflag:s0], $0x1A00  }
0x66: {  	[sflag:s0] =	ssyncset.done $0x0  }
0x67: {  	[sflag:s0] =	ssyncadd.s32 $0xFFFFE600  }
0x68: {  	[spmem:s24] =	stream.linear.scatter [tilespmem:s4], [sflag:$0x7], $0x680, $0x38;
	[tilespmem:$0x1FD10] =	vst v63  }
0x69: {  	_ =	swait.ge [sflag:s0], $0x680  }
0x6a: {  	[sflag:s0] =	ssyncset.done $0x0  }
0x6b: {  	[sflag:s0] =	ssyncadd.s32 $0xFFFFF980  }
0x6c: {  	[spmem:s25] =	stream.linear.scatter [tilespmem:s28], [sflag:$0x7], $0x1A00, $0x38;
	[tilespmem:$0x1FD10] =	vst v63  }
0x6d: {  	_ =	swait.ge [sflag:s0], $0x1A00  }
0x6e: {  	[sflag:s0] =	ssyncset.done $0x0  }
0x6f: {  	[sflag:s0] =	ssyncadd.s32 $0xFFFFE600  }
0x70: {  	[spmem:s26] =	stream.linear.scatter [tilespmem:s4], [sflag:$0x7], $0x680, $0x38;
	[tilespmem:$0x1FD10] =	vst v63  }
0x71: {  	_ =	swait.ge [sflag:s0], $0x680  }
0x72: {  	[sflag:s0] =	ssyncset.done $0x0  }
0x73: {  	s1 =	simm.s32 @!p0 $0x11940;
	s15 =	rddreg [dreg:$0x14];
	[sflag:s0] =	ssyncadd.s32 $0xFFFFF980  }
0x74: {  	[spmem:s15] =	stream.linear.scatter @!p0 [tilespmem:s1], [sflag:$0x7], $0x400, $0x38;
	[tilespmem:$0x1FD10] =	vst v63  }
0x75: {  	s1 =	simm.s32 @!p0 $0x7  }
0x76: {  	_ =	swait.ge @!p0 [sflag:s1], $0x400  }
0x77: {  	[sflag:s1] =	ssyncset.done @!p0 $0x0  }
0x78: {  	s15 =	simm.s32 @!p0 $0x13340;
	s16 =	rddreg [dreg:$0x15];
	[sflag:s1] =	ssyncadd.s32 @!p0 $0xFFFFFC00  }
0x79: {  	[spmem:s16] =	stream.linear.scatter @!p0 [tilespmem:s15], [sflag:$0x7], $0x100, $0x38;
	[tilespmem:$0x1FD10] =	vst v63  }
0x7a: {  	_ =	swait.ge @!p0 [sflag:s1], $0x100  }
0x7b: {  	[sflag:s1] =	ssyncset.done @!p0 $0x0  }
0x7c: {  	[sflag:s1] =	ssyncadd.s32 @!p0 $0xFFFFFF00  }
0x7d: {  	s16 =	simm.s32 $0x9C40;
	s1 =	simm.s32 $0x0;
	[bflag:$0x0] =	sbarrier.arrive $0xFFFF  }
0x7e: {  	[tilespmem:s16], [sflag:$0x1] =	stream.indirect.gather [hbm4b:s5+s7], $0x40, s1, s7, $0xb8;
	[tilespmem:$0x1FD10] =	vst v63  }
0x7f: {  	s17 =	simm.s32 $0x4E20;
	s18 =	simm.s32 $0xC440  }
0x80: {  	[tilespmem:s18], [sflag:$0x1] =	stream.indirect.gather [hbm4b:s6+s7], $0x40, s17, s7, $0xb8;
	[tilespmem:$0x1FD10] =	vst v63  }
0x81: {  	_ = 	snop  }
0x82: {  	[tilespmem:s8], [sflag:$0x2] =	stream.indirect.gather [hbm4b:s5+s7], $0x40, s7, s7, $0xb8;
	[tilespmem:$0x1FD10] =	vst v63  }
0x83: {  	s19 =	simm.s32 $0x4E70  }
0x84: {  	[tilespmem:s9], [sflag:$0x2] =	stream.indirect.gather [hbm4b:s6+s7], $0x40, s19, s7, $0xb8;
	[tilespmem:$0x1FD10] =	vst v63  }
.LBB2_6:
0x85: {  	_ =	swait.ge [sflag:s10], $0x1400  }
0x86: {  	[sflag:s10] =	ssyncset.done $0x0  }
0x87: {  	[sflag:s10] =	ssyncadd.s32 $0xFFFFEC00  }
0x88: {  	_ =	swait.ge [sflag:s10], $0x1400  }
0x89: {  	p1 =	seq.s32 s1, $0x0;
	[sflag:s10] =	ssyncset.done $0x0  }
0x8a: {  	s15 =	simm.s32 @!p1 $0x3;
	[sflag:s10] =	ssyncadd.s32 $0xFFFFEC00  }
0x8b: {  	_ =	swait.ge @!p1 [sflag:s15], $0x1400  }
0x8c: {  	[sflag:s15] =	ssyncset.done @!p1 $0x0  }
0x8d: {  	[sflag:s15] =	ssyncadd.s32 @!p1 $0xFFFFEC00;
	s15 =	simm.s32 @!p1 $0x5  }
0x8e: {  	_ =	swait.ge @!p1 [sflag:s15], $0x500  }
0x8f: {  	[sflag:s15] =	ssyncset.done @!p1 $0x0  }
0x90: {  	[sflag:s15] =	ssyncadd.s32 @!p1 $0xFFFFFB00;
	s15 =	simm.s32 $0x130  }
0x91: {  	v2 =	vld [tilespmem:s15+$0x9C40]  }
0x92: {  	v3 =	vld [tilespmem:s15+$0xC440]  }
0x93: {  	v4 =	vld [tilespmem:s15+$0x9B10]  }
0x94: {  	v5 =	vld [tilespmem:s15+$0xC310]  }
0x95: {  	v6 =	vld [tilespmem:s15+$0x9B20]  }
0x96: {  	v7 =	vld [tilespmem:s15+$0xC320]  }
0x97: {  	v8 =	vld [tilespmem:s15+$0x9B30]  }
0x98: {  	v2 =	vadd.f32 v3, v2;
	v3 =	vld [tilespmem:s15+$0xC330]  }
0x99: {  	v9 =	vld [tilespmem:s15+$0x9B40]  }
0x9a: {  	v4 =	vadd.f32 v5, v4;
	v5 =	vld [tilespmem:s15+$0xC340]  }
0x9b: {  	v6 =	vadd.f32 v7, v6;
	v7 =	vld [tilespmem:s15+$0x9B60];
	v2 =	vmax.f32 v2, $0.0e+00  }
0x9c: {  	[tilespmem:s15+$0xEC40] =	vst v2;
	v2 =	vmax.f32 v4, $0.0e+00;
	v4 =	vld [tilespmem:s15+$0x9B50]  }
0x9d: {  	v6 =	vmax.f32 v6, $0.0e+00;
	[tilespmem:s15+$0xEB10] =	vst v2;
	v2 =	vld [tilespmem:s15+$0xC350];
	v3 =	vadd.f32 v3, v8  }
0x9e: {  	[tilespmem:s15+$0xEB20] =	vst v6;
	v6 =	vld [tilespmem:s15+$0xC360]  }
0x9f: {  	v8 =	vld [tilespmem:s15+$0x9B70];
	v3 =	vmax.f32 v3, $0.0e+00  }
0xa0: {  	v5 =	vadd.f32 v5, v9;
	[tilespmem:s15+$0xEB30] =	vst v3;
	v3 =	vld [tilespmem:s15+$0xC370]  }
0xa1: {  	v9 =	vld [tilespmem:s15+$0x9B80]  }
0xa2: {  	v5 =	vmax.f32 v5, $0.0e+00;
	v2 =	vadd.f32 v2, v4;
	v4 =	vld [tilespmem:s15+$0xC380]  }
0xa3: {  	[tilespmem:s15+$0xEB40] =	vst v5;
	v5 =	vld [tilespmem:s15+$0x9B90];
	v6 =	vadd.f32 v6, v7  }
0xa4: {  	v7 =	vld [tilespmem:s15+$0x9BA0];
	v2 =	vmax.f32 v2, $0.0e+00  }
0xa5: {  	v6 =	vmax.f32 v6, $0.0e+00;
	[tilespmem:s15+$0xEB50] =	vst v2;
	v2 =	vld [tilespmem:s15+$0xC390];
	v3 =	vadd.f32 v3, v8  }
0xa6: {  	[tilespmem:s15+$0xEB60] =	vst v6;
	v6 =	vld [tilespmem:s15+$0xC3A0]  }
0xa7: {  	v8 =	vld [tilespmem:s15+$0x9BB0];
	v4 =	vadd.f32 v4, v9;
	v3 =	vmax.f32 v3, $0.0e+00  }
0xa8: {  	[tilespmem:s15+$0xEB70] =	vst v3;
	v3 =	vld [tilespmem:s15+$0xC3B0]  }
0xa9: {  	v9 =	vld [tilespmem:s15+$0x9BC0];
	v4 =	vmax.f32 v4, $0.0e+00  }
0xaa: {  	v2 =	vadd.f32 v2, v5;
	[tilespmem:s15+$0xEB80] =	vst v4;
	v4 =	vld [tilespmem:s15+$0xC3C0]  }
0xab: {  	v6 =	vadd.f32 v6, v7;
	v7 =	vld [tilespmem:s15+$0x9BE0]  }
0xac: {  	v5 =	vld [tilespmem:s15+$0x9BD0];
	v2 =	vmax.f32 v2, $0.0e+00  }
0xad: {  	v6 =	vmax.f32 v6, $0.0e+00;
	[tilespmem:s15+$0xEB90] =	vst v2;
	v2 =	vld [tilespmem:s15+$0xC3D0];
	v3 =	vadd.f32 v3, v8  }
0xae: {  	[tilespmem:s15+$0xEBA0] =	vst v6;
	v6 =	vld [tilespmem:s15+$0xC3E0]  }
0xaf: {  	v8 =	vld [tilespmem:s15+$0x9BF0];
	v4 =	vadd.f32 v4, v9;
	v3 =	vmax.f32 v3, $0.0e+00  }
0xb0: {  	[tilespmem:s15+$0xEBB0] =	vst v3;
	v3 =	vld [tilespmem:s15+$0xC3F0]  }
0xb1: {  	v9 =	vld [tilespmem:s15+$0x9C00];
	v4 =	vmax.f32 v4, $0.0e+00  }
0xb2: {  	v2 =	vadd.f32 v2, v5;
	[tilespmem:s15+$0xEBC0] =	vst v4;
	v4 =	vld [tilespmem:s15+$0xC400]  }
0xb3: {  	v10 =	vld [tilespmem:s15+$0x9C10];
	v5 =	vadd.f32 v6, v7  }
0xb4: {  	v7 =	vld [tilespmem:s15+$0xC410];
	v2 =	vmax.f32 v2, $0.0e+00  }
0xb5: {  	v5 =	vmax.f32 v5, $0.0e+00;
	[tilespmem:s15+$0xEBD0] =	vst v2;
	v2 =	vld [tilespmem:s15+$0x9C20];
	v3 =	vadd.f32 v3, v8  }
0xb6: {  	[tilespmem:s15+$0xEBE0] =	vst v5;
	v5 =	vld [tilespmem:s15+$0xC420]  }
0xb7: {  	v8 =	vadd.f32 v4, v9;
	v6 =	vmax.f32 v3, $0.0e+00;
	v3 =	vld [tilespmem:s15+$0x9C30]  }
0xb8: {  	s16 =	simm.s32 $0x270;
	[tilespmem:s15+$0xEBF0] =	vst v6;
	v6 =	vld [tilespmem:s15+$0xC430]  }
0xb9: {  	s17 =	simm.s32 $0xEC0;
	v7 =	vadd.f32 v7, v10;
	v8 =	vmax.f32 v8, $0.0e+00;
	v4 =	vld [tilespmem:s16+$0x9C40]  }
.LBB2_7:
0xba: {  	p2 =	sne.s32 s17, $0x4FC0;
	v9 =	vld [tilespmem:s16+$0xC440];
	[tilespmem:s15+$0xEC00] =	vst v8  }
0xbb: {  	v8 =	vld [tilespmem:s16+$0x9B10];
	v7 =	vmax.f32 v7, $0.0e+00;
	v2 =	vadd.f32 v5, v2  }
0xbc: {  	v5 =	vld [tilespmem:s16+$0xC310];
	[tilespmem:s15+$0xEC10] =	vst v7  }
0xbd: {  	v7 =	vld [tilespmem:s16+$0x9B20];
	v2 =	vmax.f32 v2, $0.0e+00;
	v3 =	vadd.f32 v6, v3  }
0xbe: {  	v6 =	vld [tilespmem:s16+$0xC320];
	[tilespmem:s15+$0xEC20] =	vst v2  }
0xbf: {  	v2 =	vld [tilespmem:s16+$0x9B30];
	v4 =	vadd.f32 v9, v4;
	v3 =	vmax.f32 v3, $0.0e+00  }
0xc0: {  	v9 =	vld [tilespmem:s16+$0xC330];
	[tilespmem:s15+$0xEC30] =	vst v3;
	s15 =	smov.u32 s16  }
0xc1: {  	v3 =	vadd.f32 v5, v8;
	v5 =	vld [tilespmem:s15+$0x9B40];
	v4 =	vmax.f32 v4, $0.0e+00  }
0xc2: {  	v8 =	vld [tilespmem:s15+$0xC340];
	[tilespmem:s15+$0xEC40] =	vst v4  }
0xc3: {  	v3 =	vmax.f32 v3, $0.0e+00;
	v4 =	vadd.f32 v6, v7;
	v6 =	vld [tilespmem:s15+$0x9B50]  }
0xc4: {  	[tilespmem:s15+$0xEB10] =	vst v3;
	v3 =	vld [tilespmem:s15+$0xC350]  }
0xc5: {  	v4 =	vmax.f32 v4, $0.0e+00;
	v2 =	vadd.f32 v9, v2;
	v7 =	vld [tilespmem:s15+$0x9B60]  }
0xc6: {  	[tilespmem:s15+$0xEB20] =	vst v4;
	v4 =	vld [tilespmem:s15+$0xC360]  }
0xc7: {  	v2 =	vmax.f32 v2, $0.0e+00;
	v5 =	vadd.f32 v8, v5;
	v8 =	vld [tilespmem:s15+$0x9B70]  }
0xc8: {  	[tilespmem:s15+$0xEB30] =	vst v2;
	v2 =	vld [tilespmem:s15+$0xC370]  }
0xc9: {  	v5 =	vmax.f32 v5, $0.0e+00;
	v3 =	vadd.f32 v3, v6;
	v6 =	vld [tilespmem:s15+$0x9B80]  }
0xca: {  	[tilespmem:s15+$0xEB40] =	vst v5;
	v5 =	vld [tilespmem:s15+$0xC380]  }
0xcb: {  	v3 =	vmax.f32 v3, $0.0e+00;
	v4 =	vadd.f32 v4, v7;
	v7 =	vld [tilespmem:s15+$0x9B90]  }
0xcc: {  	[tilespmem:s15+$0xEB50] =	vst v3;
	v3 =	vld [tilespmem:s15+$0xC390]  }
0xcd: {  	v4 =	vmax.f32 v4, $0.0e+00;
	v2 =	vadd.f32 v2, v8;
	v8 =	vld [tilespmem:s15+$0x9BA0]  }
0xce: {  	[tilespmem:s15+$0xEB60] =	vst v4;
	v4 =	vld [tilespmem:s15+$0xC3A0]  }
0xcf: {  	v2 =	vmax.f32 v2, $0.0e+00;
	v5 =	vadd.f32 v5, v6;
	v6 =	vld [tilespmem:s15+$0x9BB0]  }
0xd0: {  	[tilespmem:s15+$0xEB70] =	vst v2;
	v2 =	vld [tilespmem:s15+$0xC3B0]  }
0xd1: {  	v5 =	vmax.f32 v5, $0.0e+00;
	v3 =	vadd.f32 v3, v7;
	v7 =	vld [tilespmem:s15+$0x9BC0]  }
0xd2: {  	[tilespmem:s15+$0xEB80] =	vst v5;
	v5 =	vld [tilespmem:s15+$0xC3C0]  }
0xd3: {  	v3 =	vmax.f32 v3, $0.0e+00;
	v4 =	vadd.f32 v4, v8;
	v8 =	vld [tilespmem:s15+$0x9BD0]  }
0xd4: {  	[tilespmem:s15+$0xEB90] =	vst v3;
	v3 =	vld [tilespmem:s15+$0xC3D0]  }
0xd5: {  	v4 =	vmax.f32 v4, $0.0e+00;
	v2 =	vadd.f32 v2, v6;
	v6 =	vld [tilespmem:s15+$0x9BE0]  }
0xd6: {  	[tilespmem:s15+$0xEBA0] =	vst v4;
	v4 =	vld [tilespmem:s15+$0xC3E0]  }
0xd7: {  	v2 =	vmax.f32 v2, $0.0e+00;
	v5 =	vadd.f32 v5, v7;
	v7 =	vld [tilespmem:s15+$0x9BF0]  }
0xd8: {  	[tilespmem:s15+$0xEBB0] =	vst v2;
	v2 =	vld [tilespmem:s15+$0xC3F0]  }
0xd9: {  	v5 =	vmax.f32 v5, $0.0e+00;
	v3 =	vadd.f32 v3, v8;
	v8 =	vld [tilespmem:s15+$0x9C00]  }
0xda: {  	[tilespmem:s15+$0xEBC0] =	vst v5;
	v9 =	vld [tilespmem:s15+$0xC400]  }
0xdb: {  	v3 =	vmax.f32 v3, $0.0e+00;
	v4 =	vadd.f32 v4, v6;
	v10 =	vld [tilespmem:s15+$0x9C10]  }
0xdc: {  	[tilespmem:s15+$0xEBD0] =	vst v3;
	v11 =	vld [tilespmem:s15+$0xC410]  }
.Ltmp4:
0xdd: {  	v3 =	vmax.f32 v4, $0.0e+00;
	v4 =	vadd.f32 v2, v7;
	v2 =	vld [tilespmem:s15+$0x9C20];
	(pc) =	sbr.rel @p2 .LBB2_7-.Ltmp4, $4  }
0xde: {  	[tilespmem:s15+$0xEBE0] =	vst v3;
	v5 =	vld [tilespmem:s15+$0xC420]  }
0xdf: {  	v4 =	vmax.f32 v4, $0.0e+00;
	v7 =	vadd.f32 v9, v8;
	v3 =	vld [tilespmem:s15+$0x9C30]  }
0xe0: {  	s16 =	sshra.s32 s17, $0x2;
	[tilespmem:s15+$0xEBF0] =	vst v4;
	v6 =	vld [tilespmem:s15+$0xC430]  }
0xe1: {  	s17 =	sadd.s32 $0x500, s17;
	v4 =	vld [tilespmem:s16+$0x9C40];
	v8 =	vmax.f32 v7, $0.0e+00;
	v7 =	vadd.f32 v11, v10  }
0xe2: {  	v9 =	vld [tilespmem:s16+$0xC440];
	[tilespmem:s15+$0xEC00] =	vst v8  }
0xe3: {  	v8 =	vld [tilespmem:s16+$0x9B10];
	v7 =	vmax.f32 v7, $0.0e+00;
	v2 =	vadd.f32 v5, v2  }
0xe4: {  	v10 =	vld [tilespmem:s16+$0xC310];
	[tilespmem:s15+$0xEC10] =	vst v7  }
0xe5: {  	v5 =	vld [tilespmem:s16+$0x9B20];
	v2 =	vmax.f32 v2, $0.0e+00;
	v3 =	vadd.f32 v6, v3  }
0xe6: {  	v7 =	vld [tilespmem:s16+$0xC320];
	[tilespmem:s15+$0xEC20] =	vst v2  }
0xe7: {  	v2 =	vld [tilespmem:s16+$0x9B30];
	v3 =	vmax.f32 v3, $0.0e+00  }
0xe8: {  	v6 =	vld [tilespmem:s16+$0xC330];
	v4 =	vadd.f32 v9, v4;
	[tilespmem:s15+$0xEC30] =	vst v3  }
0xe9: {  	v8 =	vadd.f32 v10, v8;
	v3 =	vld [tilespmem:s16+$0x9B40]  }
0xea: {  	v4 =	vmax.f32 v4, $0.0e+00;
	v9 =	vld [tilespmem:s16+$0xC340]  }
0xeb: {  	[tilespmem:s16+$0xEC40] =	vst v4;
	v4 =	vmax.f32 v8, $0.0e+00;
	v8 =	vld [tilespmem:s16+$0x9B50]  }
0xec: {  	v5 =	vadd.f32 v7, v5;
	v7 =	vld [tilespmem:s16+$0x9B60]  }
0xed: {  	[tilespmem:s16+$0xEB10] =	vst v4;
	v4 =	vld [tilespmem:s16+$0xC350];
	v2 =	vadd.f32 v6, v2  }
0xee: {  	v5 =	vmax.f32 v5, $0.0e+00;
	v6 =	vld [tilespmem:s16+$0x9B70]  }
0xef: {  	[tilespmem:s16+$0xEB20] =	vst v5;
	v5 =	vld [tilespmem:s16+$0xC360];
	v2 =	vmax.f32 v2, $0.0e+00  }
0xf0: {  	v3 =	vadd.f32 v9, v3;
	[tilespmem:s16+$0xEB30] =	vst v2;
	v2 =	vld [tilespmem:s16+$0xC370]  }
0xf1: {  	v9 =	vld [tilespmem:s16+$0x9B80]  }
0xf2: {  	v3 =	vmax.f32 v3, $0.0e+00;
	v4 =	vadd.f32 v4, v8;
	v8 =	vld [tilespmem:s16+$0x9B90]  }
0xf3: {  	[tilespmem:s16+$0xEB40] =	vst v3;
	v3 =	vld [tilespmem:s16+$0xC380]  }
0xf4: {  	v4 =	vmax.f32 v4, $0.0e+00;
	v5 =	vadd.f32 v5, v7;
	v7 =	vld [tilespmem:s16+$0x9BA0]  }
0xf5: {  	[tilespmem:s16+$0xEB50] =	vst v4;
	v4 =	vld [tilespmem:s16+$0xC390];
	v2 =	vadd.f32 v2, v6  }
0xf6: {  	v5 =	vmax.f32 v5, $0.0e+00;
	v6 =	vld [tilespmem:s16+$0x9BB0]  }
0xf7: {  	[tilespmem:s16+$0xEB60] =	vst v5;
	v5 =	vld [tilespmem:s16+$0xC3A0];
	v2 =	vmax.f32 v2, $0.0e+00  }
0xf8: {  	v3 =	vadd.f32 v3, v9;
	[tilespmem:s16+$0xEB70] =	vst v2;
	v2 =	vld [tilespmem:s16+$0xC3B0]  }
0xf9: {  	v9 =	vld [tilespmem:s16+$0x9BC0]  }
0xfa: {  	v3 =	vmax.f32 v3, $0.0e+00;
	v4 =	vadd.f32 v4, v8;
	v8 =	vld [tilespmem:s16+$0x9BD0]  }
0xfb: {  	[tilespmem:s16+$0xEB80] =	vst v3;
	v3 =	vld [tilespmem:s16+$0xC3C0]  }
0xfc: {  	v4 =	vmax.f32 v4, $0.0e+00;
	v5 =	vadd.f32 v5, v7;
	v7 =	vld [tilespmem:s16+$0x9BE0]  }
0xfd: {  	[tilespmem:s16+$0xEB90] =	vst v4;
	v4 =	vld [tilespmem:s16+$0xC3D0];
	v2 =	vadd.f32 v2, v6  }
0xfe: {  	v5 =	vmax.f32 v5, $0.0e+00;
	v6 =	vld [tilespmem:s16+$0x9BF0]  }
0xff: {  	[tilespmem:s16+$0xEBA0] =	vst v5;
	v5 =	vld [tilespmem:s16+$0xC3E0];
	v2 =	vmax.f32 v2, $0.0e+00  }
0x100: {  	v3 =	vadd.f32 v3, v9;
	[tilespmem:s16+$0xEBB0] =	vst v2;
	v2 =	vld [tilespmem:s16+$0xC3F0]  }
0x101: {  	v9 =	vld [tilespmem:s16+$0x9C00]  }
0x102: {  	v3 =	vmax.f32 v3, $0.0e+00;
	v4 =	vadd.f32 v4, v8;
	v8 =	vld [tilespmem:s16+$0x9C10]  }
0x103: {  	[tilespmem:s16+$0xEBC0] =	vst v3;
	v3 =	vld [tilespmem:s16+$0xC400]  }
0x104: {  	v4 =	vmax.f32 v4, $0.0e+00;
	v5 =	vadd.f32 v5, v7;
	v7 =	vld [tilespmem:s16+$0x9C20]  }
0x105: {  	[tilespmem:s16+$0xEBD0] =	vst v4;
	v4 =	vld [tilespmem:s16+$0xC410];
	v2 =	vadd.f32 v2, v6  }
0x106: {  	v5 =	vmax.f32 v5, $0.0e+00;
	v6 =	vld [tilespmem:s16+$0x9C30]  }
0x107: {  	[tilespmem:s16+$0xEBE0] =	vst v5;
	v5 =	vld [tilespmem:s16+$0xC420];
	v2 =	vmax.f32 v2, $0.0e+00  }
0x108: {  	[tilespmem:s16+$0xEBF0] =	vst v2;
	v2 =	vld [tilespmem:s16+$0xC430];
	_ =	sdelay $0x1  }
0x109: {  	v3 =	vadd.f32 v3, v9  }
0x10a: {  	v4 =	vadd.f32 v4, v8  }
0x10b: {  	v3 =	vmax.f32 v3, $0.0e+00;
	v5 =	vadd.f32 v5, v7  }
0x10c: {  	[tilespmem:s16+$0xEC00] =	vst v3;
	v3 =	vmax.f32 v4, $0.0e+00;
	v2 =	vadd.f32 v2, v6  }
0x10d: {  	s19 =	smul.u32 $0x280, s1;
	[tilespmem:s16+$0xEC10] =	vst v3;
	v3 =	vmax.f32 v5, $0.0e+00  }
0x10e: {  	[tilespmem:s16+$0xEC20] =	vst v3;
	v2 =	vmax.f32 v2, $0.0e+00  }
0x10f: {  	p2 =	seq.s32 s1, $0x7C;
	s15 =	sshra.s32 s19, $0x2;
	[tilespmem:s16+$0xEC30] =	vst v2  }
0x110: {  	[spmem:s2] =	stream.indirect.scatter.add.f32 [tilespmem:s11], [sflag:$0x3], $0x40, s15, s7, $0xb8;
	[tilespmem:$0x1FD10] =	vst v63  }
0x111: {  	s16 =	smul.u32 @!p2 $0xA0, s1  }
0x112: {  	[spmem:s3] =	stream.indirect.scatter.add.f32 [tilespmem:s12], [sflag:$0x5], $0x10, s15, s7, $0xb8;
	[tilespmem:$0x1FD10] =	vst v63  }
0x113: {  	s18 =	simm.s32 @!p2 $0x50;
	s19 =	simm.s32 @!p2 $0x9C40;
	s17 =	sadd.s32 @!p2 $0xA0, s16  }
0x114: {  	[tilespmem:s19], [sflag:$0x1] =	stream.indirect.gather @!p2 [hbm4b:s5+s18], $0x40, s17, s18, $0xb8;
	[tilespmem:$0x1FD10] =	vst v63  }
0x115: {  	s16 =	sadd.s32 @!p2 $0x4EC0, s16;
	s17 =	simm.s32 @!p2 $0xC440  }
0x116: {  	[tilespmem:s17], [sflag:$0x1] =	stream.indirect.gather @!p2 [hbm4b:s6+s18], $0x40, s16, s18, $0xb8;
	[tilespmem:$0x1FD10] =	vst v63  }
0x117: {  	_ =	swait.ge [sflag:s13], $0x1400  }
0x118: {  	[sflag:s13] =	ssyncset.done $0x0  }
0x119: {  	[sflag:s13] =	ssyncadd.s32 $0xFFFFEC00  }
0x11a: {  	_ =	swait.ge [sflag:s13], $0x1400  }
0x11b: {  	[sflag:s13] =	ssyncset.done $0x0  }
0x11c: {  	s16 =	simm.s32 @!p1 $0x4;
	[sflag:s13] =	ssyncadd.s32 $0xFFFFEC00  }
0x11d: {  	_ =	swait.ge @!p1 [sflag:s16], $0x1400  }
0x11e: {  	[sflag:s16] =	ssyncset.done @!p1 $0x0  }
0x11f: {  	[sflag:s16] =	ssyncadd.s32 @!p1 $0xFFFFEC00;
	s16 =	simm.s32 @!p1 $0x6  }
0x120: {  	_ =	swait.ge @!p1 [sflag:s16], $0x500  }
0x121: {  	[sflag:s16] =	ssyncset.done @!p1 $0x0  }
0x122: {  	[sflag:s16] =	ssyncadd.s32 @!p1 $0xFFFFFB00;
	s16 =	simm.s32 $0x130  }
0x123: {  	v2 =	vld [tilespmem:s16+$0xB040]  }
0x124: {  	v3 =	vld [tilespmem:s16+$0xD840]  }
0x125: {  	v4 =	vld [tilespmem:s16+$0xAF10]  }
0x126: {  	v5 =	vld [tilespmem:s16+$0xD710]  }
0x127: {  	v6 =	vld [tilespmem:s16+$0xAF20]  }
0x128: {  	v7 =	vld [tilespmem:s16+$0xD720]  }
0x129: {  	v8 =	vld [tilespmem:s16+$0xAF30]  }
0x12a: {  	v2 =	vadd.f32 v3, v2;
	v3 =	vld [tilespmem:s16+$0xD730]  }
0x12b: {  	v9 =	vld [tilespmem:s16+$0xAF40]  }
0x12c: {  	v4 =	vadd.f32 v5, v4;
	v5 =	vld [tilespmem:s16+$0xD740]  }
0x12d: {  	v6 =	vadd.f32 v7, v6;
	v7 =	vld [tilespmem:s16+$0xAF60];
	v2 =	vmax.f32 v2, $0.0e+00  }
0x12e: {  	[tilespmem:s16+$0x10040] =	vst v2;
	v2 =	vmax.f32 v4, $0.0e+00;
	v4 =	vld [tilespmem:s16+$0xAF50]  }
0x12f: {  	v6 =	vmax.f32 v6, $0.0e+00;
	[tilespmem:s16+$0xFF10] =	vst v2;
	v2 =	vld [tilespmem:s16+$0xD750];
	v3 =	vadd.f32 v3, v8  }
0x130: {  	[tilespmem:s16+$0xFF20] =	vst v6;
	v6 =	vld [tilespmem:s16+$0xD760]  }
0x131: {  	v8 =	vld [tilespmem:s16+$0xAF70];
	v3 =	vmax.f32 v3, $0.0e+00  }
0x132: {  	v5 =	vadd.f32 v5, v9;
	[tilespmem:s16+$0xFF30] =	vst v3;
	v3 =	vld [tilespmem:s16+$0xD770]  }
0x133: {  	v9 =	vld [tilespmem:s16+$0xAF80]  }
0x134: {  	v5 =	vmax.f32 v5, $0.0e+00;
	v2 =	vadd.f32 v2, v4;
	v4 =	vld [tilespmem:s16+$0xD780]  }
0x135: {  	[tilespmem:s16+$0xFF40] =	vst v5;
	v5 =	vld [tilespmem:s16+$0xAF90];
	v6 =	vadd.f32 v6, v7  }
0x136: {  	v7 =	vld [tilespmem:s16+$0xAFA0];
	v2 =	vmax.f32 v2, $0.0e+00  }
0x137: {  	v6 =	vmax.f32 v6, $0.0e+00;
	[tilespmem:s16+$0xFF50] =	vst v2;
	v2 =	vld [tilespmem:s16+$0xD790];
	v3 =	vadd.f32 v3, v8  }
0x138: {  	[tilespmem:s16+$0xFF60] =	vst v6;
	v6 =	vld [tilespmem:s16+$0xD7A0]  }
0x139: {  	v8 =	vld [tilespmem:s16+$0xAFB0];
	v4 =	vadd.f32 v4, v9;
	v3 =	vmax.f32 v3, $0.0e+00  }
0x13a: {  	[tilespmem:s16+$0xFF70] =	vst v3;
	v3 =	vld [tilespmem:s16+$0xD7B0]  }
0x13b: {  	v9 =	vld [tilespmem:s16+$0xAFC0];
	v4 =	vmax.f32 v4, $0.0e+00  }
0x13c: {  	v2 =	vadd.f32 v2, v5;
	[tilespmem:s16+$0xFF80] =	vst v4;
	v4 =	vld [tilespmem:s16+$0xD7C0]  }
0x13d: {  	v6 =	vadd.f32 v6, v7;
	v7 =	vld [tilespmem:s16+$0xAFE0]  }
0x13e: {  	v5 =	vld [tilespmem:s16+$0xAFD0];
	v2 =	vmax.f32 v2, $0.0e+00  }
0x13f: {  	v6 =	vmax.f32 v6, $0.0e+00;
	[tilespmem:s16+$0xFF90] =	vst v2;
	v2 =	vld [tilespmem:s16+$0xD7D0];
	v3 =	vadd.f32 v3, v8  }
0x140: {  	[tilespmem:s16+$0xFFA0] =	vst v6;
	v6 =	vld [tilespmem:s16+$0xD7E0]  }
0x141: {  	v8 =	vld [tilespmem:s16+$0xAFF0];
	v4 =	vadd.f32 v4, v9;
	v3 =	vmax.f32 v3, $0.0e+00  }
0x142: {  	[tilespmem:s16+$0xFFB0] =	vst v3;
	v3 =	vld [tilespmem:s16+$0xD7F0]  }
0x143: {  	v9 =	vld [tilespmem:s16+$0xB000];
	v4 =	vmax.f32 v4, $0.0e+00  }
0x144: {  	v2 =	vadd.f32 v2, v5;
	[tilespmem:s16+$0xFFC0] =	vst v4;
	v4 =	vld [tilespmem:s16+$0xD800]  }
0x145: {  	v10 =	vld [tilespmem:s16+$0xB010];
	v5 =	vadd.f32 v6, v7  }
0x146: {  	v7 =	vld [tilespmem:s16+$0xD810];
	v2 =	vmax.f32 v2, $0.0e+00  }
0x147: {  	v5 =	vmax.f32 v5, $0.0e+00;
	[tilespmem:s16+$0xFFD0] =	vst v2;
	v2 =	vld [tilespmem:s16+$0xB020];
	v3 =	vadd.f32 v3, v8  }
0x148: {  	[tilespmem:s16+$0xFFE0] =	vst v5;
	v5 =	vld [tilespmem:s16+$0xD820]  }
0x149: {  	v8 =	vadd.f32 v4, v9;
	v6 =	vmax.f32 v3, $0.0e+00;
	v3 =	vld [tilespmem:s16+$0xB030]  }
0x14a: {  	s17 =	simm.s32 $0x270;
	[tilespmem:s16+$0xFFF0] =	vst v6;
	v6 =	vld [tilespmem:s16+$0xD830]  }
0x14b: {  	s18 =	simm.s32 $0xEC0;
	v7 =	vadd.f32 v7, v10;
	v8 =	vmax.f32 v8, $0.0e+00;
	v4 =	vld [tilespmem:s17+$0xB040]  }
.LBB2_9:
0x14c: {  	p1 =	sne.s32 s18, $0x4FC0;
	v9 =	vld [tilespmem:s17+$0xD840];
	[tilespmem:s16+$0x10000] =	vst v8  }
0x14d: {  	v8 =	vld [tilespmem:s17+$0xAF10];
	v7 =	vmax.f32 v7, $0.0e+00;
	v2 =	vadd.f32 v5, v2  }
0x14e: {  	v5 =	vld [tilespmem:s17+$0xD710];
	[tilespmem:s16+$0x10010] =	vst v7  }
0x14f: {  	v7 =	vld [tilespmem:s17+$0xAF20];
	v2 =	vmax.f32 v2, $0.0e+00;
	v3 =	vadd.f32 v6, v3  }
0x150: {  	v6 =	vld [tilespmem:s17+$0xD720];
	[tilespmem:s16+$0x10020] =	vst v2  }
0x151: {  	v2 =	vld [tilespmem:s17+$0xAF30];
	v4 =	vadd.f32 v9, v4;
	v3 =	vmax.f32 v3, $0.0e+00  }
0x152: {  	v9 =	vld [tilespmem:s17+$0xD730];
	[tilespmem:s16+$0x10030] =	vst v3;
	s16 =	smov.u32 s17  }
0x153: {  	v3 =	vadd.f32 v5, v8;
	v5 =	vld [tilespmem:s16+$0xAF40];
	v4 =	vmax.f32 v4, $0.0e+00  }
0x154: {  	v8 =	vld [tilespmem:s16+$0xD740];
	[tilespmem:s16+$0x10040] =	vst v4  }
0x155: {  	v3 =	vmax.f32 v3, $0.0e+00;
	v4 =	vadd.f32 v6, v7;
	v6 =	vld [tilespmem:s16+$0xAF50]  }
0x156: {  	[tilespmem:s16+$0xFF10] =	vst v3;
	v3 =	vld [tilespmem:s16+$0xD750]  }
0x157: {  	v4 =	vmax.f32 v4, $0.0e+00;
	v2 =	vadd.f32 v9, v2;
	v7 =	vld [tilespmem:s16+$0xAF60]  }
0x158: {  	[tilespmem:s16+$0xFF20] =	vst v4;
	v4 =	vld [tilespmem:s16+$0xD760]  }
0x159: {  	v2 =	vmax.f32 v2, $0.0e+00;
	v5 =	vadd.f32 v8, v5;
	v8 =	vld [tilespmem:s16+$0xAF70]  }
0x15a: {  	[tilespmem:s16+$0xFF30] =	vst v2;
	v2 =	vld [tilespmem:s16+$0xD770]  }
0x15b: {  	v5 =	vmax.f32 v5, $0.0e+00;
	v3 =	vadd.f32 v3, v6;
	v6 =	vld [tilespmem:s16+$0xAF80]  }
0x15c: {  	[tilespmem:s16+$0xFF40] =	vst v5;
	v5 =	vld [tilespmem:s16+$0xD780]  }
0x15d: {  	v3 =	vmax.f32 v3, $0.0e+00;
	v4 =	vadd.f32 v4, v7;
	v7 =	vld [tilespmem:s16+$0xAF90]  }
0x15e: {  	[tilespmem:s16+$0xFF50] =	vst v3;
	v3 =	vld [tilespmem:s16+$0xD790]  }
0x15f: {  	v4 =	vmax.f32 v4, $0.0e+00;
	v2 =	vadd.f32 v2, v8;
	v8 =	vld [tilespmem:s16+$0xAFA0]  }
0x160: {  	[tilespmem:s16+$0xFF60] =	vst v4;
	v4 =	vld [tilespmem:s16+$0xD7A0]  }
0x161: {  	v2 =	vmax.f32 v2, $0.0e+00;
	v5 =	vadd.f32 v5, v6;
	v6 =	vld [tilespmem:s16+$0xAFB0]  }
0x162: {  	[tilespmem:s16+$0xFF70] =	vst v2;
	v2 =	vld [tilespmem:s16+$0xD7B0]  }
0x163: {  	v5 =	vmax.f32 v5, $0.0e+00;
	v3 =	vadd.f32 v3, v7;
	v7 =	vld [tilespmem:s16+$0xAFC0]  }
0x164: {  	[tilespmem:s16+$0xFF80] =	vst v5;
	v5 =	vld [tilespmem:s16+$0xD7C0]  }
0x165: {  	v3 =	vmax.f32 v3, $0.0e+00;
	v4 =	vadd.f32 v4, v8;
	v8 =	vld [tilespmem:s16+$0xAFD0]  }
0x166: {  	[tilespmem:s16+$0xFF90] =	vst v3;
	v3 =	vld [tilespmem:s16+$0xD7D0]  }
0x167: {  	v4 =	vmax.f32 v4, $0.0e+00;
	v2 =	vadd.f32 v2, v6;
	v6 =	vld [tilespmem:s16+$0xAFE0]  }
0x168: {  	[tilespmem:s16+$0xFFA0] =	vst v4;
	v4 =	vld [tilespmem:s16+$0xD7E0]  }
0x169: {  	v2 =	vmax.f32 v2, $0.0e+00;
	v5 =	vadd.f32 v5, v7;
	v7 =	vld [tilespmem:s16+$0xAFF0]  }
0x16a: {  	[tilespmem:s16+$0xFFB0] =	vst v2;
	v2 =	vld [tilespmem:s16+$0xD7F0]  }
0x16b: {  	v5 =	vmax.f32 v5, $0.0e+00;
	v3 =	vadd.f32 v3, v8;
	v8 =	vld [tilespmem:s16+$0xB000]  }
0x16c: {  	[tilespmem:s16+$0xFFC0] =	vst v5;
	v9 =	vld [tilespmem:s16+$0xD800]  }
0x16d: {  	v3 =	vmax.f32 v3, $0.0e+00;
	v4 =	vadd.f32 v4, v6;
	v10 =	vld [tilespmem:s16+$0xB010]  }
0x16e: {  	[tilespmem:s16+$0xFFD0] =	vst v3;
	v11 =	vld [tilespmem:s16+$0xD810]  }
.Ltmp5:
0x16f: {  	v3 =	vmax.f32 v4, $0.0e+00;
	v4 =	vadd.f32 v2, v7;
	v2 =	vld [tilespmem:s16+$0xB020];
	(pc) =	sbr.rel @p1 .LBB2_9-.Ltmp5, $4  }
0x170: {  	[tilespmem:s16+$0xFFE0] =	vst v3;
	v5 =	vld [tilespmem:s16+$0xD820]  }
0x171: {  	v4 =	vmax.f32 v4, $0.0e+00;
	v7 =	vadd.f32 v9, v8;
	v3 =	vld [tilespmem:s16+$0xB030]  }
0x172: {  	s17 =	sshra.s32 s18, $0x2;
	[tilespmem:s16+$0xFFF0] =	vst v4;
	v6 =	vld [tilespmem:s16+$0xD830]  }
0x173: {  	s18 =	sadd.s32 $0x500, s18;
	v4 =	vld [tilespmem:s17+$0xB040];
	v8 =	vmax.f32 v7, $0.0e+00;
	v7 =	vadd.f32 v11, v10  }
0x174: {  	v9 =	vld [tilespmem:s17+$0xD840];
	[tilespmem:s16+$0x10000] =	vst v8  }
0x175: {  	v8 =	vld [tilespmem:s17+$0xAF10];
	v7 =	vmax.f32 v7, $0.0e+00;
	v2 =	vadd.f32 v5, v2  }
0x176: {  	v10 =	vld [tilespmem:s17+$0xD710];
	[tilespmem:s16+$0x10010] =	vst v7  }
0x177: {  	v37 =	vld [tilespmem:s17+$0xAF20];
	v2 =	vmax.f32 v2, $0.0e+00;
	v3 =	vadd.f32 v6, v3  }
0x178: {  	v7 =	vld [tilespmem:s17+$0xD720];
	[tilespmem:s16+$0x10020] =	vst v2  }
0x179: {  	v2 =	vld [tilespmem:s17+$0xAF30];
	v3 =	vmax.f32 v3, $0.0e+00  }
0x17a: {  	v38 =	vld [tilespmem:s17+$0xD730];
	[tilespmem:s16+$0x10030] =	vst v3  }
0x17b: {  	v3 =	vld [tilespmem:s17+$0xAF40]  }
0x17c: {  	v39 =	vld [tilespmem:s17+$0xD740]  }
0x17d: {  	v41 =	vld [tilespmem:s17+$0xAF50]  }
0x17e: {  	v42 =	vld [tilespmem:s17+$0xD750]  }
0x17f: {  	v43 =	vld [tilespmem:s17+$0xAF60];
	v2 =	vadd.f32 v38, v2  }
0x180: {  	v44 =	vld [tilespmem:s17+$0xD760]  }
0x181: {  	v45 =	vld [tilespmem:s17+$0xAF70];
	v2 =	vmax.f32 v2, $0.0e+00  }
0x182: {  	[tilespmem:s17+$0xFF30] =	vst v2;
	v2 =	vld [tilespmem:s17+$0xD770]  }
0x183: {  	v46 =	vld [tilespmem:s17+$0xAF80]  }
0x184: {  	v47 =	vld [tilespmem:s17+$0xAF90];
	v3 =	vadd.f32 v39, v3  }
0x185: {  	v48 =	vld [tilespmem:s17+$0xD790]  }
0x186: {  	v49 =	vld [tilespmem:s17+$0xAFA0];
	v3 =	vmax.f32 v3, $0.0e+00  }
0x187: {  	[tilespmem:s17+$0xFF40] =	vst v3;
	v3 =	vld [tilespmem:s17+$0xD780];
	v2 =	vadd.f32 v2, v45  }
0x188: {  	v50 =	vld [tilespmem:s17+$0xD7A0]  }
0x189: {  	v51 =	vld [tilespmem:s17+$0xAFB0];
	v2 =	vmax.f32 v2, $0.0e+00  }
0x18a: {  	[tilespmem:s17+$0xFF70] =	vst v2;
	v2 =	vld [tilespmem:s17+$0xD7B0]  }
0x18b: {  	v52 =	vld [tilespmem:s17+$0xAFC0]  }
0x18c: {  	v53 =	vld [tilespmem:s17+$0xAFD0];
	v3 =	vadd.f32 v3, v46  }
0x18d: {  	v54 =	vld [tilespmem:s17+$0xD7D0]  }
0x18e: {  	v55 =	vld [tilespmem:s17+$0xAFE0];
	v3 =	vmax.f32 v3, $0.0e+00  }
0x18f: {  	[tilespmem:s17+$0xFF80] =	vst v3;
	v3 =	vld [tilespmem:s17+$0xD7C0];
	v2 =	vadd.f32 v2, v51  }
0x190: {  	v4 =	vadd.f32 v9, v4;
	v56 =	vld [tilespmem:s17+$0xD7E0]  }
0x191: {  	v57 =	vld [tilespmem:s17+$0xAFF0];
	v2 =	vmax.f32 v2, $0.0e+00  }
0x192: {  	v4 =	vmax.f32 v4, $0.0e+00;
	v5 =	vadd.f32 v7, v37;
	[tilespmem:s17+$0xFFB0] =	vst v2;
	v2 =	vld [tilespmem:s17+$0xD7F0]  }
0x193: {  	v58 =	vld [tilespmem:s17+$0xB000];
	[tilespmem:s17+$0x10040] =	vst v4;
	v4 =	vadd.f32 v42, v41  }
0x194: {  	v59 =	vld [tilespmem:s17+$0xB010];
	v5 =	vmax.f32 v5, $0.0e+00;
	v3 =	vadd.f32 v3, v52  }
0x195: {  	v60 =	vld [tilespmem:s17+$0xD810];
	[tilespmem:s17+$0xFF20] =	vst v5;
	v5 =	vadd.f32 v44, v43;
	v4 =	vmax.f32 v4, $0.0e+00  }
0x196: {  	v61 =	vld [tilespmem:s17+$0xB020];
	[tilespmem:s17+$0xFF50] =	vst v4;
	v4 =	vadd.f32 v48, v47;
	v3 =	vmax.f32 v3, $0.0e+00  }
0x197: {  	v5 =	vmax.f32 v5, $0.0e+00;
	[tilespmem:s17+$0xFFC0] =	vst v3;
	v3 =	vld [tilespmem:s17+$0xD800];
	v2 =	vadd.f32 v2, v57  }
0x198: {  	v62 =	vld [tilespmem:s17+$0xD820];
	[tilespmem:s17+$0xFF60] =	vst v5;
	v5 =	vadd.f32 v50, v49;
	v4 =	vmax.f32 v4, $0.0e+00  }
0x199: {  	v8 =	vadd.f32 v10, v8;
	v63 =	vld [tilespmem:s17+$0xB030];
	[tilespmem:s17+$0xFF90] =	vst v4;
	v2 =	vmax.f32 v2, $0.0e+00  }
0x19a: {  	v5 =	vmax.f32 v5, $0.0e+00;
	v4 =	vadd.f32 v54, v53;
	[tilespmem:s17+$0xFFF0] =	vst v2;
	v2 =	vld [tilespmem:s17+$0xD830]  }
0x19b: {  	v40 =	vmax.f32 v8, $0.0e+00;
	[tilespmem:s17+$0xFFA0] =	vst v5;
	v5 =	vadd.f32 v56, v55  }
0x19c: {  	[tilespmem:s17+$0xFF10] =	vst v40;
	v4 =	vmax.f32 v4, $0.0e+00;
	v3 =	vadd.f32 v3, v58  }
0x19d: {  	v5 =	vmax.f32 v5, $0.0e+00;
	[tilespmem:s17+$0xFFD0] =	vst v4;
	v4 =	vadd.f32 v60, v59  }
0x19e: {  	[tilespmem:s17+$0xFFE0] =	vst v5;
	v5 =	vadd.f32 v62, v61;
	v3 =	vmax.f32 v3, $0.0e+00  }
0x19f: {  	[tilespmem:s17+$0x10000] =	vst v3;
	v3 =	vmax.f32 v4, $0.0e+00;
	v2 =	vadd.f32 v2, v63  }
0x1a0: {  	[tilespmem:s17+$0x10010] =	vst v3;
	v3 =	vmax.f32 v5, $0.0e+00  }
.Ltmp6:
0x1a1: {  	[tilespmem:s17+$0x10020] =	vst v3;
	v2 =	vmax.f32 v2, $0.0e+00;
	(pc) =	sbr.rel @p2 .LBB2_12-.Ltmp6, $4  }
0x1a2: {  	s15 =	sadd.s32 $0x50, s15;
	[tilespmem:s17+$0x10030] =	vst v2  }
0x1a3: {  	[spmem:s2] =	stream.indirect.scatter.add.f32 [tilespmem:s14], [sflag:$0x4], $0x40, s15, s7, $0xb8;
	[tilespmem:$0x1FD10] =	vst v63  }
0x1a4: {  	_ = 	snop  }
0x1a5: {  	[spmem:s3] =	stream.indirect.scatter.add.f32 [tilespmem:s12], [sflag:$0x6], $0x10, s15, s7, $0xb8;
	[tilespmem:$0x1FD10] =	vst v63  }
0x1a6: {  	s15 =	smul.u32 $0xA0, s1  }
.Ltmp7:
0x1a7: {  	_ = 	snop;
	(pc) =	sbr.rel .LBB2_6-.Ltmp7, $4  }
0x1a8: {  	s16 =	sadd.s32 $0xF0, s15  }
0x1a9: {  	[tilespmem:s8], [sflag:$0x2] =	stream.indirect.gather [hbm4b:s5+s7], $0x40, s16, s7, $0xb8;
	[tilespmem:$0x1FD10] =	vst v63  }
0x1aa: {  	s1 =	sadd.s32 $0x1, s1;
	s15 =	sadd.s32 $0x4F10, s15  }
0x1ab: {  	[tilespmem:s9], [sflag:$0x2] =	stream.indirect.gather [hbm4b:s6+s7], $0x40, s15, s7, $0xb8;
	[tilespmem:$0x1FD10] =	vst v63  }
.LBB2_12:
0x1ac: {  	s1 =	simm.s32 $0x3  }
0x1ad: {  	_ =	swait.ge [sflag:s1], $0x1400  }
0x1ae: {  	[sflag:s1] =	ssyncset.done $0x0  }
0x1af: {  	s16 =	simm.s32 $0x4;
	[sflag:s1] =	ssyncadd.s32 $0xFFFFEC00  }
0x1b0: {  	_ =	swait.ge [sflag:s16], $0x1400  }
0x1b1: {  	[sflag:s16] =	ssyncset.done $0x0  }
0x1b2: {  	s17 =	simm.s32 $0x5;
	[sflag:s16] =	ssyncadd.s32 $0xFFFFEC00  }
0x1b3: {  	_ =	swait.ge [sflag:s17], $0x500  }
0x1b4: {  	[sflag:s17] =	ssyncset.done $0x0  }
0x1b5: {  	s18 =	simm.s32 $0x6;
	[sflag:s17] =	ssyncadd.s32 $0xFFFFFB00  }
0x1b6: {  	_ =	swait.ge [sflag:s18], $0x500  }
0x1b7: {  	[sflag:s18] =	ssyncset.done $0x0  }
0x1b8: {  	[sflag:s18] =	ssyncadd.s32 $0xFFFFFB00  }
0x1b9: {  	[bflag:$0x0] =	sbarrier.arrive $0xFFFF  }
0x1ba: {  	[tilespmem:s28], [sflag:$0x7] =	stream.linear.gather [spmem:s20], $0x1A00, $0x38;
	[tilespmem:$0x1FD10] =	vst v63  }
0x1bb: {  	_ =	swait.ge [sflag:s0], $0x1A00  }
0x1bc: {  	[sflag:s0] =	ssyncset.done $0x0  }
0x1bd: {  	s19 =	rddreg [dreg:$0xd];
	[sflag:s0] =	ssyncadd.s32 $0xFFFFE600  }
0x1be: {  	[tilespmem:s4], [sflag:$0x7] =	stream.linear.gather [spmem:s19], $0x680, $0x38;
	[tilespmem:$0x1FD10] =	vst v63  }
0x1bf: {  	_ =	swait.ge [sflag:s0], $0x680  }
0x1c0: {  	[sflag:s0] =	ssyncset.done $0x0  }
0x1c1: {  	s17 =	smov.u32 s20;
	s20 =	simm.s32 $0x0;
	[sflag:s0] =	ssyncadd.s32 $0xFFFFF980  }
0x1c2: {  	v2 =	vld [tilespmem:s20+$0x13340];
	_ =	sdelay $0x4  }
0x1c3: {  	v2 =	vadd.f32 $9.999999930e-09, v2;
	_ =	sdelay $0x1  }
0x1c4: {  	(erf) = vrcp.f32 v2;
	_ =	sdelay $0x3  }
0x1c5: {  	s1 =	simm.s32 $0x11960  }
0x1c6: {  	v2 =	vld [tilespmem:s1+$0xFFFFFFE0]  }
0x1c7: {  	v3 =	vld [tilespmem:s1+$0xFFFFFFF0]  }
0x1c8: {  	v4 =	vld [tilespmem:s1+$0x0]  }
0x1c9: {  	v5 =	vld [tilespmem:s1+$0x10]  }
0x1ca: {  	v6 =	vpop (erf)  }
0x1cb: {  	v2 =	vmul.f32 v6, v2  }
0x1cc: {  	v3 =	vmul.f32 v3, v6  }
0x1cd: {  	v4 =	vmul.f32 v4, v6;
	[tilespmem:s1+$0xFFFFFFE0] =	vst v2  }
0x1ce: {  	v2 =	vmul.f32 v5, v6;
	[tilespmem:s1+$0xFFFFFFF0] =	vst v3  }
0x1cf: {  	[tilespmem:s1+$0x0] =	vst v4  }
0x1d0: {  	s15 =	simm.s32 $0x80;
	s16 =	simm.s32 $0x10;
	[tilespmem:s1+$0x10] =	vst v2  }
.LBB2_13:
0x1d1: {  	p1 =	sne.s32 s15, $0x19C0;
	v2 =	vld [tilespmem:s16+$0x13340];
	_ =	sdelay $0x4  }
0x1d2: {  	v2 =	vadd.f32 $9.999999930e-09, v2;
	_ =	sdelay $0x1  }
0x1d3: {  	(erf) = vrcp.f32 v2;
	_ =	sdelay $0x1  }
0x1d4: {  	s1 =	sadd.s32 $0x40, s1  }
0x1d5: {  	v2 =	vld [tilespmem:s1+$0xFFFFFFF0]  }
0x1d6: {  	v3 =	vld [tilespmem:s1+$0x10]  }
0x1d7: {  	v4 =	vld [tilespmem:s1+$0xFFFFFFE0]  }
0x1d8: {  	v5 =	vld [tilespmem:s1+$0x0];
	_ =	sdelay $0x2  }
0x1d9: {  	v6 =	vpop (erf)  }
0x1da: {  	v4 =	vmul.f32 v6, v4;
	v2 =	vmul.f32 v2, v6  }
.Ltmp8:
0x1db: {  	v3 =	vmul.f32 v3, v6;
	v5 =	vmul.f32 v5, v6;
	(pc) =	sbr.rel @p1 .LBB2_13-.Ltmp8, $4  }
0x1dc: {  	[tilespmem:s1+$0xFFFFFFE0] =	vst v4  }
0x1dd: {  	[tilespmem:s1+$0xFFFFFFF0] =	vst v2  }
0x1de: {  	[tilespmem:s1+$0x0] =	vst v5  }
0x1df: {  	s16 =	sshra.s32 s15, $0x2;
	s15 =	sadd.s32 $0x40, s15;
	[tilespmem:s1+$0x10] =	vst v3  }
0x1e0: {  	v2 =	vld [tilespmem:s16+$0x13340];
	_ =	sdelay $0x4  }
0x1e1: {  	v2 =	vadd.f32 $9.999999930e-09, v2;
	_ =	sdelay $0x1  }
0x1e2: {  	(erf) = vrcp.f32 v2;
	_ =	sdelay $0x3  }
0x1e3: {  	s1 =	sadd.s32 $0x40, s1  }
0x1e4: {  	v2 =	vld [tilespmem:s1+$0xFFFFFFE0]  }
0x1e5: {  	v3 =	vld [tilespmem:s1+$0xFFFFFFF0]  }
0x1e6: {  	v4 =	vld [tilespmem:s1+$0x0]  }
0x1e7: {  	v5 =	vld [tilespmem:s1+$0x10]  }
0x1e8: {  	v6 =	vpop (erf)  }
0x1e9: {  	v2 =	vmul.f32 v6, v2  }
0x1ea: {  	v3 =	vmul.f32 v3, v6  }
0x1eb: {  	v4 =	vmul.f32 v4, v6;
	[tilespmem:s1+$0xFFFFFFE0] =	vst v2  }
0x1ec: {  	v2 =	vmul.f32 v5, v6;
	[tilespmem:s1+$0xFFFFFFF0] =	vst v3  }
0x1ed: {  	[tilespmem:s1+$0x0] =	vst v4  }
0x1ee: {  	s16 =	rddreg [dreg:$0x5];
	[tilespmem:s1+$0x10] =	vst v2  }
0x1ef: {  	[hbm4b:s16+s31] =	stream.strided.scatter [tilespmem:s28], [sflag:$0x7], $0x1A00, s29, s31, $0x38;
	[tilespmem:$0x1FD10] =	vst v63  }
0x1f0: {  	_ =	swait.ge [sflag:s0], $0x1A00  }
0x1f1: {  	[sflag:s0] =	ssyncset.done $0x0  }
0x1f2: {  	s18 =	rddreg [dreg:$0xe];
	[sflag:s0] =	ssyncadd.s32 $0xFFFFE600  }
0x1f3: {  	[tilespmem:s28], [sflag:$0x7] =	stream.linear.gather [spmem:s18], $0x1A00, $0x38;
	[tilespmem:$0x1FD10] =	vst v63  }
0x1f4: {  	_ =	swait.ge [sflag:s0], $0x1A00  }
0x1f5: {  	[sflag:s0] =	ssyncset.done $0x0  }
0x1f6: {  	s19 =	rddreg [dreg:$0xf];
	[sflag:s0] =	ssyncadd.s32 $0xFFFFE600  }
0x1f7: {  	[tilespmem:s4], [sflag:$0x7] =	stream.linear.gather [spmem:s19], $0x680, $0x38;
	[tilespmem:$0x1FD10] =	vst v63  }
0x1f8: {  	_ =	swait.ge [sflag:s0], $0x680  }
0x1f9: {  	[sflag:s0] =	ssyncset.done $0x0  }
0x1fa: {  	s20 =	simm.s32 $0x0;
	[sflag:s0] =	ssyncadd.s32 $0xFFFFF980  }
0x1fb: {  	v2 =	vld [tilespmem:s20+$0x13340];
	_ =	sdelay $0x4  }
0x1fc: {  	v2 =	vadd.f32 $9.999999930e-09, v2;
	_ =	sdelay $0x1  }
0x1fd: {  	(erf) = vrcp.f32 v2;
	_ =	sdelay $0x3  }
0x1fe: {  	s1 =	simm.s32 $0x11960  }
0x1ff: {  	v2 =	vld [tilespmem:s1+$0xFFFFFFE0]  }
0x200: {  	v3 =	vld [tilespmem:s1+$0xFFFFFFF0]  }
0x201: {  	v61 =	vld [tilespmem:s1+$0x0]  }
0x202: {  	v62 =	vld [tilespmem:s1+$0x10]  }
0x203: {  	v63 =	vpop (erf)  }
0x204: {  	v2 =	vmul.f32 v63, v2  }
0x205: {  	v3 =	vmul.f32 v3, v63  }
0x206: {  	v4 =	vmul.f32 v61, v63;
	[tilespmem:s1+$0xFFFFFFE0] =	vst v2  }
0x207: {  	v2 =	vmul.f32 v62, v63;
	[tilespmem:s1+$0xFFFFFFF0] =	vst v3  }
0x208: {  	[tilespmem:s1+$0x0] =	vst v4  }
0x209: {  	s15 =	simm.s32 $0x80;
	s16 =	simm.s32 $0x10;
	[tilespmem:s1+$0x10] =	vst v2  }
.LBB2_15:
0x20a: {  	p1 =	sne.s32 s15, $0x19C0;
	v2 =	vld [tilespmem:s16+$0x13340];
	_ =	sdelay $0x4  }
0x20b: {  	v2 =	vadd.f32 $9.999999930e-09, v2;
	_ =	sdelay $0x1  }
0x20c: {  	(erf) = vrcp.f32 v2;
	_ =	sdelay $0x1  }
0x20d: {  	s1 =	sadd.s32 $0x40, s1  }
0x20e: {  	v2 =	vld [tilespmem:s1+$0xFFFFFFF0]  }
0x20f: {  	v3 =	vld [tilespmem:s1+$0x10]  }
0x210: {  	v4 =	vld [tilespmem:s1+$0xFFFFFFE0]  }
0x211: {  	v5 =	vld [tilespmem:s1+$0x0];
	_ =	sdelay $0x2  }
0x212: {  	v6 =	vpop (erf)  }
0x213: {  	v4 =	vmul.f32 v6, v4;
	v2 =	vmul.f32 v2, v6  }
.Ltmp9:
0x214: {  	v3 =	vmul.f32 v3, v6;
	v5 =	vmul.f32 v5, v6;
	(pc) =	sbr.rel @p1 .LBB2_15-.Ltmp9, $4  }
0x215: {  	[tilespmem:s1+$0xFFFFFFE0] =	vst v4  }
0x216: {  	[tilespmem:s1+$0xFFFFFFF0] =	vst v2  }
0x217: {  	[tilespmem:s1+$0x0] =	vst v5  }
0x218: {  	s16 =	sshra.s32 s15, $0x2;
	s15 =	sadd.s32 $0x40, s15;
	[tilespmem:s1+$0x10] =	vst v3  }
0x219: {  	v2 =	vld [tilespmem:s16+$0x13340];
	_ =	sdelay $0x4  }
0x21a: {  	v2 =	vadd.f32 $9.999999930e-09, v2;
	_ =	sdelay $0x1  }
0x21b: {  	(erf) = vrcp.f32 v2;
	_ =	sdelay $0x3  }
0x21c: {  	s1 =	sadd.s32 $0x40, s1  }
0x21d: {  	v2 =	vld [tilespmem:s1+$0xFFFFFFE0]  }
0x21e: {  	v3 =	vld [tilespmem:s1+$0xFFFFFFF0]  }
0x21f: {  	v4 =	vld [tilespmem:s1+$0x0]  }
0x220: {  	v5 =	vld [tilespmem:s1+$0x10]  }
0x221: {  	v6 =	vpop (erf)  }
0x222: {  	v2 =	vmul.f32 v6, v2  }
0x223: {  	v3 =	vmul.f32 v3, v6  }
0x224: {  	v4 =	vmul.f32 v4, v6;
	[tilespmem:s1+$0xFFFFFFE0] =	vst v2  }
0x225: {  	v2 =	vmul.f32 v5, v6;
	[tilespmem:s1+$0xFFFFFFF0] =	vst v3  }
0x226: {  	[tilespmem:s1+$0x0] =	vst v4  }
0x227: {  	s16 =	rddreg [dreg:$0x6];
	[tilespmem:s1+$0x10] =	vst v2  }
0x228: {  	[hbm4b:s16+s31] =	stream.strided.scatter [tilespmem:s28], [sflag:$0x7], $0x1A00, s29, s31, $0x38;
	[tilespmem:$0x1FD10] =	vst v63  }
0x229: {  	_ =	swait.ge [sflag:s0], $0x1A00  }
0x22a: {  	[sflag:s0] =	ssyncset.done $0x0  }
0x22b: {  	s18 =	rddreg [dreg:$0x10];
	[sflag:s0] =	ssyncadd.s32 $0xFFFFE600  }
0x22c: {  	[tilespmem:s28], [sflag:$0x7] =	stream.linear.gather [spmem:s18], $0x1A00, $0x38;
	[tilespmem:$0x1FD10] =	vst v63  }
0x22d: {  	_ =	swait.ge [sflag:s0], $0x1A00  }
0x22e: {  	[sflag:s0] =	ssyncset.done $0x0  }
0x22f: {  	s19 =	rddreg [dreg:$0x11];
	[sflag:s0] =	ssyncadd.s32 $0xFFFFE600  }
0x230: {  	[tilespmem:s4], [sflag:$0x7] =	stream.linear.gather [spmem:s19], $0x680, $0x38;
	[tilespmem:$0x1FD10] =	vst v63  }
0x231: {  	_ =	swait.ge [sflag:s0], $0x680  }
0x232: {  	[sflag:s0] =	ssyncset.done $0x0  }
0x233: {  	s20 =	simm.s32 $0x0;
	[sflag:s0] =	ssyncadd.s32 $0xFFFFF980  }
0x234: {  	v2 =	vld [tilespmem:s20+$0x13340];
	_ =	sdelay $0x4  }
0x235: {  	v2 =	vadd.f32 $9.999999930e-09, v2;
	_ =	sdelay $0x1  }
0x236: {  	(erf) = vrcp.f32 v2;
	_ =	sdelay $0x3  }
0x237: {  	s1 =	simm.s32 $0x11960  }
0x238: {  	v2 =	vld [tilespmem:s1+$0xFFFFFFE0]  }
0x239: {  	v3 =	vld [tilespmem:s1+$0xFFFFFFF0]  }
0x23a: {  	v61 =	vld [tilespmem:s1+$0x0]  }
0x23b: {  	v62 =	vld [tilespmem:s1+$0x10]  }
0x23c: {  	v63 =	vpop (erf)  }
0x23d: {  	v2 =	vmul.f32 v63, v2  }
0x23e: {  	v3 =	vmul.f32 v3, v63  }
0x23f: {  	v4 =	vmul.f32 v61, v63;
	[tilespmem:s1+$0xFFFFFFE0] =	vst v2  }
0x240: {  	v2 =	vmul.f32 v62, v63;
	[tilespmem:s1+$0xFFFFFFF0] =	vst v3  }
0x241: {  	[tilespmem:s1+$0x0] =	vst v4  }
0x242: {  	s15 =	simm.s32 $0x80;
	s16 =	simm.s32 $0x10;
	[tilespmem:s1+$0x10] =	vst v2  }
.LBB2_17:
0x243: {  	p1 =	sne.s32 s15, $0x19C0;
	v2 =	vld [tilespmem:s16+$0x13340];
	_ =	sdelay $0x4  }
0x244: {  	v2 =	vadd.f32 $9.999999930e-09, v2;
	_ =	sdelay $0x1  }
0x245: {  	(erf) = vrcp.f32 v2;
	_ =	sdelay $0x1  }
0x246: {  	s1 =	sadd.s32 $0x40, s1  }
0x247: {  	v2 =	vld [tilespmem:s1+$0xFFFFFFF0]  }
0x248: {  	v3 =	vld [tilespmem:s1+$0x10]  }
0x249: {  	v4 =	vld [tilespmem:s1+$0xFFFFFFE0]  }
0x24a: {  	v5 =	vld [tilespmem:s1+$0x0];
	_ =	sdelay $0x2  }
0x24b: {  	v6 =	vpop (erf)  }
0x24c: {  	v4 =	vmul.f32 v6, v4;
	v2 =	vmul.f32 v2, v6  }
.Ltmp10:
0x24d: {  	v3 =	vmul.f32 v3, v6;
	v5 =	vmul.f32 v5, v6;
	(pc) =	sbr.rel @p1 .LBB2_17-.Ltmp10, $4  }
0x24e: {  	[tilespmem:s1+$0xFFFFFFE0] =	vst v4  }
0x24f: {  	[tilespmem:s1+$0xFFFFFFF0] =	vst v2  }
0x250: {  	[tilespmem:s1+$0x0] =	vst v5  }
0x251: {  	s16 =	sshra.s32 s15, $0x2;
	s15 =	sadd.s32 $0x40, s15;
	[tilespmem:s1+$0x10] =	vst v3  }
0x252: {  	v2 =	vld [tilespmem:s16+$0x13340];
	_ =	sdelay $0x4  }
0x253: {  	v2 =	vadd.f32 $9.999999930e-09, v2;
	_ =	sdelay $0x1  }
0x254: {  	(erf) = vrcp.f32 v2;
	_ =	sdelay $0x3  }
0x255: {  	s1 =	sadd.s32 $0x40, s1  }
0x256: {  	v2 =	vld [tilespmem:s1+$0xFFFFFFE0]  }
0x257: {  	v3 =	vld [tilespmem:s1+$0xFFFFFFF0]  }
0x258: {  	v4 =	vld [tilespmem:s1+$0x0]  }
0x259: {  	v5 =	vld [tilespmem:s1+$0x10]  }
0x25a: {  	v6 =	vpop (erf)  }
0x25b: {  	v2 =	vmul.f32 v6, v2  }
0x25c: {  	v3 =	vmul.f32 v3, v6  }
0x25d: {  	v4 =	vmul.f32 v4, v6;
	[tilespmem:s1+$0xFFFFFFE0] =	vst v2  }
0x25e: {  	v2 =	vmul.f32 v5, v6;
	[tilespmem:s1+$0xFFFFFFF0] =	vst v3  }
0x25f: {  	[tilespmem:s1+$0x0] =	vst v4  }
0x260: {  	s19 =	rddreg [dreg:$0x7];
	[tilespmem:s1+$0x10] =	vst v2  }
0x261: {  	[hbm4b:s19+s31] =	stream.strided.scatter [tilespmem:s28], [sflag:$0x7], $0x1A00, s29, s31, $0x38;
	[tilespmem:$0x1FD10] =	vst v63  }
0x262: {  	_ =	swait.ge [sflag:s0], $0x1A00  }
0x263: {  	[sflag:s0] =	ssyncset.done $0x0  }
0x264: {  	[sflag:s0] =	ssyncadd.s32 $0xFFFFE600  }
0x265: {  	[tilespmem:s28], [sflag:$0x7] =	stream.linear.gather [spmem:s21], $0x1A00, $0x38;
	[tilespmem:$0x1FD10] =	vst v63  }
0x266: {  	_ =	swait.ge [sflag:s0], $0x1A00  }
0x267: {  	[sflag:s0] =	ssyncset.done $0x0  }
0x268: {  	[sflag:s0] =	ssyncadd.s32 $0xFFFFE600  }
0x269: {  	[tilespmem:s4], [sflag:$0x7] =	stream.linear.gather [spmem:s22], $0x680, $0x38;
	[tilespmem:$0x1FD10] =	vst v63  }
0x26a: {  	_ =	swait.ge [sflag:s0], $0x680  }
0x26b: {  	[sflag:s0] =	ssyncset.done $0x0  }
0x26c: {  	s20 =	simm.s32 $0x0;
	[sflag:s0] =	ssyncadd.s32 $0xFFFFF980  }
0x26d: {  	v2 =	vld [tilespmem:s20+$0x13340];
	_ =	sdelay $0x4  }
0x26e: {  	v2 =	vadd.f32 $9.999999930e-09, v2;
	_ =	sdelay $0x1  }
0x26f: {  	(erf) = vrcp.f32 v2;
	_ =	sdelay $0x3  }
0x270: {  	s1 =	simm.s32 $0x11960  }
0x271: {  	v2 =	vld [tilespmem:s1+$0xFFFFFFE0]  }
0x272: {  	v3 =	vld [tilespmem:s1+$0xFFFFFFF0]  }
0x273: {  	v61 =	vld [tilespmem:s1+$0x0]  }
0x274: {  	v62 =	vld [tilespmem:s1+$0x10]  }
0x275: {  	v63 =	vpop (erf)  }
0x276: {  	v2 =	vmul.f32 v63, v2  }
0x277: {  	v3 =	vmul.f32 v3, v63  }
0x278: {  	v4 =	vmul.f32 v61, v63;
	[tilespmem:s1+$0xFFFFFFE0] =	vst v2  }
0x279: {  	v2 =	vmul.f32 v62, v63;
	[tilespmem:s1+$0xFFFFFFF0] =	vst v3  }
0x27a: {  	[tilespmem:s1+$0x0] =	vst v4  }
0x27b: {  	s16 =	simm.s32 $0x10;
	s15 =	simm.s32 $0x80;
	[tilespmem:s1+$0x10] =	vst v2  }
.LBB2_19:
0x27c: {  	p1 =	sne.s32 s15, $0x19C0;
	v2 =	vld [tilespmem:s16+$0x13340];
	_ =	sdelay $0x4  }
0x27d: {  	v2 =	vadd.f32 $9.999999930e-09, v2;
	_ =	sdelay $0x1  }
0x27e: {  	(erf) = vrcp.f32 v2;
	_ =	sdelay $0x1  }
0x27f: {  	s1 =	sadd.s32 $0x40, s1  }
0x280: {  	v2 =	vld [tilespmem:s1+$0xFFFFFFF0]  }
0x281: {  	v3 =	vld [tilespmem:s1+$0x10]  }
0x282: {  	v4 =	vld [tilespmem:s1+$0xFFFFFFE0]  }
0x283: {  	v5 =	vld [tilespmem:s1+$0x0];
	_ =	sdelay $0x2  }
0x284: {  	v6 =	vpop (erf)  }
0x285: {  	v4 =	vmul.f32 v6, v4;
	v2 =	vmul.f32 v2, v6  }
.Ltmp11:
0x286: {  	v3 =	vmul.f32 v3, v6;
	v5 =	vmul.f32 v5, v6;
	(pc) =	sbr.rel @p1 .LBB2_19-.Ltmp11, $4  }
0x287: {  	[tilespmem:s1+$0xFFFFFFE0] =	vst v4  }
0x288: {  	[tilespmem:s1+$0xFFFFFFF0] =	vst v2  }
0x289: {  	[tilespmem:s1+$0x0] =	vst v5  }
0x28a: {  	s16 =	sshra.s32 s15, $0x2;
	s15 =	sadd.s32 $0x40, s15;
	[tilespmem:s1+$0x10] =	vst v3  }
0x28b: {  	v2 =	vld [tilespmem:s16+$0x13340];
	_ =	sdelay $0x4  }
0x28c: {  	v2 =	vadd.f32 $9.999999930e-09, v2;
	_ =	sdelay $0x1  }
0x28d: {  	(erf) = vrcp.f32 v2;
	_ =	sdelay $0x3  }
0x28e: {  	s1 =	sadd.s32 $0x40, s1  }
0x28f: {  	v2 =	vld [tilespmem:s1+$0xFFFFFFE0]  }
0x290: {  	v3 =	vld [tilespmem:s1+$0xFFFFFFF0]  }
0x291: {  	v4 =	vld [tilespmem:s1+$0x0]  }
0x292: {  	v5 =	vld [tilespmem:s1+$0x10]  }
0x293: {  	v6 =	vpop (erf)  }
0x294: {  	v2 =	vmul.f32 v6, v2  }
0x295: {  	v3 =	vmul.f32 v3, v6  }
0x296: {  	v4 =	vmul.f32 v4, v6;
	[tilespmem:s1+$0xFFFFFFE0] =	vst v2  }
0x297: {  	v2 =	vmul.f32 v5, v6;
	[tilespmem:s1+$0xFFFFFFF0] =	vst v3  }
0x298: {  	[tilespmem:s1+$0x0] =	vst v4  }
0x299: {  	s19 =	rddreg [dreg:$0x8];
	[tilespmem:s1+$0x10] =	vst v2  }
0x29a: {  	[hbm4b:s19+s31] =	stream.strided.scatter [tilespmem:s28], [sflag:$0x7], $0x1A00, s29, s31, $0x38;
	[tilespmem:$0x1FD10] =	vst v63  }
0x29b: {  	_ =	swait.ge [sflag:s0], $0x1A00  }
0x29c: {  	[sflag:s0] =	ssyncset.done $0x0  }
0x29d: {  	[sflag:s0] =	ssyncadd.s32 $0xFFFFE600  }
0x29e: {  	[tilespmem:s28], [sflag:$0x7] =	stream.linear.gather [spmem:s23], $0x1A00, $0x38;
	[tilespmem:$0x1FD10] =	vst v63  }
0x29f: {  	_ =	swait.ge [sflag:s0], $0x1A00  }
0x2a0: {  	[sflag:s0] =	ssyncset.done $0x0  }
0x2a1: {  	[sflag:s0] =	ssyncadd.s32 $0xFFFFE600  }
0x2a2: {  	[tilespmem:s4], [sflag:$0x7] =	stream.linear.gather [spmem:s24], $0x680, $0x38;
	[tilespmem:$0x1FD10] =	vst v63  }
0x2a3: {  	_ =	swait.ge [sflag:s0], $0x680  }
0x2a4: {  	[sflag:s0] =	ssyncset.done $0x0  }
0x2a5: {  	s20 =	simm.s32 $0x0;
	[sflag:s0] =	ssyncadd.s32 $0xFFFFF980  }
0x2a6: {  	v2 =	vld [tilespmem:s20+$0x13340];
	_ =	sdelay $0x4  }
0x2a7: {  	v2 =	vadd.f32 $9.999999930e-09, v2;
	_ =	sdelay $0x1  }
0x2a8: {  	(erf) = vrcp.f32 v2;
	_ =	sdelay $0x3  }
0x2a9: {  	s1 =	simm.s32 $0x11960  }
0x2aa: {  	v2 =	vld [tilespmem:s1+$0xFFFFFFE0]  }
0x2ab: {  	v3 =	vld [tilespmem:s1+$0xFFFFFFF0]  }
0x2ac: {  	v61 =	vld [tilespmem:s1+$0x0]  }
0x2ad: {  	v62 =	vld [tilespmem:s1+$0x10]  }
0x2ae: {  	v63 =	vpop (erf)  }
0x2af: {  	v2 =	vmul.f32 v63, v2  }
0x2b0: {  	v3 =	vmul.f32 v3, v63  }
0x2b1: {  	v4 =	vmul.f32 v61, v63;
	[tilespmem:s1+$0xFFFFFFE0] =	vst v2  }
0x2b2: {  	v2 =	vmul.f32 v62, v63;
	[tilespmem:s1+$0xFFFFFFF0] =	vst v3  }
0x2b3: {  	[tilespmem:s1+$0x0] =	vst v4  }
0x2b4: {  	s16 =	simm.s32 $0x10;
	s15 =	simm.s32 $0x80;
	[tilespmem:s1+$0x10] =	vst v2  }
.LBB2_21:
0x2b5: {  	p1 =	sne.s32 s15, $0x19C0;
	v2 =	vld [tilespmem:s16+$0x13340];
	_ =	sdelay $0x4  }
0x2b6: {  	v2 =	vadd.f32 $9.999999930e-09, v2;
	_ =	sdelay $0x1  }
0x2b7: {  	(erf) = vrcp.f32 v2;
	_ =	sdelay $0x1  }
0x2b8: {  	s1 =	sadd.s32 $0x40, s1  }
0x2b9: {  	v2 =	vld [tilespmem:s1+$0xFFFFFFF0]  }
0x2ba: {  	v3 =	vld [tilespmem:s1+$0x10]  }
0x2bb: {  	v4 =	vld [tilespmem:s1+$0xFFFFFFE0]  }
0x2bc: {  	v5 =	vld [tilespmem:s1+$0x0];
	_ =	sdelay $0x2  }
0x2bd: {  	v6 =	vpop (erf)  }
0x2be: {  	v4 =	vmul.f32 v6, v4;
	v2 =	vmul.f32 v2, v6  }
.Ltmp12:
0x2bf: {  	v3 =	vmul.f32 v3, v6;
	v5 =	vmul.f32 v5, v6;
	(pc) =	sbr.rel @p1 .LBB2_21-.Ltmp12, $4  }
0x2c0: {  	[tilespmem:s1+$0xFFFFFFE0] =	vst v4  }
0x2c1: {  	[tilespmem:s1+$0xFFFFFFF0] =	vst v2  }
0x2c2: {  	[tilespmem:s1+$0x0] =	vst v5  }
0x2c3: {  	s16 =	sshra.s32 s15, $0x2;
	s15 =	sadd.s32 $0x40, s15;
	[tilespmem:s1+$0x10] =	vst v3  }
0x2c4: {  	v2 =	vld [tilespmem:s16+$0x13340];
	_ =	sdelay $0x4  }
0x2c5: {  	v2 =	vadd.f32 $9.999999930e-09, v2;
	_ =	sdelay $0x1  }
0x2c6: {  	(erf) = vrcp.f32 v2;
	_ =	sdelay $0x3  }
0x2c7: {  	s1 =	sadd.s32 $0x40, s1  }
0x2c8: {  	v2 =	vld [tilespmem:s1+$0xFFFFFFE0]  }
0x2c9: {  	v3 =	vld [tilespmem:s1+$0xFFFFFFF0]  }
0x2ca: {  	v4 =	vld [tilespmem:s1+$0x0]  }
0x2cb: {  	v5 =	vld [tilespmem:s1+$0x10]  }
0x2cc: {  	v6 =	vpop (erf)  }
0x2cd: {  	v2 =	vmul.f32 v6, v2  }
0x2ce: {  	v3 =	vmul.f32 v3, v6  }
0x2cf: {  	v4 =	vmul.f32 v4, v6;
	[tilespmem:s1+$0xFFFFFFE0] =	vst v2  }
0x2d0: {  	v2 =	vmul.f32 v5, v6;
	[tilespmem:s1+$0xFFFFFFF0] =	vst v3  }
0x2d1: {  	[tilespmem:s1+$0x0] =	vst v4  }
0x2d2: {  	s19 =	rddreg [dreg:$0x9];
	[tilespmem:s1+$0x10] =	vst v2  }
0x2d3: {  	[hbm4b:s19+s31] =	stream.strided.scatter [tilespmem:s28], [sflag:$0x7], $0x1A00, s29, s31, $0x38;
	[tilespmem:$0x1FD10] =	vst v63  }
0x2d4: {  	_ =	swait.ge [sflag:s0], $0x1A00  }
0x2d5: {  	[sflag:s0] =	ssyncset.done $0x0  }
0x2d6: {  	[sflag:s0] =	ssyncadd.s32 $0xFFFFE600  }
0x2d7: {  	[tilespmem:s28], [sflag:$0x7] =	stream.linear.gather [spmem:s25], $0x1A00, $0x38;
	[tilespmem:$0x1FD10] =	vst v63  }
0x2d8: {  	_ =	swait.ge [sflag:s0], $0x1A00  }
0x2d9: {  	[sflag:s0] =	ssyncset.done $0x0  }
0x2da: {  	[sflag:s0] =	ssyncadd.s32 $0xFFFFE600  }
0x2db: {  	[tilespmem:s4], [sflag:$0x7] =	stream.linear.gather [spmem:s26], $0x680, $0x38;
	[tilespmem:$0x1FD10] =	vst v63  }
0x2dc: {  	_ =	swait.ge [sflag:s0], $0x680  }
0x2dd: {  	[sflag:s0] =	ssyncset.done $0x0  }
0x2de: {  	s20 =	simm.s32 $0x0;
	[sflag:s0] =	ssyncadd.s32 $0xFFFFF980  }
0x2df: {  	v2 =	vld [tilespmem:s20+$0x13340];
	_ =	sdelay $0x4  }
0x2e0: {  	v2 =	vadd.f32 $9.999999930e-09, v2;
	_ =	sdelay $0x1  }
0x2e1: {  	(erf) = vrcp.f32 v2;
	_ =	sdelay $0x3  }
0x2e2: {  	s1 =	simm.s32 $0x11960  }
0x2e3: {  	v2 =	vld [tilespmem:s1+$0xFFFFFFE0]  }
0x2e4: {  	v3 =	vld [tilespmem:s1+$0xFFFFFFF0]  }
0x2e5: {  	v61 =	vld [tilespmem:s1+$0x0]  }
0x2e6: {  	v62 =	vld [tilespmem:s1+$0x10]  }
0x2e7: {  	v63 =	vpop (erf)  }
0x2e8: {  	v2 =	vmul.f32 v63, v2  }
0x2e9: {  	v3 =	vmul.f32 v3, v63  }
0x2ea: {  	v4 =	vmul.f32 v61, v63;
	[tilespmem:s1+$0xFFFFFFE0] =	vst v2  }
0x2eb: {  	v2 =	vmul.f32 v62, v63;
	[tilespmem:s1+$0xFFFFFFF0] =	vst v3  }
0x2ec: {  	[tilespmem:s1+$0x0] =	vst v4  }
0x2ed: {  	s16 =	simm.s32 $0x10;
	s15 =	simm.s32 $0x80;
	[tilespmem:s1+$0x10] =	vst v2  }
.LBB2_23:
0x2ee: {  	p1 =	sne.s32 s15, $0x19C0;
	v2 =	vld [tilespmem:s16+$0x13340];
	_ =	sdelay $0x4  }
0x2ef: {  	v2 =	vadd.f32 $9.999999930e-09, v2;
	_ =	sdelay $0x1  }
0x2f0: {  	(erf) = vrcp.f32 v2;
	_ =	sdelay $0x1  }
0x2f1: {  	s1 =	sadd.s32 $0x40, s1  }
0x2f2: {  	v2 =	vld [tilespmem:s1+$0xFFFFFFF0]  }
0x2f3: {  	v3 =	vld [tilespmem:s1+$0x10]  }
0x2f4: {  	v4 =	vld [tilespmem:s1+$0xFFFFFFE0]  }
0x2f5: {  	v5 =	vld [tilespmem:s1+$0x0];
	_ =	sdelay $0x2  }
0x2f6: {  	v6 =	vpop (erf)  }
0x2f7: {  	v4 =	vmul.f32 v6, v4;
	v2 =	vmul.f32 v2, v6  }
.Ltmp13:
0x2f8: {  	v3 =	vmul.f32 v3, v6;
	v5 =	vmul.f32 v5, v6;
	(pc) =	sbr.rel @p1 .LBB2_23-.Ltmp13, $4  }
0x2f9: {  	[tilespmem:s1+$0xFFFFFFE0] =	vst v4  }
0x2fa: {  	[tilespmem:s1+$0xFFFFFFF0] =	vst v2  }
0x2fb: {  	[tilespmem:s1+$0x0] =	vst v5  }
0x2fc: {  	s16 =	sshra.s32 s15, $0x2;
	s15 =	sadd.s32 $0x40, s15;
	[tilespmem:s1+$0x10] =	vst v3  }
0x2fd: {  	v2 =	vld [tilespmem:s16+$0x13340];
	_ =	sdelay $0x4  }
0x2fe: {  	v2 =	vadd.f32 $9.999999930e-09, v2;
	_ =	sdelay $0x1  }
0x2ff: {  	(erf) = vrcp.f32 v2;
	_ =	sdelay $0x3  }
0x300: {  	s1 =	sadd.s32 $0x40, s1  }
0x301: {  	v2 =	vld [tilespmem:s1+$0xFFFFFFE0]  }
0x302: {  	v3 =	vld [tilespmem:s1+$0xFFFFFFF0]  }
0x303: {  	v4 =	vld [tilespmem:s1+$0x0]  }
0x304: {  	v5 =	vld [tilespmem:s1+$0x10]  }
0x305: {  	v6 =	vpop (erf)  }
0x306: {  	v2 =	vmul.f32 v6, v2  }
0x307: {  	v3 =	vmul.f32 v3, v6  }
0x308: {  	v4 =	vmul.f32 v4, v6;
	[tilespmem:s1+$0xFFFFFFE0] =	vst v2  }
0x309: {  	v2 =	vmul.f32 v5, v6;
	[tilespmem:s1+$0xFFFFFFF0] =	vst v3  }
0x30a: {  	[tilespmem:s1+$0x0] =	vst v4  }
.Ltmp14:
0x30b: {  	s20 =	rddreg [dreg:$0xa];
	[tilespmem:s1+$0x10] =	vst v2;
	(pc) =	sbr.rel @p0 .LBB2_28-.Ltmp14, $4  }
0x30c: {  	[hbm4b:s20+s31] =	stream.strided.scatter [tilespmem:s28], [sflag:$0x7], $0x1A00, s29, s31, $0x38;
	[tilespmem:$0x1FD10] =	vst v63  }
0x30d: {  	_ =	swait.ge [sflag:s0], $0x1A00  }
0x30e: {  	[sflag:s0] =	ssyncset.done $0x0  }
0x30f: {  	[sflag:s0] =	ssyncadd.s32 $0xFFFFE600  }
0x310: {  	s1 =	rddreg [dreg:$0x14]  }
0x311: {  	[tilespmem:s28], [sflag:$0x7] =	stream.linear.gather [spmem:s1], $0x400, $0x38;
	[tilespmem:$0x1FD10] =	vst v63  }
0x312: {  	_ =	swait.ge [sflag:s0], $0x400  }
0x313: {  	[sflag:s0] =	ssyncset.done $0x0  }
0x314: {  	s19 =	rddreg [dreg:$0x15];
	[sflag:s0] =	ssyncadd.s32 $0xFFFFFC00  }
0x315: {  	[tilespmem:s4], [sflag:$0x7] =	stream.linear.gather [spmem:s19], $0x100, $0x38;
	[tilespmem:$0x1FD10] =	vst v63  }
0x316: {  	_ =	swait.ge [sflag:s0], $0x100  }
0x317: {  	[sflag:s0] =	ssyncset.done $0x0  }
0x318: {  	s20 =	simm.s32 $0x0;
	[sflag:s0] =	ssyncadd.s32 $0xFFFFFF00  }
0x319: {  	v2 =	vld [tilespmem:s20+$0x13340];
	_ =	sdelay $0x4  }
0x31a: {  	v2 =	vadd.f32 $9.999999930e-09, v2;
	_ =	sdelay $0x1  }
0x31b: {  	(erf) = vrcp.f32 v2;
	_ =	sdelay $0x3  }
0x31c: {  	s1 =	simm.s32 $0x11960  }
0x31d: {  	v2 =	vld [tilespmem:s1+$0xFFFFFFE0]  }
0x31e: {  	v3 =	vld [tilespmem:s1+$0xFFFFFFF0]  }
0x31f: {  	v4 =	vld [tilespmem:s1+$0x0]  }
0x320: {  	v5 =	vld [tilespmem:s1+$0x10]  }
0x321: {  	v6 =	vpop (erf)  }
0x322: {  	v2 =	vmul.f32 v6, v2  }
0x323: {  	v3 =	vmul.f32 v3, v6  }
0x324: {  	v4 =	vmul.f32 v4, v6;
	[tilespmem:s1+$0xFFFFFFE0] =	vst v2  }
0x325: {  	v2 =	vmul.f32 v5, v6;
	[tilespmem:s1+$0xFFFFFFF0] =	vst v3  }
0x326: {  	[tilespmem:s1+$0x0] =	vst v4  }
0x327: {  	s16 =	simm.s32 $0x10;
	s15 =	simm.s32 $0x80;
	[tilespmem:s1+$0x10] =	vst v2  }
.LBB2_26:
0x328: {  	p1 =	sne.s32 s15, $0x3C0;
	v2 =	vld [tilespmem:s16+$0x13340];
	_ =	sdelay $0x4  }
0x329: {  	v2 =	vadd.f32 $9.999999930e-09, v2;
	_ =	sdelay $0x1  }
0x32a: {  	(erf) = vrcp.f32 v2;
	_ =	sdelay $0x1  }
0x32b: {  	s1 =	sadd.s32 $0x40, s1  }
0x32c: {  	v2 =	vld [tilespmem:s1+$0xFFFFFFF0]  }
0x32d: {  	v3 =	vld [tilespmem:s1+$0x10]  }
0x32e: {  	v4 =	vld [tilespmem:s1+$0xFFFFFFE0]  }
0x32f: {  	v5 =	vld [tilespmem:s1+$0x0];
	_ =	sdelay $0x2  }
0x330: {  	v6 =	vpop (erf)  }
0x331: {  	v4 =	vmul.f32 v6, v4;
	v2 =	vmul.f32 v2, v6  }
.Ltmp15:
0x332: {  	v3 =	vmul.f32 v3, v6;
	v5 =	vmul.f32 v5, v6;
	(pc) =	sbr.rel @p1 .LBB2_26-.Ltmp15, $4  }
0x333: {  	[tilespmem:s1+$0xFFFFFFE0] =	vst v4  }
0x334: {  	[tilespmem:s1+$0xFFFFFFF0] =	vst v2  }
0x335: {  	[tilespmem:s1+$0x0] =	vst v5  }
0x336: {  	s16 =	sshra.s32 s15, $0x2;
	s15 =	sadd.s32 $0x40, s15;
	[tilespmem:s1+$0x10] =	vst v3  }
0x337: {  	v2 =	vld [tilespmem:s16+$0x13340];
	_ =	sdelay $0x4  }
0x338: {  	v2 =	vadd.f32 $9.999999930e-09, v2;
	_ =	sdelay $0x1  }
0x339: {  	(erf) = vrcp.f32 v2;
	_ =	sdelay $0x3  }
0x33a: {  	s1 =	sadd.s32 $0x40, s1  }
0x33b: {  	v2 =	vld [tilespmem:s1+$0xFFFFFFE0]  }
0x33c: {  	v3 =	vld [tilespmem:s1+$0xFFFFFFF0]  }
0x33d: {  	v4 =	vld [tilespmem:s1+$0x0]  }
0x33e: {  	v5 =	vld [tilespmem:s1+$0x10]  }
0x33f: {  	v6 =	vpop (erf)  }
0x340: {  	v2 =	vmul.f32 v6, v2  }
0x341: {  	v3 =	vmul.f32 v3, v6  }
0x342: {  	v4 =	vmul.f32 v4, v6;
	[tilespmem:s1+$0xFFFFFFE0] =	vst v2  }
0x343: {  	v2 =	vmul.f32 v5, v6;
	[tilespmem:s1+$0xFFFFFFF0] =	vst v3  }
0x344: {  	[tilespmem:s1+$0x0] =	vst v4  }
.Ltmp16:
0x345: {  	s20 =	rddreg [dreg:$0x12];
	[tilespmem:s1+$0x10] =	vst v2;
	(pc) =	sbr.rel .LBB2_28-.Ltmp16, $4  }
0x346: {  	[hbm4b:s20+s31] =	stream.strided.scatter [tilespmem:s28], [sflag:$0x7], $0x400, s29, s31, $0x38;
	[tilespmem:$0x1FD10] =	vst v63  }
0x347: {  	_ =	swait.ge [sflag:s0], $0x400  }
0x348: {  	[sflag:s0] =	ssyncset.done $0x0  }
0x349: {  	[sflag:s0] =	ssyncadd.s32 $0xFFFFFC00  }
.LBB2_29:
0x34a: {  	_ =	sfence.sel $0x180000  }
0x34b: {  	[bflag:$0x0] =	sbarrier.arrive $0xFFFF  }
0x34c: {  	_ =	strace $0x90000047  }
0x34d: {  	s0 =	stileid.u32;
	[bflag:$0x2] =	sbarrier.arrive $0xFFFF  }
0x34e: {  	p0 =	sne.s32 s0, $0x0;
	s0 =	rddreg [dreg:$0x4]  }
0x34f: {  	s0 =	sadd.s32 @!p0 $0x100000, s0  }
0x350: {  	[sflag:s0] =	ssyncadd.tile.s32 @!p0 $0x1;
	_ =	shalt  }
.Lfunc_end2:
_tile_overlayer_lowered:
.L_overlay_start_2:
0x351: {  	(tag) =	ssettag $0x2  }
0x352: {  	s0 =	rddreg [dreg:$0x0];
	s2 =	stileid.u32  }
0x353: {  	s1 =	rddreg [dreg:$0x1];
	p0 =	sne.s32 s2, $0x0  }
0x354: {  	s3 =	rddreg [dreg:$0x2];
	[bflag:$0x3] =	sbarrier.arrive $0xFFFF;
	s2 =	simm.s32 @!p0 $0x1C07  }
0x355: {  	[timem:s3], [sflag:s2] =	dma.local @!p0 [hbm:s0], s1  }
0x356: {  	s0 =	simm.s32 @!p0 $0x7  }
0x357: {  	_ =	swait.ge @!p0 [sflag:s0], s1  }
0x358: {  	s1 =	ssub.s32 @!p0 $0x0, s1;
	[sflag:s0] =	ssyncset.done @!p0 $0x0  }
0x359: {  	[sflag:s0] =	ssyncadd.s32 @!p0 s1  }
0x35a: {  	[bflag:$0x3] =	sbarrier.arrive $0xFFFF  }
0x35b: {  	_ =	shalt  }

</sc_bundles>
